<compile_context>
chip_gen: v7x
topology: tpu7x:2x2x1
jax: 0.10.2.dev20260603
libtpu: 0.0.44.dev20260713+nightly
codegen_flags: <defaults>
</compile_context>

<pallas_src>
import functools
import math

import numpy as np
import jax
import jax.numpy as jnp
from jax import lax
from jax.experimental import pallas as pl
from jax.experimental.pallas import tpu as pltpu
from jax.experimental.pallas import tpu_sc as plsc

H = 384; W = 384; PATCH = 2; HP = 192; WP = 192; NPTS = 9
DIM_IN = 192; DIM_OUT = 96; GROUPS = 32; B = 2
L = HP * WP * NPTS
HW = H * W
KMAX = 12
CP = 64
JG = 56
NWORK = 32
PIX_PER_WORK = B * HW // NWORK
NCHUNK = PIX_PER_WORK // CP
CONTRIB = CP * KMAX
NCHUNK_TOT = B * HW // CP
JBLK = WP // 8
NJUMBO = NPTS * B * HP * JBLK


def _build_tables():
    pr = np.arange(HP, dtype=np.float64) * PATCH + (PATCH - 1) / 2
    pc = np.arange(WP, dtype=np.float64) * PATCH + (PATCH - 1) / 2
    cy = pr / (H - 1) * 2 - 1
    cx = pc / (W - 1) * 2 - 1
    centers = np.stack([np.broadcast_to(cx[None, :], (HP, WP)),
                        np.broadcast_to(cy[:, None], (HP, WP))], axis=-1)
    sec_max = W / 4.0
    delta = math.pi / (H - 1)
    lat = math.pi / 2 - pr * delta
    sec = np.clip(1.0 / np.cos(lat), -sec_max, sec_max)
    ky, kx = np.meshgrid(np.array([-1.0, 0.0, 1.0]),
                         np.array([-1.0, 0.0, 1.0]), indexing='ij')
    dx_pix = kx.flatten()[None, :] * sec[:, None]
    dy_pix = np.broadcast_to(ky.flatten()[None, :], (HP, NPTS))
    dx = dx_pix / (W - 1) * 2
    dy = dy_pix / (H - 1) * 2
    offsets = np.stack([dx, dy], axis=-1)
    sample = (centers[:, :, None, :] + offsets[:, None, :, :]).reshape(L, 2)
    grid = sample.astype(np.float32)

    px = (grid[:, 0] + 1) * 0.5 * (W - 1)
    py = (grid[:, 1] + 1) * 0.5 * (H - 1)
    x0 = np.floor(px).astype(np.int64); y0 = np.floor(py).astype(np.int64)
    x1 = x0 + 1; y1 = y0 + 1
    fx = (px - x0).astype(np.float32); fy = (py - y0).astype(np.float32)
    w00 = (1 - fx) * (1 - fy); w01 = (1 - fx) * fy
    w10 = fx * (1 - fy); w11 = fx * fy
    x0w = x0 % W; x1w = x1 % W; halfW = W // 2

    def wrap(yi, xi):
        pn = yi < 0; ps = yi >= H
        yi = np.where(pn, -yi, yi)
        yi = np.where(ps, 2 * H - yi, yi)
        xi = np.where(pn | ps, (xi + halfW) % W, xi)
        return np.clip(yi, 0, H - 1), xi

    tgts, srcs, wts = [], [], []
    ls = np.arange(L, dtype=np.int64)
    for wt, yi, xi in [(w00, y0, x0w), (w01, y1, x0w),
                       (w10, y0, x1w), (w11, y1, x1w)]:
        yi2, xi2 = wrap(yi, xi)
        tgts.append(yi2 * W + xi2); srcs.append(ls)
        wts.append(wt.astype(np.float64))
    tgt = np.concatenate(tgts); src = np.concatenate(srcs)
    wt = np.concatenate(wts)

    den = np.zeros(HW, np.float64)
    np.add.at(den, tgt, wt)
    invden = 1.0 / np.maximum(den, 1e-8)

    order = np.argsort(tgt, kind='stable')
    tgt, src, wt = tgt[order], src[order], wt[order]
    counts = np.bincount(tgt, minlength=HW)
    starts = np.zeros(HW + 1, np.int64)
    np.cumsum(counts, out=starts[1:])
    pos = np.arange(len(tgt)) - starts[tgt]
    idx_tab = np.zeros((HW, KMAX), np.int64)
    w_tab = np.zeros((HW, KMAX), np.float32)
    idx_tab[tgt, pos] = src
    w_tab[tgt, pos] = (wt * invden[tgt]).astype(np.float32)

    ii = idx_tab // (WP * NPTS)
    jj = (idx_tab // NPTS) % WP
    tt = idx_tab % NPTS
    jumbo = []
    for b in range(B):
        jumbo.append(((tt * B + b) * HP + ii) * JBLK + jj // 8)
    jumbo = np.concatenate(jumbo, axis=0)
    jr = np.concatenate([jj % 8] * B, axis=0)
    w_full = np.concatenate([w_tab] * B, axis=0)

    jumbo_c = jumbo.reshape(NCHUNK_TOT, CP * KMAX)
    jr_c = jr.reshape(NCHUNK_TOT, CP * KMAX)
    w_c = w_full.reshape(NCHUNK_TOT, CP * KMAX)
    jumbo_tab = np.zeros((NCHUNK_TOT, JG), np.int32)
    lidx_tab = np.zeros((NCHUNK_TOT, CP * KMAX), np.int32)
    maxu = 0
    for c in range(NCHUNK_TOT):
        uj, inv = np.unique(jumbo_c[c], return_inverse=True)
        maxu = max(maxu, len(uj))
        if len(uj) > JG:
            raise ValueError(f"chunk {c}: {len(uj)} unique jumbos > {JG}")
        jumbo_tab[c, :len(uj)] = uj
        jumbo_tab[c, len(uj):] = uj[0]
        lidx_tab[c] = inv * 8 + jr_c[c]
    return (jumbo_tab.reshape(-1), lidx_tab.reshape(-1),
            w_c.reshape(-1), maxu)


_JUMBO_NP, _LIDX_NP, _W_NP, _MAXU = _build_tables()


def _gn_stats_kernel(x_ref, mean_ref, rstd_ref):
    xb = x_ref[0, 0]
    m = jnp.mean(xb)
    v = jnp.mean(xb * xb) - m * m
    r = lax.rsqrt(v + 1e-5)
    mean_ref[0, 0] = jnp.full((8, 128), m, jnp.float32)
    rstd_ref[0, 0] = jnp.full((8, 128), r, jnp.float32)


def _gn_stats(x4):
    nb, ng = x4.shape[0], x4.shape[1]
    return pl.pallas_call(
        _gn_stats_kernel,
        grid=(nb, ng),
        in_specs=[pl.BlockSpec((1, 1) + x4.shape[2:], lambda b, g: (b, g, 0, 0))],
        out_specs=[pl.BlockSpec((1, 1, 8, 128), lambda b, g: (b, g, 0, 0)),
                   pl.BlockSpec((1, 1, 8, 128), lambda b, g: (b, g, 0, 0))],
        out_shape=[jax.ShapeDtypeStruct((nb, ng, 8, 128), jnp.float32),
                   jax.ShapeDtypeStruct((nb, ng, 8, 128), jnp.float32)],
    )(x4)


def _conv1_kernel(x_ref, mean_ref, rstd_ref, g_ref, b_ref, w_ref, o_ref):
    cpg = DIM_IN // GROUPS
    p = x_ref.shape[2]
    x3 = x_ref[0].reshape(GROUPS, cpg, p)
    mean = mean_ref[0, :, 0, 0:1]
    rstd = rstd_ref[0, :, 0, 0:1]
    g2 = g_ref[...]
    b2 = b_ref[...]
    s = (g2 * rstd)[:, :, None]
    t = (b2 - mean * g2 * rstd)[:, :, None]
    h = (x3 * s + t).reshape(DIM_IN, p)
    y = lax.dot_general(
        h, w_ref[...],
        dimension_numbers=(((0,), (0,)), ((), ())),
        preferred_element_type=jnp.float32)
    for tap in range(NPTS):
        o_ref[tap, 0] = y[:, tap * 128:(tap + 1) * 128].reshape(p // 8, 8, 128)


def _conv1(x3, mean, rstd, g2, b2, wpt, pblk):
    nblk = x3.shape[2] // pblk
    return pl.pallas_call(
        _conv1_kernel,
        grid=(B, nblk),
        in_specs=[
            pl.BlockSpec((1, DIM_IN, pblk), lambda b, n: (b, 0, n)),
            pl.BlockSpec((1, GROUPS, 8, 128), lambda b, n: (b, 0, 0, 0)),
            pl.BlockSpec((1, GROUPS, 8, 128), lambda b, n: (b, 0, 0, 0)),
            pl.BlockSpec((GROUPS, DIM_IN // GROUPS), lambda b, n: (0, 0)),
            pl.BlockSpec((GROUPS, DIM_IN // GROUPS), lambda b, n: (0, 0)),
            pl.BlockSpec((DIM_IN, NPTS * 128), lambda b, n: (0, 0)),
        ],
        out_specs=[pl.BlockSpec((NPTS, 1, pblk // 8, 8, 128),
                                lambda b, n: (0, b, n, 0, 0))],
        out_shape=[jax.ShapeDtypeStruct(
            (NPTS, B, HP * WP // 8, 8, 128), jnp.float32)],
    )(x3, mean, rstd, g2, b2, wpt)[0]


GRP = 2
NGRP = NCHUNK // GRP


def _splat_body(vals_hbm, jid_hbm, lidx_hbm, w_hbm, out_hbm,
                jid_m0, lidx_m0, w_m0, jid_m1, lidx_m1, w_m1,
                rows_v0, rows_v1,
                acc_v, semr0, semr1, semm0, semm1):
    wid = lax.axis_index("s") * 2 + lax.axis_index("c")

    def meta_start(g, jid_m, lidx_m, w_m, semm):
        gg = lax.rem(g, NGRP)
        base = wid * NCHUNK + gg * GRP
        pltpu.async_copy(jid_hbm.at[pl.ds(base * JG, GRP * JG)], jid_m, semm)
        pltpu.async_copy(lidx_hbm.at[pl.ds(base * CONTRIB, GRP * CONTRIB)],
                         lidx_m.at[pl.ds(0, GRP * CONTRIB)], semm)
        pltpu.async_copy(w_hbm.at[pl.ds(base * CONTRIB, GRP * CONTRIB)],
                         w_m.at[pl.ds(0, GRP * CONTRIB)], semm)

    def meta_wait(jid_m, lidx_m, w_m, semm):
        pltpu.make_async_copy(jid_hbm.at[pl.ds(0, GRP * JG)], jid_m,
                              semm).wait()
        pltpu.make_async_copy(lidx_hbm.at[pl.ds(0, GRP * CONTRIB)],
                              lidx_m.at[pl.ds(0, GRP * CONTRIB)], semm).wait()
        pltpu.make_async_copy(w_hbm.at[pl.ds(0, GRP * CONTRIB)],
                              w_m.at[pl.ds(0, GRP * CONTRIB)], semm).wait()

    def gather_start(g, m, jid_m, rows_v, semr):
        pltpu.async_copy(vals_hbm.at[jid_m.at[pl.ds(m * JG, JG)]],
                        rows_v, semr)

    def gather_wait(rows_v, semr):
        pltpu.make_async_copy(vals_hbm.at[pl.ds(0, JG)], rows_v, semr).wait()

    def compute_and_store(g, m, lidx_m, w_m, rows_v):
        mbase = m * CONTRIB

        def pix_body(i, _):
            accs = [jnp.zeros((16,), jnp.float32) for _ in range(6)]
            wv16 = w_m[pl.ds(mbase + i * KMAX, 16)]
            lv16 = lidx_m[pl.ds(mbase + i * KMAX, 16)]
            for k in range(KMAX):
                wv = wv16[k]
                loff = lv16[k]
                slot = lax.shift_right_logical(loff, 3)
                jrow = loff & 7
                for c in range(6):
                    accs[c] = accs[c] + wv * rows_v[slot, jrow,
                                                    pl.ds(c * 16, 16)]
            for c in range(6):
                acc_v[i, pl.ds(c * 16, 16)] = accs[c]
            return 0

        lax.fori_loop(0, CP, pix_body, 0)
        pixbase = (wid * NCHUNK + g * GRP + m) * CP
        pltpu.sync_copy(acc_v, out_hbm.at[pl.ds(pixbase, CP)])

    def run_group(g, jid_m, lidx_m, w_m):
        gather_start(g, 0, jid_m, rows_v0, semr0)
        for m in range(GRP):
            if m + 1 < GRP:
                nxt = (rows_v1, semr1) if m % 2 == 0 else (rows_v0, semr0)
                gather_start(g, m + 1, jid_m, *nxt)
            cur = (rows_v0, semr0) if m % 2 == 0 else (rows_v1, semr1)
            gather_wait(cur[0], cur[1])
            compute_and_store(g, m, lidx_m, w_m, cur[0])

    meta_start(0, jid_m0, lidx_m0, w_m0, semm0)
    meta_wait(jid_m0, lidx_m0, w_m0, semm0)

    def group_pair(t, _):
        a = 2 * t
        meta_start(a + 1, jid_m1, lidx_m1, w_m1, semm1)
        run_group(a, jid_m0, lidx_m0, w_m0)
        meta_wait(jid_m1, lidx_m1, w_m1, semm1)
        meta_start(a + 2, jid_m0, lidx_m0, w_m0, semm0)
        run_group(a + 1, jid_m1, lidx_m1, w_m1)
        meta_wait(jid_m0, lidx_m0, w_m0, semm0)
        return 0

    lax.fori_loop(0, NGRP // 2, group_pair, 0)


def _splat(vals_rows, jid_full, lidx_full, w_full):
    mesh = plsc.VectorSubcoreMesh(core_axis_name="c", subcore_axis_name="s")
    f = functools.partial(
        pl.kernel, mesh=mesh,
        out_type=jax.ShapeDtypeStruct((B * HW, DIM_OUT), jnp.float32),
        scratch_types=[
            pltpu.VMEM((GRP * JG,), jnp.int32),
            pltpu.VMEM((GRP * CONTRIB + 16,), jnp.int32),
            pltpu.VMEM((GRP * CONTRIB + 16,), jnp.float32),
            pltpu.VMEM((GRP * JG,), jnp.int32),
            pltpu.VMEM((GRP * CONTRIB + 16,), jnp.int32),
            pltpu.VMEM((GRP * CONTRIB + 16,), jnp.float32),
            pltpu.VMEM((JG, 8, 128), jnp.float32),
            pltpu.VMEM((JG, 8, 128), jnp.float32),
            pltpu.VMEM((CP, DIM_OUT), jnp.float32),
            pltpu.SemaphoreType.DMA,
            pltpu.SemaphoreType.DMA,
            pltpu.SemaphoreType.DMA,
            pltpu.SemaphoreType.DMA,
        ],
    )(_splat_body)
    return f(vals_rows, jid_full, lidx_full, w_full)


def _post_kernel(z_ref, sb_ref, pw_ref, pb_ref, y_ref, s_ref, q_ref):
    n = pl.program_id(1)
    z = z_ref[0] + sb_ref[...]
    y = lax.dot_general(pw_ref[...], z,
                        dimension_numbers=(((1,), (1,)), ((), ())),
                        preferred_element_type=jnp.float32)
    y = y + pb_ref[...]
    y_ref[0] = y

    @pl.when(n == 0)
    def _():
        s_ref[...] = jnp.zeros_like(s_ref)
        q_ref[...] = jnp.zeros_like(q_ref)

    s_ref[0] += jnp.broadcast_to(jnp.sum(y, axis=1, keepdims=True),
                                 (DIM_OUT, 128))
    q_ref[0] += jnp.broadcast_to(jnp.sum(y * y, axis=1, keepdims=True),
                                 (DIM_OUT, 128))


def _post(z3, sbias, pw, pb2, pblk):
    nblk = HW // pblk
    return pl.pallas_call(
        _post_kernel,
        grid=(B, nblk),
        in_specs=[
            pl.BlockSpec((1, pblk, DIM_OUT), lambda b, n: (b, n, 0)),
            pl.BlockSpec((1, DIM_OUT), lambda b, n: (0, 0)),
            pl.BlockSpec((DIM_OUT, DIM_OUT), lambda b, n: (0, 0)),
            pl.BlockSpec((DIM_OUT, 1), lambda b, n: (0, 0)),
        ],
        out_specs=[
            pl.BlockSpec((1, DIM_OUT, pblk), lambda b, n: (b, 0, n)),
            pl.BlockSpec((1, DIM_OUT, 128), lambda b, n: (b, 0, 0)),
            pl.BlockSpec((1, DIM_OUT, 128), lambda b, n: (b, 0, 0)),
        ],
        out_shape=[
            jax.ShapeDtypeStruct((B, DIM_OUT, HW), jnp.float32),
            jax.ShapeDtypeStruct((B, DIM_OUT, 128), jnp.float32),
            jax.ShapeDtypeStruct((B, DIM_OUT, 128), jnp.float32),
        ],
    )(z3, sbias, pw, pb2)


def _finish_kernel(y_ref, s_ref, q_ref, g_ref, b_ref, o_ref):
    cpg = DIM_OUT // GROUPS
    cnt = cpg * HW
    s3 = s_ref[0].reshape(GROUPS, cpg, 128)
    q3 = q_ref[0].reshape(GROUPS, cpg, 128)
    sg = jnp.sum(s3, axis=1, keepdims=True)
    qg = jnp.sum(q3, axis=1, keepdims=True)
    mean = sg / cnt
    var = qg / cnt - mean * mean
    rstd = lax.rsqrt(var + 1e-5)
    mean = jnp.broadcast_to(mean, (GROUPS, cpg, 128)).reshape(DIM_OUT, 128)[:, 0:1]
    rstd = jnp.broadcast_to(rstd, (GROUPS, cpg, 128)).reshape(DIM_OUT, 128)[:, 0:1]
    y = y_ref[0]
    yn = (y - mean) * rstd * g_ref[...] + b_ref[...]
    o_ref[0] = yn * 0.5 * (1.0 + lax.erf(yn * np.float32(1.0 / math.sqrt(2.0))))


def _finish(y3, ssum, sqsum, g2, b2, pblk):
    nblk = HW // pblk
    return pl.pallas_call(
        _finish_kernel,
        grid=(B, nblk),
        in_specs=[
            pl.BlockSpec((1, DIM_OUT, pblk), lambda b, n: (b, 0, n)),
            pl.BlockSpec((1, DIM_OUT, 128), lambda b, n: (b, 0, 0)),
            pl.BlockSpec((1, DIM_OUT, 128), lambda b, n: (b, 0, 0)),
            pl.BlockSpec((DIM_OUT, 1), lambda b, n: (0, 0)),
            pl.BlockSpec((DIM_OUT, 1), lambda b, n: (0, 0)),
        ],
        out_specs=[pl.BlockSpec((1, DIM_OUT, pblk), lambda b, n: (b, 0, n))],
        out_shape=[jax.ShapeDtypeStruct((B, DIM_OUT, HW), jnp.float32)],
    )(y3, ssum, sqsum, g2, b2)[0]


def kernel(x, norm_gamma, norm_beta, conv_w_weight, splat_bias, post_w,
           post_b, post_gamma, post_beta):
    jid_full = jnp.asarray(_JUMBO_NP)
    lidx_full = jnp.asarray(_LIDX_NP)
    w_full = jnp.asarray(_W_NP)

    x4 = x.reshape(B, GROUPS, (DIM_IN // GROUPS) * HP * WP // 128, 128)
    mean, rstd = _gn_stats(x4)

    x3 = x.reshape(B, DIM_IN, HP * WP)
    g2 = norm_gamma.reshape(GROUPS, DIM_IN // GROUPS)
    b2 = norm_beta.reshape(GROUPS, DIM_IN // GROUPS)
    wpt = conv_w_weight.reshape(DIM_OUT, NPTS, DIM_IN).transpose(2, 1, 0)
    wpt = jnp.pad(wpt, ((0, 0), (0, 0), (0, 128 - DIM_OUT))) \
        .reshape(DIM_IN, NPTS * 128)
    vals = _conv1(x3, mean, rstd, g2, b2, wpt, 512)
    vals_rows = vals.reshape(NJUMBO, 8, 128)

    out_pre = _splat(vals_rows, jid_full, lidx_full, w_full)

    z3 = out_pre.reshape(B, HW, DIM_OUT)
    y3, ssum, sqsum = _post(z3, splat_bias.reshape(1, DIM_OUT), post_w,
                            post_b.reshape(DIM_OUT, 1), 2048)
    out = _finish(y3, ssum, sqsum, post_gamma.reshape(DIM_OUT, 1),
                  post_beta.reshape(DIM_OUT, 1), 2048)
    return out.reshape(B, DIM_OUT, H, W)

# --- scband reference (transcript-rebuilt; emitter-appended) ---
"""Pipeline reference for scband-lat-deform-splat2x-up-67224828117115 (READ-ONLY COPY).

The authoritative reference and input builder live on the scoring server;
editing this copy changes nothing except your own understanding.
"""

import jax, jax.numpy as jnp
import numpy as np
import math

H = 384; W = 384; PATCH = 2; HP = 192; WP = 192; NPTS = 9
DIM_IN = 192; DIM_OUT = 96; GROUPS = 32; B = 2


def _make_grid():
    # Reproduces LatDeform2xDown buffers (centers + offsets), drop_south_pole=False, sec_max=W/4
    pr = np.arange(HP, dtype=np.float64) * PATCH + (PATCH - 1) / 2
    pc = np.arange(WP, dtype=np.float64) * PATCH + (PATCH - 1) / 2
    cy = pr / (H - 1) * 2 - 1
    cx = pc / (W - 1) * 2 - 1
    centers = np.stack([np.broadcast_to(cx[None, :], (HP, WP)),
                        np.broadcast_to(cy[:, None], (HP, WP))], axis=-1)
    sec_max = W / 4.0
    delta = math.pi / (H - 1)
    lat = math.pi / 2 - pr * delta
    sec = 1.0 / np.cos(lat)
    sec = np.clip(sec, -sec_max, sec_max)
    ky, kx = np.meshgrid(np.array([-1.0, 0.0, 1.0]), np.array([-1.0, 0.0, 1.0]), indexing='ij')
    kxf = kx.flatten(); kyf = ky.flatten()
    dx_pix = kxf[None, :] * sec[:, None]
    dy_pix = np.broadcast_to(kyf[None, :], (HP, NPTS))
    dx = dx_pix / (W - 1) * 2
    dy = dy_pix / (H - 1) * 2
    offsets = np.stack([dx, dy], axis=-1)  # (HP, NPTS, 2)
    sample = centers[:, :, None, :] + offsets[:, None, :, :]  # (HP, WP, NPTS, 2)
    return jnp.asarray(sample.reshape(HP * WP * NPTS, 2).astype(np.float32))


def _group_norm(x, gamma, beta, groups, eps=1e-5):
    Bn, C, Hh, Ww = x.shape
    xg = x.reshape(Bn, groups, C // groups, Hh, Ww)
    mean = xg.mean(axis=(2, 3, 4), keepdims=True)
    var = xg.var(axis=(2, 3, 4), keepdims=True)
    xg = (xg - mean) / jnp.sqrt(var + eps)
    x = xg.reshape(Bn, C, Hh, Ww)
    return x * gamma.reshape(1, -1, 1, 1) + beta.reshape(1, -1, 1, 1)


def setup_inputs(seed: int = 0) -> dict:
    key = jax.random.key(seed)
    ks = jax.random.split(key, 9)
    return {
        'x': jax.random.normal(ks[0], (B, DIM_IN, HP, WP), jnp.float32),
        'norm_gamma': 1.0 + 0.02 * jax.random.normal(ks[1], (DIM_IN,), jnp.float32),
        'norm_beta': 0.02 * jax.random.normal(ks[2], (DIM_IN,), jnp.float32),
        'conv_w_weight': 0.05 * jax.random.normal(ks[3], (NPTS * DIM_OUT, DIM_IN), jnp.float32),
        'splat_bias': 0.05 * jax.random.normal(ks[4], (1, DIM_OUT, 1, 1), jnp.float32),
        'post_w': 0.05 * jax.random.normal(ks[5], (DIM_OUT, DIM_OUT), jnp.float32),
        'post_b': 0.02 * jax.random.normal(ks[6], (DIM_OUT,), jnp.float32),
        'post_gamma': 1.0 + 0.02 * jax.random.normal(ks[7], (DIM_OUT,), jnp.float32),
        'post_beta': 0.02 * jax.random.normal(ks[8], (DIM_OUT,), jnp.float32),
    }


def reference(x, norm_gamma, norm_beta, conv_w_weight, splat_bias, post_w, post_b, post_gamma, post_beta):
    Bn = x.shape[0]
    L = HP * WP * NPTS
    h = _group_norm(x, norm_gamma, norm_beta, GROUPS)
    vals = jnp.einsum('oc,bchw->bohw', conv_w_weight, h)  # 1x1 conv, no bias
    vals = vals.reshape(Bn, DIM_OUT, NPTS, HP, WP).transpose(0, 1, 3, 4, 2).reshape(Bn, DIM_OUT, L)
    grid = _make_grid()
    px = (grid[:, 0] + 1) * 0.5 * (W - 1)
    py = (grid[:, 1] + 1) * 0.5 * (H - 1)
    x0 = jnp.floor(px).astype(jnp.int32); y0 = jnp.floor(py).astype(jnp.int32)
    x1 = x0 + 1; y1 = y0 + 1
    fx = px - x0.astype(jnp.float32); fy = py - y0.astype(jnp.float32)
    w00 = (1 - fx) * (1 - fy); w01 = (1 - fx) * fy
    w10 = fx * (1 - fy); w11 = fx * fy
    x0w = x0 % W; x1w = x1 % W; halfW = W // 2

    def wrap(yi, xi):
        pn = yi < 0; ps = yi >= H
        yi = jnp.where(pn, -yi, yi)
        yi = jnp.where(ps, 2 * H - yi, yi)
        xi = jnp.where(pn | ps, (xi + halfW) % W, xi)
        return jnp.clip(yi, 0, H - 1), xi

    num = jnp.zeros((Bn, DIM_OUT, H * W), jnp.float32)
    den = jnp.zeros((Bn, 1, H * W), jnp.float32)
    for wt, yi, xi in [(w00, y0, x0w), (w01, y1, x0w), (w10, y0, x1w), (w11, y1, x1w)]:
        yi2, xi2 = wrap(yi, xi)
        idx = yi2 * W + xi2
        num = num.at[:, :, idx].add(vals * wt[None, None, :])
        den = den.at[:, :, idx].add(jnp.broadcast_to(wt[None, None, :], (Bn, 1, L)))
    out = num / jnp.maximum(den, 1e-8)
    out = out.reshape(Bn, DIM_OUT, H, W) + splat_bias
    out = jnp.einsum('oc,bchw->bohw', post_w, out) + post_b.reshape(1, -1, 1, 1)
    out = _group_norm(out, post_gamma, post_beta, GROUPS)
    return jax.nn.gelu(out, approximate=False)

if __name__ == "__main__":
    import jax
    _d = setup_inputs()
    print(jax.jit(kernel)(*tuple(_d.values())))

</pallas_src>

<mosaic_0001>
#map = affine_map<(d0, d1) -> (0, 0, 0)>
#map1 = affine_map<(d0, d1) -> (0)>
#map2 = affine_map<(d0, d1) -> (0, 0)>
module attributes {stable_mosaic.version = 14 : i64} {
  func.func @_splat_body(%arg0: i32, %arg1: i32, %arg2: memref<82944x8x128xf32, #tpu.memory_space<hbm>>, %arg3: memref<258048xi32, #tpu.memory_space<hbm>>, %arg4: memref<3538944xi32, #tpu.memory_space<hbm>>, %arg5: memref<3538944xf32, #tpu.memory_space<hbm>>, %arg6: memref<294912x96xf32, #tpu.memory_space<hbm>>, %arg7: memref<112xi32, #tpu.memory_space<vmem>>, %arg8: memref<1552xi32, #tpu.memory_space<vmem>>, %arg9: memref<1552xf32, #tpu.memory_space<vmem>>, %arg10: memref<112xi32, #tpu.memory_space<vmem>>, %arg11: memref<1552xi32, #tpu.memory_space<vmem>>, %arg12: memref<1552xf32, #tpu.memory_space<vmem>>, %arg13: memref<56x8x128xf32, #tpu.memory_space<vmem>>, %arg14: memref<56x8x128xf32, #tpu.memory_space<vmem>>, %arg15: memref<64x96xf32, #tpu.memory_space<vmem>>, %arg16: memref<!tpu.dma_semaphore, #tpu.memory_space<semaphore_mem>>, %arg17: memref<!tpu.dma_semaphore, #tpu.memory_space<semaphore_mem>>, %arg18: memref<!tpu.dma_semaphore, #tpu.memory_space<semaphore_mem>>, %arg19: memref<!tpu.dma_semaphore, #tpu.memory_space<semaphore_mem>>) attributes {dimension_semantics = [#tpu.dimension_semantics<core_parallel>, #tpu.dimension_semantics<subcore_parallel>], iteration_bounds = array<i64: 2, 16>, scalar_prefetch = 0 : i64, scratch_operands = 13 : i64, tpu.core_type = #tpu.core_type<sc_vector_subcore>, window_params = [{transform_indices = #map}, {transform_indices = #map1}, {transform_indices = #map1}, {transform_indices = #map1}, {transform_indices = #map2}]} {
    %mul3A = arith.constant 2 : i32
    %mul3A_0 = arith.muli %arg1, %mul3A : i32
    %add3A = arith.addi %mul3A_0, %arg0 : i32
    %rem3A = arith.constant 0 : i32
    %rem3A_1 = arith.constant 72 : i32
    %rem3A_2 = arith.remsi %rem3A, %rem3A_1 : i32
    %mul3A_3 = arith.constant 144 : i32
    %mul3A_4 = arith.muli %add3A, %mul3A_3 : i32
    %mul3A_5 = arith.constant 2 : i32
    %mul3A_6 = arith.muli %rem3A_2, %mul3A_5 : i32
    %add3A_7 = arith.addi %mul3A_4, %mul3A_6 : i32
    %mul3A_8 = arith.constant 56 : i32
    %mul3A_9 = arith.muli %add3A_7, %mul3A_8 : i32
    %dma_start3A = tpu.memref_slice %arg3[%mul3A_9] : memref<258048xi32, #tpu.memory_space<hbm>> -> memref<112xi32, #tpu.memory_space<hbm>>
    %dma_start3A_10 = tpu.memref_slice %arg3[%mul3A_9] : memref<258048xi32, #tpu.memory_space<hbm>> -> memref<112xi32, #tpu.memory_space<hbm>>
    tpu.enqueue_dma source(%dma_start3A_10 : memref<112xi32, #tpu.memory_space<hbm>>) target(%arg7 : memref<112xi32, #tpu.memory_space<vmem>>) target_semaphore(%arg18 : memref<!tpu.dma_semaphore, #tpu.memory_space<semaphore_mem>>)
    %mul3A_11 = arith.constant 768 : i32
    %mul3A_12 = arith.muli %add3A_7, %mul3A_11 : i32
    %dma_start3A_13 = arith.constant 0 : i32
    %dma_start3A_14 = tpu.memref_slice %arg8[%dma_start3A_13] : memref<1552xi32, #tpu.memory_space<vmem>> -> memref<1536xi32, #tpu.memory_space<vmem>>
    %dma_start3A_15 = tpu.memref_slice %arg4[%mul3A_12] : memref<3538944xi32, #tpu.memory_space<hbm>> -> memref<1536xi32, #tpu.memory_space<hbm>>
    %dma_start3A_16 = arith.constant 0 : i32
    %dma_start3A_17 = tpu.memref_slice %arg8[%dma_start3A_16] : memref<1552xi32, #tpu.memory_space<vmem>> -> memref<1536xi32, #tpu.memory_space<vmem>>
    %dma_start3A_18 = tpu.memref_slice %arg4[%mul3A_12] : memref<3538944xi32, #tpu.memory_space<hbm>> -> memref<1536xi32, #tpu.memory_space<hbm>>
    tpu.enqueue_dma source(%dma_start3A_18 : memref<1536xi32, #tpu.memory_space<hbm>>) target(%dma_start3A_17 : memref<1536xi32, #tpu.memory_space<vmem>>) target_semaphore(%arg18 : memref<!tpu.dma_semaphore, #tpu.memory_space<semaphore_mem>>)
    %mul3A_19 = arith.constant 768 : i32
    %mul3A_20 = arith.muli %add3A_7, %mul3A_19 : i32
    %dma_start3A_21 = arith.constant 0 : i32
    %dma_start3A_22 = tpu.memref_slice %arg9[%dma_start3A_21] : memref<1552xf32, #tpu.memory_space<vmem>> -> memref<1536xf32, #tpu.memory_space<vmem>>
    %dma_start3A_23 = tpu.memref_slice %arg5[%mul3A_20] : memref<3538944xf32, #tpu.memory_space<hbm>> -> memref<1536xf32, #tpu.memory_space<hbm>>
    %dma_start3A_24 = arith.constant 0 : i32
    %dma_start3A_25 = tpu.memref_slice %arg9[%dma_start3A_24] : memref<1552xf32, #tpu.memory_space<vmem>> -> memref<1536xf32, #tpu.memory_space<vmem>>
    %dma_start3A_26 = tpu.memref_slice %arg5[%mul3A_20] : memref<3538944xf32, #tpu.memory_space<hbm>> -> memref<1536xf32, #tpu.memory_space<hbm>>
    tpu.enqueue_dma source(%dma_start3A_26 : memref<1536xf32, #tpu.memory_space<hbm>>) target(%dma_start3A_25 : memref<1536xf32, #tpu.memory_space<vmem>>) target_semaphore(%arg18 : memref<!tpu.dma_semaphore, #tpu.memory_space<semaphore_mem>>)
    %dma_wait3A = arith.constant 0 : i32
    %dma_wait3A_27 = tpu.memref_slice %arg3[%dma_wait3A] : memref<258048xi32, #tpu.memory_space<hbm>> -> memref<112xi32, #tpu.memory_space<hbm>>
    %dma_wait3A_28 = arith.constant 0 : i32
    %dma_wait3A_29 = tpu.memref_slice %arg3[%dma_wait3A_28] : memref<258048xi32, #tpu.memory_space<hbm>> -> memref<112xi32, #tpu.memory_space<hbm>>
    tpu.wait_dma2 semaphore(%arg18 : memref<!tpu.dma_semaphore, #tpu.memory_space<semaphore_mem>>) src(%dma_wait3A_29 : memref<112xi32, #tpu.memory_space<hbm>>) dst(%arg7 : memref<112xi32, #tpu.memory_space<vmem>>)
    %dma_wait3A_30 = arith.constant 0 : i32
    %dma_wait3A_31 = tpu.memref_slice %arg8[%dma_wait3A_30] : memref<1552xi32, #tpu.memory_space<vmem>> -> memref<1536xi32, #tpu.memory_space<vmem>>
    %dma_wait3A_32 = arith.constant 0 : i32
    %dma_wait3A_33 = tpu.memref_slice %arg4[%dma_wait3A_32] : memref<3538944xi32, #tpu.memory_space<hbm>> -> memref<1536xi32, #tpu.memory_space<hbm>>
    %dma_wait3A_34 = arith.constant 0 : i32
    %dma_wait3A_35 = tpu.memref_slice %arg8[%dma_wait3A_34] : memref<1552xi32, #tpu.memory_space<vmem>> -> memref<1536xi32, #tpu.memory_space<vmem>>
    %dma_wait3A_36 = arith.constant 0 : i32
    %dma_wait3A_37 = tpu.memref_slice %arg4[%dma_wait3A_36] : memref<3538944xi32, #tpu.memory_space<hbm>> -> memref<1536xi32, #tpu.memory_space<hbm>>
    tpu.wait_dma2 semaphore(%arg18 : memref<!tpu.dma_semaphore, #tpu.memory_space<semaphore_mem>>) src(%dma_wait3A_37 : memref<1536xi32, #tpu.memory_space<hbm>>) dst(%dma_wait3A_35 : memref<1536xi32, #tpu.memory_space<vmem>>)
    %dma_wait3A_38 = arith.constant 0 : i32
    %dma_wait3A_39 = tpu.memref_slice %arg9[%dma_wait3A_38] : memref<1552xf32, #tpu.memory_space<vmem>> -> memref<1536xf32, #tpu.memory_space<vmem>>
    %dma_wait3A_40 = arith.constant 0 : i32
    %dma_wait3A_41 = tpu.memref_slice %arg5[%dma_wait3A_40] : memref<3538944xf32, #tpu.memory_space<hbm>> -> memref<1536xf32, #tpu.memory_space<hbm>>
    %dma_wait3A_42 = arith.constant 0 : i32
    %dma_wait3A_43 = tpu.memref_slice %arg9[%dma_wait3A_42] : memref<1552xf32, #tpu.memory_space<vmem>> -> memref<1536xf32, #tpu.memory_space<vmem>>
    %dma_wait3A_44 = arith.constant 0 : i32
    %dma_wait3A_45 = tpu.memref_slice %arg5[%dma_wait3A_44] : memref<3538944xf32, #tpu.memory_space<hbm>> -> memref<1536xf32, #tpu.memory_space<hbm>>
    tpu.wait_dma2 semaphore(%arg18 : memref<!tpu.dma_semaphore, #tpu.memory_space<semaphore_mem>>) src(%dma_wait3A_45 : memref<1536xf32, #tpu.memory_space<hbm>>) dst(%dma_wait3A_43 : memref<1536xf32, #tpu.memory_space<vmem>>)
    %scan3A = arith.constant 0 : i32
    %scan3A_46 = arith.constant 0 : i32
    %scan3A_47 = arith.constant 36 : i32
    %scan3A_48 = arith.addi %scan3A_46, %scan3A_47 : i32
    %scan3A_49 = arith.constant 1 : i32
    %scan3A_50 = scf.for %scan3A_52 = %scan3A_46 to %scan3A_48 step %scan3A_49 iter_args(%scan3A_53 = %scan3A) -> (i32)  : i32 {
      %mul3A_54 = arith.constant 2 : i32
      %mul3A_55 = arith.muli %mul3A_54, %scan3A_52 : i32
      %add3A_56 = arith.constant 1 : i32
      %add3A_57 = arith.addi %mul3A_55, %add3A_56 : i32
      %rem3A_58 = arith.constant 72 : i32
      %rem3A_59 = arith.remsi %add3A_57, %rem3A_58 : i32
      %mul3A_60 = arith.constant 144 : i32
      %mul3A_61 = arith.muli %add3A, %mul3A_60 : i32
      %mul3A_62 = arith.constant 2 : i32
      %mul3A_63 = arith.muli %rem3A_59, %mul3A_62 : i32
      %add3A_64 = arith.addi %mul3A_61, %mul3A_63 : i32
      %mul3A_65 = arith.constant 56 : i32
      %mul3A_66 = arith.muli %add3A_64, %mul3A_65 : i32
      %dma_start3A_67 = tpu.memref_slice %arg3[%mul3A_66] : memref<258048xi32, #tpu.memory_space<hbm>> -> memref<112xi32, #tpu.memory_space<hbm>>
      %dma_start3A_68 = tpu.memref_slice %arg3[%mul3A_66] : memref<258048xi32, #tpu.memory_space<hbm>> -> memref<112xi32, #tpu.memory_space<hbm>>
      tpu.enqueue_dma source(%dma_start3A_68 : memref<112xi32, #tpu.memory_space<hbm>>) target(%arg10 : memref<112xi32, #tpu.memory_space<vmem>>) target_semaphore(%arg19 : memref<!tpu.dma_semaphore, #tpu.memory_space<semaphore_mem>>)
      %mul3A_69 = arith.constant 768 : i32
      %mul3A_70 = arith.muli %add3A_64, %mul3A_69 : i32
      %dma_start3A_71 = arith.constant 0 : i32
      %dma_start3A_72 = tpu.memref_slice %arg11[%dma_start3A_71] : memref<1552xi32, #tpu.memory_space<vmem>> -> memref<1536xi32, #tpu.memory_space<vmem>>
      %dma_start3A_73 = tpu.memref_slice %arg4[%mul3A_70] : memref<3538944xi32, #tpu.memory_space<hbm>> -> memref<1536xi32, #tpu.memory_space<hbm>>
      %dma_start3A_74 = arith.constant 0 : i32
      %dma_start3A_75 = tpu.memref_slice %arg11[%dma_start3A_74] : memref<1552xi32, #tpu.memory_space<vmem>> -> memref<1536xi32, #tpu.memory_space<vmem>>
      %dma_start3A_76 = tpu.memref_slice %arg4[%mul3A_70] : memref<3538944xi32, #tpu.memory_space<hbm>> -> memref<1536xi32, #tpu.memory_space<hbm>>
      tpu.enqueue_dma source(%dma_start3A_76 : memref<1536xi32, #tpu.memory_space<hbm>>) target(%dma_start3A_75 : memref<1536xi32, #tpu.memory_space<vmem>>) target_semaphore(%arg19 : memref<!tpu.dma_semaphore, #tpu.memory_space<semaphore_mem>>)
      %mul3A_77 = arith.constant 768 : i32
      %mul3A_78 = arith.muli %add3A_64, %mul3A_77 : i32
      %dma_start3A_79 = arith.constant 0 : i32
      %dma_start3A_80 = tpu.memref_slice %arg12[%dma_start3A_79] : memref<1552xf32, #tpu.memory_space<vmem>> -> memref<1536xf32, #tpu.memory_space<vmem>>
      %dma_start3A_81 = tpu.memref_slice %arg5[%mul3A_78] : memref<3538944xf32, #tpu.memory_space<hbm>> -> memref<1536xf32, #tpu.memory_space<hbm>>
      %dma_start3A_82 = arith.constant 0 : i32
      %dma_start3A_83 = tpu.memref_slice %arg12[%dma_start3A_82] : memref<1552xf32, #tpu.memory_space<vmem>> -> memref<1536xf32, #tpu.memory_space<vmem>>
      %dma_start3A_84 = tpu.memref_slice %arg5[%mul3A_78] : memref<3538944xf32, #tpu.memory_space<hbm>> -> memref<1536xf32, #tpu.memory_space<hbm>>
      tpu.enqueue_dma source(%dma_start3A_84 : memref<1536xf32, #tpu.memory_space<hbm>>) target(%dma_start3A_83 : memref<1536xf32, #tpu.memory_space<vmem>>) target_semaphore(%arg19 : memref<!tpu.dma_semaphore, #tpu.memory_space<semaphore_mem>>)
      %dma_start3A_85 = arith.constant 0 : i32
      %dma_start3A_86 = tpu.memref_slice %arg7[%dma_start3A_85] : memref<112xi32, #tpu.memory_space<vmem>> -> memref<56xi32, #tpu.memory_space<vmem>>
      %dma_start3A_87 = arith.constant 0 : i32
      %dma_start3A_88 = arith.constant 0 : i32
      %dma_start3A_89 = arith.constant 0 : i32
      %dma_start3A_90 = tpu.memref_slice %arg2[%dma_start3A_87, %dma_start3A_88, %dma_start3A_89] : memref<82944x8x128xf32, #tpu.memory_space<hbm>> -> memref<82944x8x128xf32, #tpu.memory_space<hbm>>
      tpu.enqueue_indirect_dma source(%dma_start3A_90 : memref<82944x8x128xf32, #tpu.memory_space<hbm>>) target(%arg13 : memref<56x8x128xf32, #tpu.memory_space<vmem>>) offsets(%dma_start3A_86 : memref<56xi32, #tpu.memory_space<vmem>>) semaphore(%arg16 : memref<!tpu.dma_semaphore, #tpu.memory_space<semaphore_mem>>)
      %dma_start3A_91 = arith.constant 56 : i32
      %dma_start3A_92 = tpu.memref_slice %arg7[%dma_start3A_91] : memref<112xi32, #tpu.memory_space<vmem>> -> memref<56xi32, #tpu.memory_space<vmem>>
      %dma_start3A_93 = arith.constant 0 : i32
      %dma_start3A_94 = arith.constant 0 : i32
      %dma_start3A_95 = arith.constant 0 : i32
      %dma_start3A_96 = tpu.memref_slice %arg2[%dma_start3A_93, %dma_start3A_94, %dma_start3A_95] : memref<82944x8x128xf32, #tpu.memory_space<hbm>> -> memref<82944x8x128xf32, #tpu.memory_space<hbm>>
      tpu.enqueue_indirect_dma source(%dma_start3A_96 : memref<82944x8x128xf32, #tpu.memory_space<hbm>>) target(%arg14 : memref<56x8x128xf32, #tpu.memory_space<vmem>>) offsets(%dma_start3A_92 : memref<56xi32, #tpu.memory_space<vmem>>) semaphore(%arg17 : memref<!tpu.dma_semaphore, #tpu.memory_space<semaphore_mem>>)
      %dma_wait3A_97 = arith.constant 0 : i32
      %dma_wait3A_98 = arith.constant 0 : i32
      %dma_wait3A_99 = arith.constant 0 : i32
      %dma_wait3A_100 = tpu.memref_slice %arg2[%dma_wait3A_97, %dma_wait3A_98, %dma_wait3A_99] : memref<82944x8x128xf32, #tpu.memory_space<hbm>> -> memref<56x8x128xf32, #tpu.memory_space<hbm>>
      %dma_wait3A_101 = arith.constant 0 : i32
      %dma_wait3A_102 = arith.constant 0 : i32
      %dma_wait3A_103 = arith.constant 0 : i32
      %dma_wait3A_104 = tpu.memref_slice %arg2[%dma_wait3A_101, %dma_wait3A_102, %dma_wait3A_103] : memref<82944x8x128xf32, #tpu.memory_space<hbm>> -> memref<56x8x128xf32, #tpu.memory_space<hbm>>
      tpu.wait_dma2 semaphore(%arg16 : memref<!tpu.dma_semaphore, #tpu.memory_space<semaphore_mem>>) src(%dma_wait3A_104 : memref<56x8x128xf32, #tpu.memory_space<hbm>>) dst(%arg13 : memref<56x8x128xf32, #tpu.memory_space<vmem>>)
      %scan3A_105 = arith.constant 0 : i32
      %scan3A_106 = arith.constant 0 : i32
      %scan3A_107 = arith.constant 64 : i32
      %scan3A_108 = arith.addi %scan3A_106, %scan3A_107 : i32
      %scan3A_109 = arith.constant 1 : i32
      %scan3A_110 = scf.for %scan3A_277 = %scan3A_106 to %scan3A_108 step %scan3A_109 iter_args(%scan3A_278 = %scan3A_105) -> (i32)  : i32 {
        %broadcast_in_dim3A = arith.constant 0.000000e+00 : f32
        %broadcast_in_dim3A_279 = vector.broadcast %broadcast_in_dim3A : f32 to vector<16xf32>
        %broadcast_in_dim3A_280 = arith.constant 0.000000e+00 : f32
        %broadcast_in_dim3A_281 = vector.broadcast %broadcast_in_dim3A_280 : f32 to vector<16xf32>
        %broadcast_in_dim3A_282 = arith.constant 0.000000e+00 : f32
        %broadcast_in_dim3A_283 = vector.broadcast %broadcast_in_dim3A_282 : f32 to vector<16xf32>
        %broadcast_in_dim3A_284 = arith.constant 0.000000e+00 : f32
        %broadcast_in_dim3A_285 = vector.broadcast %broadcast_in_dim3A_284 : f32 to vector<16xf32>
        %broadcast_in_dim3A_286 = arith.constant 0.000000e+00 : f32
        %broadcast_in_dim3A_287 = vector.broadcast %broadcast_in_dim3A_286 : f32 to vector<16xf32>
        %broadcast_in_dim3A_288 = arith.constant 0.000000e+00 : f32
        %broadcast_in_dim3A_289 = vector.broadcast %broadcast_in_dim3A_288 : f32 to vector<16xf32>
        %mul3A_290 = arith.constant 12 : i32
        %mul3A_291 = arith.muli %scan3A_277, %mul3A_290 : i32
        %add3A_292 = arith.constant 0 : i32
        %add3A_293 = arith.addi %add3A_292, %mul3A_291 : i32
        %get3A = arith.index_cast %add3A_293 : i32 to index
        %get3A_294 = tpu.vector_load %arg9[%get3A] {strides = array<i32>} : memref<1552xf32, #tpu.memory_space<vmem>>, vector<16xf32>,
        %get3A_295 = vector.shape_cast %get3A_294 : vector<16xf32> to vector<16xf32>
        %mul3A_296 = arith.constant 12 : i32
        %mul3A_297 = arith.muli %scan3A_277, %mul3A_296 : i32
        %add3A_298 = arith.constant 0 : i32
        %add3A_299 = arith.addi %add3A_298, %mul3A_297 : i32
        %get3A_300 = arith.index_cast %add3A_299 : i32 to index
        %get3A_301 = tpu.vector_load %arg8[%get3A_300] {strides = array<i32>} : memref<1552xi32, #tpu.memory_space<vmem>>, vector<16xi32>,
        %get3A_302 = vector.shape_cast %get3A_301 : vector<16xi32> to vector<16xi32>
        %slice3A = vector.extract_strided_slice %get3A_295 {offsets = [0], sizes = [1], strides = [1]} : vector<16xf32> to vector<1xf32>
        %squeeze3A = vector.extract %slice3A[0] : f32 from vector<1xf32>
        %slice3A_303 = vector.extract_strided_slice %get3A_302 {offsets = [0], sizes = [1], strides = [1]} : vector<16xi32> to vector<1xi32>
        %squeeze3A_304 = vector.extract %slice3A_303[0] : i32 from vector<1xi32>
        %shift_right_logical3A = arith.constant 3 : i32
        %shift_right_logical3A_305 = arith.shrui %squeeze3A_304, %shift_right_logical3A : i32
        %and3A = arith.constant 7 : i32
        %and3A_306 = arith.andi %squeeze3A_304, %and3A : i32
        %get3A_307 = arith.index_cast %shift_right_logical3A_305 : i32 to index
        %get3A_308 = arith.index_cast %and3A_306 : i32 to index
        %get3A_309 = arith.constant 0 : index
        %get3A_310 = tpu.vector_load %arg13[%get3A_307, %get3A_308, %get3A_309] {strides = array<i32>} : memref<56x8x128xf32, #tpu.memory_space<vmem>>, vector<1x1x16xf32>,
        %get3A_311 = vector.shape_cast %get3A_310 : vector<1x1x16xf32> to vector<16xf32>
        %mul3A_312 = vector.broadcast %squeeze3A : f32 to vector<16xf32>
        %mul3A_313 = arith.mulf %mul3A_312, %get3A_311 : vector<16xf32>
        %add3A_314 = arith.addf %broadcast_in_dim3A_279, %mul3A_313 : vector<16xf32>
        %get3A_315 = arith.index_cast %shift_right_logical3A_305 : i32 to index
        %get3A_316 = arith.index_cast %and3A_306 : i32 to index
        %get3A_317 = arith.constant 16 : index
        %get3A_318 = tpu.vector_load %arg13[%get3A_315, %get3A_316, %get3A_317] {strides = array<i32>} : memref<56x8x128xf32, #tpu.memory_space<vmem>>, vector<1x1x16xf32>,
        %get3A_319 = vector.shape_cast %get3A_318 : vector<1x1x16xf32> to vector<16xf32>
        %mul3A_320 = vector.broadcast %squeeze3A : f32 to vector<16xf32>
        %mul3A_321 = arith.mulf %mul3A_320, %get3A_319 : vector<16xf32>
        %add3A_322 = arith.addf %broadcast_in_dim3A_281, %mul3A_321 : vector<16xf32>
        %get3A_323 = arith.index_cast %shift_right_logical3A_305 : i32 to index
        %get3A_324 = arith.index_cast %and3A_306 : i32 to index
        %get3A_325 = arith.constant 32 : index
        %get3A_326 = tpu.vector_load %arg13[%get3A_323, %get3A_324, %get3A_325] {strides = array<i32>} : memref<56x8x128xf32, #tpu.memory_space<vmem>>, vector<1x1x16xf32>,
        %get3A_327 = vector.shape_cast %get3A_326 : vector<1x1x16xf32> to vector<16xf32>
        %mul3A_328 = vector.broadcast %squeeze3A : f32 to vector<16xf32>
        %mul3A_329 = arith.mulf %mul3A_328, %get3A_327 : vector<16xf32>
        %add3A_330 = arith.addf %broadcast_in_dim3A_283, %mul3A_329 : vector<16xf32>
        %get3A_331 = arith.index_cast %shift_right_logical3A_305 : i32 to index
        %get3A_332 = arith.index_cast %and3A_306 : i32 to index
        %get3A_333 = arith.constant 48 : index
        %get3A_334 = tpu.vector_load %arg13[%get3A_331, %get3A_332, %get3A_333] {strides = array<i32>} : memref<56x8x128xf32, #tpu.memory_space<vmem>>, vector<1x1x16xf32>,
        %get3A_335 = vector.shape_cast %get3A_334 : vector<1x1x16xf32> to vector<16xf32>
        %mul3A_336 = vector.broadcast %squeeze3A : f32 to vector<16xf32>
        %mul3A_337 = arith.mulf %mul3A_336, %get3A_335 : vector<16xf32>
        %add3A_338 = arith.addf %broadcast_in_dim3A_285, %mul3A_337 : vector<16xf32>
        %get3A_339 = arith.index_cast %shift_right_logical3A_305 : i32 to index
        %get3A_340 = arith.index_cast %and3A_306 : i32 to index
        %get3A_341 = arith.constant 64 : index
        %get3A_342 = tpu.vector_load %arg13[%get3A_339, %get3A_340, %get3A_341] {strides = array<i32>} : memref<56x8x128xf32, #tpu.memory_space<vmem>>, vector<1x1x16xf32>,
        %get3A_343 = vector.shape_cast %get3A_342 : vector<1x1x16xf32> to vector<16xf32>
        %mul3A_344 = vector.broadcast %squeeze3A : f32 to vector<16xf32>
        %mul3A_345 = arith.mulf %mul3A_344, %get3A_343 : vector<16xf32>
        %add3A_346 = arith.addf %broadcast_in_dim3A_287, %mul3A_345 : vector<16xf32>
        %get3A_347 = arith.index_cast %shift_right_logical3A_305 : i32 to index
        %get3A_348 = arith.index_cast %and3A_306 : i32 to index
        %get3A_349 = arith.constant 80 : index
        %get3A_350 = tpu.vector_load %arg13[%get3A_347, %get3A_348, %get3A_349] {strides = array<i32>} : memref<56x8x128xf32, #tpu.memory_space<vmem>>, vector<1x1x16xf32>,
        %get3A_351 = vector.shape_cast %get3A_350 : vector<1x1x16xf32> to vector<16xf32>
        %mul3A_352 = vector.broadcast %squeeze3A : f32 to vector<16xf32>
        %mul3A_353 = arith.mulf %mul3A_352, %get3A_351 : vector<16xf32>
        %add3A_354 = arith.addf %broadcast_in_dim3A_289, %mul3A_353 : vector<16xf32>
        %slice3A_355 = vector.extract_strided_slice %get3A_295 {offsets = [1], sizes = [1], strides = [1]} : vector<16xf32> to vector<1xf32>
        %squeeze3A_356 = vector.extract %slice3A_355[0] : f32 from vector<1xf32>
        %slice3A_357 = vector.extract_strided_slice %get3A_302 {offsets = [1], sizes = [1], strides = [1]} : vector<16xi32> to vector<1xi32>
        %squeeze3A_358 = vector.extract %slice3A_357[0] : i32 from vector<1xi32>
        %shift_right_logical3A_359 = arith.constant 3 : i32
        %shift_right_logical3A_360 = arith.shrui %squeeze3A_358, %shift_right_logical3A_359 : i32
        %and3A_361 = arith.constant 7 : i32
        %and3A_362 = arith.andi %squeeze3A_358, %and3A_361 : i32
        %get3A_363 = arith.index_cast %shift_right_logical3A_360 : i32 to index
        %get3A_364 = arith.index_cast %and3A_362 : i32 to index
        %get3A_365 = arith.constant 0 : index
        %get3A_366 = tpu.vector_load %arg13[%get3A_363, %get3A_364, %get3A_365] {strides = array<i32>} : memref<56x8x128xf32, #tpu.memory_space<vmem>>, vector<1x1x16xf32>,
        %get3A_367 = vector.shape_cast %get3A_366 : vector<1x1x16xf32> to vector<16xf32>
        %mul3A_368 = vector.broadcast %squeeze3A_356 : f32 to vector<16xf32>
        %mul3A_369 = arith.mulf %mul3A_368, %get3A_367 : vector<16xf32>
        %add3A_370 = arith.addf %add3A_314, %mul3A_369 : vector<16xf32>
        %get3A_371 = arith.index_cast %shift_right_logical3A_360 : i32 to index
        %get3A_372 = arith.index_cast %and3A_362 : i32 to index
        %get3A_373 = arith.constant 16 : index
        %get3A_374 = tpu.vector_load %arg13[%get3A_371, %get3A_372, %get3A_373] {strides = array<i32>} : memref<56x8x128xf32, #tpu.memory_space<vmem>>, vector<1x1x16xf32>,
        %get3A_375 = vector.shape_cast %get3A_374 : vector<1x1x16xf32> to vector<16xf32>
        %mul3A_376 = vector.broadcast %squeeze3A_356 : f32 to vector<16xf32>
        %mul3A_377 = arith.mulf %mul3A_376, %get3A_375 : vector<16xf32>
        %add3A_378 = arith.addf %add3A_322, %mul3A_377 : vector<16xf32>
        %get3A_379 = arith.index_cast %shift_right_logical3A_360 : i32 to index
        %get3A_380 = arith.index_cast %and3A_362 : i32 to index
        %get3A_381 = arith.constant 32 : index
        %get3A_382 = tpu.vector_load %arg13[%get3A_379, %get3A_380, %get3A_381] {strides = array<i32>} : memref<56x8x128xf32, #tpu.memory_space<vmem>>, vector<1x1x16xf32>,
        %get3A_383 = vector.shape_cast %get3A_382 : vector<1x1x16xf32> to vector<16xf32>
        %mul3A_384 = vector.broadcast %squeeze3A_356 : f32 to vector<16xf32>
        %mul3A_385 = arith.mulf %mul3A_384, %get3A_383 : vector<16xf32>
        %add3A_386 = arith.addf %add3A_330, %mul3A_385 : vector<16xf32>
        %get3A_387 = arith.index_cast %shift_right_logical3A_360 : i32 to index
        %get3A_388 = arith.index_cast %and3A_362 : i32 to index
        %get3A_389 = arith.constant 48 : index
        %get3A_390 = tpu.vector_load %arg13[%get3A_387, %get3A_388, %get3A_389] {strides = array<i32>} : memref<56x8x128xf32, #tpu.memory_space<vmem>>, vector<1x1x16xf32>,
        %get3A_391 = vector.shape_cast %get3A_390 : vector<1x1x16xf32> to vector<16xf32>
        %mul3A_392 = vector.broadcast %squeeze3A_356 : f32 to vector<16xf32>
        %mul3A_393 = arith.mulf %mul3A_392, %get3A_391 : vector<16xf32>
        %add3A_394 = arith.addf %add3A_338, %mul3A_393 : vector<16xf32>
        %get3A_395 = arith.index_cast %shift_right_logical3A_360 : i32 to index
        %get3A_396 = arith.index_cast %and3A_362 : i32 to index
        %get3A_397 = arith.constant 64 : index
        %get3A_398 = tpu.vector_load %arg13[%get3A_395, %get3A_396, %get3A_397] {strides = array<i32>} : memref<56x8x128xf32, #tpu.memory_space<vmem>>, vector<1x1x16xf32>,
        %get3A_399 = vector.shape_cast %get3A_398 : vector<1x1x16xf32> to vector<16xf32>
        %mul3A_400 = vector.broadcast %squeeze3A_356 : f32 to vector<16xf32>
        %mul3A_401 = arith.mulf %mul3A_400, %get3A_399 : vector<16xf32>
        %add3A_402 = arith.addf %add3A_346, %mul3A_401 : vector<16xf32>
        %get3A_403 = arith.index_cast %shift_right_logical3A_360 : i32 to index
        %get3A_404 = arith.index_cast %and3A_362 : i32 to index
        %get3A_405 = arith.constant 80 : index
        %get3A_406 = tpu.vector_load %arg13[%get3A_403, %get3A_404, %get3A_405] {strides = array<i32>} : memref<56x8x128xf32, #tpu.memory_space<vmem>>, vector<1x1x16xf32>,
        %get3A_407 = vector.shape_cast %get3A_406 : vector<1x1x16xf32> to vector<16xf32>
        %mul3A_408 = vector.broadcast %squeeze3A_356 : f32 to vector<16xf32>
        %mul3A_409 = arith.mulf %mul3A_408, %get3A_407 : vector<16xf32>
        %add3A_410 = arith.addf %add3A_354, %mul3A_409 : vector<16xf32>
        %slice3A_411 = vector.extract_strided_slice %get3A_295 {offsets = [2], sizes = [1], strides = [1]} : vector<16xf32> to vector<1xf32>
        %squeeze3A_412 = vector.extract %slice3A_411[0] : f32 from vector<1xf32>
        %slice3A_413 = vector.extract_strided_slice %get3A_302 {offsets = [2], sizes = [1], strides = [1]} : vector<16xi32> to vector<1xi32>
        %squeeze3A_414 = vector.extract %slice3A_413[0] : i32 from vector<1xi32>
        %shift_right_logical3A_415 = arith.constant 3 : i32
        %shift_right_logical3A_416 = arith.shrui %squeeze3A_414, %shift_right_logical3A_415 : i32
        %and3A_417 = arith.constant 7 : i32
        %and3A_418 = arith.andi %squeeze3A_414, %and3A_417 : i32
        %get3A_419 = arith.index_cast %shift_right_logical3A_416 : i32 to index
        %get3A_420 = arith.index_cast %and3A_418 : i32 to index
        %get3A_421 = arith.constant 0 : index
        %get3A_422 = tpu.vector_load %arg13[%get3A_419, %get3A_420, %get3A_421] {strides = array<i32>} : memref<56x8x128xf32, #tpu.memory_space<vmem>>, vector<1x1x16xf32>,
        %get3A_423 = vector.shape_cast %get3A_422 : vector<1x1x16xf32> to vector<16xf32>
        %mul3A_424 = vector.broadcast %squeeze3A_412 : f32 to vector<16xf32>
        %mul3A_425 = arith.mulf %mul3A_424, %get3A_423 : vector<16xf32>
        %add3A_426 = arith.addf %add3A_370, %mul3A_425 : vector<16xf32>
        %get3A_427 = arith.index_cast %shift_right_logical3A_416 : i32 to index
        %get3A_428 = arith.index_cast %and3A_418 : i32 to index
        %get3A_429 = arith.constant 16 : index
        %get3A_430 = tpu.vector_load %arg13[%get3A_427, %get3A_428, %get3A_429] {strides = array<i32>} : memref<56x8x128xf32, #tpu.memory_space<vmem>>, vector<1x1x16xf32>,
        %get3A_431 = vector.shape_cast %get3A_430 : vector<1x1x16xf32> to vector<16xf32>
        %mul3A_432 = vector.broadcast %squeeze3A_412 : f32 to vector<16xf32>
        %mul3A_433 = arith.mulf %mul3A_432, %get3A_431 : vector<16xf32>
        %add3A_434 = arith.addf %add3A_378, %mul3A_433 : vector<16xf32>
        %get3A_435 = arith.index_cast %shift_right_logical3A_416 : i32 to index
        %get3A_436 = arith.index_cast %and3A_418 : i32 to index
        %get3A_437 = arith.constant 32 : index
        %get3A_438 = tpu.vector_load %arg13[%get3A_435, %get3A_436, %get3A_437] {strides = array<i32>} : memref<56x8x128xf32, #tpu.memory_space<vmem>>, vector<1x1x16xf32>,
        %get3A_439 = vector.shape_cast %get3A_438 : vector<1x1x16xf32> to vector<16xf32>
        %mul3A_440 = vector.broadcast %squeeze3A_412 : f32 to vector<16xf32>
        %mul3A_441 = arith.mulf %mul3A_440, %get3A_439 : vector<16xf32>
        %add3A_442 = arith.addf %add3A_386, %mul3A_441 : vector<16xf32>
        %get3A_443 = arith.index_cast %shift_right_logical3A_416 : i32 to index
        %get3A_444 = arith.index_cast %and3A_418 : i32 to index
        %get3A_445 = arith.constant 48 : index
        %get3A_446 = tpu.vector_load %arg13[%get3A_443, %get3A_444, %get3A_445] {strides = array<i32>} : memref<56x8x128xf32, #tpu.memory_space<vmem>>, vector<1x1x16xf32>,
        %get3A_447 = vector.shape_cast %get3A_446 : vector<1x1x16xf32> to vector<16xf32>
        %mul3A_448 = vector.broadcast %squeeze3A_412 : f32 to vector<16xf32>
        %mul3A_449 = arith.mulf %mul3A_448, %get3A_447 : vector<16xf32>
        %add3A_450 = arith.addf %add3A_394, %mul3A_449 : vector<16xf32>
        %get3A_451 = arith.index_cast %shift_right_logical3A_416 : i32 to index
        %get3A_452 = arith.index_cast %and3A_418 : i32 to index
        %get3A_453 = arith.constant 64 : index
        %get3A_454 = tpu.vector_load %arg13[%get3A_451, %get3A_452, %get3A_453] {strides = array<i32>} : memref<56x8x128xf32, #tpu.memory_space<vmem>>, vector<1x1x16xf32>,
        %get3A_455 = vector.shape_cast %get3A_454 : vector<1x1x16xf32> to vector<16xf32>
        %mul3A_456 = vector.broadcast %squeeze3A_412 : f32 to vector<16xf32>
        %mul3A_457 = arith.mulf %mul3A_456, %get3A_455 : vector<16xf32>
        %add3A_458 = arith.addf %add3A_402, %mul3A_457 : vector<16xf32>
        %get3A_459 = arith.index_cast %shift_right_logical3A_416 : i32 to index
        %get3A_460 = arith.index_cast %and3A_418 : i32 to index
        %get3A_461 = arith.constant 80 : index
        %get3A_462 = tpu.vector_load %arg13[%get3A_459, %get3A_460, %get3A_461] {strides = array<i32>} : memref<56x8x128xf32, #tpu.memory_space<vmem>>, vector<1x1x16xf32>,
        %get3A_463 = vector.shape_cast %get3A_462 : vector<1x1x16xf32> to vector<16xf32>
        %mul3A_464 = vector.broadcast %squeeze3A_412 : f32 to vector<16xf32>
        %mul3A_465 = arith.mulf %mul3A_464, %get3A_463 : vector<16xf32>
        %add3A_466 = arith.addf %add3A_410, %mul3A_465 : vector<16xf32>
        %slice3A_467 = vector.extract_strided_slice %get3A_295 {offsets = [3], sizes = [1], strides = [1]} : vector<16xf32> to vector<1xf32>
        %squeeze3A_468 = vector.extract %slice3A_467[0] : f32 from vector<1xf32>
        %slice3A_469 = vector.extract_strided_slice %get3A_302 {offsets = [3], sizes = [1], strides = [1]} : vector<16xi32> to vector<1xi32>
        %squeeze3A_470 = vector.extract %slice3A_469[0] : i32 from vector<1xi32>
        %shift_right_logical3A_471 = arith.constant 3 : i32
        %shift_right_logical3A_472 = arith.shrui %squeeze3A_470, %shift_right_logical3A_471 : i32
        %and3A_473 = arith.constant 7 : i32
        %and3A_474 = arith.andi %squeeze3A_470, %and3A_473 : i32
        %get3A_475 = arith.index_cast %shift_right_logical3A_472 : i32 to index
        %get3A_476 = arith.index_cast %and3A_474 : i32 to index
        %get3A_477 = arith.constant 0 : index
        %get3A_478 = tpu.vector_load %arg13[%get3A_475, %get3A_476, %get3A_477] {strides = array<i32>} : memref<56x8x128xf32, #tpu.memory_space<vmem>>, vector<1x1x16xf32>,
        %get3A_479 = vector.shape_cast %get3A_478 : vector<1x1x16xf32> to vector<16xf32>
        %mul3A_480 = vector.broadcast %squeeze3A_468 : f32 to vector<16xf32>
        %mul3A_481 = arith.mulf %mul3A_480, %get3A_479 : vector<16xf32>
        %add3A_482 = arith.addf %add3A_426, %mul3A_481 : vector<16xf32>
        %get3A_483 = arith.index_cast %shift_right_logical3A_472 : i32 to index
        %get3A_484 = arith.index_cast %and3A_474 : i32 to index
        %get3A_485 = arith.constant 16 : index
        %get3A_486 = tpu.vector_load %arg13[%get3A_483, %get3A_484, %get3A_485] {strides = array<i32>} : memref<56x8x128xf32, #tpu.memory_space<vmem>>, vector<1x1x16xf32>,
        %get3A_487 = vector.shape_cast %get3A_486 : vector<1x1x16xf32> to vector<16xf32>
        %mul3A_488 = vector.broadcast %squeeze3A_468 : f32 to vector<16xf32>
        %mul3A_489 = arith.mulf %mul3A_488, %get3A_487 : vector<16xf32>
        %add3A_490 = arith.addf %add3A_434, %mul3A_489 : vector<16xf32>
        %get3A_491 = arith.index_cast %shift_right_logical3A_472 : i32 to index
        %get3A_492 = arith.index_cast %and3A_474 : i32 to index
        %get3A_493 = arith.constant 32 : index
        %get3A_494 = tpu.vector_load %arg13[%get3A_491, %get3A_492, %get3A_493] {strides = array<i32>} : memref<56x8x128xf32, #tpu.memory_space<vmem>>, vector<1x1x16xf32>,
        %get3A_495 = vector.shape_cast %get3A_494 : vector<1x1x16xf32> to vector<16xf32>
        %mul3A_496 = vector.broadcast %squeeze3A_468 : f32 to vector<16xf32>
        %mul3A_497 = arith.mulf %mul3A_496, %get3A_495 : vector<16xf32>
        %add3A_498 = arith.addf %add3A_442, %mul3A_497 : vector<16xf32>
        %get3A_499 = arith.index_cast %shift_right_logical3A_472 : i32 to index
        %get3A_500 = arith.index_cast %and3A_474 : i32 to index
        %get3A_501 = arith.constant 48 : index
        %get3A_502 = tpu.vector_load %arg13[%get3A_499, %get3A_500, %get3A_501] {strides = array<i32>} : memref<56x8x128xf32, #tpu.memory_space<vmem>>, vector<1x1x16xf32>,
        %get3A_503 = vector.shape_cast %get3A_502 : vector<1x1x16xf32> to vector<16xf32>
        %mul3A_504 = vector.broadcast %squeeze3A_468 : f32 to vector<16xf32>
        %mul3A_505 = arith.mulf %mul3A_504, %get3A_503 : vector<16xf32>
        %add3A_506 = arith.addf %add3A_450, %mul3A_505 : vector<16xf32>
        %get3A_507 = arith.index_cast %shift_right_logical3A_472 : i32 to index
        %get3A_508 = arith.index_cast %and3A_474 : i32 to index
        %get3A_509 = arith.constant 64 : index
        %get3A_510 = tpu.vector_load %arg13[%get3A_507, %get3A_508, %get3A_509] {strides = array<i32>} : memref<56x8x128xf32, #tpu.memory_space<vmem>>, vector<1x1x16xf32>,
        %get3A_511 = vector.shape_cast %get3A_510 : vector<1x1x16xf32> to vector<16xf32>
        %mul3A_512 = vector.broadcast %squeeze3A_468 : f32 to vector<16xf32>
        %mul3A_513 = arith.mulf %mul3A_512, %get3A_511 : vector<16xf32>
        %add3A_514 = arith.addf %add3A_458, %mul3A_513 : vector<16xf32>
        %get3A_515 = arith.index_cast %shift_right_logical3A_472 : i32 to index
        %get3A_516 = arith.index_cast %and3A_474 : i32 to index
        %get3A_517 = arith.constant 80 : index
        %get3A_518 = tpu.vector_load %arg13[%get3A_515, %get3A_516, %get3A_517] {strides = array<i32>} : memref<56x8x128xf32, #tpu.memory_space<vmem>>, vector<1x1x16xf32>,
        %get3A_519 = vector.shape_cast %get3A_518 : vector<1x1x16xf32> to vector<16xf32>
        %mul3A_520 = vector.broadcast %squeeze3A_468 : f32 to vector<16xf32>
        %mul3A_521 = arith.mulf %mul3A_520, %get3A_519 : vector<16xf32>
        %add3A_522 = arith.addf %add3A_466, %mul3A_521 : vector<16xf32>
        %slice3A_523 = vector.extract_strided_slice %get3A_295 {offsets = [4], sizes = [1], strides = [1]} : vector<16xf32> to vector<1xf32>
        %squeeze3A_524 = vector.extract %slice3A_523[0] : f32 from vector<1xf32>
        %slice3A_525 = vector.extract_strided_slice %get3A_302 {offsets = [4], sizes = [1], strides = [1]} : vector<16xi32> to vector<1xi32>
        %squeeze3A_526 = vector.extract %slice3A_525[0] : i32 from vector<1xi32>
        %shift_right_logical3A_527 = arith.constant 3 : i32
        %shift_right_logical3A_528 = arith.shrui %squeeze3A_526, %shift_right_logical3A_527 : i32
        %and3A_529 = arith.constant 7 : i32
        %and3A_530 = arith.andi %squeeze3A_526, %and3A_529 : i32
        %get3A_531 = arith.index_cast %shift_right_logical3A_528 : i32 to index
        %get3A_532 = arith.index_cast %and3A_530 : i32 to index
        %get3A_533 = arith.constant 0 : index
        %get3A_534 = tpu.vector_load %arg13[%get3A_531, %get3A_532, %get3A_533] {strides = array<i32>} : memref<56x8x128xf32, #tpu.memory_space<vmem>>, vector<1x1x16xf32>,
        %get3A_535 = vector.shape_cast %get3A_534 : vector<1x1x16xf32> to vector<16xf32>
        %mul3A_536 = vector.broadcast %squeeze3A_524 : f32 to vector<16xf32>
        %mul3A_537 = arith.mulf %mul3A_536, %get3A_535 : vector<16xf32>
        %add3A_538 = arith.addf %add3A_482, %mul3A_537 : vector<16xf32>
        %get3A_539 = arith.index_cast %shift_right_logical3A_528 : i32 to index
        %get3A_540 = arith.index_cast %and3A_530 : i32 to index
        %get3A_541 = arith.constant 16 : index
        %get3A_542 = tpu.vector_load %arg13[%get3A_539, %get3A_540, %get3A_541] {strides = array<i32>} : memref<56x8x128xf32, #tpu.memory_space<vmem>>, vector<1x1x16xf32>,
        %get3A_543 = vector.shape_cast %get3A_542 : vector<1x1x16xf32> to vector<16xf32>
        %mul3A_544 = vector.broadcast %squeeze3A_524 : f32 to vector<16xf32>
        %mul3A_545 = arith.mulf %mul3A_544, %get3A_543 : vector<16xf32>
        %add3A_546 = arith.addf %add3A_490, %mul3A_545 : vector<16xf32>
        %get3A_547 = arith.index_cast %shift_right_logical3A_528 : i32 to index
        %get3A_548 = arith.index_cast %and3A_530 : i32 to index
        %get3A_549 = arith.constant 32 : index
        %get3A_550 = tpu.vector_load %arg13[%get3A_547, %get3A_548, %get3A_549] {strides = array<i32>} : memref<56x8x128xf32, #tpu.memory_space<vmem>>, vector<1x1x16xf32>,
        %get3A_551 = vector.shape_cast %get3A_550 : vector<1x1x16xf32> to vector<16xf32>
        %mul3A_552 = vector.broadcast %squeeze3A_524 : f32 to vector<16xf32>
        %mul3A_553 = arith.mulf %mul3A_552, %get3A_551 : vector<16xf32>
        %add3A_554 = arith.addf %add3A_498, %mul3A_553 : vector<16xf32>
        %get3A_555 = arith.index_cast %shift_right_logical3A_528 : i32 to index
        %get3A_556 = arith.index_cast %and3A_530 : i32 to index
        %get3A_557 = arith.constant 48 : index
        %get3A_558 = tpu.vector_load %arg13[%get3A_555, %get3A_556, %get3A_557] {strides = array<i32>} : memref<56x8x128xf32, #tpu.memory_space<vmem>>, vector<1x1x16xf32>,
        %get3A_559 = vector.shape_cast %get3A_558 : vector<1x1x16xf32> to vector<16xf32>
        %mul3A_560 = vector.broadcast %squeeze3A_524 : f32 to vector<16xf32>
        %mul3A_561 = arith.mulf %mul3A_560, %get3A_559 : vector<16xf32>
        %add3A_562 = arith.addf %add3A_506, %mul3A_561 : vector<16xf32>
        %get3A_563 = arith.index_cast %shift_right_logical3A_528 : i32 to index
        %get3A_564 = arith.index_cast %and3A_530 : i32 to index
        %get3A_565 = arith.constant 64 : index
        %get3A_566 = tpu.vector_load %arg13[%get3A_563, %get3A_564, %get3A_565] {strides = array<i32>} : memref<56x8x128xf32, #tpu.memory_space<vmem>>, vector<1x1x16xf32>,
        %get3A_567 = vector.shape_cast %get3A_566 : vector<1x1x16xf32> to vector<16xf32>
        %mul3A_568 = vector.broadcast %squeeze3A_524 : f32 to vector<16xf32>
        %mul3A_569 = arith.mulf %mul3A_568, %get3A_567 : vector<16xf32>
        %add3A_570 = arith.addf %add3A_514, %mul3A_569 : vector<16xf32>
        %get3A_571 = arith.index_cast %shift_right_logical3A_528 : i32 to index
        %get3A_572 = arith.index_cast %and3A_530 : i32 to index
        %get3A_573 = arith.constant 80 : index
        %get3A_574 = tpu.vector_load %arg13[%get3A_571, %get3A_572, %get3A_573] {strides = array<i32>} : memref<56x8x128xf32, #tpu.memory_space<vmem>>, vector<1x1x16xf32>,
        %get3A_575 = vector.shape_cast %get3A_574 : vector<1x1x16xf32> to vector<16xf32>
        %mul3A_576 = vector.broadcast %squeeze3A_524 : f32 to vector<16xf32>
        %mul3A_577 = arith.mulf %mul3A_576, %get3A_575 : vector<16xf32>
        %add3A_578 = arith.addf %add3A_522, %mul3A_577 : vector<16xf32>
        %slice3A_579 = vector.extract_strided_slice %get3A_295 {offsets = [5], sizes = [1], strides = [1]} : vector<16xf32> to vector<1xf32>
        %squeeze3A_580 = vector.extract %slice3A_579[0] : f32 from vector<1xf32>
        %slice3A_581 = vector.extract_strided_slice %get3A_302 {offsets = [5], sizes = [1], strides = [1]} : vector<16xi32> to vector<1xi32>
        %squeeze3A_582 = vector.extract %slice3A_581[0] : i32 from vector<1xi32>
        %shift_right_logical3A_583 = arith.constant 3 : i32
        %shift_right_logical3A_584 = arith.shrui %squeeze3A_582, %shift_right_logical3A_583 : i32
        %and3A_585 = arith.constant 7 : i32
        %and3A_586 = arith.andi %squeeze3A_582, %and3A_585 : i32
        %get3A_587 = arith.index_cast %shift_right_logical3A_584 : i32 to index
        %get3A_588 = arith.index_cast %and3A_586 : i32 to index
        %get3A_589 = arith.constant 0 : index
        %get3A_590 = tpu.vector_load %arg13[%get3A_587, %get3A_588, %get3A_589] {strides = array<i32>} : memref<56x8x128xf32, #tpu.memory_space<vmem>>, vector<1x1x16xf32>,
        %get3A_591 = vector.shape_cast %get3A_590 : vector<1x1x16xf32> to vector<16xf32>
        %mul3A_592 = vector.broadcast %squeeze3A_580 : f32 to vector<16xf32>
        %mul3A_593 = arith.mulf %mul3A_592, %get3A_591 : vector<16xf32>
        %add3A_594 = arith.addf %add3A_538, %mul3A_593 : vector<16xf32>
        %get3A_595 = arith.index_cast %shift_right_logical3A_584 : i32 to index
        %get3A_596 = arith.index_cast %and3A_586 : i32 to index
        %get3A_597 = arith.constant 16 : index
        %get3A_598 = tpu.vector_load %arg13[%get3A_595, %get3A_596, %get3A_597] {strides = array<i32>} : memref<56x8x128xf32, #tpu.memory_space<vmem>>, vector<1x1x16xf32>,
        %get3A_599 = vector.shape_cast %get3A_598 : vector<1x1x16xf32> to vector<16xf32>
        %mul3A_600 = vector.broadcast %squeeze3A_580 : f32 to vector<16xf32>
        %mul3A_601 = arith.mulf %mul3A_600, %get3A_599 : vector<16xf32>
        %add3A_602 = arith.addf %add3A_546, %mul3A_601 : vector<16xf32>
        %get3A_603 = arith.index_cast %shift_right_logical3A_584 : i32 to index
        %get3A_604 = arith.index_cast %and3A_586 : i32 to index
        %get3A_605 = arith.constant 32 : index
        %get3A_606 = tpu.vector_load %arg13[%get3A_603, %get3A_604, %get3A_605] {strides = array<i32>} : memref<56x8x128xf32, #tpu.memory_space<vmem>>, vector<1x1x16xf32>,
        %get3A_607 = vector.shape_cast %get3A_606 : vector<1x1x16xf32> to vector<16xf32>
        %mul3A_608 = vector.broadcast %squeeze3A_580 : f32 to vector<16xf32>
        %mul3A_609 = arith.mulf %mul3A_608, %get3A_607 : vector<16xf32>
        %add3A_610 = arith.addf %add3A_554, %mul3A_609 : vector<16xf32>
        %get3A_611 = arith.index_cast %shift_right_logical3A_584 : i32 to index
        %get3A_612 = arith.index_cast %and3A_586 : i32 to index
        %get3A_613 = arith.constant 48 : index
        %get3A_614 = tpu.vector_load %arg13[%get3A_611, %get3A_612, %get3A_613] {strides = array<i32>} : memref<56x8x128xf32, #tpu.memory_space<vmem>>, vector<1x1x16xf32>,
        %get3A_615 = vector.shape_cast %get3A_614 : vector<1x1x16xf32> to vector<16xf32>
        %mul3A_616 = vector.broadcast %squeeze3A_580 : f32 to vector<16xf32>
        %mul3A_617 = arith.mulf %mul3A_616, %get3A_615 : vector<16xf32>
        %add3A_618 = arith.addf %add3A_562, %mul3A_617 : vector<16xf32>
        %get3A_619 = arith.index_cast %shift_right_logical3A_584 : i32 to index
        %get3A_620 = arith.index_cast %and3A_586 : i32 to index
        %get3A_621 = arith.constant 64 : index
        %get3A_622 = tpu.vector_load %arg13[%get3A_619, %get3A_620, %get3A_621] {strides = array<i32>} : memref<56x8x128xf32, #tpu.memory_space<vmem>>, vector<1x1x16xf32>,
        %get3A_623 = vector.shape_cast %get3A_622 : vector<1x1x16xf32> to vector<16xf32>
        %mul3A_624 = vector.broadcast %squeeze3A_580 : f32 to vector<16xf32>
        %mul3A_625 = arith.mulf %mul3A_624, %get3A_623 : vector<16xf32>
        %add3A_626 = arith.addf %add3A_570, %mul3A_625 : vector<16xf32>
        %get3A_627 = arith.index_cast %shift_right_logical3A_584 : i32 to index
        %get3A_628 = arith.index_cast %and3A_586 : i32 to index
        %get3A_629 = arith.constant 80 : index
        %get3A_630 = tpu.vector_load %arg13[%get3A_627, %get3A_628, %get3A_629] {strides = array<i32>} : memref<56x8x128xf32, #tpu.memory_space<vmem>>, vector<1x1x16xf32>,
        %get3A_631 = vector.shape_cast %get3A_630 : vector<1x1x16xf32> to vector<16xf32>
        %mul3A_632 = vector.broadcast %squeeze3A_580 : f32 to vector<16xf32>
        %mul3A_633 = arith.mulf %mul3A_632, %get3A_631 : vector<16xf32>
        %add3A_634 = arith.addf %add3A_578, %mul3A_633 : vector<16xf32>
        %slice3A_635 = vector.extract_strided_slice %get3A_295 {offsets = [6], sizes = [1], strides = [1]} : vector<16xf32> to vector<1xf32>
        %squeeze3A_636 = vector.extract %slice3A_635[0] : f32 from vector<1xf32>
        %slice3A_637 = vector.extract_strided_slice %get3A_302 {offsets = [6], sizes = [1], strides = [1]} : vector<16xi32> to vector<1xi32>
        %squeeze3A_638 = vector.extract %slice3A_637[0] : i32 from vector<1xi32>
        %shift_right_logical3A_639 = arith.constant 3 : i32
        %shift_right_logical3A_640 = arith.shrui %squeeze3A_638, %shift_right_logical3A_639 : i32
        %and3A_641 = arith.constant 7 : i32
        %and3A_642 = arith.andi %squeeze3A_638, %and3A_641 : i32
        %get3A_643 = arith.index_cast %shift_right_logical3A_640 : i32 to index
        %get3A_644 = arith.index_cast %and3A_642 : i32 to index
        %get3A_645 = arith.constant 0 : index
        %get3A_646 = tpu.vector_load %arg13[%get3A_643, %get3A_644, %get3A_645] {strides = array<i32>} : memref<56x8x128xf32, #tpu.memory_space<vmem>>, vector<1x1x16xf32>,
        %get3A_647 = vector.shape_cast %get3A_646 : vector<1x1x16xf32> to vector<16xf32>
        %mul3A_648 = vector.broadcast %squeeze3A_636 : f32 to vector<16xf32>
        %mul3A_649 = arith.mulf %mul3A_648, %get3A_647 : vector<16xf32>
        %add3A_650 = arith.addf %add3A_594, %mul3A_649 : vector<16xf32>
        %get3A_651 = arith.index_cast %shift_right_logical3A_640 : i32 to index
        %get3A_652 = arith.index_cast %and3A_642 : i32 to index
        %get3A_653 = arith.constant 16 : index
        %get3A_654 = tpu.vector_load %arg13[%get3A_651, %get3A_652, %get3A_653] {strides = array<i32>} : memref<56x8x128xf32, #tpu.memory_space<vmem>>, vector<1x1x16xf32>,
        %get3A_655 = vector.shape_cast %get3A_654 : vector<1x1x16xf32> to vector<16xf32>
        %mul3A_656 = vector.broadcast %squeeze3A_636 : f32 to vector<16xf32>
        %mul3A_657 = arith.mulf %mul3A_656, %get3A_655 : vector<16xf32>
        %add3A_658 = arith.addf %add3A_602, %mul3A_657 : vector<16xf32>
        %get3A_659 = arith.index_cast %shift_right_logical3A_640 : i32 to index
        %get3A_660 = arith.index_cast %and3A_642 : i32 to index
        %get3A_661 = arith.constant 32 : index
        %get3A_662 = tpu.vector_load %arg13[%get3A_659, %get3A_660, %get3A_661] {strides = array<i32>} : memref<56x8x128xf32, #tpu.memory_space<vmem>>, vector<1x1x16xf32>,
        %get3A_663 = vector.shape_cast %get3A_662 : vector<1x1x16xf32> to vector<16xf32>
        %mul3A_664 = vector.broadcast %squeeze3A_636 : f32 to vector<16xf32>
        %mul3A_665 = arith.mulf %mul3A_664, %get3A_663 : vector<16xf32>
        %add3A_666 = arith.addf %add3A_610, %mul3A_665 : vector<16xf32>
        %get3A_667 = arith.index_cast %shift_right_logical3A_640 : i32 to index
        %get3A_668 = arith.index_cast %and3A_642 : i32 to index
        %get3A_669 = arith.constant 48 : index
        %get3A_670 = tpu.vector_load %arg13[%get3A_667, %get3A_668, %get3A_669] {strides = array<i32>} : memref<56x8x128xf32, #tpu.memory_space<vmem>>, vector<1x1x16xf32>,
        %get3A_671 = vector.shape_cast %get3A_670 : vector<1x1x16xf32> to vector<16xf32>
        %mul3A_672 = vector.broadcast %squeeze3A_636 : f32 to vector<16xf32>
        %mul3A_673 = arith.mulf %mul3A_672, %get3A_671 : vector<16xf32>
        %add3A_674 = arith.addf %add3A_618, %mul3A_673 : vector<16xf32>
        %get3A_675 = arith.index_cast %shift_right_logical3A_640 : i32 to index
        %get3A_676 = arith.index_cast %and3A_642 : i32 to index
        %get3A_677 = arith.constant 64 : index
        %get3A_678 = tpu.vector_load %arg13[%get3A_675, %get3A_676, %get3A_677] {strides = array<i32>} : memref<56x8x128xf32, #tpu.memory_space<vmem>>, vector<1x1x16xf32>,
        %get3A_679 = vector.shape_cast %get3A_678 : vector<1x1x16xf32> to vector<16xf32>
        %mul3A_680 = vector.broadcast %squeeze3A_636 : f32 to vector<16xf32>
        %mul3A_681 = arith.mulf %mul3A_680, %get3A_679 : vector<16xf32>
        %add3A_682 = arith.addf %add3A_626, %mul3A_681 : vector<16xf32>
        %get3A_683 = arith.index_cast %shift_right_logical3A_640 : i32 to index
        %get3A_684 = arith.index_cast %and3A_642 : i32 to index
        %get3A_685 = arith.constant 80 : index
        %get3A_686 = tpu.vector_load %arg13[%get3A_683, %get3A_684, %get3A_685] {strides = array<i32>} : memref<56x8x128xf32, #tpu.memory_space<vmem>>, vector<1x1x16xf32>,
        %get3A_687 = vector.shape_cast %get3A_686 : vector<1x1x16xf32> to vector<16xf32>
        %mul3A_688 = vector.broadcast %squeeze3A_636 : f32 to vector<16xf32>
        %mul3A_689 = arith.mulf %mul3A_688, %get3A_687 : vector<16xf32>
        %add3A_690 = arith.addf %add3A_634, %mul3A_689 : vector<16xf32>
        %slice3A_691 = vector.extract_strided_slice %get3A_295 {offsets = [7], sizes = [1], strides = [1]} : vector<16xf32> to vector<1xf32>
        %squeeze3A_692 = vector.extract %slice3A_691[0] : f32 from vector<1xf32>
        %slice3A_693 = vector.extract_strided_slice %get3A_302 {offsets = [7], sizes = [1], strides = [1]} : vector<16xi32> to vector<1xi32>
        %squeeze3A_694 = vector.extract %slice3A_693[0] : i32 from vector<1xi32>
        %shift_right_logical3A_695 = arith.constant 3 : i32
        %shift_right_logical3A_696 = arith.shrui %squeeze3A_694, %shift_right_logical3A_695 : i32
        %and3A_697 = arith.constant 7 : i32
        %and3A_698 = arith.andi %squeeze3A_694, %and3A_697 : i32
        %get3A_699 = arith.index_cast %shift_right_logical3A_696 : i32 to index
        %get3A_700 = arith.index_cast %and3A_698 : i32 to index
        %get3A_701 = arith.constant 0 : index
        %get3A_702 = tpu.vector_load %arg13[%get3A_699, %get3A_700, %get3A_701] {strides = array<i32>} : memref<56x8x128xf32, #tpu.memory_space<vmem>>, vector<1x1x16xf32>,
        %get3A_703 = vector.shape_cast %get3A_702 : vector<1x1x16xf32> to vector<16xf32>
        %mul3A_704 = vector.broadcast %squeeze3A_692 : f32 to vector<16xf32>
        %mul3A_705 = arith.mulf %mul3A_704, %get3A_703 : vector<16xf32>
        %add3A_706 = arith.addf %add3A_650, %mul3A_705 : vector<16xf32>
        %get3A_707 = arith.index_cast %shift_right_logical3A_696 : i32 to index
        %get3A_708 = arith.index_cast %and3A_698 : i32 to index
        %get3A_709 = arith.constant 16 : index
        %get3A_710 = tpu.vector_load %arg13[%get3A_707, %get3A_708, %get3A_709] {strides = array<i32>} : memref<56x8x128xf32, #tpu.memory_space<vmem>>, vector<1x1x16xf32>,
        %get3A_711 = vector.shape_cast %get3A_710 : vector<1x1x16xf32> to vector<16xf32>
        %mul3A_712 = vector.broadcast %squeeze3A_692 : f32 to vector<16xf32>
        %mul3A_713 = arith.mulf %mul3A_712, %get3A_711 : vector<16xf32>
        %add3A_714 = arith.addf %add3A_658, %mul3A_713 : vector<16xf32>
        %get3A_715 = arith.index_cast %shift_right_logical3A_696 : i32 to index
        %get3A_716 = arith.index_cast %and3A_698 : i32 to index
        %get3A_717 = arith.constant 32 : index
        %get3A_718 = tpu.vector_load %arg13[%get3A_715, %get3A_716, %get3A_717] {strides = array<i32>} : memref<56x8x128xf32, #tpu.memory_space<vmem>>, vector<1x1x16xf32>,
        %get3A_719 = vector.shape_cast %get3A_718 : vector<1x1x16xf32> to vector<16xf32>
        %mul3A_720 = vector.broadcast %squeeze3A_692 : f32 to vector<16xf32>
        %mul3A_721 = arith.mulf %mul3A_720, %get3A_719 : vector<16xf32>
        %add3A_722 = arith.addf %add3A_666, %mul3A_721 : vector<16xf32>
        %get3A_723 = arith.index_cast %shift_right_logical3A_696 : i32 to index
        %get3A_724 = arith.index_cast %and3A_698 : i32 to index
        %get3A_725 = arith.constant 48 : index
        %get3A_726 = tpu.vector_load %arg13[%get3A_723, %get3A_724, %get3A_725] {strides = array<i32>} : memref<56x8x128xf32, #tpu.memory_space<vmem>>, vector<1x1x16xf32>,
        %get3A_727 = vector.shape_cast %get3A_726 : vector<1x1x16xf32> to vector<16xf32>
        %mul3A_728 = vector.broadcast %squeeze3A_692 : f32 to vector<16xf32>
        %mul3A_729 = arith.mulf %mul3A_728, %get3A_727 : vector<16xf32>
        %add3A_730 = arith.addf %add3A_674, %mul3A_729 : vector<16xf32>
        %get3A_731 = arith.index_cast %shift_right_logical3A_696 : i32 to index
        %get3A_732 = arith.index_cast %and3A_698 : i32 to index
        %get3A_733 = arith.constant 64 : index
        %get3A_734 = tpu.vector_load %arg13[%get3A_731, %get3A_732, %get3A_733] {strides = array<i32>} : memref<56x8x128xf32, #tpu.memory_space<vmem>>, vector<1x1x16xf32>,
        %get3A_735 = vector.shape_cast %get3A_734 : vector<1x1x16xf32> to vector<16xf32>
        %mul3A_736 = vector.broadcast %squeeze3A_692 : f32 to vector<16xf32>
        %mul3A_737 = arith.mulf %mul3A_736, %get3A_735 : vector<16xf32>
        %add3A_738 = arith.addf %add3A_682, %mul3A_737 : vector<16xf32>
        %get3A_739 = arith.index_cast %shift_right_logical3A_696 : i32 to index
        %get3A_740 = arith.index_cast %and3A_698 : i32 to index
        %get3A_741 = arith.constant 80 : index
        %get3A_742 = tpu.vector_load %arg13[%get3A_739, %get3A_740, %get3A_741] {strides = array<i32>} : memref<56x8x128xf32, #tpu.memory_space<vmem>>, vector<1x1x16xf32>,
        %get3A_743 = vector.shape_cast %get3A_742 : vector<1x1x16xf32> to vector<16xf32>
        %mul3A_744 = vector.broadcast %squeeze3A_692 : f32 to vector<16xf32>
        %mul3A_745 = arith.mulf %mul3A_744, %get3A_743 : vector<16xf32>
        %add3A_746 = arith.addf %add3A_690, %mul3A_745 : vector<16xf32>
        %slice3A_747 = vector.extract_strided_slice %get3A_295 {offsets = [8], sizes = [1], strides = [1]} : vector<16xf32> to vector<1xf32>
        %squeeze3A_748 = vector.extract %slice3A_747[0] : f32 from vector<1xf32>
        %slice3A_749 = vector.extract_strided_slice %get3A_302 {offsets = [8], sizes = [1], strides = [1]} : vector<16xi32> to vector<1xi32>
        %squeeze3A_750 = vector.extract %slice3A_749[0] : i32 from vector<1xi32>
        %shift_right_logical3A_751 = arith.constant 3 : i32
        %shift_right_logical3A_752 = arith.shrui %squeeze3A_750, %shift_right_logical3A_751 : i32
        %and3A_753 = arith.constant 7 : i32
        %and3A_754 = arith.andi %squeeze3A_750, %and3A_753 : i32
        %get3A_755 = arith.index_cast %shift_right_logical3A_752 : i32 to index
        %get3A_756 = arith.index_cast %and3A_754 : i32 to index
        %get3A_757 = arith.constant 0 : index
        %get3A_758 = tpu.vector_load %arg13[%get3A_755, %get3A_756, %get3A_757] {strides = array<i32>} : memref<56x8x128xf32, #tpu.memory_space<vmem>>, vector<1x1x16xf32>,
        %get3A_759 = vector.shape_cast %get3A_758 : vector<1x1x16xf32> to vector<16xf32>
        %mul3A_760 = vector.broadcast %squeeze3A_748 : f32 to vector<16xf32>
        %mul3A_761 = arith.mulf %mul3A_760, %get3A_759 : vector<16xf32>
        %add3A_762 = arith.addf %add3A_706, %mul3A_761 : vector<16xf32>
        %get3A_763 = arith.index_cast %shift_right_logical3A_752 : i32 to index
        %get3A_764 = arith.index_cast %and3A_754 : i32 to index
        %get3A_765 = arith.constant 16 : index
        %get3A_766 = tpu.vector_load %arg13[%get3A_763, %get3A_764, %get3A_765] {strides = array<i32>} : memref<56x8x128xf32, #tpu.memory_space<vmem>>, vector<1x1x16xf32>,
        %get3A_767 = vector.shape_cast %get3A_766 : vector<1x1x16xf32> to vector<16xf32>
        %mul3A_768 = vector.broadcast %squeeze3A_748 : f32 to vector<16xf32>
        %mul3A_769 = arith.mulf %mul3A_768, %get3A_767 : vector<16xf32>
        %add3A_770 = arith.addf %add3A_714, %mul3A_769 : vector<16xf32>
        %get3A_771 = arith.index_cast %shift_right_logical3A_752 : i32 to index
        %get3A_772 = arith.index_cast %and3A_754 : i32 to index
        %get3A_773 = arith.constant 32 : index
        %get3A_774 = tpu.vector_load %arg13[%get3A_771, %get3A_772, %get3A_773] {strides = array<i32>} : memref<56x8x128xf32, #tpu.memory_space<vmem>>, vector<1x1x16xf32>,
        %get3A_775 = vector.shape_cast %get3A_774 : vector<1x1x16xf32> to vector<16xf32>
        %mul3A_776 = vector.broadcast %squeeze3A_748 : f32 to vector<16xf32>
        %mul3A_777 = arith.mulf %mul3A_776, %get3A_775 : vector<16xf32>
        %add3A_778 = arith.addf %add3A_722, %mul3A_777 : vector<16xf32>
        %get3A_779 = arith.index_cast %shift_right_logical3A_752 : i32 to index
        %get3A_780 = arith.index_cast %and3A_754 : i32 to index
        %get3A_781 = arith.constant 48 : index
        %get3A_782 = tpu.vector_load %arg13[%get3A_779, %get3A_780, %get3A_781] {strides = array<i32>} : memref<56x8x128xf32, #tpu.memory_space<vmem>>, vector<1x1x16xf32>,
        %get3A_783 = vector.shape_cast %get3A_782 : vector<1x1x16xf32> to vector<16xf32>
        %mul3A_784 = vector.broadcast %squeeze3A_748 : f32 to vector<16xf32>
        %mul3A_785 = arith.mulf %mul3A_784, %get3A_783 : vector<16xf32>
        %add3A_786 = arith.addf %add3A_730, %mul3A_785 : vector<16xf32>
        %get3A_787 = arith.index_cast %shift_right_logical3A_752 : i32 to index
        %get3A_788 = arith.index_cast %and3A_754 : i32 to index
        %get3A_789 = arith.constant 64 : index
        %get3A_790 = tpu.vector_load %arg13[%get3A_787, %get3A_788, %get3A_789] {strides = array<i32>} : memref<56x8x128xf32, #tpu.memory_space<vmem>>, vector<1x1x16xf32>,
        %get3A_791 = vector.shape_cast %get3A_790 : vector<1x1x16xf32> to vector<16xf32>
        %mul3A_792 = vector.broadcast %squeeze3A_748 : f32 to vector<16xf32>
        %mul3A_793 = arith.mulf %mul3A_792, %get3A_791 : vector<16xf32>
        %add3A_794 = arith.addf %add3A_738, %mul3A_793 : vector<16xf32>
        %get3A_795 = arith.index_cast %shift_right_logical3A_752 : i32 to index
        %get3A_796 = arith.index_cast %and3A_754 : i32 to index
        %get3A_797 = arith.constant 80 : index
        %get3A_798 = tpu.vector_load %arg13[%get3A_795, %get3A_796, %get3A_797] {strides = array<i32>} : memref<56x8x128xf32, #tpu.memory_space<vmem>>, vector<1x1x16xf32>,
        %get3A_799 = vector.shape_cast %get3A_798 : vector<1x1x16xf32> to vector<16xf32>
        %mul3A_800 = vector.broadcast %squeeze3A_748 : f32 to vector<16xf32>
        %mul3A_801 = arith.mulf %mul3A_800, %get3A_799 : vector<16xf32>
        %add3A_802 = arith.addf %add3A_746, %mul3A_801 : vector<16xf32>
        %slice3A_803 = vector.extract_strided_slice %get3A_295 {offsets = [9], sizes = [1], strides = [1]} : vector<16xf32> to vector<1xf32>
        %squeeze3A_804 = vector.extract %slice3A_803[0] : f32 from vector<1xf32>
        %slice3A_805 = vector.extract_strided_slice %get3A_302 {offsets = [9], sizes = [1], strides = [1]} : vector<16xi32> to vector<1xi32>
        %squeeze3A_806 = vector.extract %slice3A_805[0] : i32 from vector<1xi32>
        %shift_right_logical3A_807 = arith.constant 3 : i32
        %shift_right_logical3A_808 = arith.shrui %squeeze3A_806, %shift_right_logical3A_807 : i32
        %and3A_809 = arith.constant 7 : i32
        %and3A_810 = arith.andi %squeeze3A_806, %and3A_809 : i32
        %get3A_811 = arith.index_cast %shift_right_logical3A_808 : i32 to index
        %get3A_812 = arith.index_cast %and3A_810 : i32 to index
        %get3A_813 = arith.constant 0 : index
        %get3A_814 = tpu.vector_load %arg13[%get3A_811, %get3A_812, %get3A_813] {strides = array<i32>} : memref<56x8x128xf32, #tpu.memory_space<vmem>>, vector<1x1x16xf32>,
        %get3A_815 = vector.shape_cast %get3A_814 : vector<1x1x16xf32> to vector<16xf32>
        %mul3A_816 = vector.broadcast %squeeze3A_804 : f32 to vector<16xf32>
        %mul3A_817 = arith.mulf %mul3A_816, %get3A_815 : vector<16xf32>
        %add3A_818 = arith.addf %add3A_762, %mul3A_817 : vector<16xf32>
        %get3A_819 = arith.index_cast %shift_right_logical3A_808 : i32 to index
        %get3A_820 = arith.index_cast %and3A_810 : i32 to index
        %get3A_821 = arith.constant 16 : index
        %get3A_822 = tpu.vector_load %arg13[%get3A_819, %get3A_820, %get3A_821] {strides = array<i32>} : memref<56x8x128xf32, #tpu.memory_space<vmem>>, vector<1x1x16xf32>,
        %get3A_823 = vector.shape_cast %get3A_822 : vector<1x1x16xf32> to vector<16xf32>
        %mul3A_824 = vector.broadcast %squeeze3A_804 : f32 to vector<16xf32>
        %mul3A_825 = arith.mulf %mul3A_824, %get3A_823 : vector<16xf32>
        %add3A_826 = arith.addf %add3A_770, %mul3A_825 : vector<16xf32>
        %get3A_827 = arith.index_cast %shift_right_logical3A_808 : i32 to index
        %get3A_828 = arith.index_cast %and3A_810 : i32 to index
        %get3A_829 = arith.constant 32 : index
        %get3A_830 = tpu.vector_load %arg13[%get3A_827, %get3A_828, %get3A_829] {strides = array<i32>} : memref<56x8x128xf32, #tpu.memory_space<vmem>>, vector<1x1x16xf32>,
        %get3A_831 = vector.shape_cast %get3A_830 : vector<1x1x16xf32> to vector<16xf32>
        %mul3A_832 = vector.broadcast %squeeze3A_804 : f32 to vector<16xf32>
        %mul3A_833 = arith.mulf %mul3A_832, %get3A_831 : vector<16xf32>
        %add3A_834 = arith.addf %add3A_778, %mul3A_833 : vector<16xf32>
        %get3A_835 = arith.index_cast %shift_right_logical3A_808 : i32 to index
        %get3A_836 = arith.index_cast %and3A_810 : i32 to index
        %get3A_837 = arith.constant 48 : index
        %get3A_838 = tpu.vector_load %arg13[%get3A_835, %get3A_836, %get3A_837] {strides = array<i32>} : memref<56x8x128xf32, #tpu.memory_space<vmem>>, vector<1x1x16xf32>,
        %get3A_839 = vector.shape_cast %get3A_838 : vector<1x1x16xf32> to vector<16xf32>
        %mul3A_840 = vector.broadcast %squeeze3A_804 : f32 to vector<16xf32>
        %mul3A_841 = arith.mulf %mul3A_840, %get3A_839 : vector<16xf32>
        %add3A_842 = arith.addf %add3A_786, %mul3A_841 : vector<16xf32>
        %get3A_843 = arith.index_cast %shift_right_logical3A_808 : i32 to index
        %get3A_844 = arith.index_cast %and3A_810 : i32 to index
        %get3A_845 = arith.constant 64 : index
        %get3A_846 = tpu.vector_load %arg13[%get3A_843, %get3A_844, %get3A_845] {strides = array<i32>} : memref<56x8x128xf32, #tpu.memory_space<vmem>>, vector<1x1x16xf32>,
        %get3A_847 = vector.shape_cast %get3A_846 : vector<1x1x16xf32> to vector<16xf32>
        %mul3A_848 = vector.broadcast %squeeze3A_804 : f32 to vector<16xf32>
        %mul3A_849 = arith.mulf %mul3A_848, %get3A_847 : vector<16xf32>
        %add3A_850 = arith.addf %add3A_794, %mul3A_849 : vector<16xf32>
        %get3A_851 = arith.index_cast %shift_right_logical3A_808 : i32 to index
        %get3A_852 = arith.index_cast %and3A_810 : i32 to index
        %get3A_853 = arith.constant 80 : index
        %get3A_854 = tpu.vector_load %arg13[%get3A_851, %get3A_852, %get3A_853] {strides = array<i32>} : memref<56x8x128xf32, #tpu.memory_space<vmem>>, vector<1x1x16xf32>,
        %get3A_855 = vector.shape_cast %get3A_854 : vector<1x1x16xf32> to vector<16xf32>
        %mul3A_856 = vector.broadcast %squeeze3A_804 : f32 to vector<16xf32>
        %mul3A_857 = arith.mulf %mul3A_856, %get3A_855 : vector<16xf32>
        %add3A_858 = arith.addf %add3A_802, %mul3A_857 : vector<16xf32>
        %slice3A_859 = vector.extract_strided_slice %get3A_295 {offsets = [10], sizes = [1], strides = [1]} : vector<16xf32> to vector<1xf32>
        %squeeze3A_860 = vector.extract %slice3A_859[0] : f32 from vector<1xf32>
        %slice3A_861 = vector.extract_strided_slice %get3A_302 {offsets = [10], sizes = [1], strides = [1]} : vector<16xi32> to vector<1xi32>
        %squeeze3A_862 = vector.extract %slice3A_861[0] : i32 from vector<1xi32>
        %shift_right_logical3A_863 = arith.constant 3 : i32
        %shift_right_logical3A_864 = arith.shrui %squeeze3A_862, %shift_right_logical3A_863 : i32
        %and3A_865 = arith.constant 7 : i32
        %and3A_866 = arith.andi %squeeze3A_862, %and3A_865 : i32
        %get3A_867 = arith.index_cast %shift_right_logical3A_864 : i32 to index
        %get3A_868 = arith.index_cast %and3A_866 : i32 to index
        %get3A_869 = arith.constant 0 : index
        %get3A_870 = tpu.vector_load %arg13[%get3A_867, %get3A_868, %get3A_869] {strides = array<i32>} : memref<56x8x128xf32, #tpu.memory_space<vmem>>, vector<1x1x16xf32>,
        %get3A_871 = vector.shape_cast %get3A_870 : vector<1x1x16xf32> to vector<16xf32>
        %mul3A_872 = vector.broadcast %squeeze3A_860 : f32 to vector<16xf32>
        %mul3A_873 = arith.mulf %mul3A_872, %get3A_871 : vector<16xf32>
        %add3A_874 = arith.addf %add3A_818, %mul3A_873 : vector<16xf32>
        %get3A_875 = arith.index_cast %shift_right_logical3A_864 : i32 to index
        %get3A_876 = arith.index_cast %and3A_866 : i32 to index
        %get3A_877 = arith.constant 16 : index
        %get3A_878 = tpu.vector_load %arg13[%get3A_875, %get3A_876, %get3A_877] {strides = array<i32>} : memref<56x8x128xf32, #tpu.memory_space<vmem>>, vector<1x1x16xf32>,
        %get3A_879 = vector.shape_cast %get3A_878 : vector<1x1x16xf32> to vector<16xf32>
        %mul3A_880 = vector.broadcast %squeeze3A_860 : f32 to vector<16xf32>
        %mul3A_881 = arith.mulf %mul3A_880, %get3A_879 : vector<16xf32>
        %add3A_882 = arith.addf %add3A_826, %mul3A_881 : vector<16xf32>
        %get3A_883 = arith.index_cast %shift_right_logical3A_864 : i32 to index
        %get3A_884 = arith.index_cast %and3A_866 : i32 to index
        %get3A_885 = arith.constant 32 : index
        %get3A_886 = tpu.vector_load %arg13[%get3A_883, %get3A_884, %get3A_885] {strides = array<i32>} : memref<56x8x128xf32, #tpu.memory_space<vmem>>, vector<1x1x16xf32>,
        %get3A_887 = vector.shape_cast %get3A_886 : vector<1x1x16xf32> to vector<16xf32>
        %mul3A_888 = vector.broadcast %squeeze3A_860 : f32 to vector<16xf32>
        %mul3A_889 = arith.mulf %mul3A_888, %get3A_887 : vector<16xf32>
        %add3A_890 = arith.addf %add3A_834, %mul3A_889 : vector<16xf32>
        %get3A_891 = arith.index_cast %shift_right_logical3A_864 : i32 to index
        %get3A_892 = arith.index_cast %and3A_866 : i32 to index
        %get3A_893 = arith.constant 48 : index
        %get3A_894 = tpu.vector_load %arg13[%get3A_891, %get3A_892, %get3A_893] {strides = array<i32>} : memref<56x8x128xf32, #tpu.memory_space<vmem>>, vector<1x1x16xf32>,
        %get3A_895 = vector.shape_cast %get3A_894 : vector<1x1x16xf32> to vector<16xf32>
        %mul3A_896 = vector.broadcast %squeeze3A_860 : f32 to vector<16xf32>
        %mul3A_897 = arith.mulf %mul3A_896, %get3A_895 : vector<16xf32>
        %add3A_898 = arith.addf %add3A_842, %mul3A_897 : vector<16xf32>
        %get3A_899 = arith.index_cast %shift_right_logical3A_864 : i32 to index
        %get3A_900 = arith.index_cast %and3A_866 : i32 to index
        %get3A_901 = arith.constant 64 : index
        %get3A_902 = tpu.vector_load %arg13[%get3A_899, %get3A_900, %get3A_901] {strides = array<i32>} : memref<56x8x128xf32, #tpu.memory_space<vmem>>, vector<1x1x16xf32>,
        %get3A_903 = vector.shape_cast %get3A_902 : vector<1x1x16xf32> to vector<16xf32>
        %mul3A_904 = vector.broadcast %squeeze3A_860 : f32 to vector<16xf32>
        %mul3A_905 = arith.mulf %mul3A_904, %get3A_903 : vector<16xf32>
        %add3A_906 = arith.addf %add3A_850, %mul3A_905 : vector<16xf32>
        %get3A_907 = arith.index_cast %shift_right_logical3A_864 : i32 to index
        %get3A_908 = arith.index_cast %and3A_866 : i32 to index
        %get3A_909 = arith.constant 80 : index
        %get3A_910 = tpu.vector_load %arg13[%get3A_907, %get3A_908, %get3A_909] {strides = array<i32>} : memref<56x8x128xf32, #tpu.memory_space<vmem>>, vector<1x1x16xf32>,
        %get3A_911 = vector.shape_cast %get3A_910 : vector<1x1x16xf32> to vector<16xf32>
        %mul3A_912 = vector.broadcast %squeeze3A_860 : f32 to vector<16xf32>
        %mul3A_913 = arith.mulf %mul3A_912, %get3A_911 : vector<16xf32>
        %add3A_914 = arith.addf %add3A_858, %mul3A_913 : vector<16xf32>
        %slice3A_915 = vector.extract_strided_slice %get3A_295 {offsets = [11], sizes = [1], strides = [1]} : vector<16xf32> to vector<1xf32>
        %squeeze3A_916 = vector.extract %slice3A_915[0] : f32 from vector<1xf32>
        %slice3A_917 = vector.extract_strided_slice %get3A_302 {offsets = [11], sizes = [1], strides = [1]} : vector<16xi32> to vector<1xi32>
        %squeeze3A_918 = vector.extract %slice3A_917[0] : i32 from vector<1xi32>
        %shift_right_logical3A_919 = arith.constant 3 : i32
        %shift_right_logical3A_920 = arith.shrui %squeeze3A_918, %shift_right_logical3A_919 : i32
        %and3A_921 = arith.constant 7 : i32
        %and3A_922 = arith.andi %squeeze3A_918, %and3A_921 : i32
        %get3A_923 = arith.index_cast %shift_right_logical3A_920 : i32 to index
        %get3A_924 = arith.index_cast %and3A_922 : i32 to index
        %get3A_925 = arith.constant 0 : index
        %get3A_926 = tpu.vector_load %arg13[%get3A_923, %get3A_924, %get3A_925] {strides = array<i32>} : memref<56x8x128xf32, #tpu.memory_space<vmem>>, vector<1x1x16xf32>,
        %get3A_927 = vector.shape_cast %get3A_926 : vector<1x1x16xf32> to vector<16xf32>
        %mul3A_928 = vector.broadcast %squeeze3A_916 : f32 to vector<16xf32>
        %mul3A_929 = arith.mulf %mul3A_928, %get3A_927 : vector<16xf32>
        %add3A_930 = arith.addf %add3A_874, %mul3A_929 : vector<16xf32>
        %get3A_931 = arith.index_cast %shift_right_logical3A_920 : i32 to index
        %get3A_932 = arith.index_cast %and3A_922 : i32 to index
        %get3A_933 = arith.constant 16 : index
        %get3A_934 = tpu.vector_load %arg13[%get3A_931, %get3A_932, %get3A_933] {strides = array<i32>} : memref<56x8x128xf32, #tpu.memory_space<vmem>>, vector<1x1x16xf32>,
        %get3A_935 = vector.shape_cast %get3A_934 : vector<1x1x16xf32> to vector<16xf32>
        %mul3A_936 = vector.broadcast %squeeze3A_916 : f32 to vector<16xf32>
        %mul3A_937 = arith.mulf %mul3A_936, %get3A_935 : vector<16xf32>
        %add3A_938 = arith.addf %add3A_882, %mul3A_937 : vector<16xf32>
        %get3A_939 = arith.index_cast %shift_right_logical3A_920 : i32 to index
        %get3A_940 = arith.index_cast %and3A_922 : i32 to index
        %get3A_941 = arith.constant 32 : index
        %get3A_942 = tpu.vector_load %arg13[%get3A_939, %get3A_940, %get3A_941] {strides = array<i32>} : memref<56x8x128xf32, #tpu.memory_space<vmem>>, vector<1x1x16xf32>,
        %get3A_943 = vector.shape_cast %get3A_942 : vector<1x1x16xf32> to vector<16xf32>
        %mul3A_944 = vector.broadcast %squeeze3A_916 : f32 to vector<16xf32>
        %mul3A_945 = arith.mulf %mul3A_944, %get3A_943 : vector<16xf32>
        %add3A_946 = arith.addf %add3A_890, %mul3A_945 : vector<16xf32>
        %get3A_947 = arith.index_cast %shift_right_logical3A_920 : i32 to index
        %get3A_948 = arith.index_cast %and3A_922 : i32 to index
        %get3A_949 = arith.constant 48 : index
        %get3A_950 = tpu.vector_load %arg13[%get3A_947, %get3A_948, %get3A_949] {strides = array<i32>} : memref<56x8x128xf32, #tpu.memory_space<vmem>>, vector<1x1x16xf32>,
        %get3A_951 = vector.shape_cast %get3A_950 : vector<1x1x16xf32> to vector<16xf32>
        %mul3A_952 = vector.broadcast %squeeze3A_916 : f32 to vector<16xf32>
        %mul3A_953 = arith.mulf %mul3A_952, %get3A_951 : vector<16xf32>
        %add3A_954 = arith.addf %add3A_898, %mul3A_953 : vector<16xf32>
        %get3A_955 = arith.index_cast %shift_right_logical3A_920 : i32 to index
        %get3A_956 = arith.index_cast %and3A_922 : i32 to index
        %get3A_957 = arith.constant 64 : index
        %get3A_958 = tpu.vector_load %arg13[%get3A_955, %get3A_956, %get3A_957] {strides = array<i32>} : memref<56x8x128xf32, #tpu.memory_space<vmem>>, vector<1x1x16xf32>,
        %get3A_959 = vector.shape_cast %get3A_958 : vector<1x1x16xf32> to vector<16xf32>
        %mul3A_960 = vector.broadcast %squeeze3A_916 : f32 to vector<16xf32>
        %mul3A_961 = arith.mulf %mul3A_960, %get3A_959 : vector<16xf32>
        %add3A_962 = arith.addf %add3A_906, %mul3A_961 : vector<16xf32>
        %get3A_963 = arith.index_cast %shift_right_logical3A_920 : i32 to index
        %get3A_964 = arith.index_cast %and3A_922 : i32 to index
        %get3A_965 = arith.constant 80 : index
        %get3A_966 = tpu.vector_load %arg13[%get3A_963, %get3A_964, %get3A_965] {strides = array<i32>} : memref<56x8x128xf32, #tpu.memory_space<vmem>>, vector<1x1x16xf32>,
        %get3A_967 = vector.shape_cast %get3A_966 : vector<1x1x16xf32> to vector<16xf32>
        %mul3A_968 = vector.broadcast %squeeze3A_916 : f32 to vector<16xf32>
        %mul3A_969 = arith.mulf %mul3A_968, %get3A_967 : vector<16xf32>
        %add3A_970 = arith.addf %add3A_914, %mul3A_969 : vector<16xf32>
        %swap3A = arith.index_cast %scan3A_277 : i32 to index
        %swap3A_971 = arith.constant 0 : index
        %swap3A_972 = tpu.vector_load %arg15[%swap3A, %swap3A_971] {strides = array<i32>} : memref<64x96xf32, #tpu.memory_space<vmem>>, vector<1x16xf32>,
        %swap3A_973 = vector.shape_cast %swap3A_972 : vector<1x16xf32> to vector<16xf32>
        %swap3A_974 = vector.shape_cast %add3A_930 : vector<16xf32> to vector<1x16xf32>
        tpu.vector_store %arg15[%swap3A, %swap3A_971], %swap3A_974 {strides = array<i32>} : memref<64x96xf32, #tpu.memory_space<vmem>>, vector<1x16xf32>,
        %swap3A_975 = arith.index_cast %scan3A_277 : i32 to index
        %swap3A_976 = arith.constant 16 : index
        %swap3A_977 = tpu.vector_load %arg15[%swap3A_975, %swap3A_976] {strides = array<i32>} : memref<64x96xf32, #tpu.memory_space<vmem>>, vector<1x16xf32>,
        %swap3A_978 = vector.shape_cast %swap3A_977 : vector<1x16xf32> to vector<16xf32>
        %swap3A_979 = vector.shape_cast %add3A_938 : vector<16xf32> to vector<1x16xf32>
        tpu.vector_store %arg15[%swap3A_975, %swap3A_976], %swap3A_979 {strides = array<i32>} : memref<64x96xf32, #tpu.memory_space<vmem>>, vector<1x16xf32>,
        %swap3A_980 = arith.index_cast %scan3A_277 : i32 to index
        %swap3A_981 = arith.constant 32 : index
        %swap3A_982 = tpu.vector_load %arg15[%swap3A_980, %swap3A_981] {strides = array<i32>} : memref<64x96xf32, #tpu.memory_space<vmem>>, vector<1x16xf32>,
        %swap3A_983 = vector.shape_cast %swap3A_982 : vector<1x16xf32> to vector<16xf32>
        %swap3A_984 = vector.shape_cast %add3A_946 : vector<16xf32> to vector<1x16xf32>
        tpu.vector_store %arg15[%swap3A_980, %swap3A_981], %swap3A_984 {strides = array<i32>} : memref<64x96xf32, #tpu.memory_space<vmem>>, vector<1x16xf32>,
        %swap3A_985 = arith.index_cast %scan3A_277 : i32 to index
        %swap3A_986 = arith.constant 48 : index
        %swap3A_987 = tpu.vector_load %arg15[%swap3A_985, %swap3A_986] {strides = array<i32>} : memref<64x96xf32, #tpu.memory_space<vmem>>, vector<1x16xf32>,
        %swap3A_988 = vector.shape_cast %swap3A_987 : vector<1x16xf32> to vector<16xf32>
        %swap3A_989 = vector.shape_cast %add3A_954 : vector<16xf32> to vector<1x16xf32>
        tpu.vector_store %arg15[%swap3A_985, %swap3A_986], %swap3A_989 {strides = array<i32>} : memref<64x96xf32, #tpu.memory_space<vmem>>, vector<1x16xf32>,
        %swap3A_990 = arith.index_cast %scan3A_277 : i32 to index
        %swap3A_991 = arith.constant 64 : index
        %swap3A_992 = tpu.vector_load %arg15[%swap3A_990, %swap3A_991] {strides = array<i32>} : memref<64x96xf32, #tpu.memory_space<vmem>>, vector<1x16xf32>,
        %swap3A_993 = vector.shape_cast %swap3A_992 : vector<1x16xf32> to vector<16xf32>
        %swap3A_994 = vector.shape_cast %add3A_962 : vector<16xf32> to vector<1x16xf32>
        tpu.vector_store %arg15[%swap3A_990, %swap3A_991], %swap3A_994 {strides = array<i32>} : memref<64x96xf32, #tpu.memory_space<vmem>>, vector<1x16xf32>,
        %swap3A_995 = arith.index_cast %scan3A_277 : i32 to index
        %swap3A_996 = arith.constant 80 : index
        %swap3A_997 = tpu.vector_load %arg15[%swap3A_995, %swap3A_996] {strides = array<i32>} : memref<64x96xf32, #tpu.memory_space<vmem>>, vector<1x16xf32>,
        %swap3A_998 = vector.shape_cast %swap3A_997 : vector<1x16xf32> to vector<16xf32>
        %swap3A_999 = vector.shape_cast %add3A_970 : vector<16xf32> to vector<1x16xf32>
        tpu.vector_store %arg15[%swap3A_995, %swap3A_996], %swap3A_999 {strides = array<i32>} : memref<64x96xf32, #tpu.memory_space<vmem>>, vector<1x16xf32>,
        %scan3A_1000 = arith.constant 0 : i32
        scf.yield %scan3A_1000 : i32
      }
      %scan3A_111 = arith.constant 64 : i32
      %mul3A_112 = arith.constant 144 : i32
      %mul3A_113 = arith.muli %add3A, %mul3A_112 : i32
      %mul3A_114 = arith.constant 2 : i32
      %mul3A_115 = arith.muli %mul3A_55, %mul3A_114 : i32
      %add3A_116 = arith.addi %mul3A_113, %mul3A_115 : i32
      %add3A_117 = arith.constant 0 : i32
      %add3A_118 = arith.addi %add3A_116, %add3A_117 : i32
      %mul3A_119 = arith.constant 64 : i32
      %mul3A_120 = arith.muli %add3A_118, %mul3A_119 : i32
      "tpu.region"() ({
        %run_scoped3A = tpu.sem_alloc : memref<!tpu.dma_semaphore, #tpu.memory_space<semaphore_mem>>
        %dma_start3A_277 = arith.constant 0 : i32
        %dma_start3A_278 = tpu.memref_slice %arg6[%mul3A_120, %dma_start3A_277] : memref<294912x96xf32, #tpu.memory_space<hbm>> -> memref<64x96xf32, #tpu.memory_space<hbm>>
        %dma_start3A_279 = arith.constant 0 : i32
        %dma_start3A_280 = tpu.memref_slice %arg6[%mul3A_120, %dma_start3A_279] : memref<294912x96xf32, #tpu.memory_space<hbm>> -> memref<64x96xf32, #tpu.memory_space<hbm>>
        tpu.enqueue_dma source(%arg15 : memref<64x96xf32, #tpu.memory_space<vmem>>) target(%dma_start3A_280 : memref<64x96xf32, #tpu.memory_space<hbm>>) target_semaphore(%run_scoped3A : memref<!tpu.dma_semaphore, #tpu.memory_space<semaphore_mem>>)
        %dma_wait3A_281 = arith.constant 0 : i32
        %dma_wait3A_282 = tpu.memref_slice %arg6[%mul3A_120, %dma_wait3A_281] : memref<294912x96xf32, #tpu.memory_space<hbm>> -> memref<64x96xf32, #tpu.memory_space<hbm>>
        %dma_wait3A_283 = arith.constant 0 : i32
        %dma_wait3A_284 = tpu.memref_slice %arg6[%mul3A_120, %dma_wait3A_283] : memref<294912x96xf32, #tpu.memory_space<hbm>> -> memref<64x96xf32, #tpu.memory_space<hbm>>
        tpu.wait_dma2 semaphore(%run_scoped3A : memref<!tpu.dma_semaphore, #tpu.memory_space<semaphore_mem>>) src(%arg15 : memref<64x96xf32, #tpu.memory_space<vmem>>) dst(%dma_wait3A_284 : memref<64x96xf32, #tpu.memory_space<hbm>>)
        tpu.yield
      }) : () -> ()
      %dma_wait3A_121 = arith.constant 0 : i32
      %dma_wait3A_122 = arith.constant 0 : i32
      %dma_wait3A_123 = arith.constant 0 : i32
      %dma_wait3A_124 = tpu.memref_slice %arg2[%dma_wait3A_121, %dma_wait3A_122, %dma_wait3A_123] : memref<82944x8x128xf32, #tpu.memory_space<hbm>> -> memref<56x8x128xf32, #tpu.memory_space<hbm>>
      %dma_wait3A_125 = arith.constant 0 : i32
      %dma_wait3A_126 = arith.constant 0 : i32
      %dma_wait3A_127 = arith.constant 0 : i32
      %dma_wait3A_128 = tpu.memref_slice %arg2[%dma_wait3A_125, %dma_wait3A_126, %dma_wait3A_127] : memref<82944x8x128xf32, #tpu.memory_space<hbm>> -> memref<56x8x128xf32, #tpu.memory_space<hbm>>
      tpu.wait_dma2 semaphore(%arg17 : memref<!tpu.dma_semaphore, #tpu.memory_space<semaphore_mem>>) src(%dma_wait3A_128 : memref<56x8x128xf32, #tpu.memory_space<hbm>>) dst(%arg14 : memref<56x8x128xf32, #tpu.memory_space<vmem>>)
      %scan3A_129 = arith.constant 0 : i32
      %scan3A_130 = arith.constant 0 : i32
      %scan3A_131 = arith.constant 64 : i32
      %scan3A_132 = arith.addi %scan3A_130, %scan3A_131 : i32
      %scan3A_133 = arith.constant 1 : i32
      %scan3A_134 = scf.for %scan3A_277 = %scan3A_130 to %scan3A_132 step %scan3A_133 iter_args(%scan3A_278 = %scan3A_129) -> (i32)  : i32 {
        %broadcast_in_dim3A = arith.constant 0.000000e+00 : f32
        %broadcast_in_dim3A_279 = vector.broadcast %broadcast_in_dim3A : f32 to vector<16xf32>
        %broadcast_in_dim3A_280 = arith.constant 0.000000e+00 : f32
        %broadcast_in_dim3A_281 = vector.broadcast %broadcast_in_dim3A_280 : f32 to vector<16xf32>
        %broadcast_in_dim3A_282 = arith.constant 0.000000e+00 : f32
        %broadcast_in_dim3A_283 = vector.broadcast %broadcast_in_dim3A_282 : f32 to vector<16xf32>
        %broadcast_in_dim3A_284 = arith.constant 0.000000e+00 : f32
        %broadcast_in_dim3A_285 = vector.broadcast %broadcast_in_dim3A_284 : f32 to vector<16xf32>
        %broadcast_in_dim3A_286 = arith.constant 0.000000e+00 : f32
        %broadcast_in_dim3A_287 = vector.broadcast %broadcast_in_dim3A_286 : f32 to vector<16xf32>
        %broadcast_in_dim3A_288 = arith.constant 0.000000e+00 : f32
        %broadcast_in_dim3A_289 = vector.broadcast %broadcast_in_dim3A_288 : f32 to vector<16xf32>
        %mul3A_290 = arith.constant 12 : i32
        %mul3A_291 = arith.muli %scan3A_277, %mul3A_290 : i32
        %add3A_292 = arith.constant 768 : i32
        %add3A_293 = arith.addi %add3A_292, %mul3A_291 : i32
        %get3A = arith.index_cast %add3A_293 : i32 to index
        %get3A_294 = tpu.vector_load %arg9[%get3A] {strides = array<i32>} : memref<1552xf32, #tpu.memory_space<vmem>>, vector<16xf32>,
        %get3A_295 = vector.shape_cast %get3A_294 : vector<16xf32> to vector<16xf32>
        %mul3A_296 = arith.constant 12 : i32
        %mul3A_297 = arith.muli %scan3A_277, %mul3A_296 : i32
        %add3A_298 = arith.constant 768 : i32
        %add3A_299 = arith.addi %add3A_298, %mul3A_297 : i32
        %get3A_300 = arith.index_cast %add3A_299 : i32 to index
        %get3A_301 = tpu.vector_load %arg8[%get3A_300] {strides = array<i32>} : memref<1552xi32, #tpu.memory_space<vmem>>, vector<16xi32>,
        %get3A_302 = vector.shape_cast %get3A_301 : vector<16xi32> to vector<16xi32>
        %slice3A = vector.extract_strided_slice %get3A_295 {offsets = [0], sizes = [1], strides = [1]} : vector<16xf32> to vector<1xf32>
        %squeeze3A = vector.extract %slice3A[0] : f32 from vector<1xf32>
        %slice3A_303 = vector.extract_strided_slice %get3A_302 {offsets = [0], sizes = [1], strides = [1]} : vector<16xi32> to vector<1xi32>
        %squeeze3A_304 = vector.extract %slice3A_303[0] : i32 from vector<1xi32>
        %shift_right_logical3A = arith.constant 3 : i32
        %shift_right_logical3A_305 = arith.shrui %squeeze3A_304, %shift_right_logical3A : i32
        %and3A = arith.constant 7 : i32
        %and3A_306 = arith.andi %squeeze3A_304, %and3A : i32
        %get3A_307 = arith.index_cast %shift_right_logical3A_305 : i32 to index
        %get3A_308 = arith.index_cast %and3A_306 : i32 to index
        %get3A_309 = arith.constant 0 : index
        %get3A_310 = tpu.vector_load %arg14[%get3A_307, %get3A_308, %get3A_309] {strides = array<i32>} : memref<56x8x128xf32, #tpu.memory_space<vmem>>, vector<1x1x16xf32>,
        %get3A_311 = vector.shape_cast %get3A_310 : vector<1x1x16xf32> to vector<16xf32>
        %mul3A_312 = vector.broadcast %squeeze3A : f32 to vector<16xf32>
        %mul3A_313 = arith.mulf %mul3A_312, %get3A_311 : vector<16xf32>
        %add3A_314 = arith.addf %broadcast_in_dim3A_279, %mul3A_313 : vector<16xf32>
        %get3A_315 = arith.index_cast %shift_right_logical3A_305 : i32 to index
        %get3A_316 = arith.index_cast %and3A_306 : i32 to index
        %get3A_317 = arith.constant 16 : index
        %get3A_318 = tpu.vector_load %arg14[%get3A_315, %get3A_316, %get3A_317] {strides = array<i32>} : memref<56x8x128xf32, #tpu.memory_space<vmem>>, vector<1x1x16xf32>,
        %get3A_319 = vector.shape_cast %get3A_318 : vector<1x1x16xf32> to vector<16xf32>
        %mul3A_320 = vector.broadcast %squeeze3A : f32 to vector<16xf32>
        %mul3A_321 = arith.mulf %mul3A_320, %get3A_319 : vector<16xf32>
        %add3A_322 = arith.addf %broadcast_in_dim3A_281, %mul3A_321 : vector<16xf32>
        %get3A_323 = arith.index_cast %shift_right_logical3A_305 : i32 to index
        %get3A_324 = arith.index_cast %and3A_306 : i32 to index
        %get3A_325 = arith.constant 32 : index
        %get3A_326 = tpu.vector_load %arg14[%get3A_323, %get3A_324, %get3A_325] {strides = array<i32>} : memref<56x8x128xf32, #tpu.memory_space<vmem>>, vector<1x1x16xf32>,
        %get3A_327 = vector.shape_cast %get3A_326 : vector<1x1x16xf32> to vector<16xf32>
        %mul3A_328 = vector.broadcast %squeeze3A : f32 to vector<16xf32>
        %mul3A_329 = arith.mulf %mul3A_328, %get3A_327 : vector<16xf32>
        %add3A_330 = arith.addf %broadcast_in_dim3A_283, %mul3A_329 : vector<16xf32>
        %get3A_331 = arith.index_cast %shift_right_logical3A_305 : i32 to index
        %get3A_332 = arith.index_cast %and3A_306 : i32 to index
        %get3A_333 = arith.constant 48 : index
        %get3A_334 = tpu.vector_load %arg14[%get3A_331, %get3A_332, %get3A_333] {strides = array<i32>} : memref<56x8x128xf32, #tpu.memory_space<vmem>>, vector<1x1x16xf32>,
        %get3A_335 = vector.shape_cast %get3A_334 : vector<1x1x16xf32> to vector<16xf32>
        %mul3A_336 = vector.broadcast %squeeze3A : f32 to vector<16xf32>
        %mul3A_337 = arith.mulf %mul3A_336, %get3A_335 : vector<16xf32>
        %add3A_338 = arith.addf %broadcast_in_dim3A_285, %mul3A_337 : vector<16xf32>
        %get3A_339 = arith.index_cast %shift_right_logical3A_305 : i32 to index
        %get3A_340 = arith.index_cast %and3A_306 : i32 to index
        %get3A_341 = arith.constant 64 : index
        %get3A_342 = tpu.vector_load %arg14[%get3A_339, %get3A_340, %get3A_341] {strides = array<i32>} : memref<56x8x128xf32, #tpu.memory_space<vmem>>, vector<1x1x16xf32>,
        %get3A_343 = vector.shape_cast %get3A_342 : vector<1x1x16xf32> to vector<16xf32>
        %mul3A_344 = vector.broadcast %squeeze3A : f32 to vector<16xf32>
        %mul3A_345 = arith.mulf %mul3A_344, %get3A_343 : vector<16xf32>
        %add3A_346 = arith.addf %broadcast_in_dim3A_287, %mul3A_345 : vector<16xf32>
        %get3A_347 = arith.index_cast %shift_right_logical3A_305 : i32 to index
        %get3A_348 = arith.index_cast %and3A_306 : i32 to index
        %get3A_349 = arith.constant 80 : index
        %get3A_350 = tpu.vector_load %arg14[%get3A_347, %get3A_348, %get3A_349] {strides = array<i32>} : memref<56x8x128xf32, #tpu.memory_space<vmem>>, vector<1x1x16xf32>,
        %get3A_351 = vector.shape_cast %get3A_350 : vector<1x1x16xf32> to vector<16xf32>
        %mul3A_352 = vector.broadcast %squeeze3A : f32 to vector<16xf32>
        %mul3A_353 = arith.mulf %mul3A_352, %get3A_351 : vector<16xf32>
        %add3A_354 = arith.addf %broadcast_in_dim3A_289, %mul3A_353 : vector<16xf32>
        %slice3A_355 = vector.extract_strided_slice %get3A_295 {offsets = [1], sizes = [1], strides = [1]} : vector<16xf32> to vector<1xf32>
        %squeeze3A_356 = vector.extract %slice3A_355[0] : f32 from vector<1xf32>
        %slice3A_357 = vector.extract_strided_slice %get3A_302 {offsets = [1], sizes = [1], strides = [1]} : vector<16xi32> to vector<1xi32>
        %squeeze3A_358 = vector.extract %slice3A_357[0] : i32 from vector<1xi32>
        %shift_right_logical3A_359 = arith.constant 3 : i32
        %shift_right_logical3A_360 = arith.shrui %squeeze3A_358, %shift_right_logical3A_359 : i32
        %and3A_361 = arith.constant 7 : i32
        %and3A_362 = arith.andi %squeeze3A_358, %and3A_361 : i32
        %get3A_363 = arith.index_cast %shift_right_logical3A_360 : i32 to index
        %get3A_364 = arith.index_cast %and3A_362 : i32 to index
        %get3A_365 = arith.constant 0 : index
        %get3A_366 = tpu.vector_load %arg14[%get3A_363, %get3A_364, %get3A_365] {strides = array<i32>} : memref<56x8x128xf32, #tpu.memory_space<vmem>>, vector<1x1x16xf32>,
        %get3A_367 = vector.shape_cast %get3A_366 : vector<1x1x16xf32> to vector<16xf32>
        %mul3A_368 = vector.broadcast %squeeze3A_356 : f32 to vector<16xf32>
        %mul3A_369 = arith.mulf %mul3A_368, %get3A_367 : vector<16xf32>
        %add3A_370 = arith.addf %add3A_314, %mul3A_369 : vector<16xf32>
        %get3A_371 = arith.index_cast %shift_right_logical3A_360 : i32 to index
        %get3A_372 = arith.index_cast %and3A_362 : i32 to index
        %get3A_373 = arith.constant 16 : index
        %get3A_374 = tpu.vector_load %arg14[%get3A_371, %get3A_372, %get3A_373] {strides = array<i32>} : memref<56x8x128xf32, #tpu.memory_space<vmem>>, vector<1x1x16xf32>,
        %get3A_375 = vector.shape_cast %get3A_374 : vector<1x1x16xf32> to vector<16xf32>
        %mul3A_376 = vector.broadcast %squeeze3A_356 : f32 to vector<16xf32>
        %mul3A_377 = arith.mulf %mul3A_376, %get3A_375 : vector<16xf32>
        %add3A_378 = arith.addf %add3A_322, %mul3A_377 : vector<16xf32>
        %get3A_379 = arith.index_cast %shift_right_logical3A_360 : i32 to index
        %get3A_380 = arith.index_cast %and3A_362 : i32 to index
        %get3A_381 = arith.constant 32 : index
        %get3A_382 = tpu.vector_load %arg14[%get3A_379, %get3A_380, %get3A_381] {strides = array<i32>} : memref<56x8x128xf32, #tpu.memory_space<vmem>>, vector<1x1x16xf32>,
        %get3A_383 = vector.shape_cast %get3A_382 : vector<1x1x16xf32> to vector<16xf32>
        %mul3A_384 = vector.broadcast %squeeze3A_356 : f32 to vector<16xf32>
        %mul3A_385 = arith.mulf %mul3A_384, %get3A_383 : vector<16xf32>
        %add3A_386 = arith.addf %add3A_330, %mul3A_385 : vector<16xf32>
        %get3A_387 = arith.index_cast %shift_right_logical3A_360 : i32 to index
        %get3A_388 = arith.index_cast %and3A_362 : i32 to index
        %get3A_389 = arith.constant 48 : index
        %get3A_390 = tpu.vector_load %arg14[%get3A_387, %get3A_388, %get3A_389] {strides = array<i32>} : memref<56x8x128xf32, #tpu.memory_space<vmem>>, vector<1x1x16xf32>,
        %get3A_391 = vector.shape_cast %get3A_390 : vector<1x1x16xf32> to vector<16xf32>
        %mul3A_392 = vector.broadcast %squeeze3A_356 : f32 to vector<16xf32>
        %mul3A_393 = arith.mulf %mul3A_392, %get3A_391 : vector<16xf32>
        %add3A_394 = arith.addf %add3A_338, %mul3A_393 : vector<16xf32>
        %get3A_395 = arith.index_cast %shift_right_logical3A_360 : i32 to index
        %get3A_396 = arith.index_cast %and3A_362 : i32 to index
        %get3A_397 = arith.constant 64 : index
        %get3A_398 = tpu.vector_load %arg14[%get3A_395, %get3A_396, %get3A_397] {strides = array<i32>} : memref<56x8x128xf32, #tpu.memory_space<vmem>>, vector<1x1x16xf32>,
        %get3A_399 = vector.shape_cast %get3A_398 : vector<1x1x16xf32> to vector<16xf32>
        %mul3A_400 = vector.broadcast %squeeze3A_356 : f32 to vector<16xf32>
        %mul3A_401 = arith.mulf %mul3A_400, %get3A_399 : vector<16xf32>
        %add3A_402 = arith.addf %add3A_346, %mul3A_401 : vector<16xf32>
        %get3A_403 = arith.index_cast %shift_right_logical3A_360 : i32 to index
        %get3A_404 = arith.index_cast %and3A_362 : i32 to index
        %get3A_405 = arith.constant 80 : index
        %get3A_406 = tpu.vector_load %arg14[%get3A_403, %get3A_404, %get3A_405] {strides = array<i32>} : memref<56x8x128xf32, #tpu.memory_space<vmem>>, vector<1x1x16xf32>,
        %get3A_407 = vector.shape_cast %get3A_406 : vector<1x1x16xf32> to vector<16xf32>
        %mul3A_408 = vector.broadcast %squeeze3A_356 : f32 to vector<16xf32>
        %mul3A_409 = arith.mulf %mul3A_408, %get3A_407 : vector<16xf32>
        %add3A_410 = arith.addf %add3A_354, %mul3A_409 : vector<16xf32>
        %slice3A_411 = vector.extract_strided_slice %get3A_295 {offsets = [2], sizes = [1], strides = [1]} : vector<16xf32> to vector<1xf32>
        %squeeze3A_412 = vector.extract %slice3A_411[0] : f32 from vector<1xf32>
        %slice3A_413 = vector.extract_strided_slice %get3A_302 {offsets = [2], sizes = [1], strides = [1]} : vector<16xi32> to vector<1xi32>
        %squeeze3A_414 = vector.extract %slice3A_413[0] : i32 from vector<1xi32>
        %shift_right_logical3A_415 = arith.constant 3 : i32
        %shift_right_logical3A_416 = arith.shrui %squeeze3A_414, %shift_right_logical3A_415 : i32
        %and3A_417 = arith.constant 7 : i32
        %and3A_418 = arith.andi %squeeze3A_414, %and3A_417 : i32
        %get3A_419 = arith.index_cast %shift_right_logical3A_416 : i32 to index
        %get3A_420 = arith.index_cast %and3A_418 : i32 to index
        %get3A_421 = arith.constant 0 : index
        %get3A_422 = tpu.vector_load %arg14[%get3A_419, %get3A_420, %get3A_421] {strides = array<i32>} : memref<56x8x128xf32, #tpu.memory_space<vmem>>, vector<1x1x16xf32>,
        %get3A_423 = vector.shape_cast %get3A_422 : vector<1x1x16xf32> to vector<16xf32>
        %mul3A_424 = vector.broadcast %squeeze3A_412 : f32 to vector<16xf32>
        %mul3A_425 = arith.mulf %mul3A_424, %get3A_423 : vector<16xf32>
        %add3A_426 = arith.addf %add3A_370, %mul3A_425 : vector<16xf32>
        %get3A_427 = arith.index_cast %shift_right_logical3A_416 : i32 to index
        %get3A_428 = arith.index_cast %and3A_418 : i32 to index
        %get3A_429 = arith.constant 16 : index
        %get3A_430 = tpu.vector_load %arg14[%get3A_427, %get3A_428, %get3A_429] {strides = array<i32>} : memref<56x8x128xf32, #tpu.memory_space<vmem>>, vector<1x1x16xf32>,
        %get3A_431 = vector.shape_cast %get3A_430 : vector<1x1x16xf32> to vector<16xf32>
        %mul3A_432 = vector.broadcast %squeeze3A_412 : f32 to vector<16xf32>
        %mul3A_433 = arith.mulf %mul3A_432, %get3A_431 : vector<16xf32>
        %add3A_434 = arith.addf %add3A_378, %mul3A_433 : vector<16xf32>
        %get3A_435 = arith.index_cast %shift_right_logical3A_416 : i32 to index
        %get3A_436 = arith.index_cast %and3A_418 : i32 to index
        %get3A_437 = arith.constant 32 : index
        %get3A_438 = tpu.vector_load %arg14[%get3A_435, %get3A_436, %get3A_437] {strides = array<i32>} : memref<56x8x128xf32, #tpu.memory_space<vmem>>, vector<1x1x16xf32>,
        %get3A_439 = vector.shape_cast %get3A_438 : vector<1x1x16xf32> to vector<16xf32>
        %mul3A_440 = vector.broadcast %squeeze3A_412 : f32 to vector<16xf32>
        %mul3A_441 = arith.mulf %mul3A_440, %get3A_439 : vector<16xf32>
        %add3A_442 = arith.addf %add3A_386, %mul3A_441 : vector<16xf32>
        %get3A_443 = arith.index_cast %shift_right_logical3A_416 : i32 to index
        %get3A_444 = arith.index_cast %and3A_418 : i32 to index
        %get3A_445 = arith.constant 48 : index
        %get3A_446 = tpu.vector_load %arg14[%get3A_443, %get3A_444, %get3A_445] {strides = array<i32>} : memref<56x8x128xf32, #tpu.memory_space<vmem>>, vector<1x1x16xf32>,
        %get3A_447 = vector.shape_cast %get3A_446 : vector<1x1x16xf32> to vector<16xf32>
        %mul3A_448 = vector.broadcast %squeeze3A_412 : f32 to vector<16xf32>
        %mul3A_449 = arith.mulf %mul3A_448, %get3A_447 : vector<16xf32>
        %add3A_450 = arith.addf %add3A_394, %mul3A_449 : vector<16xf32>
        %get3A_451 = arith.index_cast %shift_right_logical3A_416 : i32 to index
        %get3A_452 = arith.index_cast %and3A_418 : i32 to index
        %get3A_453 = arith.constant 64 : index
        %get3A_454 = tpu.vector_load %arg14[%get3A_451, %get3A_452, %get3A_453] {strides = array<i32>} : memref<56x8x128xf32, #tpu.memory_space<vmem>>, vector<1x1x16xf32>,
        %get3A_455 = vector.shape_cast %get3A_454 : vector<1x1x16xf32> to vector<16xf32>
        %mul3A_456 = vector.broadcast %squeeze3A_412 : f32 to vector<16xf32>
        %mul3A_457 = arith.mulf %mul3A_456, %get3A_455 : vector<16xf32>
        %add3A_458 = arith.addf %add3A_402, %mul3A_457 : vector<16xf32>
        %get3A_459 = arith.index_cast %shift_right_logical3A_416 : i32 to index
        %get3A_460 = arith.index_cast %and3A_418 : i32 to index
        %get3A_461 = arith.constant 80 : index
        %get3A_462 = tpu.vector_load %arg14[%get3A_459, %get3A_460, %get3A_461] {strides = array<i32>} : memref<56x8x128xf32, #tpu.memory_space<vmem>>, vector<1x1x16xf32>,
        %get3A_463 = vector.shape_cast %get3A_462 : vector<1x1x16xf32> to vector<16xf32>
        %mul3A_464 = vector.broadcast %squeeze3A_412 : f32 to vector<16xf32>
        %mul3A_465 = arith.mulf %mul3A_464, %get3A_463 : vector<16xf32>
        %add3A_466 = arith.addf %add3A_410, %mul3A_465 : vector<16xf32>
        %slice3A_467 = vector.extract_strided_slice %get3A_295 {offsets = [3], sizes = [1], strides = [1]} : vector<16xf32> to vector<1xf32>
        %squeeze3A_468 = vector.extract %slice3A_467[0] : f32 from vector<1xf32>
        %slice3A_469 = vector.extract_strided_slice %get3A_302 {offsets = [3], sizes = [1], strides = [1]} : vector<16xi32> to vector<1xi32>
        %squeeze3A_470 = vector.extract %slice3A_469[0] : i32 from vector<1xi32>
        %shift_right_logical3A_471 = arith.constant 3 : i32
        %shift_right_logical3A_472 = arith.shrui %squeeze3A_470, %shift_right_logical3A_471 : i32
        %and3A_473 = arith.constant 7 : i32
        %and3A_474 = arith.andi %squeeze3A_470, %and3A_473 : i32
        %get3A_475 = arith.index_cast %shift_right_logical3A_472 : i32 to index
        %get3A_476 = arith.index_cast %and3A_474 : i32 to index
        %get3A_477 = arith.constant 0 : index
        %get3A_478 = tpu.vector_load %arg14[%get3A_475, %get3A_476, %get3A_477] {strides = array<i32>} : memref<56x8x128xf32, #tpu.memory_space<vmem>>, vector<1x1x16xf32>,
        %get3A_479 = vector.shape_cast %get3A_478 : vector<1x1x16xf32> to vector<16xf32>
        %mul3A_480 = vector.broadcast %squeeze3A_468 : f32 to vector<16xf32>
        %mul3A_481 = arith.mulf %mul3A_480, %get3A_479 : vector<16xf32>
        %add3A_482 = arith.addf %add3A_426, %mul3A_481 : vector<16xf32>
        %get3A_483 = arith.index_cast %shift_right_logical3A_472 : i32 to index
        %get3A_484 = arith.index_cast %and3A_474 : i32 to index
        %get3A_485 = arith.constant 16 : index
        %get3A_486 = tpu.vector_load %arg14[%get3A_483, %get3A_484, %get3A_485] {strides = array<i32>} : memref<56x8x128xf32, #tpu.memory_space<vmem>>, vector<1x1x16xf32>,
        %get3A_487 = vector.shape_cast %get3A_486 : vector<1x1x16xf32> to vector<16xf32>
        %mul3A_488 = vector.broadcast %squeeze3A_468 : f32 to vector<16xf32>
        %mul3A_489 = arith.mulf %mul3A_488, %get3A_487 : vector<16xf32>
        %add3A_490 = arith.addf %add3A_434, %mul3A_489 : vector<16xf32>
        %get3A_491 = arith.index_cast %shift_right_logical3A_472 : i32 to index
        %get3A_492 = arith.index_cast %and3A_474 : i32 to index
        %get3A_493 = arith.constant 32 : index
        %get3A_494 = tpu.vector_load %arg14[%get3A_491, %get3A_492, %get3A_493] {strides = array<i32>} : memref<56x8x128xf32, #tpu.memory_space<vmem>>, vector<1x1x16xf32>,
        %get3A_495 = vector.shape_cast %get3A_494 : vector<1x1x16xf32> to vector<16xf32>
        %mul3A_496 = vector.broadcast %squeeze3A_468 : f32 to vector<16xf32>
        %mul3A_497 = arith.mulf %mul3A_496, %get3A_495 : vector<16xf32>
        %add3A_498 = arith.addf %add3A_442, %mul3A_497 : vector<16xf32>
        %get3A_499 = arith.index_cast %shift_right_logical3A_472 : i32 to index
        %get3A_500 = arith.index_cast %and3A_474 : i32 to index
        %get3A_501 = arith.constant 48 : index
        %get3A_502 = tpu.vector_load %arg14[%get3A_499, %get3A_500, %get3A_501] {strides = array<i32>} : memref<56x8x128xf32, #tpu.memory_space<vmem>>, vector<1x1x16xf32>,
        %get3A_503 = vector.shape_cast %get3A_502 : vector<1x1x16xf32> to vector<16xf32>
        %mul3A_504 = vector.broadcast %squeeze3A_468 : f32 to vector<16xf32>
        %mul3A_505 = arith.mulf %mul3A_504, %get3A_503 : vector<16xf32>
        %add3A_506 = arith.addf %add3A_450, %mul3A_505 : vector<16xf32>
        %get3A_507 = arith.index_cast %shift_right_logical3A_472 : i32 to index
        %get3A_508 = arith.index_cast %and3A_474 : i32 to index
        %get3A_509 = arith.constant 64 : index
        %get3A_510 = tpu.vector_load %arg14[%get3A_507, %get3A_508, %get3A_509] {strides = array<i32>} : memref<56x8x128xf32, #tpu.memory_space<vmem>>, vector<1x1x16xf32>,
        %get3A_511 = vector.shape_cast %get3A_510 : vector<1x1x16xf32> to vector<16xf32>
        %mul3A_512 = vector.broadcast %squeeze3A_468 : f32 to vector<16xf32>
        %mul3A_513 = arith.mulf %mul3A_512, %get3A_511 : vector<16xf32>
        %add3A_514 = arith.addf %add3A_458, %mul3A_513 : vector<16xf32>
        %get3A_515 = arith.index_cast %shift_right_logical3A_472 : i32 to index
        %get3A_516 = arith.index_cast %and3A_474 : i32 to index
        %get3A_517 = arith.constant 80 : index
        %get3A_518 = tpu.vector_load %arg14[%get3A_515, %get3A_516, %get3A_517] {strides = array<i32>} : memref<56x8x128xf32, #tpu.memory_space<vmem>>, vector<1x1x16xf32>,
        %get3A_519 = vector.shape_cast %get3A_518 : vector<1x1x16xf32> to vector<16xf32>
        %mul3A_520 = vector.broadcast %squeeze3A_468 : f32 to vector<16xf32>
        %mul3A_521 = arith.mulf %mul3A_520, %get3A_519 : vector<16xf32>
        %add3A_522 = arith.addf %add3A_466, %mul3A_521 : vector<16xf32>
        %slice3A_523 = vector.extract_strided_slice %get3A_295 {offsets = [4], sizes = [1], strides = [1]} : vector<16xf32> to vector<1xf32>
        %squeeze3A_524 = vector.extract %slice3A_523[0] : f32 from vector<1xf32>
        %slice3A_525 = vector.extract_strided_slice %get3A_302 {offsets = [4], sizes = [1], strides = [1]} : vector<16xi32> to vector<1xi32>
        %squeeze3A_526 = vector.extract %slice3A_525[0] : i32 from vector<1xi32>
        %shift_right_logical3A_527 = arith.constant 3 : i32
        %shift_right_logical3A_528 = arith.shrui %squeeze3A_526, %shift_right_logical3A_527 : i32
        %and3A_529 = arith.constant 7 : i32
        %and3A_530 = arith.andi %squeeze3A_526, %and3A_529 : i32
        %get3A_531 = arith.index_cast %shift_right_logical3A_528 : i32 to index
        %get3A_532 = arith.index_cast %and3A_530 : i32 to index
        %get3A_533 = arith.constant 0 : index
        %get3A_534 = tpu.vector_load %arg14[%get3A_531, %get3A_532, %get3A_533] {strides = array<i32>} : memref<56x8x128xf32, #tpu.memory_space<vmem>>, vector<1x1x16xf32>,
        %get3A_535 = vector.shape_cast %get3A_534 : vector<1x1x16xf32> to vector<16xf32>
        %mul3A_536 = vector.broadcast %squeeze3A_524 : f32 to vector<16xf32>
        %mul3A_537 = arith.mulf %mul3A_536, %get3A_535 : vector<16xf32>
        %add3A_538 = arith.addf %add3A_482, %mul3A_537 : vector<16xf32>
        %get3A_539 = arith.index_cast %shift_right_logical3A_528 : i32 to index
        %get3A_540 = arith.index_cast %and3A_530 : i32 to index
        %get3A_541 = arith.constant 16 : index
        %get3A_542 = tpu.vector_load %arg14[%get3A_539, %get3A_540, %get3A_541] {strides = array<i32>} : memref<56x8x128xf32, #tpu.memory_space<vmem>>, vector<1x1x16xf32>,
        %get3A_543 = vector.shape_cast %get3A_542 : vector<1x1x16xf32> to vector<16xf32>
        %mul3A_544 = vector.broadcast %squeeze3A_524 : f32 to vector<16xf32>
        %mul3A_545 = arith.mulf %mul3A_544, %get3A_543 : vector<16xf32>
        %add3A_546 = arith.addf %add3A_490, %mul3A_545 : vector<16xf32>
        %get3A_547 = arith.index_cast %shift_right_logical3A_528 : i32 to index
        %get3A_548 = arith.index_cast %and3A_530 : i32 to index
        %get3A_549 = arith.constant 32 : index
        %get3A_550 = tpu.vector_load %arg14[%get3A_547, %get3A_548, %get3A_549] {strides = array<i32>} : memref<56x8x128xf32, #tpu.memory_space<vmem>>, vector<1x1x16xf32>,
        %get3A_551 = vector.shape_cast %get3A_550 : vector<1x1x16xf32> to vector<16xf32>
        %mul3A_552 = vector.broadcast %squeeze3A_524 : f32 to vector<16xf32>
        %mul3A_553 = arith.mulf %mul3A_552, %get3A_551 : vector<16xf32>
        %add3A_554 = arith.addf %add3A_498, %mul3A_553 : vector<16xf32>
        %get3A_555 = arith.index_cast %shift_right_logical3A_528 : i32 to index
        %get3A_556 = arith.index_cast %and3A_530 : i32 to index
        %get3A_557 = arith.constant 48 : index
        %get3A_558 = tpu.vector_load %arg14[%get3A_555, %get3A_556, %get3A_557] {strides = array<i32>} : memref<56x8x128xf32, #tpu.memory_space<vmem>>, vector<1x1x16xf32>,
        %get3A_559 = vector.shape_cast %get3A_558 : vector<1x1x16xf32> to vector<16xf32>
        %mul3A_560 = vector.broadcast %squeeze3A_524 : f32 to vector<16xf32>
        %mul3A_561 = arith.mulf %mul3A_560, %get3A_559 : vector<16xf32>
        %add3A_562 = arith.addf %add3A_506, %mul3A_561 : vector<16xf32>
        %get3A_563 = arith.index_cast %shift_right_logical3A_528 : i32 to index
        %get3A_564 = arith.index_cast %and3A_530 : i32 to index
        %get3A_565 = arith.constant 64 : index
        %get3A_566 = tpu.vector_load %arg14[%get3A_563, %get3A_564, %get3A_565] {strides = array<i32>} : memref<56x8x128xf32, #tpu.memory_space<vmem>>, vector<1x1x16xf32>,
        %get3A_567 = vector.shape_cast %get3A_566 : vector<1x1x16xf32> to vector<16xf32>
        %mul3A_568 = vector.broadcast %squeeze3A_524 : f32 to vector<16xf32>
        %mul3A_569 = arith.mulf %mul3A_568, %get3A_567 : vector<16xf32>
        %add3A_570 = arith.addf %add3A_514, %mul3A_569 : vector<16xf32>
        %get3A_571 = arith.index_cast %shift_right_logical3A_528 : i32 to index
        %get3A_572 = arith.index_cast %and3A_530 : i32 to index
        %get3A_573 = arith.constant 80 : index
        %get3A_574 = tpu.vector_load %arg14[%get3A_571, %get3A_572, %get3A_573] {strides = array<i32>} : memref<56x8x128xf32, #tpu.memory_space<vmem>>, vector<1x1x16xf32>,
        %get3A_575 = vector.shape_cast %get3A_574 : vector<1x1x16xf32> to vector<16xf32>
        %mul3A_576 = vector.broadcast %squeeze3A_524 : f32 to vector<16xf32>
        %mul3A_577 = arith.mulf %mul3A_576, %get3A_575 : vector<16xf32>
        %add3A_578 = arith.addf %add3A_522, %mul3A_577 : vector<16xf32>
        %slice3A_579 = vector.extract_strided_slice %get3A_295 {offsets = [5], sizes = [1], strides = [1]} : vector<16xf32> to vector<1xf32>
        %squeeze3A_580 = vector.extract %slice3A_579[0] : f32 from vector<1xf32>
        %slice3A_581 = vector.extract_strided_slice %get3A_302 {offsets = [5], sizes = [1], strides = [1]} : vector<16xi32> to vector<1xi32>
        %squeeze3A_582 = vector.extract %slice3A_581[0] : i32 from vector<1xi32>
        %shift_right_logical3A_583 = arith.constant 3 : i32
        %shift_right_logical3A_584 = arith.shrui %squeeze3A_582, %shift_right_logical3A_583 : i32
        %and3A_585 = arith.constant 7 : i32
        %and3A_586 = arith.andi %squeeze3A_582, %and3A_585 : i32
        %get3A_587 = arith.index_cast %shift_right_logical3A_584 : i32 to index
        %get3A_588 = arith.index_cast %and3A_586 : i32 to index
        %get3A_589 = arith.constant 0 : index
        %get3A_590 = tpu.vector_load %arg14[%get3A_587, %get3A_588, %get3A_589] {strides = array<i32>} : memref<56x8x128xf32, #tpu.memory_space<vmem>>, vector<1x1x16xf32>,
        %get3A_591 = vector.shape_cast %get3A_590 : vector<1x1x16xf32> to vector<16xf32>
        %mul3A_592 = vector.broadcast %squeeze3A_580 : f32 to vector<16xf32>
        %mul3A_593 = arith.mulf %mul3A_592, %get3A_591 : vector<16xf32>
        %add3A_594 = arith.addf %add3A_538, %mul3A_593 : vector<16xf32>
        %get3A_595 = arith.index_cast %shift_right_logical3A_584 : i32 to index
        %get3A_596 = arith.index_cast %and3A_586 : i32 to index
        %get3A_597 = arith.constant 16 : index
        %get3A_598 = tpu.vector_load %arg14[%get3A_595, %get3A_596, %get3A_597] {strides = array<i32>} : memref<56x8x128xf32, #tpu.memory_space<vmem>>, vector<1x1x16xf32>,
        %get3A_599 = vector.shape_cast %get3A_598 : vector<1x1x16xf32> to vector<16xf32>
        %mul3A_600 = vector.broadcast %squeeze3A_580 : f32 to vector<16xf32>
        %mul3A_601 = arith.mulf %mul3A_600, %get3A_599 : vector<16xf32>
        %add3A_602 = arith.addf %add3A_546, %mul3A_601 : vector<16xf32>
        %get3A_603 = arith.index_cast %shift_right_logical3A_584 : i32 to index
        %get3A_604 = arith.index_cast %and3A_586 : i32 to index
        %get3A_605 = arith.constant 32 : index
        %get3A_606 = tpu.vector_load %arg14[%get3A_603, %get3A_604, %get3A_605] {strides = array<i32>} : memref<56x8x128xf32, #tpu.memory_space<vmem>>, vector<1x1x16xf32>,
        %get3A_607 = vector.shape_cast %get3A_606 : vector<1x1x16xf32> to vector<16xf32>
        %mul3A_608 = vector.broadcast %squeeze3A_580 : f32 to vector<16xf32>
        %mul3A_609 = arith.mulf %mul3A_608, %get3A_607 : vector<16xf32>
        %add3A_610 = arith.addf %add3A_554, %mul3A_609 : vector<16xf32>
        %get3A_611 = arith.index_cast %shift_right_logical3A_584 : i32 to index
        %get3A_612 = arith.index_cast %and3A_586 : i32 to index
        %get3A_613 = arith.constant 48 : index
        %get3A_614 = tpu.vector_load %arg14[%get3A_611, %get3A_612, %get3A_613] {strides = array<i32>} : memref<56x8x128xf32, #tpu.memory_space<vmem>>, vector<1x1x16xf32>,
        %get3A_615 = vector.shape_cast %get3A_614 : vector<1x1x16xf32> to vector<16xf32>
        %mul3A_616 = vector.broadcast %squeeze3A_580 : f32 to vector<16xf32>
        %mul3A_617 = arith.mulf %mul3A_616, %get3A_615 : vector<16xf32>
        %add3A_618 = arith.addf %add3A_562, %mul3A_617 : vector<16xf32>
        %get3A_619 = arith.index_cast %shift_right_logical3A_584 : i32 to index
        %get3A_620 = arith.index_cast %and3A_586 : i32 to index
        %get3A_621 = arith.constant 64 : index
        %get3A_622 = tpu.vector_load %arg14[%get3A_619, %get3A_620, %get3A_621] {strides = array<i32>} : memref<56x8x128xf32, #tpu.memory_space<vmem>>, vector<1x1x16xf32>,
        %get3A_623 = vector.shape_cast %get3A_622 : vector<1x1x16xf32> to vector<16xf32>
        %mul3A_624 = vector.broadcast %squeeze3A_580 : f32 to vector<16xf32>
        %mul3A_625 = arith.mulf %mul3A_624, %get3A_623 : vector<16xf32>
        %add3A_626 = arith.addf %add3A_570, %mul3A_625 : vector<16xf32>
        %get3A_627 = arith.index_cast %shift_right_logical3A_584 : i32 to index
        %get3A_628 = arith.index_cast %and3A_586 : i32 to index
        %get3A_629 = arith.constant 80 : index
        %get3A_630 = tpu.vector_load %arg14[%get3A_627, %get3A_628, %get3A_629] {strides = array<i32>} : memref<56x8x128xf32, #tpu.memory_space<vmem>>, vector<1x1x16xf32>,
        %get3A_631 = vector.shape_cast %get3A_630 : vector<1x1x16xf32> to vector<16xf32>
        %mul3A_632 = vector.broadcast %squeeze3A_580 : f32 to vector<16xf32>
        %mul3A_633 = arith.mulf %mul3A_632, %get3A_631 : vector<16xf32>
        %add3A_634 = arith.addf %add3A_578, %mul3A_633 : vector<16xf32>
        %slice3A_635 = vector.extract_strided_slice %get3A_295 {offsets = [6], sizes = [1], strides = [1]} : vector<16xf32> to vector<1xf32>
        %squeeze3A_636 = vector.extract %slice3A_635[0] : f32 from vector<1xf32>
        %slice3A_637 = vector.extract_strided_slice %get3A_302 {offsets = [6], sizes = [1], strides = [1]} : vector<16xi32> to vector<1xi32>
        %squeeze3A_638 = vector.extract %slice3A_637[0] : i32 from vector<1xi32>
        %shift_right_logical3A_639 = arith.constant 3 : i32
        %shift_right_logical3A_640 = arith.shrui %squeeze3A_638, %shift_right_logical3A_639 : i32
        %and3A_641 = arith.constant 7 : i32
        %and3A_642 = arith.andi %squeeze3A_638, %and3A_641 : i32
        %get3A_643 = arith.index_cast %shift_right_logical3A_640 : i32 to index
        %get3A_644 = arith.index_cast %and3A_642 : i32 to index
        %get3A_645 = arith.constant 0 : index
        %get3A_646 = tpu.vector_load %arg14[%get3A_643, %get3A_644, %get3A_645] {strides = array<i32>} : memref<56x8x128xf32, #tpu.memory_space<vmem>>, vector<1x1x16xf32>,
        %get3A_647 = vector.shape_cast %get3A_646 : vector<1x1x16xf32> to vector<16xf32>
        %mul3A_648 = vector.broadcast %squeeze3A_636 : f32 to vector<16xf32>
        %mul3A_649 = arith.mulf %mul3A_648, %get3A_647 : vector<16xf32>
        %add3A_650 = arith.addf %add3A_594, %mul3A_649 : vector<16xf32>
        %get3A_651 = arith.index_cast %shift_right_logical3A_640 : i32 to index
        %get3A_652 = arith.index_cast %and3A_642 : i32 to index
        %get3A_653 = arith.constant 16 : index
        %get3A_654 = tpu.vector_load %arg14[%get3A_651, %get3A_652, %get3A_653] {strides = array<i32>} : memref<56x8x128xf32, #tpu.memory_space<vmem>>, vector<1x1x16xf32>,
        %get3A_655 = vector.shape_cast %get3A_654 : vector<1x1x16xf32> to vector<16xf32>
        %mul3A_656 = vector.broadcast %squeeze3A_636 : f32 to vector<16xf32>
        %mul3A_657 = arith.mulf %mul3A_656, %get3A_655 : vector<16xf32>
        %add3A_658 = arith.addf %add3A_602, %mul3A_657 : vector<16xf32>
        %get3A_659 = arith.index_cast %shift_right_logical3A_640 : i32 to index
        %get3A_660 = arith.index_cast %and3A_642 : i32 to index
        %get3A_661 = arith.constant 32 : index
        %get3A_662 = tpu.vector_load %arg14[%get3A_659, %get3A_660, %get3A_661] {strides = array<i32>} : memref<56x8x128xf32, #tpu.memory_space<vmem>>, vector<1x1x16xf32>,
        %get3A_663 = vector.shape_cast %get3A_662 : vector<1x1x16xf32> to vector<16xf32>
        %mul3A_664 = vector.broadcast %squeeze3A_636 : f32 to vector<16xf32>
        %mul3A_665 = arith.mulf %mul3A_664, %get3A_663 : vector<16xf32>
        %add3A_666 = arith.addf %add3A_610, %mul3A_665 : vector<16xf32>
        %get3A_667 = arith.index_cast %shift_right_logical3A_640 : i32 to index
        %get3A_668 = arith.index_cast %and3A_642 : i32 to index
        %get3A_669 = arith.constant 48 : index
        %get3A_670 = tpu.vector_load %arg14[%get3A_667, %get3A_668, %get3A_669] {strides = array<i32>} : memref<56x8x128xf32, #tpu.memory_space<vmem>>, vector<1x1x16xf32>,
        %get3A_671 = vector.shape_cast %get3A_670 : vector<1x1x16xf32> to vector<16xf32>
        %mul3A_672 = vector.broadcast %squeeze3A_636 : f32 to vector<16xf32>
        %mul3A_673 = arith.mulf %mul3A_672, %get3A_671 : vector<16xf32>
        %add3A_674 = arith.addf %add3A_618, %mul3A_673 : vector<16xf32>
        %get3A_675 = arith.index_cast %shift_right_logical3A_640 : i32 to index
        %get3A_676 = arith.index_cast %and3A_642 : i32 to index
        %get3A_677 = arith.constant 64 : index
        %get3A_678 = tpu.vector_load %arg14[%get3A_675, %get3A_676, %get3A_677] {strides = array<i32>} : memref<56x8x128xf32, #tpu.memory_space<vmem>>, vector<1x1x16xf32>,
        %get3A_679 = vector.shape_cast %get3A_678 : vector<1x1x16xf32> to vector<16xf32>
        %mul3A_680 = vector.broadcast %squeeze3A_636 : f32 to vector<16xf32>
        %mul3A_681 = arith.mulf %mul3A_680, %get3A_679 : vector<16xf32>
        %add3A_682 = arith.addf %add3A_626, %mul3A_681 : vector<16xf32>
        %get3A_683 = arith.index_cast %shift_right_logical3A_640 : i32 to index
        %get3A_684 = arith.index_cast %and3A_642 : i32 to index
        %get3A_685 = arith.constant 80 : index
        %get3A_686 = tpu.vector_load %arg14[%get3A_683, %get3A_684, %get3A_685] {strides = array<i32>} : memref<56x8x128xf32, #tpu.memory_space<vmem>>, vector<1x1x16xf32>,
        %get3A_687 = vector.shape_cast %get3A_686 : vector<1x1x16xf32> to vector<16xf32>
        %mul3A_688 = vector.broadcast %squeeze3A_636 : f32 to vector<16xf32>
        %mul3A_689 = arith.mulf %mul3A_688, %get3A_687 : vector<16xf32>
        %add3A_690 = arith.addf %add3A_634, %mul3A_689 : vector<16xf32>
        %slice3A_691 = vector.extract_strided_slice %get3A_295 {offsets = [7], sizes = [1], strides = [1]} : vector<16xf32> to vector<1xf32>
        %squeeze3A_692 = vector.extract %slice3A_691[0] : f32 from vector<1xf32>
        %slice3A_693 = vector.extract_strided_slice %get3A_302 {offsets = [7], sizes = [1], strides = [1]} : vector<16xi32> to vector<1xi32>
        %squeeze3A_694 = vector.extract %slice3A_693[0] : i32 from vector<1xi32>
        %shift_right_logical3A_695 = arith.constant 3 : i32
        %shift_right_logical3A_696 = arith.shrui %squeeze3A_694, %shift_right_logical3A_695 : i32
        %and3A_697 = arith.constant 7 : i32
        %and3A_698 = arith.andi %squeeze3A_694, %and3A_697 : i32
        %get3A_699 = arith.index_cast %shift_right_logical3A_696 : i32 to index
        %get3A_700 = arith.index_cast %and3A_698 : i32 to index
        %get3A_701 = arith.constant 0 : index
        %get3A_702 = tpu.vector_load %arg14[%get3A_699, %get3A_700, %get3A_701] {strides = array<i32>} : memref<56x8x128xf32, #tpu.memory_space<vmem>>, vector<1x1x16xf32>,
        %get3A_703 = vector.shape_cast %get3A_702 : vector<1x1x16xf32> to vector<16xf32>
        %mul3A_704 = vector.broadcast %squeeze3A_692 : f32 to vector<16xf32>
        %mul3A_705 = arith.mulf %mul3A_704, %get3A_703 : vector<16xf32>
        %add3A_706 = arith.addf %add3A_650, %mul3A_705 : vector<16xf32>
        %get3A_707 = arith.index_cast %shift_right_logical3A_696 : i32 to index
        %get3A_708 = arith.index_cast %and3A_698 : i32 to index
        %get3A_709 = arith.constant 16 : index
        %get3A_710 = tpu.vector_load %arg14[%get3A_707, %get3A_708, %get3A_709] {strides = array<i32>} : memref<56x8x128xf32, #tpu.memory_space<vmem>>, vector<1x1x16xf32>,
        %get3A_711 = vector.shape_cast %get3A_710 : vector<1x1x16xf32> to vector<16xf32>
        %mul3A_712 = vector.broadcast %squeeze3A_692 : f32 to vector<16xf32>
        %mul3A_713 = arith.mulf %mul3A_712, %get3A_711 : vector<16xf32>
        %add3A_714 = arith.addf %add3A_658, %mul3A_713 : vector<16xf32>
        %get3A_715 = arith.index_cast %shift_right_logical3A_696 : i32 to index
        %get3A_716 = arith.index_cast %and3A_698 : i32 to index
        %get3A_717 = arith.constant 32 : index
        %get3A_718 = tpu.vector_load %arg14[%get3A_715, %get3A_716, %get3A_717] {strides = array<i32>} : memref<56x8x128xf32, #tpu.memory_space<vmem>>, vector<1x1x16xf32>,
        %get3A_719 = vector.shape_cast %get3A_718 : vector<1x1x16xf32> to vector<16xf32>
        %mul3A_720 = vector.broadcast %squeeze3A_692 : f32 to vector<16xf32>
        %mul3A_721 = arith.mulf %mul3A_720, %get3A_719 : vector<16xf32>
        %add3A_722 = arith.addf %add3A_666, %mul3A_721 : vector<16xf32>
        %get3A_723 = arith.index_cast %shift_right_logical3A_696 : i32 to index
        %get3A_724 = arith.index_cast %and3A_698 : i32 to index
        %get3A_725 = arith.constant 48 : index
        %get3A_726 = tpu.vector_load %arg14[%get3A_723, %get3A_724, %get3A_725] {strides = array<i32>} : memref<56x8x128xf32, #tpu.memory_space<vmem>>, vector<1x1x16xf32>,
        %get3A_727 = vector.shape_cast %get3A_726 : vector<1x1x16xf32> to vector<16xf32>
        %mul3A_728 = vector.broadcast %squeeze3A_692 : f32 to vector<16xf32>
        %mul3A_729 = arith.mulf %mul3A_728, %get3A_727 : vector<16xf32>
        %add3A_730 = arith.addf %add3A_674, %mul3A_729 : vector<16xf32>
        %get3A_731 = arith.index_cast %shift_right_logical3A_696 : i32 to index
        %get3A_732 = arith.index_cast %and3A_698 : i32 to index
        %get3A_733 = arith.constant 64 : index
        %get3A_734 = tpu.vector_load %arg14[%get3A_731, %get3A_732, %get3A_733] {strides = array<i32>} : memref<56x8x128xf32, #tpu.memory_space<vmem>>, vector<1x1x16xf32>,
        %get3A_735 = vector.shape_cast %get3A_734 : vector<1x1x16xf32> to vector<16xf32>
        %mul3A_736 = vector.broadcast %squeeze3A_692 : f32 to vector<16xf32>
        %mul3A_737 = arith.mulf %mul3A_736, %get3A_735 : vector<16xf32>
        %add3A_738 = arith.addf %add3A_682, %mul3A_737 : vector<16xf32>
        %get3A_739 = arith.index_cast %shift_right_logical3A_696 : i32 to index
        %get3A_740 = arith.index_cast %and3A_698 : i32 to index
        %get3A_741 = arith.constant 80 : index
        %get3A_742 = tpu.vector_load %arg14[%get3A_739, %get3A_740, %get3A_741] {strides = array<i32>} : memref<56x8x128xf32, #tpu.memory_space<vmem>>, vector<1x1x16xf32>,
        %get3A_743 = vector.shape_cast %get3A_742 : vector<1x1x16xf32> to vector<16xf32>
        %mul3A_744 = vector.broadcast %squeeze3A_692 : f32 to vector<16xf32>
        %mul3A_745 = arith.mulf %mul3A_744, %get3A_743 : vector<16xf32>
        %add3A_746 = arith.addf %add3A_690, %mul3A_745 : vector<16xf32>
        %slice3A_747 = vector.extract_strided_slice %get3A_295 {offsets = [8], sizes = [1], strides = [1]} : vector<16xf32> to vector<1xf32>
        %squeeze3A_748 = vector.extract %slice3A_747[0] : f32 from vector<1xf32>
        %slice3A_749 = vector.extract_strided_slice %get3A_302 {offsets = [8], sizes = [1], strides = [1]} : vector<16xi32> to vector<1xi32>
        %squeeze3A_750 = vector.extract %slice3A_749[0] : i32 from vector<1xi32>
        %shift_right_logical3A_751 = arith.constant 3 : i32
        %shift_right_logical3A_752 = arith.shrui %squeeze3A_750, %shift_right_logical3A_751 : i32
        %and3A_753 = arith.constant 7 : i32
        %and3A_754 = arith.andi %squeeze3A_750, %and3A_753 : i32
        %get3A_755 = arith.index_cast %shift_right_logical3A_752 : i32 to index
        %get3A_756 = arith.index_cast %and3A_754 : i32 to index
        %get3A_757 = arith.constant 0 : index
        %get3A_758 = tpu.vector_load %arg14[%get3A_755, %get3A_756, %get3A_757] {strides = array<i32>} : memref<56x8x128xf32, #tpu.memory_space<vmem>>, vector<1x1x16xf32>,
        %get3A_759 = vector.shape_cast %get3A_758 : vector<1x1x16xf32> to vector<16xf32>
        %mul3A_760 = vector.broadcast %squeeze3A_748 : f32 to vector<16xf32>
        %mul3A_761 = arith.mulf %mul3A_760, %get3A_759 : vector<16xf32>
        %add3A_762 = arith.addf %add3A_706, %mul3A_761 : vector<16xf32>
        %get3A_763 = arith.index_cast %shift_right_logical3A_752 : i32 to index
        %get3A_764 = arith.index_cast %and3A_754 : i32 to index
        %get3A_765 = arith.constant 16 : index
        %get3A_766 = tpu.vector_load %arg14[%get3A_763, %get3A_764, %get3A_765] {strides = array<i32>} : memref<56x8x128xf32, #tpu.memory_space<vmem>>, vector<1x1x16xf32>,
        %get3A_767 = vector.shape_cast %get3A_766 : vector<1x1x16xf32> to vector<16xf32>
        %mul3A_768 = vector.broadcast %squeeze3A_748 : f32 to vector<16xf32>
        %mul3A_769 = arith.mulf %mul3A_768, %get3A_767 : vector<16xf32>
        %add3A_770 = arith.addf %add3A_714, %mul3A_769 : vector<16xf32>
        %get3A_771 = arith.index_cast %shift_right_logical3A_752 : i32 to index
        %get3A_772 = arith.index_cast %and3A_754 : i32 to index
        %get3A_773 = arith.constant 32 : index
        %get3A_774 = tpu.vector_load %arg14[%get3A_771, %get3A_772, %get3A_773] {strides = array<i32>} : memref<56x8x128xf32, #tpu.memory_space<vmem>>, vector<1x1x16xf32>,
        %get3A_775 = vector.shape_cast %get3A_774 : vector<1x1x16xf32> to vector<16xf32>
        %mul3A_776 = vector.broadcast %squeeze3A_748 : f32 to vector<16xf32>
        %mul3A_777 = arith.mulf %mul3A_776, %get3A_775 : vector<16xf32>
        %add3A_778 = arith.addf %add3A_722, %mul3A_777 : vector<16xf32>
        %get3A_779 = arith.index_cast %shift_right_logical3A_752 : i32 to index
        %get3A_780 = arith.index_cast %and3A_754 : i32 to index
        %get3A_781 = arith.constant 48 : index
        %get3A_782 = tpu.vector_load %arg14[%get3A_779, %get3A_780, %get3A_781] {strides = array<i32>} : memref<56x8x128xf32, #tpu.memory_space<vmem>>, vector<1x1x16xf32>,
        %get3A_783 = vector.shape_cast %get3A_782 : vector<1x1x16xf32> to vector<16xf32>
        %mul3A_784 = vector.broadcast %squeeze3A_748 : f32 to vector<16xf32>
        %mul3A_785 = arith.mulf %mul3A_784, %get3A_783 : vector<16xf32>
        %add3A_786 = arith.addf %add3A_730, %mul3A_785 : vector<16xf32>
        %get3A_787 = arith.index_cast %shift_right_logical3A_752 : i32 to index
        %get3A_788 = arith.index_cast %and3A_754 : i32 to index
        %get3A_789 = arith.constant 64 : index
        %get3A_790 = tpu.vector_load %arg14[%get3A_787, %get3A_788, %get3A_789] {strides = array<i32>} : memref<56x8x128xf32, #tpu.memory_space<vmem>>, vector<1x1x16xf32>,
        %get3A_791 = vector.shape_cast %get3A_790 : vector<1x1x16xf32> to vector<16xf32>
        %mul3A_792 = vector.broadcast %squeeze3A_748 : f32 to vector<16xf32>
        %mul3A_793 = arith.mulf %mul3A_792, %get3A_791 : vector<16xf32>
        %add3A_794 = arith.addf %add3A_738, %mul3A_793 : vector<16xf32>
        %get3A_795 = arith.index_cast %shift_right_logical3A_752 : i32 to index
        %get3A_796 = arith.index_cast %and3A_754 : i32 to index
        %get3A_797 = arith.constant 80 : index
        %get3A_798 = tpu.vector_load %arg14[%get3A_795, %get3A_796, %get3A_797] {strides = array<i32>} : memref<56x8x128xf32, #tpu.memory_space<vmem>>, vector<1x1x16xf32>,
        %get3A_799 = vector.shape_cast %get3A_798 : vector<1x1x16xf32> to vector<16xf32>
        %mul3A_800 = vector.broadcast %squeeze3A_748 : f32 to vector<16xf32>
        %mul3A_801 = arith.mulf %mul3A_800, %get3A_799 : vector<16xf32>
        %add3A_802 = arith.addf %add3A_746, %mul3A_801 : vector<16xf32>
        %slice3A_803 = vector.extract_strided_slice %get3A_295 {offsets = [9], sizes = [1], strides = [1]} : vector<16xf32> to vector<1xf32>
        %squeeze3A_804 = vector.extract %slice3A_803[0] : f32 from vector<1xf32>
        %slice3A_805 = vector.extract_strided_slice %get3A_302 {offsets = [9], sizes = [1], strides = [1]} : vector<16xi32> to vector<1xi32>
        %squeeze3A_806 = vector.extract %slice3A_805[0] : i32 from vector<1xi32>
        %shift_right_logical3A_807 = arith.constant 3 : i32
        %shift_right_logical3A_808 = arith.shrui %squeeze3A_806, %shift_right_logical3A_807 : i32
        %and3A_809 = arith.constant 7 : i32
        %and3A_810 = arith.andi %squeeze3A_806, %and3A_809 : i32
        %get3A_811 = arith.index_cast %shift_right_logical3A_808 : i32 to index
        %get3A_812 = arith.index_cast %and3A_810 : i32 to index
        %get3A_813 = arith.constant 0 : index
        %get3A_814 = tpu.vector_load %arg14[%get3A_811, %get3A_812, %get3A_813] {strides = array<i32>} : memref<56x8x128xf32, #tpu.memory_space<vmem>>, vector<1x1x16xf32>,
        %get3A_815 = vector.shape_cast %get3A_814 : vector<1x1x16xf32> to vector<16xf32>
        %mul3A_816 = vector.broadcast %squeeze3A_804 : f32 to vector<16xf32>
        %mul3A_817 = arith.mulf %mul3A_816, %get3A_815 : vector<16xf32>
        %add3A_818 = arith.addf %add3A_762, %mul3A_817 : vector<16xf32>
        %get3A_819 = arith.index_cast %shift_right_logical3A_808 : i32 to index
        %get3A_820 = arith.index_cast %and3A_810 : i32 to index
        %get3A_821 = arith.constant 16 : index
        %get3A_822 = tpu.vector_load %arg14[%get3A_819, %get3A_820, %get3A_821] {strides = array<i32>} : memref<56x8x128xf32, #tpu.memory_space<vmem>>, vector<1x1x16xf32>,
        %get3A_823 = vector.shape_cast %get3A_822 : vector<1x1x16xf32> to vector<16xf32>
        %mul3A_824 = vector.broadcast %squeeze3A_804 : f32 to vector<16xf32>
        %mul3A_825 = arith.mulf %mul3A_824, %get3A_823 : vector<16xf32>
        %add3A_826 = arith.addf %add3A_770, %mul3A_825 : vector<16xf32>
        %get3A_827 = arith.index_cast %shift_right_logical3A_808 : i32 to index
        %get3A_828 = arith.index_cast %and3A_810 : i32 to index
        %get3A_829 = arith.constant 32 : index
        %get3A_830 = tpu.vector_load %arg14[%get3A_827, %get3A_828, %get3A_829] {strides = array<i32>} : memref<56x8x128xf32, #tpu.memory_space<vmem>>, vector<1x1x16xf32>,
        %get3A_831 = vector.shape_cast %get3A_830 : vector<1x1x16xf32> to vector<16xf32>
        %mul3A_832 = vector.broadcast %squeeze3A_804 : f32 to vector<16xf32>
        %mul3A_833 = arith.mulf %mul3A_832, %get3A_831 : vector<16xf32>
        %add3A_834 = arith.addf %add3A_778, %mul3A_833 : vector<16xf32>
        %get3A_835 = arith.index_cast %shift_right_logical3A_808 : i32 to index
        %get3A_836 = arith.index_cast %and3A_810 : i32 to index
        %get3A_837 = arith.constant 48 : index
        %get3A_838 = tpu.vector_load %arg14[%get3A_835, %get3A_836, %get3A_837] {strides = array<i32>} : memref<56x8x128xf32, #tpu.memory_space<vmem>>, vector<1x1x16xf32>,
        %get3A_839 = vector.shape_cast %get3A_838 : vector<1x1x16xf32> to vector<16xf32>
        %mul3A_840 = vector.broadcast %squeeze3A_804 : f32 to vector<16xf32>
        %mul3A_841 = arith.mulf %mul3A_840, %get3A_839 : vector<16xf32>
        %add3A_842 = arith.addf %add3A_786, %mul3A_841 : vector<16xf32>
        %get3A_843 = arith.index_cast %shift_right_logical3A_808 : i32 to index
        %get3A_844 = arith.index_cast %and3A_810 : i32 to index
        %get3A_845 = arith.constant 64 : index
        %get3A_846 = tpu.vector_load %arg14[%get3A_843, %get3A_844, %get3A_845] {strides = array<i32>} : memref<56x8x128xf32, #tpu.memory_space<vmem>>, vector<1x1x16xf32>,
        %get3A_847 = vector.shape_cast %get3A_846 : vector<1x1x16xf32> to vector<16xf32>
        %mul3A_848 = vector.broadcast %squeeze3A_804 : f32 to vector<16xf32>
        %mul3A_849 = arith.mulf %mul3A_848, %get3A_847 : vector<16xf32>
        %add3A_850 = arith.addf %add3A_794, %mul3A_849 : vector<16xf32>
        %get3A_851 = arith.index_cast %shift_right_logical3A_808 : i32 to index
        %get3A_852 = arith.index_cast %and3A_810 : i32 to index
        %get3A_853 = arith.constant 80 : index
        %get3A_854 = tpu.vector_load %arg14[%get3A_851, %get3A_852, %get3A_853] {strides = array<i32>} : memref<56x8x128xf32, #tpu.memory_space<vmem>>, vector<1x1x16xf32>,
        %get3A_855 = vector.shape_cast %get3A_854 : vector<1x1x16xf32> to vector<16xf32>
        %mul3A_856 = vector.broadcast %squeeze3A_804 : f32 to vector<16xf32>
        %mul3A_857 = arith.mulf %mul3A_856, %get3A_855 : vector<16xf32>
        %add3A_858 = arith.addf %add3A_802, %mul3A_857 : vector<16xf32>
        %slice3A_859 = vector.extract_strided_slice %get3A_295 {offsets = [10], sizes = [1], strides = [1]} : vector<16xf32> to vector<1xf32>
        %squeeze3A_860 = vector.extract %slice3A_859[0] : f32 from vector<1xf32>
        %slice3A_861 = vector.extract_strided_slice %get3A_302 {offsets = [10], sizes = [1], strides = [1]} : vector<16xi32> to vector<1xi32>
        %squeeze3A_862 = vector.extract %slice3A_861[0] : i32 from vector<1xi32>
        %shift_right_logical3A_863 = arith.constant 3 : i32
        %shift_right_logical3A_864 = arith.shrui %squeeze3A_862, %shift_right_logical3A_863 : i32
        %and3A_865 = arith.constant 7 : i32
        %and3A_866 = arith.andi %squeeze3A_862, %and3A_865 : i32
        %get3A_867 = arith.index_cast %shift_right_logical3A_864 : i32 to index
        %get3A_868 = arith.index_cast %and3A_866 : i32 to index
        %get3A_869 = arith.constant 0 : index
        %get3A_870 = tpu.vector_load %arg14[%get3A_867, %get3A_868, %get3A_869] {strides = array<i32>} : memref<56x8x128xf32, #tpu.memory_space<vmem>>, vector<1x1x16xf32>,
        %get3A_871 = vector.shape_cast %get3A_870 : vector<1x1x16xf32> to vector<16xf32>
        %mul3A_872 = vector.broadcast %squeeze3A_860 : f32 to vector<16xf32>
        %mul3A_873 = arith.mulf %mul3A_872, %get3A_871 : vector<16xf32>
        %add3A_874 = arith.addf %add3A_818, %mul3A_873 : vector<16xf32>
        %get3A_875 = arith.index_cast %shift_right_logical3A_864 : i32 to index
        %get3A_876 = arith.index_cast %and3A_866 : i32 to index
        %get3A_877 = arith.constant 16 : index
        %get3A_878 = tpu.vector_load %arg14[%get3A_875, %get3A_876, %get3A_877] {strides = array<i32>} : memref<56x8x128xf32, #tpu.memory_space<vmem>>, vector<1x1x16xf32>,
        %get3A_879 = vector.shape_cast %get3A_878 : vector<1x1x16xf32> to vector<16xf32>
        %mul3A_880 = vector.broadcast %squeeze3A_860 : f32 to vector<16xf32>
        %mul3A_881 = arith.mulf %mul3A_880, %get3A_879 : vector<16xf32>
        %add3A_882 = arith.addf %add3A_826, %mul3A_881 : vector<16xf32>
        %get3A_883 = arith.index_cast %shift_right_logical3A_864 : i32 to index
        %get3A_884 = arith.index_cast %and3A_866 : i32 to index
        %get3A_885 = arith.constant 32 : index
        %get3A_886 = tpu.vector_load %arg14[%get3A_883, %get3A_884, %get3A_885] {strides = array<i32>} : memref<56x8x128xf32, #tpu.memory_space<vmem>>, vector<1x1x16xf32>,
        %get3A_887 = vector.shape_cast %get3A_886 : vector<1x1x16xf32> to vector<16xf32>
        %mul3A_888 = vector.broadcast %squeeze3A_860 : f32 to vector<16xf32>
        %mul3A_889 = arith.mulf %mul3A_888, %get3A_887 : vector<16xf32>
        %add3A_890 = arith.addf %add3A_834, %mul3A_889 : vector<16xf32>
        %get3A_891 = arith.index_cast %shift_right_logical3A_864 : i32 to index
        %get3A_892 = arith.index_cast %and3A_866 : i32 to index
        %get3A_893 = arith.constant 48 : index
        %get3A_894 = tpu.vector_load %arg14[%get3A_891, %get3A_892, %get3A_893] {strides = array<i32>} : memref<56x8x128xf32, #tpu.memory_space<vmem>>, vector<1x1x16xf32>,
        %get3A_895 = vector.shape_cast %get3A_894 : vector<1x1x16xf32> to vector<16xf32>
        %mul3A_896 = vector.broadcast %squeeze3A_860 : f32 to vector<16xf32>
        %mul3A_897 = arith.mulf %mul3A_896, %get3A_895 : vector<16xf32>
        %add3A_898 = arith.addf %add3A_842, %mul3A_897 : vector<16xf32>
        %get3A_899 = arith.index_cast %shift_right_logical3A_864 : i32 to index
        %get3A_900 = arith.index_cast %and3A_866 : i32 to index
        %get3A_901 = arith.constant 64 : index
        %get3A_902 = tpu.vector_load %arg14[%get3A_899, %get3A_900, %get3A_901] {strides = array<i32>} : memref<56x8x128xf32, #tpu.memory_space<vmem>>, vector<1x1x16xf32>,
        %get3A_903 = vector.shape_cast %get3A_902 : vector<1x1x16xf32> to vector<16xf32>
        %mul3A_904 = vector.broadcast %squeeze3A_860 : f32 to vector<16xf32>
        %mul3A_905 = arith.mulf %mul3A_904, %get3A_903 : vector<16xf32>
        %add3A_906 = arith.addf %add3A_850, %mul3A_905 : vector<16xf32>
        %get3A_907 = arith.index_cast %shift_right_logical3A_864 : i32 to index
        %get3A_908 = arith.index_cast %and3A_866 : i32 to index
        %get3A_909 = arith.constant 80 : index
        %get3A_910 = tpu.vector_load %arg14[%get3A_907, %get3A_908, %get3A_909] {strides = array<i32>} : memref<56x8x128xf32, #tpu.memory_space<vmem>>, vector<1x1x16xf32>,
        %get3A_911 = vector.shape_cast %get3A_910 : vector<1x1x16xf32> to vector<16xf32>
        %mul3A_912 = vector.broadcast %squeeze3A_860 : f32 to vector<16xf32>
        %mul3A_913 = arith.mulf %mul3A_912, %get3A_911 : vector<16xf32>
        %add3A_914 = arith.addf %add3A_858, %mul3A_913 : vector<16xf32>
        %slice3A_915 = vector.extract_strided_slice %get3A_295 {offsets = [11], sizes = [1], strides = [1]} : vector<16xf32> to vector<1xf32>
        %squeeze3A_916 = vector.extract %slice3A_915[0] : f32 from vector<1xf32>
        %slice3A_917 = vector.extract_strided_slice %get3A_302 {offsets = [11], sizes = [1], strides = [1]} : vector<16xi32> to vector<1xi32>
        %squeeze3A_918 = vector.extract %slice3A_917[0] : i32 from vector<1xi32>
        %shift_right_logical3A_919 = arith.constant 3 : i32
        %shift_right_logical3A_920 = arith.shrui %squeeze3A_918, %shift_right_logical3A_919 : i32
        %and3A_921 = arith.constant 7 : i32
        %and3A_922 = arith.andi %squeeze3A_918, %and3A_921 : i32
        %get3A_923 = arith.index_cast %shift_right_logical3A_920 : i32 to index
        %get3A_924 = arith.index_cast %and3A_922 : i32 to index
        %get3A_925 = arith.constant 0 : index
        %get3A_926 = tpu.vector_load %arg14[%get3A_923, %get3A_924, %get3A_925] {strides = array<i32>} : memref<56x8x128xf32, #tpu.memory_space<vmem>>, vector<1x1x16xf32>,
        %get3A_927 = vector.shape_cast %get3A_926 : vector<1x1x16xf32> to vector<16xf32>
        %mul3A_928 = vector.broadcast %squeeze3A_916 : f32 to vector<16xf32>
        %mul3A_929 = arith.mulf %mul3A_928, %get3A_927 : vector<16xf32>
        %add3A_930 = arith.addf %add3A_874, %mul3A_929 : vector<16xf32>
        %get3A_931 = arith.index_cast %shift_right_logical3A_920 : i32 to index
        %get3A_932 = arith.index_cast %and3A_922 : i32 to index
        %get3A_933 = arith.constant 16 : index
        %get3A_934 = tpu.vector_load %arg14[%get3A_931, %get3A_932, %get3A_933] {strides = array<i32>} : memref<56x8x128xf32, #tpu.memory_space<vmem>>, vector<1x1x16xf32>,
        %get3A_935 = vector.shape_cast %get3A_934 : vector<1x1x16xf32> to vector<16xf32>
        %mul3A_936 = vector.broadcast %squeeze3A_916 : f32 to vector<16xf32>
        %mul3A_937 = arith.mulf %mul3A_936, %get3A_935 : vector<16xf32>
        %add3A_938 = arith.addf %add3A_882, %mul3A_937 : vector<16xf32>
        %get3A_939 = arith.index_cast %shift_right_logical3A_920 : i32 to index
        %get3A_940 = arith.index_cast %and3A_922 : i32 to index
        %get3A_941 = arith.constant 32 : index
        %get3A_942 = tpu.vector_load %arg14[%get3A_939, %get3A_940, %get3A_941] {strides = array<i32>} : memref<56x8x128xf32, #tpu.memory_space<vmem>>, vector<1x1x16xf32>,
        %get3A_943 = vector.shape_cast %get3A_942 : vector<1x1x16xf32> to vector<16xf32>
        %mul3A_944 = vector.broadcast %squeeze3A_916 : f32 to vector<16xf32>
        %mul3A_945 = arith.mulf %mul3A_944, %get3A_943 : vector<16xf32>
        %add3A_946 = arith.addf %add3A_890, %mul3A_945 : vector<16xf32>
        %get3A_947 = arith.index_cast %shift_right_logical3A_920 : i32 to index
        %get3A_948 = arith.index_cast %and3A_922 : i32 to index
        %get3A_949 = arith.constant 48 : index
        %get3A_950 = tpu.vector_load %arg14[%get3A_947, %get3A_948, %get3A_949] {strides = array<i32>} : memref<56x8x128xf32, #tpu.memory_space<vmem>>, vector<1x1x16xf32>,
        %get3A_951 = vector.shape_cast %get3A_950 : vector<1x1x16xf32> to vector<16xf32>
        %mul3A_952 = vector.broadcast %squeeze3A_916 : f32 to vector<16xf32>
        %mul3A_953 = arith.mulf %mul3A_952, %get3A_951 : vector<16xf32>
        %add3A_954 = arith.addf %add3A_898, %mul3A_953 : vector<16xf32>
        %get3A_955 = arith.index_cast %shift_right_logical3A_920 : i32 to index
        %get3A_956 = arith.index_cast %and3A_922 : i32 to index
        %get3A_957 = arith.constant 64 : index
        %get3A_958 = tpu.vector_load %arg14[%get3A_955, %get3A_956, %get3A_957] {strides = array<i32>} : memref<56x8x128xf32, #tpu.memory_space<vmem>>, vector<1x1x16xf32>,
        %get3A_959 = vector.shape_cast %get3A_958 : vector<1x1x16xf32> to vector<16xf32>
        %mul3A_960 = vector.broadcast %squeeze3A_916 : f32 to vector<16xf32>
        %mul3A_961 = arith.mulf %mul3A_960, %get3A_959 : vector<16xf32>
        %add3A_962 = arith.addf %add3A_906, %mul3A_961 : vector<16xf32>
        %get3A_963 = arith.index_cast %shift_right_logical3A_920 : i32 to index
        %get3A_964 = arith.index_cast %and3A_922 : i32 to index
        %get3A_965 = arith.constant 80 : index
        %get3A_966 = tpu.vector_load %arg14[%get3A_963, %get3A_964, %get3A_965] {strides = array<i32>} : memref<56x8x128xf32, #tpu.memory_space<vmem>>, vector<1x1x16xf32>,
        %get3A_967 = vector.shape_cast %get3A_966 : vector<1x1x16xf32> to vector<16xf32>
        %mul3A_968 = vector.broadcast %squeeze3A_916 : f32 to vector<16xf32>
        %mul3A_969 = arith.mulf %mul3A_968, %get3A_967 : vector<16xf32>
        %add3A_970 = arith.addf %add3A_914, %mul3A_969 : vector<16xf32>
        %swap3A = arith.index_cast %scan3A_277 : i32 to index
        %swap3A_971 = arith.constant 0 : index
        %swap3A_972 = tpu.vector_load %arg15[%swap3A, %swap3A_971] {strides = array<i32>} : memref<64x96xf32, #tpu.memory_space<vmem>>, vector<1x16xf32>,
        %swap3A_973 = vector.shape_cast %swap3A_972 : vector<1x16xf32> to vector<16xf32>
        %swap3A_974 = vector.shape_cast %add3A_930 : vector<16xf32> to vector<1x16xf32>
        tpu.vector_store %arg15[%swap3A, %swap3A_971], %swap3A_974 {strides = array<i32>} : memref<64x96xf32, #tpu.memory_space<vmem>>, vector<1x16xf32>,
        %swap3A_975 = arith.index_cast %scan3A_277 : i32 to index
        %swap3A_976 = arith.constant 16 : index
        %swap3A_977 = tpu.vector_load %arg15[%swap3A_975, %swap3A_976] {strides = array<i32>} : memref<64x96xf32, #tpu.memory_space<vmem>>, vector<1x16xf32>,
        %swap3A_978 = vector.shape_cast %swap3A_977 : vector<1x16xf32> to vector<16xf32>
        %swap3A_979 = vector.shape_cast %add3A_938 : vector<16xf32> to vector<1x16xf32>
        tpu.vector_store %arg15[%swap3A_975, %swap3A_976], %swap3A_979 {strides = array<i32>} : memref<64x96xf32, #tpu.memory_space<vmem>>, vector<1x16xf32>,
        %swap3A_980 = arith.index_cast %scan3A_277 : i32 to index
        %swap3A_981 = arith.constant 32 : index
        %swap3A_982 = tpu.vector_load %arg15[%swap3A_980, %swap3A_981] {strides = array<i32>} : memref<64x96xf32, #tpu.memory_space<vmem>>, vector<1x16xf32>,
        %swap3A_983 = vector.shape_cast %swap3A_982 : vector<1x16xf32> to vector<16xf32>
        %swap3A_984 = vector.shape_cast %add3A_946 : vector<16xf32> to vector<1x16xf32>
        tpu.vector_store %arg15[%swap3A_980, %swap3A_981], %swap3A_984 {strides = array<i32>} : memref<64x96xf32, #tpu.memory_space<vmem>>, vector<1x16xf32>,
        %swap3A_985 = arith.index_cast %scan3A_277 : i32 to index
        %swap3A_986 = arith.constant 48 : index
        %swap3A_987 = tpu.vector_load %arg15[%swap3A_985, %swap3A_986] {strides = array<i32>} : memref<64x96xf32, #tpu.memory_space<vmem>>, vector<1x16xf32>,
        %swap3A_988 = vector.shape_cast %swap3A_987 : vector<1x16xf32> to vector<16xf32>
        %swap3A_989 = vector.shape_cast %add3A_954 : vector<16xf32> to vector<1x16xf32>
        tpu.vector_store %arg15[%swap3A_985, %swap3A_986], %swap3A_989 {strides = array<i32>} : memref<64x96xf32, #tpu.memory_space<vmem>>, vector<1x16xf32>,
        %swap3A_990 = arith.index_cast %scan3A_277 : i32 to index
        %swap3A_991 = arith.constant 64 : index
        %swap3A_992 = tpu.vector_load %arg15[%swap3A_990, %swap3A_991] {strides = array<i32>} : memref<64x96xf32, #tpu.memory_space<vmem>>, vector<1x16xf32>,
        %swap3A_993 = vector.shape_cast %swap3A_992 : vector<1x16xf32> to vector<16xf32>
        %swap3A_994 = vector.shape_cast %add3A_962 : vector<16xf32> to vector<1x16xf32>
        tpu.vector_store %arg15[%swap3A_990, %swap3A_991], %swap3A_994 {strides = array<i32>} : memref<64x96xf32, #tpu.memory_space<vmem>>, vector<1x16xf32>,
        %swap3A_995 = arith.index_cast %scan3A_277 : i32 to index
        %swap3A_996 = arith.constant 80 : index
        %swap3A_997 = tpu.vector_load %arg15[%swap3A_995, %swap3A_996] {strides = array<i32>} : memref<64x96xf32, #tpu.memory_space<vmem>>, vector<1x16xf32>,
        %swap3A_998 = vector.shape_cast %swap3A_997 : vector<1x16xf32> to vector<16xf32>
        %swap3A_999 = vector.shape_cast %add3A_970 : vector<16xf32> to vector<1x16xf32>
        tpu.vector_store %arg15[%swap3A_995, %swap3A_996], %swap3A_999 {strides = array<i32>} : memref<64x96xf32, #tpu.memory_space<vmem>>, vector<1x16xf32>,
        %scan3A_1000 = arith.constant 0 : i32
        scf.yield %scan3A_1000 : i32
      }
      %scan3A_135 = arith.constant 64 : i32
      %mul3A_136 = arith.constant 144 : i32
      %mul3A_137 = arith.muli %add3A, %mul3A_136 : i32
      %mul3A_138 = arith.constant 2 : i32
      %mul3A_139 = arith.muli %mul3A_55, %mul3A_138 : i32
      %add3A_140 = arith.addi %mul3A_137, %mul3A_139 : i32
      %add3A_141 = arith.constant 1 : i32
      %add3A_142 = arith.addi %add3A_140, %add3A_141 : i32
      %mul3A_143 = arith.constant 64 : i32
      %mul3A_144 = arith.muli %add3A_142, %mul3A_143 : i32
      "tpu.region"() ({
        %run_scoped3A = tpu.sem_alloc : memref<!tpu.dma_semaphore, #tpu.memory_space<semaphore_mem>>
        %dma_start3A_277 = arith.constant 0 : i32
        %dma_start3A_278 = tpu.memref_slice %arg6[%mul3A_144, %dma_start3A_277] : memref<294912x96xf32, #tpu.memory_space<hbm>> -> memref<64x96xf32, #tpu.memory_space<hbm>>
        %dma_start3A_279 = arith.constant 0 : i32
        %dma_start3A_280 = tpu.memref_slice %arg6[%mul3A_144, %dma_start3A_279] : memref<294912x96xf32, #tpu.memory_space<hbm>> -> memref<64x96xf32, #tpu.memory_space<hbm>>
        tpu.enqueue_dma source(%arg15 : memref<64x96xf32, #tpu.memory_space<vmem>>) target(%dma_start3A_280 : memref<64x96xf32, #tpu.memory_space<hbm>>) target_semaphore(%run_scoped3A : memref<!tpu.dma_semaphore, #tpu.memory_space<semaphore_mem>>)
        %dma_wait3A_281 = arith.constant 0 : i32
        %dma_wait3A_282 = tpu.memref_slice %arg6[%mul3A_144, %dma_wait3A_281] : memref<294912x96xf32, #tpu.memory_space<hbm>> -> memref<64x96xf32, #tpu.memory_space<hbm>>
        %dma_wait3A_283 = arith.constant 0 : i32
        %dma_wait3A_284 = tpu.memref_slice %arg6[%mul3A_144, %dma_wait3A_283] : memref<294912x96xf32, #tpu.memory_space<hbm>> -> memref<64x96xf32, #tpu.memory_space<hbm>>
        tpu.wait_dma2 semaphore(%run_scoped3A : memref<!tpu.dma_semaphore, #tpu.memory_space<semaphore_mem>>) src(%arg15 : memref<64x96xf32, #tpu.memory_space<vmem>>) dst(%dma_wait3A_284 : memref<64x96xf32, #tpu.memory_space<hbm>>)
        tpu.yield
      }) : () -> ()
      %dma_wait3A_145 = arith.constant 0 : i32
      %dma_wait3A_146 = tpu.memref_slice %arg3[%dma_wait3A_145] : memref<258048xi32, #tpu.memory_space<hbm>> -> memref<112xi32, #tpu.memory_space<hbm>>
      %dma_wait3A_147 = arith.constant 0 : i32
      %dma_wait3A_148 = tpu.memref_slice %arg3[%dma_wait3A_147] : memref<258048xi32, #tpu.memory_space<hbm>> -> memref<112xi32, #tpu.memory_space<hbm>>
      tpu.wait_dma2 semaphore(%arg19 : memref<!tpu.dma_semaphore, #tpu.memory_space<semaphore_mem>>) src(%dma_wait3A_148 : memref<112xi32, #tpu.memory_space<hbm>>) dst(%arg10 : memref<112xi32, #tpu.memory_space<vmem>>)
      %dma_wait3A_149 = arith.constant 0 : i32
      %dma_wait3A_150 = tpu.memref_slice %arg11[%dma_wait3A_149] : memref<1552xi32, #tpu.memory_space<vmem>> -> memref<1536xi32, #tpu.memory_space<vmem>>
      %dma_wait3A_151 = arith.constant 0 : i32
      %dma_wait3A_152 = tpu.memref_slice %arg4[%dma_wait3A_151] : memref<3538944xi32, #tpu.memory_space<hbm>> -> memref<1536xi32, #tpu.memory_space<hbm>>
      %dma_wait3A_153 = arith.constant 0 : i32
      %dma_wait3A_154 = tpu.memref_slice %arg11[%dma_wait3A_153] : memref<1552xi32, #tpu.memory_space<vmem>> -> memref<1536xi32, #tpu.memory_space<vmem>>
      %dma_wait3A_155 = arith.constant 0 : i32
      %dma_wait3A_156 = tpu.memref_slice %arg4[%dma_wait3A_155] : memref<3538944xi32, #tpu.memory_space<hbm>> -> memref<1536xi32, #tpu.memory_space<hbm>>
      tpu.wait_dma2 semaphore(%arg19 : memref<!tpu.dma_semaphore, #tpu.memory_space<semaphore_mem>>) src(%dma_wait3A_156 : memref<1536xi32, #tpu.memory_space<hbm>>) dst(%dma_wait3A_154 : memref<1536xi32, #tpu.memory_space<vmem>>)
      %dma_wait3A_157 = arith.constant 0 : i32
      %dma_wait3A_158 = tpu.memref_slice %arg12[%dma_wait3A_157] : memref<1552xf32, #tpu.memory_space<vmem>> -> memref<1536xf32, #tpu.memory_space<vmem>>
      %dma_wait3A_159 = arith.constant 0 : i32
      %dma_wait3A_160 = tpu.memref_slice %arg5[%dma_wait3A_159] : memref<3538944xf32, #tpu.memory_space<hbm>> -> memref<1536xf32, #tpu.memory_space<hbm>>
      %dma_wait3A_161 = arith.constant 0 : i32
      %dma_wait3A_162 = tpu.memref_slice %arg12[%dma_wait3A_161] : memref<1552xf32, #tpu.memory_space<vmem>> -> memref<1536xf32, #tpu.memory_space<vmem>>
      %dma_wait3A_163 = arith.constant 0 : i32
      %dma_wait3A_164 = tpu.memref_slice %arg5[%dma_wait3A_163] : memref<3538944xf32, #tpu.memory_space<hbm>> -> memref<1536xf32, #tpu.memory_space<hbm>>
      tpu.wait_dma2 semaphore(%arg19 : memref<!tpu.dma_semaphore, #tpu.memory_space<semaphore_mem>>) src(%dma_wait3A_164 : memref<1536xf32, #tpu.memory_space<hbm>>) dst(%dma_wait3A_162 : memref<1536xf32, #tpu.memory_space<vmem>>)
      %add3A_165 = arith.constant 2 : i32
      %add3A_166 = arith.addi %mul3A_55, %add3A_165 : i32
      %rem3A_167 = arith.constant 72 : i32
      %rem3A_168 = arith.remsi %add3A_166, %rem3A_167 : i32
      %mul3A_169 = arith.constant 144 : i32
      %mul3A_170 = arith.muli %add3A, %mul3A_169 : i32
      %mul3A_171 = arith.constant 2 : i32
      %mul3A_172 = arith.muli %rem3A_168, %mul3A_171 : i32
      %add3A_173 = arith.addi %mul3A_170, %mul3A_172 : i32
      %mul3A_174 = arith.constant 56 : i32
      %mul3A_175 = arith.muli %add3A_173, %mul3A_174 : i32
      %dma_start3A_176 = tpu.memref_slice %arg3[%mul3A_175] : memref<258048xi32, #tpu.memory_space<hbm>> -> memref<112xi32, #tpu.memory_space<hbm>>
      %dma_start3A_177 = tpu.memref_slice %arg3[%mul3A_175] : memref<258048xi32, #tpu.memory_space<hbm>> -> memref<112xi32, #tpu.memory_space<hbm>>
      tpu.enqueue_dma source(%dma_start3A_177 : memref<112xi32, #tpu.memory_space<hbm>>) target(%arg7 : memref<112xi32, #tpu.memory_space<vmem>>) target_semaphore(%arg18 : memref<!tpu.dma_semaphore, #tpu.memory_space<semaphore_mem>>)
      %mul3A_178 = arith.constant 768 : i32
      %mul3A_179 = arith.muli %add3A_173, %mul3A_178 : i32
      %dma_start3A_180 = arith.constant 0 : i32
      %dma_start3A_181 = tpu.memref_slice %arg8[%dma_start3A_180] : memref<1552xi32, #tpu.memory_space<vmem>> -> memref<1536xi32, #tpu.memory_space<vmem>>
      %dma_start3A_182 = tpu.memref_slice %arg4[%mul3A_179] : memref<3538944xi32, #tpu.memory_space<hbm>> -> memref<1536xi32, #tpu.memory_space<hbm>>
      %dma_start3A_183 = arith.constant 0 : i32
      %dma_start3A_184 = tpu.memref_slice %arg8[%dma_start3A_183] : memref<1552xi32, #tpu.memory_space<vmem>> -> memref<1536xi32, #tpu.memory_space<vmem>>
      %dma_start3A_185 = tpu.memref_slice %arg4[%mul3A_179] : memref<3538944xi32, #tpu.memory_space<hbm>> -> memref<1536xi32, #tpu.memory_space<hbm>>
      tpu.enqueue_dma source(%dma_start3A_185 : memref<1536xi32, #tpu.memory_space<hbm>>) target(%dma_start3A_184 : memref<1536xi32, #tpu.memory_space<vmem>>) target_semaphore(%arg18 : memref<!tpu.dma_semaphore, #tpu.memory_space<semaphore_mem>>)
      %mul3A_186 = arith.constant 768 : i32
      %mul3A_187 = arith.muli %add3A_173, %mul3A_186 : i32
      %dma_start3A_188 = arith.constant 0 : i32
      %dma_start3A_189 = tpu.memref_slice %arg9[%dma_start3A_188] : memref<1552xf32, #tpu.memory_space<vmem>> -> memref<1536xf32, #tpu.memory_space<vmem>>
      %dma_start3A_190 = tpu.memref_slice %arg5[%mul3A_187] : memref<3538944xf32, #tpu.memory_space<hbm>> -> memref<1536xf32, #tpu.memory_space<hbm>>
      %dma_start3A_191 = arith.constant 0 : i32
      %dma_start3A_192 = tpu.memref_slice %arg9[%dma_start3A_191] : memref<1552xf32, #tpu.memory_space<vmem>> -> memref<1536xf32, #tpu.memory_space<vmem>>
      %dma_start3A_193 = tpu.memref_slice %arg5[%mul3A_187] : memref<3538944xf32, #tpu.memory_space<hbm>> -> memref<1536xf32, #tpu.memory_space<hbm>>
      tpu.enqueue_dma source(%dma_start3A_193 : memref<1536xf32, #tpu.memory_space<hbm>>) target(%dma_start3A_192 : memref<1536xf32, #tpu.memory_space<vmem>>) target_semaphore(%arg18 : memref<!tpu.dma_semaphore, #tpu.memory_space<semaphore_mem>>)
      %add3A_194 = arith.constant 1 : i32
      %add3A_195 = arith.addi %mul3A_55, %add3A_194 : i32
      %dma_start3A_196 = arith.constant 0 : i32
      %dma_start3A_197 = tpu.memref_slice %arg10[%dma_start3A_196] : memref<112xi32, #tpu.memory_space<vmem>> -> memref<56xi32, #tpu.memory_space<vmem>>
      %dma_start3A_198 = arith.constant 0 : i32
      %dma_start3A_199 = arith.constant 0 : i32
      %dma_start3A_200 = arith.constant 0 : i32
      %dma_start3A_201 = tpu.memref_slice %arg2[%dma_start3A_198, %dma_start3A_199, %dma_start3A_200] : memref<82944x8x128xf32, #tpu.memory_space<hbm>> -> memref<82944x8x128xf32, #tpu.memory_space<hbm>>
      tpu.enqueue_indirect_dma source(%dma_start3A_201 : memref<82944x8x128xf32, #tpu.memory_space<hbm>>) target(%arg13 : memref<56x8x128xf32, #tpu.memory_space<vmem>>) offsets(%dma_start3A_197 : memref<56xi32, #tpu.memory_space<vmem>>) semaphore(%arg16 : memref<!tpu.dma_semaphore, #tpu.memory_space<semaphore_mem>>)
      %dma_start3A_202 = arith.constant 56 : i32
      %dma_start3A_203 = tpu.memref_slice %arg10[%dma_start3A_202] : memref<112xi32, #tpu.memory_space<vmem>> -> memref<56xi32, #tpu.memory_space<vmem>>
      %dma_start3A_204 = arith.constant 0 : i32
      %dma_start3A_205 = arith.constant 0 : i32
      %dma_start3A_206 = arith.constant 0 : i32
      %dma_start3A_207 = tpu.memref_slice %arg2[%dma_start3A_204, %dma_start3A_205, %dma_start3A_206] : memref<82944x8x128xf32, #tpu.memory_space<hbm>> -> memref<82944x8x128xf32, #tpu.memory_space<hbm>>
      tpu.enqueue_indirect_dma source(%dma_start3A_207 : memref<82944x8x128xf32, #tpu.memory_space<hbm>>) target(%arg14 : memref<56x8x128xf32, #tpu.memory_space<vmem>>) offsets(%dma_start3A_203 : memref<56xi32, #tpu.memory_space<vmem>>) semaphore(%arg17 : memref<!tpu.dma_semaphore, #tpu.memory_space<semaphore_mem>>)
      %dma_wait3A_208 = arith.constant 0 : i32
      %dma_wait3A_209 = arith.constant 0 : i32
      %dma_wait3A_210 = arith.constant 0 : i32
      %dma_wait3A_211 = tpu.memref_slice %arg2[%dma_wait3A_208, %dma_wait3A_209, %dma_wait3A_210] : memref<82944x8x128xf32, #tpu.memory_space<hbm>> -> memref<56x8x128xf32, #tpu.memory_space<hbm>>
      %dma_wait3A_212 = arith.constant 0 : i32
      %dma_wait3A_213 = arith.constant 0 : i32
      %dma_wait3A_214 = arith.constant 0 : i32
      %dma_wait3A_215 = tpu.memref_slice %arg2[%dma_wait3A_212, %dma_wait3A_213, %dma_wait3A_214] : memref<82944x8x128xf32, #tpu.memory_space<hbm>> -> memref<56x8x128xf32, #tpu.memory_space<hbm>>
      tpu.wait_dma2 semaphore(%arg16 : memref<!tpu.dma_semaphore, #tpu.memory_space<semaphore_mem>>) src(%dma_wait3A_215 : memref<56x8x128xf32, #tpu.memory_space<hbm>>) dst(%arg13 : memref<56x8x128xf32, #tpu.memory_space<vmem>>)
      %scan3A_216 = arith.constant 0 : i32
      %scan3A_217 = arith.constant 0 : i32
      %scan3A_218 = arith.constant 64 : i32
      %scan3A_219 = arith.addi %scan3A_217, %scan3A_218 : i32
      %scan3A_220 = arith.constant 1 : i32
      %scan3A_221 = scf.for %scan3A_277 = %scan3A_217 to %scan3A_219 step %scan3A_220 iter_args(%scan3A_278 = %scan3A_216) -> (i32)  : i32 {
        %broadcast_in_dim3A = arith.constant 0.000000e+00 : f32
        %broadcast_in_dim3A_279 = vector.broadcast %broadcast_in_dim3A : f32 to vector<16xf32>
        %broadcast_in_dim3A_280 = arith.constant 0.000000e+00 : f32
        %broadcast_in_dim3A_281 = vector.broadcast %broadcast_in_dim3A_280 : f32 to vector<16xf32>
        %broadcast_in_dim3A_282 = arith.constant 0.000000e+00 : f32
        %broadcast_in_dim3A_283 = vector.broadcast %broadcast_in_dim3A_282 : f32 to vector<16xf32>
        %broadcast_in_dim3A_284 = arith.constant 0.000000e+00 : f32
        %broadcast_in_dim3A_285 = vector.broadcast %broadcast_in_dim3A_284 : f32 to vector<16xf32>
        %broadcast_in_dim3A_286 = arith.constant 0.000000e+00 : f32
        %broadcast_in_dim3A_287 = vector.broadcast %broadcast_in_dim3A_286 : f32 to vector<16xf32>
        %broadcast_in_dim3A_288 = arith.constant 0.000000e+00 : f32
        %broadcast_in_dim3A_289 = vector.broadcast %broadcast_in_dim3A_288 : f32 to vector<16xf32>
        %mul3A_290 = arith.constant 12 : i32
        %mul3A_291 = arith.muli %scan3A_277, %mul3A_290 : i32
        %add3A_292 = arith.constant 0 : i32
        %add3A_293 = arith.addi %add3A_292, %mul3A_291 : i32
        %get3A = arith.index_cast %add3A_293 : i32 to index
        %get3A_294 = tpu.vector_load %arg12[%get3A] {strides = array<i32>} : memref<1552xf32, #tpu.memory_space<vmem>>, vector<16xf32>,
        %get3A_295 = vector.shape_cast %get3A_294 : vector<16xf32> to vector<16xf32>
        %mul3A_296 = arith.constant 12 : i32
        %mul3A_297 = arith.muli %scan3A_277, %mul3A_296 : i32
        %add3A_298 = arith.constant 0 : i32
        %add3A_299 = arith.addi %add3A_298, %mul3A_297 : i32
        %get3A_300 = arith.index_cast %add3A_299 : i32 to index
        %get3A_301 = tpu.vector_load %arg11[%get3A_300] {strides = array<i32>} : memref<1552xi32, #tpu.memory_space<vmem>>, vector<16xi32>,
        %get3A_302 = vector.shape_cast %get3A_301 : vector<16xi32> to vector<16xi32>
        %slice3A = vector.extract_strided_slice %get3A_295 {offsets = [0], sizes = [1], strides = [1]} : vector<16xf32> to vector<1xf32>
        %squeeze3A = vector.extract %slice3A[0] : f32 from vector<1xf32>
        %slice3A_303 = vector.extract_strided_slice %get3A_302 {offsets = [0], sizes = [1], strides = [1]} : vector<16xi32> to vector<1xi32>
        %squeeze3A_304 = vector.extract %slice3A_303[0] : i32 from vector<1xi32>
        %shift_right_logical3A = arith.constant 3 : i32
        %shift_right_logical3A_305 = arith.shrui %squeeze3A_304, %shift_right_logical3A : i32
        %and3A = arith.constant 7 : i32
        %and3A_306 = arith.andi %squeeze3A_304, %and3A : i32
        %get3A_307 = arith.index_cast %shift_right_logical3A_305 : i32 to index
        %get3A_308 = arith.index_cast %and3A_306 : i32 to index
        %get3A_309 = arith.constant 0 : index
        %get3A_310 = tpu.vector_load %arg13[%get3A_307, %get3A_308, %get3A_309] {strides = array<i32>} : memref<56x8x128xf32, #tpu.memory_space<vmem>>, vector<1x1x16xf32>,
        %get3A_311 = vector.shape_cast %get3A_310 : vector<1x1x16xf32> to vector<16xf32>
        %mul3A_312 = vector.broadcast %squeeze3A : f32 to vector<16xf32>
        %mul3A_313 = arith.mulf %mul3A_312, %get3A_311 : vector<16xf32>
        %add3A_314 = arith.addf %broadcast_in_dim3A_279, %mul3A_313 : vector<16xf32>
        %get3A_315 = arith.index_cast %shift_right_logical3A_305 : i32 to index
        %get3A_316 = arith.index_cast %and3A_306 : i32 to index
        %get3A_317 = arith.constant 16 : index
        %get3A_318 = tpu.vector_load %arg13[%get3A_315, %get3A_316, %get3A_317] {strides = array<i32>} : memref<56x8x128xf32, #tpu.memory_space<vmem>>, vector<1x1x16xf32>,
        %get3A_319 = vector.shape_cast %get3A_318 : vector<1x1x16xf32> to vector<16xf32>
        %mul3A_320 = vector.broadcast %squeeze3A : f32 to vector<16xf32>
        %mul3A_321 = arith.mulf %mul3A_320, %get3A_319 : vector<16xf32>
        %add3A_322 = arith.addf %broadcast_in_dim3A_281, %mul3A_321 : vector<16xf32>
        %get3A_323 = arith.index_cast %shift_right_logical3A_305 : i32 to index
        %get3A_324 = arith.index_cast %and3A_306 : i32 to index
        %get3A_325 = arith.constant 32 : index
        %get3A_326 = tpu.vector_load %arg13[%get3A_323, %get3A_324, %get3A_325] {strides = array<i32>} : memref<56x8x128xf32, #tpu.memory_space<vmem>>, vector<1x1x16xf32>,
        %get3A_327 = vector.shape_cast %get3A_326 : vector<1x1x16xf32> to vector<16xf32>
        %mul3A_328 = vector.broadcast %squeeze3A : f32 to vector<16xf32>
        %mul3A_329 = arith.mulf %mul3A_328, %get3A_327 : vector<16xf32>
        %add3A_330 = arith.addf %broadcast_in_dim3A_283, %mul3A_329 : vector<16xf32>
        %get3A_331 = arith.index_cast %shift_right_logical3A_305 : i32 to index
        %get3A_332 = arith.index_cast %and3A_306 : i32 to index
        %get3A_333 = arith.constant 48 : index
        %get3A_334 = tpu.vector_load %arg13[%get3A_331, %get3A_332, %get3A_333] {strides = array<i32>} : memref<56x8x128xf32, #tpu.memory_space<vmem>>, vector<1x1x16xf32>,
        %get3A_335 = vector.shape_cast %get3A_334 : vector<1x1x16xf32> to vector<16xf32>
        %mul3A_336 = vector.broadcast %squeeze3A : f32 to vector<16xf32>
        %mul3A_337 = arith.mulf %mul3A_336, %get3A_335 : vector<16xf32>
        %add3A_338 = arith.addf %broadcast_in_dim3A_285, %mul3A_337 : vector<16xf32>
        %get3A_339 = arith.index_cast %shift_right_logical3A_305 : i32 to index
        %get3A_340 = arith.index_cast %and3A_306 : i32 to index
        %get3A_341 = arith.constant 64 : index
        %get3A_342 = tpu.vector_load %arg13[%get3A_339, %get3A_340, %get3A_341] {strides = array<i32>} : memref<56x8x128xf32, #tpu.memory_space<vmem>>, vector<1x1x16xf32>,
        %get3A_343 = vector.shape_cast %get3A_342 : vector<1x1x16xf32> to vector<16xf32>
        %mul3A_344 = vector.broadcast %squeeze3A : f32 to vector<16xf32>
        %mul3A_345 = arith.mulf %mul3A_344, %get3A_343 : vector<16xf32>
        %add3A_346 = arith.addf %broadcast_in_dim3A_287, %mul3A_345 : vector<16xf32>
        %get3A_347 = arith.index_cast %shift_right_logical3A_305 : i32 to index
        %get3A_348 = arith.index_cast %and3A_306 : i32 to index
        %get3A_349 = arith.constant 80 : index
        %get3A_350 = tpu.vector_load %arg13[%get3A_347, %get3A_348, %get3A_349] {strides = array<i32>} : memref<56x8x128xf32, #tpu.memory_space<vmem>>, vector<1x1x16xf32>,
        %get3A_351 = vector.shape_cast %get3A_350 : vector<1x1x16xf32> to vector<16xf32>
        %mul3A_352 = vector.broadcast %squeeze3A : f32 to vector<16xf32>
        %mul3A_353 = arith.mulf %mul3A_352, %get3A_351 : vector<16xf32>
        %add3A_354 = arith.addf %broadcast_in_dim3A_289, %mul3A_353 : vector<16xf32>
        %slice3A_355 = vector.extract_strided_slice %get3A_295 {offsets = [1], sizes = [1], strides = [1]} : vector<16xf32> to vector<1xf32>
        %squeeze3A_356 = vector.extract %slice3A_355[0] : f32 from vector<1xf32>
        %slice3A_357 = vector.extract_strided_slice %get3A_302 {offsets = [1], sizes = [1], strides = [1]} : vector<16xi32> to vector<1xi32>
        %squeeze3A_358 = vector.extract %slice3A_357[0] : i32 from vector<1xi32>
        %shift_right_logical3A_359 = arith.constant 3 : i32
        %shift_right_logical3A_360 = arith.shrui %squeeze3A_358, %shift_right_logical3A_359 : i32
        %and3A_361 = arith.constant 7 : i32
        %and3A_362 = arith.andi %squeeze3A_358, %and3A_361 : i32
        %get3A_363 = arith.index_cast %shift_right_logical3A_360 : i32 to index
        %get3A_364 = arith.index_cast %and3A_362 : i32 to index
        %get3A_365 = arith.constant 0 : index
        %get3A_366 = tpu.vector_load %arg13[%get3A_363, %get3A_364, %get3A_365] {strides = array<i32>} : memref<56x8x128xf32, #tpu.memory_space<vmem>>, vector<1x1x16xf32>,
        %get3A_367 = vector.shape_cast %get3A_366 : vector<1x1x16xf32> to vector<16xf32>
        %mul3A_368 = vector.broadcast %squeeze3A_356 : f32 to vector<16xf32>
        %mul3A_369 = arith.mulf %mul3A_368, %get3A_367 : vector<16xf32>
        %add3A_370 = arith.addf %add3A_314, %mul3A_369 : vector<16xf32>
        %get3A_371 = arith.index_cast %shift_right_logical3A_360 : i32 to index
        %get3A_372 = arith.index_cast %and3A_362 : i32 to index
        %get3A_373 = arith.constant 16 : index
        %get3A_374 = tpu.vector_load %arg13[%get3A_371, %get3A_372, %get3A_373] {strides = array<i32>} : memref<56x8x128xf32, #tpu.memory_space<vmem>>, vector<1x1x16xf32>,
        %get3A_375 = vector.shape_cast %get3A_374 : vector<1x1x16xf32> to vector<16xf32>
        %mul3A_376 = vector.broadcast %squeeze3A_356 : f32 to vector<16xf32>
        %mul3A_377 = arith.mulf %mul3A_376, %get3A_375 : vector<16xf32>
        %add3A_378 = arith.addf %add3A_322, %mul3A_377 : vector<16xf32>
        %get3A_379 = arith.index_cast %shift_right_logical3A_360 : i32 to index
        %get3A_380 = arith.index_cast %and3A_362 : i32 to index
        %get3A_381 = arith.constant 32 : index
        %get3A_382 = tpu.vector_load %arg13[%get3A_379, %get3A_380, %get3A_381] {strides = array<i32>} : memref<56x8x128xf32, #tpu.memory_space<vmem>>, vector<1x1x16xf32>,
        %get3A_383 = vector.shape_cast %get3A_382 : vector<1x1x16xf32> to vector<16xf32>
        %mul3A_384 = vector.broadcast %squeeze3A_356 : f32 to vector<16xf32>
        %mul3A_385 = arith.mulf %mul3A_384, %get3A_383 : vector<16xf32>
        %add3A_386 = arith.addf %add3A_330, %mul3A_385 : vector<16xf32>
        %get3A_387 = arith.index_cast %shift_right_logical3A_360 : i32 to index
        %get3A_388 = arith.index_cast %and3A_362 : i32 to index
        %get3A_389 = arith.constant 48 : index
        %get3A_390 = tpu.vector_load %arg13[%get3A_387, %get3A_388, %get3A_389] {strides = array<i32>} : memref<56x8x128xf32, #tpu.memory_space<vmem>>, vector<1x1x16xf32>,
        %get3A_391 = vector.shape_cast %get3A_390 : vector<1x1x16xf32> to vector<16xf32>
        %mul3A_392 = vector.broadcast %squeeze3A_356 : f32 to vector<16xf32>
        %mul3A_393 = arith.mulf %mul3A_392, %get3A_391 : vector<16xf32>
        %add3A_394 = arith.addf %add3A_338, %mul3A_393 : vector<16xf32>
        %get3A_395 = arith.index_cast %shift_right_logical3A_360 : i32 to index
        %get3A_396 = arith.index_cast %and3A_362 : i32 to index
        %get3A_397 = arith.constant 64 : index
        %get3A_398 = tpu.vector_load %arg13[%get3A_395, %get3A_396, %get3A_397] {strides = array<i32>} : memref<56x8x128xf32, #tpu.memory_space<vmem>>, vector<1x1x16xf32>,
        %get3A_399 = vector.shape_cast %get3A_398 : vector<1x1x16xf32> to vector<16xf32>
        %mul3A_400 = vector.broadcast %squeeze3A_356 : f32 to vector<16xf32>
        %mul3A_401 = arith.mulf %mul3A_400, %get3A_399 : vector<16xf32>
        %add3A_402 = arith.addf %add3A_346, %mul3A_401 : vector<16xf32>
        %get3A_403 = arith.index_cast %shift_right_logical3A_360 : i32 to index
        %get3A_404 = arith.index_cast %and3A_362 : i32 to index
        %get3A_405 = arith.constant 80 : index
        %get3A_406 = tpu.vector_load %arg13[%get3A_403, %get3A_404, %get3A_405] {strides = array<i32>} : memref<56x8x128xf32, #tpu.memory_space<vmem>>, vector<1x1x16xf32>,
        %get3A_407 = vector.shape_cast %get3A_406 : vector<1x1x16xf32> to vector<16xf32>
        %mul3A_408 = vector.broadcast %squeeze3A_356 : f32 to vector<16xf32>
        %mul3A_409 = arith.mulf %mul3A_408, %get3A_407 : vector<16xf32>
        %add3A_410 = arith.addf %add3A_354, %mul3A_409 : vector<16xf32>
        %slice3A_411 = vector.extract_strided_slice %get3A_295 {offsets = [2], sizes = [1], strides = [1]} : vector<16xf32> to vector<1xf32>
        %squeeze3A_412 = vector.extract %slice3A_411[0] : f32 from vector<1xf32>
        %slice3A_413 = vector.extract_strided_slice %get3A_302 {offsets = [2], sizes = [1], strides = [1]} : vector<16xi32> to vector<1xi32>
        %squeeze3A_414 = vector.extract %slice3A_413[0] : i32 from vector<1xi32>
        %shift_right_logical3A_415 = arith.constant 3 : i32
        %shift_right_logical3A_416 = arith.shrui %squeeze3A_414, %shift_right_logical3A_415 : i32
        %and3A_417 = arith.constant 7 : i32
        %and3A_418 = arith.andi %squeeze3A_414, %and3A_417 : i32
        %get3A_419 = arith.index_cast %shift_right_logical3A_416 : i32 to index
        %get3A_420 = arith.index_cast %and3A_418 : i32 to index
        %get3A_421 = arith.constant 0 : index
        %get3A_422 = tpu.vector_load %arg13[%get3A_419, %get3A_420, %get3A_421] {strides = array<i32>} : memref<56x8x128xf32, #tpu.memory_space<vmem>>, vector<1x1x16xf32>,
        %get3A_423 = vector.shape_cast %get3A_422 : vector<1x1x16xf32> to vector<16xf32>
        %mul3A_424 = vector.broadcast %squeeze3A_412 : f32 to vector<16xf32>
        %mul3A_425 = arith.mulf %mul3A_424, %get3A_423 : vector<16xf32>
        %add3A_426 = arith.addf %add3A_370, %mul3A_425 : vector<16xf32>
        %get3A_427 = arith.index_cast %shift_right_logical3A_416 : i32 to index
        %get3A_428 = arith.index_cast %and3A_418 : i32 to index
        %get3A_429 = arith.constant 16 : index
        %get3A_430 = tpu.vector_load %arg13[%get3A_427, %get3A_428, %get3A_429] {strides = array<i32>} : memref<56x8x128xf32, #tpu.memory_space<vmem>>, vector<1x1x16xf32>,
        %get3A_431 = vector.shape_cast %get3A_430 : vector<1x1x16xf32> to vector<16xf32>
        %mul3A_432 = vector.broadcast %squeeze3A_412 : f32 to vector<16xf32>
        %mul3A_433 = arith.mulf %mul3A_432, %get3A_431 : vector<16xf32>
        %add3A_434 = arith.addf %add3A_378, %mul3A_433 : vector<16xf32>
        %get3A_435 = arith.index_cast %shift_right_logical3A_416 : i32 to index
        %get3A_436 = arith.index_cast %and3A_418 : i32 to index
        %get3A_437 = arith.constant 32 : index
        %get3A_438 = tpu.vector_load %arg13[%get3A_435, %get3A_436, %get3A_437] {strides = array<i32>} : memref<56x8x128xf32, #tpu.memory_space<vmem>>, vector<1x1x16xf32>,
        %get3A_439 = vector.shape_cast %get3A_438 : vector<1x1x16xf32> to vector<16xf32>
        %mul3A_440 = vector.broadcast %squeeze3A_412 : f32 to vector<16xf32>
        %mul3A_441 = arith.mulf %mul3A_440, %get3A_439 : vector<16xf32>
        %add3A_442 = arith.addf %add3A_386, %mul3A_441 : vector<16xf32>
        %get3A_443 = arith.index_cast %shift_right_logical3A_416 : i32 to index
        %get3A_444 = arith.index_cast %and3A_418 : i32 to index
        %get3A_445 = arith.constant 48 : index
        %get3A_446 = tpu.vector_load %arg13[%get3A_443, %get3A_444, %get3A_445] {strides = array<i32>} : memref<56x8x128xf32, #tpu.memory_space<vmem>>, vector<1x1x16xf32>,
        %get3A_447 = vector.shape_cast %get3A_446 : vector<1x1x16xf32> to vector<16xf32>
        %mul3A_448 = vector.broadcast %squeeze3A_412 : f32 to vector<16xf32>
        %mul3A_449 = arith.mulf %mul3A_448, %get3A_447 : vector<16xf32>
        %add3A_450 = arith.addf %add3A_394, %mul3A_449 : vector<16xf32>
        %get3A_451 = arith.index_cast %shift_right_logical3A_416 : i32 to index
        %get3A_452 = arith.index_cast %and3A_418 : i32 to index
        %get3A_453 = arith.constant 64 : index
        %get3A_454 = tpu.vector_load %arg13[%get3A_451, %get3A_452, %get3A_453] {strides = array<i32>} : memref<56x8x128xf32, #tpu.memory_space<vmem>>, vector<1x1x16xf32>,
        %get3A_455 = vector.shape_cast %get3A_454 : vector<1x1x16xf32> to vector<16xf32>
        %mul3A_456 = vector.broadcast %squeeze3A_412 : f32 to vector<16xf32>
        %mul3A_457 = arith.mulf %mul3A_456, %get3A_455 : vector<16xf32>
        %add3A_458 = arith.addf %add3A_402, %mul3A_457 : vector<16xf32>
        %get3A_459 = arith.index_cast %shift_right_logical3A_416 : i32 to index
        %get3A_460 = arith.index_cast %and3A_418 : i32 to index
        %get3A_461 = arith.constant 80 : index
        %get3A_462 = tpu.vector_load %arg13[%get3A_459, %get3A_460, %get3A_461] {strides = array<i32>} : memref<56x8x128xf32, #tpu.memory_space<vmem>>, vector<1x1x16xf32>,
        %get3A_463 = vector.shape_cast %get3A_462 : vector<1x1x16xf32> to vector<16xf32>
        %mul3A_464 = vector.broadcast %squeeze3A_412 : f32 to vector<16xf32>
        %mul3A_465 = arith.mulf %mul3A_464, %get3A_463 : vector<16xf32>
        %add3A_466 = arith.addf %add3A_410, %mul3A_465 : vector<16xf32>
        %slice3A_467 = vector.extract_strided_slice %get3A_295 {offsets = [3], sizes = [1], strides = [1]} : vector<16xf32> to vector<1xf32>
        %squeeze3A_468 = vector.extract %slice3A_467[0] : f32 from vector<1xf32>
        %slice3A_469 = vector.extract_strided_slice %get3A_302 {offsets = [3], sizes = [1], strides = [1]} : vector<16xi32> to vector<1xi32>
        %squeeze3A_470 = vector.extract %slice3A_469[0] : i32 from vector<1xi32>
        %shift_right_logical3A_471 = arith.constant 3 : i32
        %shift_right_logical3A_472 = arith.shrui %squeeze3A_470, %shift_right_logical3A_471 : i32
        %and3A_473 = arith.constant 7 : i32
        %and3A_474 = arith.andi %squeeze3A_470, %and3A_473 : i32
        %get3A_475 = arith.index_cast %shift_right_logical3A_472 : i32 to index
        %get3A_476 = arith.index_cast %and3A_474 : i32 to index
        %get3A_477 = arith.constant 0 : index
        %get3A_478 = tpu.vector_load %arg13[%get3A_475, %get3A_476, %get3A_477] {strides = array<i32>} : memref<56x8x128xf32, #tpu.memory_space<vmem>>, vector<1x1x16xf32>,
        %get3A_479 = vector.shape_cast %get3A_478 : vector<1x1x16xf32> to vector<16xf32>
        %mul3A_480 = vector.broadcast %squeeze3A_468 : f32 to vector<16xf32>
        %mul3A_481 = arith.mulf %mul3A_480, %get3A_479 : vector<16xf32>
        %add3A_482 = arith.addf %add3A_426, %mul3A_481 : vector<16xf32>
        %get3A_483 = arith.index_cast %shift_right_logical3A_472 : i32 to index
        %get3A_484 = arith.index_cast %and3A_474 : i32 to index
        %get3A_485 = arith.constant 16 : index
        %get3A_486 = tpu.vector_load %arg13[%get3A_483, %get3A_484, %get3A_485] {strides = array<i32>} : memref<56x8x128xf32, #tpu.memory_space<vmem>>, vector<1x1x16xf32>,
        %get3A_487 = vector.shape_cast %get3A_486 : vector<1x1x16xf32> to vector<16xf32>
        %mul3A_488 = vector.broadcast %squeeze3A_468 : f32 to vector<16xf32>
        %mul3A_489 = arith.mulf %mul3A_488, %get3A_487 : vector<16xf32>
        %add3A_490 = arith.addf %add3A_434, %mul3A_489 : vector<16xf32>
        %get3A_491 = arith.index_cast %shift_right_logical3A_472 : i32 to index
        %get3A_492 = arith.index_cast %and3A_474 : i32 to index
        %get3A_493 = arith.constant 32 : index
        %get3A_494 = tpu.vector_load %arg13[%get3A_491, %get3A_492, %get3A_493] {strides = array<i32>} : memref<56x8x128xf32, #tpu.memory_space<vmem>>, vector<1x1x16xf32>,
        %get3A_495 = vector.shape_cast %get3A_494 : vector<1x1x16xf32> to vector<16xf32>
        %mul3A_496 = vector.broadcast %squeeze3A_468 : f32 to vector<16xf32>
        %mul3A_497 = arith.mulf %mul3A_496, %get3A_495 : vector<16xf32>
        %add3A_498 = arith.addf %add3A_442, %mul3A_497 : vector<16xf32>
        %get3A_499 = arith.index_cast %shift_right_logical3A_472 : i32 to index
        %get3A_500 = arith.index_cast %and3A_474 : i32 to index
        %get3A_501 = arith.constant 48 : index
        %get3A_502 = tpu.vector_load %arg13[%get3A_499, %get3A_500, %get3A_501] {strides = array<i32>} : memref<56x8x128xf32, #tpu.memory_space<vmem>>, vector<1x1x16xf32>,
        %get3A_503 = vector.shape_cast %get3A_502 : vector<1x1x16xf32> to vector<16xf32>
        %mul3A_504 = vector.broadcast %squeeze3A_468 : f32 to vector<16xf32>
        %mul3A_505 = arith.mulf %mul3A_504, %get3A_503 : vector<16xf32>
        %add3A_506 = arith.addf %add3A_450, %mul3A_505 : vector<16xf32>
        %get3A_507 = arith.index_cast %shift_right_logical3A_472 : i32 to index
        %get3A_508 = arith.index_cast %and3A_474 : i32 to index
        %get3A_509 = arith.constant 64 : index
        %get3A_510 = tpu.vector_load %arg13[%get3A_507, %get3A_508, %get3A_509] {strides = array<i32>} : memref<56x8x128xf32, #tpu.memory_space<vmem>>, vector<1x1x16xf32>,
        %get3A_511 = vector.shape_cast %get3A_510 : vector<1x1x16xf32> to vector<16xf32>
        %mul3A_512 = vector.broadcast %squeeze3A_468 : f32 to vector<16xf32>
        %mul3A_513 = arith.mulf %mul3A_512, %get3A_511 : vector<16xf32>
        %add3A_514 = arith.addf %add3A_458, %mul3A_513 : vector<16xf32>
        %get3A_515 = arith.index_cast %shift_right_logical3A_472 : i32 to index
        %get3A_516 = arith.index_cast %and3A_474 : i32 to index
        %get3A_517 = arith.constant 80 : index
        %get3A_518 = tpu.vector_load %arg13[%get3A_515, %get3A_516, %get3A_517] {strides = array<i32>} : memref<56x8x128xf32, #tpu.memory_space<vmem>>, vector<1x1x16xf32>,
        %get3A_519 = vector.shape_cast %get3A_518 : vector<1x1x16xf32> to vector<16xf32>
        %mul3A_520 = vector.broadcast %squeeze3A_468 : f32 to vector<16xf32>
        %mul3A_521 = arith.mulf %mul3A_520, %get3A_519 : vector<16xf32>
        %add3A_522 = arith.addf %add3A_466, %mul3A_521 : vector<16xf32>
        %slice3A_523 = vector.extract_strided_slice %get3A_295 {offsets = [4], sizes = [1], strides = [1]} : vector<16xf32> to vector<1xf32>
        %squeeze3A_524 = vector.extract %slice3A_523[0] : f32 from vector<1xf32>
        %slice3A_525 = vector.extract_strided_slice %get3A_302 {offsets = [4], sizes = [1], strides = [1]} : vector<16xi32> to vector<1xi32>
        %squeeze3A_526 = vector.extract %slice3A_525[0] : i32 from vector<1xi32>
        %shift_right_logical3A_527 = arith.constant 3 : i32
        %shift_right_logical3A_528 = arith.shrui %squeeze3A_526, %shift_right_logical3A_527 : i32
        %and3A_529 = arith.constant 7 : i32
        %and3A_530 = arith.andi %squeeze3A_526, %and3A_529 : i32
        %get3A_531 = arith.index_cast %shift_right_logical3A_528 : i32 to index
        %get3A_532 = arith.index_cast %and3A_530 : i32 to index
        %get3A_533 = arith.constant 0 : index
        %get3A_534 = tpu.vector_load %arg13[%get3A_531, %get3A_532, %get3A_533] {strides = array<i32>} : memref<56x8x128xf32, #tpu.memory_space<vmem>>, vector<1x1x16xf32>,
        %get3A_535 = vector.shape_cast %get3A_534 : vector<1x1x16xf32> to vector<16xf32>
        %mul3A_536 = vector.broadcast %squeeze3A_524 : f32 to vector<16xf32>
        %mul3A_537 = arith.mulf %mul3A_536, %get3A_535 : vector<16xf32>
        %add3A_538 = arith.addf %add3A_482, %mul3A_537 : vector<16xf32>
        %get3A_539 = arith.index_cast %shift_right_logical3A_528 : i32 to index
        %get3A_540 = arith.index_cast %and3A_530 : i32 to index
        %get3A_541 = arith.constant 16 : index
        %get3A_542 = tpu.vector_load %arg13[%get3A_539, %get3A_540, %get3A_541] {strides = array<i32>} : memref<56x8x128xf32, #tpu.memory_space<vmem>>, vector<1x1x16xf32>,
        %get3A_543 = vector.shape_cast %get3A_542 : vector<1x1x16xf32> to vector<16xf32>
        %mul3A_544 = vector.broadcast %squeeze3A_524 : f32 to vector<16xf32>
        %mul3A_545 = arith.mulf %mul3A_544, %get3A_543 : vector<16xf32>
        %add3A_546 = arith.addf %add3A_490, %mul3A_545 : vector<16xf32>
        %get3A_547 = arith.index_cast %shift_right_logical3A_528 : i32 to index
        %get3A_548 = arith.index_cast %and3A_530 : i32 to index
        %get3A_549 = arith.constant 32 : index
        %get3A_550 = tpu.vector_load %arg13[%get3A_547, %get3A_548, %get3A_549] {strides = array<i32>} : memref<56x8x128xf32, #tpu.memory_space<vmem>>, vector<1x1x16xf32>,
        %get3A_551 = vector.shape_cast %get3A_550 : vector<1x1x16xf32> to vector<16xf32>
        %mul3A_552 = vector.broadcast %squeeze3A_524 : f32 to vector<16xf32>
        %mul3A_553 = arith.mulf %mul3A_552, %get3A_551 : vector<16xf32>
        %add3A_554 = arith.addf %add3A_498, %mul3A_553 : vector<16xf32>
        %get3A_555 = arith.index_cast %shift_right_logical3A_528 : i32 to index
        %get3A_556 = arith.index_cast %and3A_530 : i32 to index
        %get3A_557 = arith.constant 48 : index
        %get3A_558 = tpu.vector_load %arg13[%get3A_555, %get3A_556, %get3A_557] {strides = array<i32>} : memref<56x8x128xf32, #tpu.memory_space<vmem>>, vector<1x1x16xf32>,
        %get3A_559 = vector.shape_cast %get3A_558 : vector<1x1x16xf32> to vector<16xf32>
        %mul3A_560 = vector.broadcast %squeeze3A_524 : f32 to vector<16xf32>
        %mul3A_561 = arith.mulf %mul3A_560, %get3A_559 : vector<16xf32>
        %add3A_562 = arith.addf %add3A_506, %mul3A_561 : vector<16xf32>
        %get3A_563 = arith.index_cast %shift_right_logical3A_528 : i32 to index
        %get3A_564 = arith.index_cast %and3A_530 : i32 to index
        %get3A_565 = arith.constant 64 : index
        %get3A_566 = tpu.vector_load %arg13[%get3A_563, %get3A_564, %get3A_565] {strides = array<i32>} : memref<56x8x128xf32, #tpu.memory_space<vmem>>, vector<1x1x16xf32>,
        %get3A_567 = vector.shape_cast %get3A_566 : vector<1x1x16xf32> to vector<16xf32>
        %mul3A_568 = vector.broadcast %squeeze3A_524 : f32 to vector<16xf32>
        %mul3A_569 = arith.mulf %mul3A_568, %get3A_567 : vector<16xf32>
        %add3A_570 = arith.addf %add3A_514, %mul3A_569 : vector<16xf32>
        %get3A_571 = arith.index_cast %shift_right_logical3A_528 : i32 to index
        %get3A_572 = arith.index_cast %and3A_530 : i32 to index
        %get3A_573 = arith.constant 80 : index
        %get3A_574 = tpu.vector_load %arg13[%get3A_571, %get3A_572, %get3A_573] {strides = array<i32>} : memref<56x8x128xf32, #tpu.memory_space<vmem>>, vector<1x1x16xf32>,
        %get3A_575 = vector.shape_cast %get3A_574 : vector<1x1x16xf32> to vector<16xf32>
        %mul3A_576 = vector.broadcast %squeeze3A_524 : f32 to vector<16xf32>
        %mul3A_577 = arith.mulf %mul3A_576, %get3A_575 : vector<16xf32>
        %add3A_578 = arith.addf %add3A_522, %mul3A_577 : vector<16xf32>
        %slice3A_579 = vector.extract_strided_slice %get3A_295 {offsets = [5], sizes = [1], strides = [1]} : vector<16xf32> to vector<1xf32>
        %squeeze3A_580 = vector.extract %slice3A_579[0] : f32 from vector<1xf32>
        %slice3A_581 = vector.extract_strided_slice %get3A_302 {offsets = [5], sizes = [1], strides = [1]} : vector<16xi32> to vector<1xi32>
        %squeeze3A_582 = vector.extract %slice3A_581[0] : i32 from vector<1xi32>
        %shift_right_logical3A_583 = arith.constant 3 : i32
        %shift_right_logical3A_584 = arith.shrui %squeeze3A_582, %shift_right_logical3A_583 : i32
        %and3A_585 = arith.constant 7 : i32
        %and3A_586 = arith.andi %squeeze3A_582, %and3A_585 : i32
        %get3A_587 = arith.index_cast %shift_right_logical3A_584 : i32 to index
        %get3A_588 = arith.index_cast %and3A_586 : i32 to index
        %get3A_589 = arith.constant 0 : index
        %get3A_590 = tpu.vector_load %arg13[%get3A_587, %get3A_588, %get3A_589] {strides = array<i32>} : memref<56x8x128xf32, #tpu.memory_space<vmem>>, vector<1x1x16xf32>,
        %get3A_591 = vector.shape_cast %get3A_590 : vector<1x1x16xf32> to vector<16xf32>
        %mul3A_592 = vector.broadcast %squeeze3A_580 : f32 to vector<16xf32>
        %mul3A_593 = arith.mulf %mul3A_592, %get3A_591 : vector<16xf32>
        %add3A_594 = arith.addf %add3A_538, %mul3A_593 : vector<16xf32>
        %get3A_595 = arith.index_cast %shift_right_logical3A_584 : i32 to index
        %get3A_596 = arith.index_cast %and3A_586 : i32 to index
        %get3A_597 = arith.constant 16 : index
        %get3A_598 = tpu.vector_load %arg13[%get3A_595, %get3A_596, %get3A_597] {strides = array<i32>} : memref<56x8x128xf32, #tpu.memory_space<vmem>>, vector<1x1x16xf32>,
        %get3A_599 = vector.shape_cast %get3A_598 : vector<1x1x16xf32> to vector<16xf32>
        %mul3A_600 = vector.broadcast %squeeze3A_580 : f32 to vector<16xf32>
        %mul3A_601 = arith.mulf %mul3A_600, %get3A_599 : vector<16xf32>
        %add3A_602 = arith.addf %add3A_546, %mul3A_601 : vector<16xf32>
        %get3A_603 = arith.index_cast %shift_right_logical3A_584 : i32 to index
        %get3A_604 = arith.index_cast %and3A_586 : i32 to index
        %get3A_605 = arith.constant 32 : index
        %get3A_606 = tpu.vector_load %arg13[%get3A_603, %get3A_604, %get3A_605] {strides = array<i32>} : memref<56x8x128xf32, #tpu.memory_space<vmem>>, vector<1x1x16xf32>,
        %get3A_607 = vector.shape_cast %get3A_606 : vector<1x1x16xf32> to vector<16xf32>
        %mul3A_608 = vector.broadcast %squeeze3A_580 : f32 to vector<16xf32>
        %mul3A_609 = arith.mulf %mul3A_608, %get3A_607 : vector<16xf32>
        %add3A_610 = arith.addf %add3A_554, %mul3A_609 : vector<16xf32>
        %get3A_611 = arith.index_cast %shift_right_logical3A_584 : i32 to index
        %get3A_612 = arith.index_cast %and3A_586 : i32 to index
        %get3A_613 = arith.constant 48 : index
        %get3A_614 = tpu.vector_load %arg13[%get3A_611, %get3A_612, %get3A_613] {strides = array<i32>} : memref<56x8x128xf32, #tpu.memory_space<vmem>>, vector<1x1x16xf32>,
        %get3A_615 = vector.shape_cast %get3A_614 : vector<1x1x16xf32> to vector<16xf32>
        %mul3A_616 = vector.broadcast %squeeze3A_580 : f32 to vector<16xf32>
        %mul3A_617 = arith.mulf %mul3A_616, %get3A_615 : vector<16xf32>
        %add3A_618 = arith.addf %add3A_562, %mul3A_617 : vector<16xf32>
        %get3A_619 = arith.index_cast %shift_right_logical3A_584 : i32 to index
        %get3A_620 = arith.index_cast %and3A_586 : i32 to index
        %get3A_621 = arith.constant 64 : index
        %get3A_622 = tpu.vector_load %arg13[%get3A_619, %get3A_620, %get3A_621] {strides = array<i32>} : memref<56x8x128xf32, #tpu.memory_space<vmem>>, vector<1x1x16xf32>,
        %get3A_623 = vector.shape_cast %get3A_622 : vector<1x1x16xf32> to vector<16xf32>
        %mul3A_624 = vector.broadcast %squeeze3A_580 : f32 to vector<16xf32>
        %mul3A_625 = arith.mulf %mul3A_624, %get3A_623 : vector<16xf32>
        %add3A_626 = arith.addf %add3A_570, %mul3A_625 : vector<16xf32>
        %get3A_627 = arith.index_cast %shift_right_logical3A_584 : i32 to index
        %get3A_628 = arith.index_cast %and3A_586 : i32 to index
        %get3A_629 = arith.constant 80 : index
        %get3A_630 = tpu.vector_load %arg13[%get3A_627, %get3A_628, %get3A_629] {strides = array<i32>} : memref<56x8x128xf32, #tpu.memory_space<vmem>>, vector<1x1x16xf32>,
        %get3A_631 = vector.shape_cast %get3A_630 : vector<1x1x16xf32> to vector<16xf32>
        %mul3A_632 = vector.broadcast %squeeze3A_580 : f32 to vector<16xf32>
        %mul3A_633 = arith.mulf %mul3A_632, %get3A_631 : vector<16xf32>
        %add3A_634 = arith.addf %add3A_578, %mul3A_633 : vector<16xf32>
        %slice3A_635 = vector.extract_strided_slice %get3A_295 {offsets = [6], sizes = [1], strides = [1]} : vector<16xf32> to vector<1xf32>
        %squeeze3A_636 = vector.extract %slice3A_635[0] : f32 from vector<1xf32>
        %slice3A_637 = vector.extract_strided_slice %get3A_302 {offsets = [6], sizes = [1], strides = [1]} : vector<16xi32> to vector<1xi32>
        %squeeze3A_638 = vector.extract %slice3A_637[0] : i32 from vector<1xi32>
        %shift_right_logical3A_639 = arith.constant 3 : i32
        %shift_right_logical3A_640 = arith.shrui %squeeze3A_638, %shift_right_logical3A_639 : i32
        %and3A_641 = arith.constant 7 : i32
        %and3A_642 = arith.andi %squeeze3A_638, %and3A_641 : i32
        %get3A_643 = arith.index_cast %shift_right_logical3A_640 : i32 to index
        %get3A_644 = arith.index_cast %and3A_642 : i32 to index
        %get3A_645 = arith.constant 0 : index
        %get3A_646 = tpu.vector_load %arg13[%get3A_643, %get3A_644, %get3A_645] {strides = array<i32>} : memref<56x8x128xf32, #tpu.memory_space<vmem>>, vector<1x1x16xf32>,
        %get3A_647 = vector.shape_cast %get3A_646 : vector<1x1x16xf32> to vector<16xf32>
        %mul3A_648 = vector.broadcast %squeeze3A_636 : f32 to vector<16xf32>
        %mul3A_649 = arith.mulf %mul3A_648, %get3A_647 : vector<16xf32>
        %add3A_650 = arith.addf %add3A_594, %mul3A_649 : vector<16xf32>
        %get3A_651 = arith.index_cast %shift_right_logical3A_640 : i32 to index
        %get3A_652 = arith.index_cast %and3A_642 : i32 to index
        %get3A_653 = arith.constant 16 : index
        %get3A_654 = tpu.vector_load %arg13[%get3A_651, %get3A_652, %get3A_653] {strides = array<i32>} : memref<56x8x128xf32, #tpu.memory_space<vmem>>, vector<1x1x16xf32>,
        %get3A_655 = vector.shape_cast %get3A_654 : vector<1x1x16xf32> to vector<16xf32>
        %mul3A_656 = vector.broadcast %squeeze3A_636 : f32 to vector<16xf32>
        %mul3A_657 = arith.mulf %mul3A_656, %get3A_655 : vector<16xf32>
        %add3A_658 = arith.addf %add3A_602, %mul3A_657 : vector<16xf32>
        %get3A_659 = arith.index_cast %shift_right_logical3A_640 : i32 to index
        %get3A_660 = arith.index_cast %and3A_642 : i32 to index
        %get3A_661 = arith.constant 32 : index
        %get3A_662 = tpu.vector_load %arg13[%get3A_659, %get3A_660, %get3A_661] {strides = array<i32>} : memref<56x8x128xf32, #tpu.memory_space<vmem>>, vector<1x1x16xf32>,
        %get3A_663 = vector.shape_cast %get3A_662 : vector<1x1x16xf32> to vector<16xf32>
        %mul3A_664 = vector.broadcast %squeeze3A_636 : f32 to vector<16xf32>
        %mul3A_665 = arith.mulf %mul3A_664, %get3A_663 : vector<16xf32>
        %add3A_666 = arith.addf %add3A_610, %mul3A_665 : vector<16xf32>
        %get3A_667 = arith.index_cast %shift_right_logical3A_640 : i32 to index
        %get3A_668 = arith.index_cast %and3A_642 : i32 to index
        %get3A_669 = arith.constant 48 : index
        %get3A_670 = tpu.vector_load %arg13[%get3A_667, %get3A_668, %get3A_669] {strides = array<i32>} : memref<56x8x128xf32, #tpu.memory_space<vmem>>, vector<1x1x16xf32>,
        %get3A_671 = vector.shape_cast %get3A_670 : vector<1x1x16xf32> to vector<16xf32>
        %mul3A_672 = vector.broadcast %squeeze3A_636 : f32 to vector<16xf32>
        %mul3A_673 = arith.mulf %mul3A_672, %get3A_671 : vector<16xf32>
        %add3A_674 = arith.addf %add3A_618, %mul3A_673 : vector<16xf32>
        %get3A_675 = arith.index_cast %shift_right_logical3A_640 : i32 to index
        %get3A_676 = arith.index_cast %and3A_642 : i32 to index
        %get3A_677 = arith.constant 64 : index
        %get3A_678 = tpu.vector_load %arg13[%get3A_675, %get3A_676, %get3A_677] {strides = array<i32>} : memref<56x8x128xf32, #tpu.memory_space<vmem>>, vector<1x1x16xf32>,
        %get3A_679 = vector.shape_cast %get3A_678 : vector<1x1x16xf32> to vector<16xf32>
        %mul3A_680 = vector.broadcast %squeeze3A_636 : f32 to vector<16xf32>
        %mul3A_681 = arith.mulf %mul3A_680, %get3A_679 : vector<16xf32>
        %add3A_682 = arith.addf %add3A_626, %mul3A_681 : vector<16xf32>
        %get3A_683 = arith.index_cast %shift_right_logical3A_640 : i32 to index
        %get3A_684 = arith.index_cast %and3A_642 : i32 to index
        %get3A_685 = arith.constant 80 : index
        %get3A_686 = tpu.vector_load %arg13[%get3A_683, %get3A_684, %get3A_685] {strides = array<i32>} : memref<56x8x128xf32, #tpu.memory_space<vmem>>, vector<1x1x16xf32>,
        %get3A_687 = vector.shape_cast %get3A_686 : vector<1x1x16xf32> to vector<16xf32>
        %mul3A_688 = vector.broadcast %squeeze3A_636 : f32 to vector<16xf32>
        %mul3A_689 = arith.mulf %mul3A_688, %get3A_687 : vector<16xf32>
        %add3A_690 = arith.addf %add3A_634, %mul3A_689 : vector<16xf32>
        %slice3A_691 = vector.extract_strided_slice %get3A_295 {offsets = [7], sizes = [1], strides = [1]} : vector<16xf32> to vector<1xf32>
        %squeeze3A_692 = vector.extract %slice3A_691[0] : f32 from vector<1xf32>
        %slice3A_693 = vector.extract_strided_slice %get3A_302 {offsets = [7], sizes = [1], strides = [1]} : vector<16xi32> to vector<1xi32>
        %squeeze3A_694 = vector.extract %slice3A_693[0] : i32 from vector<1xi32>
        %shift_right_logical3A_695 = arith.constant 3 : i32
        %shift_right_logical3A_696 = arith.shrui %squeeze3A_694, %shift_right_logical3A_695 : i32
        %and3A_697 = arith.constant 7 : i32
        %and3A_698 = arith.andi %squeeze3A_694, %and3A_697 : i32
        %get3A_699 = arith.index_cast %shift_right_logical3A_696 : i32 to index
        %get3A_700 = arith.index_cast %and3A_698 : i32 to index
        %get3A_701 = arith.constant 0 : index
        %get3A_702 = tpu.vector_load %arg13[%get3A_699, %get3A_700, %get3A_701] {strides = array<i32>} : memref<56x8x128xf32, #tpu.memory_space<vmem>>, vector<1x1x16xf32>,
        %get3A_703 = vector.shape_cast %get3A_702 : vector<1x1x16xf32> to vector<16xf32>
        %mul3A_704 = vector.broadcast %squeeze3A_692 : f32 to vector<16xf32>
        %mul3A_705 = arith.mulf %mul3A_704, %get3A_703 : vector<16xf32>
        %add3A_706 = arith.addf %add3A_650, %mul3A_705 : vector<16xf32>
        %get3A_707 = arith.index_cast %shift_right_logical3A_696 : i32 to index
        %get3A_708 = arith.index_cast %and3A_698 : i32 to index
        %get3A_709 = arith.constant 16 : index
        %get3A_710 = tpu.vector_load %arg13[%get3A_707, %get3A_708, %get3A_709] {strides = array<i32>} : memref<56x8x128xf32, #tpu.memory_space<vmem>>, vector<1x1x16xf32>,
        %get3A_711 = vector.shape_cast %get3A_710 : vector<1x1x16xf32> to vector<16xf32>
        %mul3A_712 = vector.broadcast %squeeze3A_692 : f32 to vector<16xf32>
        %mul3A_713 = arith.mulf %mul3A_712, %get3A_711 : vector<16xf32>
        %add3A_714 = arith.addf %add3A_658, %mul3A_713 : vector<16xf32>
        %get3A_715 = arith.index_cast %shift_right_logical3A_696 : i32 to index
        %get3A_716 = arith.index_cast %and3A_698 : i32 to index
        %get3A_717 = arith.constant 32 : index
        %get3A_718 = tpu.vector_load %arg13[%get3A_715, %get3A_716, %get3A_717] {strides = array<i32>} : memref<56x8x128xf32, #tpu.memory_space<vmem>>, vector<1x1x16xf32>,
        %get3A_719 = vector.shape_cast %get3A_718 : vector<1x1x16xf32> to vector<16xf32>
        %mul3A_720 = vector.broadcast %squeeze3A_692 : f32 to vector<16xf32>
        %mul3A_721 = arith.mulf %mul3A_720, %get3A_719 : vector<16xf32>
        %add3A_722 = arith.addf %add3A_666, %mul3A_721 : vector<16xf32>
        %get3A_723 = arith.index_cast %shift_right_logical3A_696 : i32 to index
        %get3A_724 = arith.index_cast %and3A_698 : i32 to index
        %get3A_725 = arith.constant 48 : index
        %get3A_726 = tpu.vector_load %arg13[%get3A_723, %get3A_724, %get3A_725] {strides = array<i32>} : memref<56x8x128xf32, #tpu.memory_space<vmem>>, vector<1x1x16xf32>,
        %get3A_727 = vector.shape_cast %get3A_726 : vector<1x1x16xf32> to vector<16xf32>
        %mul3A_728 = vector.broadcast %squeeze3A_692 : f32 to vector<16xf32>
        %mul3A_729 = arith.mulf %mul3A_728, %get3A_727 : vector<16xf32>
        %add3A_730 = arith.addf %add3A_674, %mul3A_729 : vector<16xf32>
        %get3A_731 = arith.index_cast %shift_right_logical3A_696 : i32 to index
        %get3A_732 = arith.index_cast %and3A_698 : i32 to index
        %get3A_733 = arith.constant 64 : index
        %get3A_734 = tpu.vector_load %arg13[%get3A_731, %get3A_732, %get3A_733] {strides = array<i32>} : memref<56x8x128xf32, #tpu.memory_space<vmem>>, vector<1x1x16xf32>,
        %get3A_735 = vector.shape_cast %get3A_734 : vector<1x1x16xf32> to vector<16xf32>
        %mul3A_736 = vector.broadcast %squeeze3A_692 : f32 to vector<16xf32>
        %mul3A_737 = arith.mulf %mul3A_736, %get3A_735 : vector<16xf32>
        %add3A_738 = arith.addf %add3A_682, %mul3A_737 : vector<16xf32>
        %get3A_739 = arith.index_cast %shift_right_logical3A_696 : i32 to index
        %get3A_740 = arith.index_cast %and3A_698 : i32 to index
        %get3A_741 = arith.constant 80 : index
        %get3A_742 = tpu.vector_load %arg13[%get3A_739, %get3A_740, %get3A_741] {strides = array<i32>} : memref<56x8x128xf32, #tpu.memory_space<vmem>>, vector<1x1x16xf32>,
        %get3A_743 = vector.shape_cast %get3A_742 : vector<1x1x16xf32> to vector<16xf32>
        %mul3A_744 = vector.broadcast %squeeze3A_692 : f32 to vector<16xf32>
        %mul3A_745 = arith.mulf %mul3A_744, %get3A_743 : vector<16xf32>
        %add3A_746 = arith.addf %add3A_690, %mul3A_745 : vector<16xf32>
        %slice3A_747 = vector.extract_strided_slice %get3A_295 {offsets = [8], sizes = [1], strides = [1]} : vector<16xf32> to vector<1xf32>
        %squeeze3A_748 = vector.extract %slice3A_747[0] : f32 from vector<1xf32>
        %slice3A_749 = vector.extract_strided_slice %get3A_302 {offsets = [8], sizes = [1], strides = [1]} : vector<16xi32> to vector<1xi32>
        %squeeze3A_750 = vector.extract %slice3A_749[0] : i32 from vector<1xi32>
        %shift_right_logical3A_751 = arith.constant 3 : i32
        %shift_right_logical3A_752 = arith.shrui %squeeze3A_750, %shift_right_logical3A_751 : i32
        %and3A_753 = arith.constant 7 : i32
        %and3A_754 = arith.andi %squeeze3A_750, %and3A_753 : i32
        %get3A_755 = arith.index_cast %shift_right_logical3A_752 : i32 to index
        %get3A_756 = arith.index_cast %and3A_754 : i32 to index
        %get3A_757 = arith.constant 0 : index
        %get3A_758 = tpu.vector_load %arg13[%get3A_755, %get3A_756, %get3A_757] {strides = array<i32>} : memref<56x8x128xf32, #tpu.memory_space<vmem>>, vector<1x1x16xf32>,
        %get3A_759 = vector.shape_cast %get3A_758 : vector<1x1x16xf32> to vector<16xf32>
        %mul3A_760 = vector.broadcast %squeeze3A_748 : f32 to vector<16xf32>
        %mul3A_761 = arith.mulf %mul3A_760, %get3A_759 : vector<16xf32>
        %add3A_762 = arith.addf %add3A_706, %mul3A_761 : vector<16xf32>
        %get3A_763 = arith.index_cast %shift_right_logical3A_752 : i32 to index
        %get3A_764 = arith.index_cast %and3A_754 : i32 to index
        %get3A_765 = arith.constant 16 : index
        %get3A_766 = tpu.vector_load %arg13[%get3A_763, %get3A_764, %get3A_765] {strides = array<i32>} : memref<56x8x128xf32, #tpu.memory_space<vmem>>, vector<1x1x16xf32>,
        %get3A_767 = vector.shape_cast %get3A_766 : vector<1x1x16xf32> to vector<16xf32>
        %mul3A_768 = vector.broadcast %squeeze3A_748 : f32 to vector<16xf32>
        %mul3A_769 = arith.mulf %mul3A_768, %get3A_767 : vector<16xf32>
        %add3A_770 = arith.addf %add3A_714, %mul3A_769 : vector<16xf32>
        %get3A_771 = arith.index_cast %shift_right_logical3A_752 : i32 to index
        %get3A_772 = arith.index_cast %and3A_754 : i32 to index
        %get3A_773 = arith.constant 32 : index
        %get3A_774 = tpu.vector_load %arg13[%get3A_771, %get3A_772, %get3A_773] {strides = array<i32>} : memref<56x8x128xf32, #tpu.memory_space<vmem>>, vector<1x1x16xf32>,
        %get3A_775 = vector.shape_cast %get3A_774 : vector<1x1x16xf32> to vector<16xf32>
        %mul3A_776 = vector.broadcast %squeeze3A_748 : f32 to vector<16xf32>
        %mul3A_777 = arith.mulf %mul3A_776, %get3A_775 : vector<16xf32>
        %add3A_778 = arith.addf %add3A_722, %mul3A_777 : vector<16xf32>
        %get3A_779 = arith.index_cast %shift_right_logical3A_752 : i32 to index
        %get3A_780 = arith.index_cast %and3A_754 : i32 to index
        %get3A_781 = arith.constant 48 : index
        %get3A_782 = tpu.vector_load %arg13[%get3A_779, %get3A_780, %get3A_781] {strides = array<i32>} : memref<56x8x128xf32, #tpu.memory_space<vmem>>, vector<1x1x16xf32>,
        %get3A_783 = vector.shape_cast %get3A_782 : vector<1x1x16xf32> to vector<16xf32>
        %mul3A_784 = vector.broadcast %squeeze3A_748 : f32 to vector<16xf32>
        %mul3A_785 = arith.mulf %mul3A_784, %get3A_783 : vector<16xf32>
        %add3A_786 = arith.addf %add3A_730, %mul3A_785 : vector<16xf32>
        %get3A_787 = arith.index_cast %shift_right_logical3A_752 : i32 to index
        %get3A_788 = arith.index_cast %and3A_754 : i32 to index
        %get3A_789 = arith.constant 64 : index
        %get3A_790 = tpu.vector_load %arg13[%get3A_787, %get3A_788, %get3A_789] {strides = array<i32>} : memref<56x8x128xf32, #tpu.memory_space<vmem>>, vector<1x1x16xf32>,
        %get3A_791 = vector.shape_cast %get3A_790 : vector<1x1x16xf32> to vector<16xf32>
        %mul3A_792 = vector.broadcast %squeeze3A_748 : f32 to vector<16xf32>
        %mul3A_793 = arith.mulf %mul3A_792, %get3A_791 : vector<16xf32>
        %add3A_794 = arith.addf %add3A_738, %mul3A_793 : vector<16xf32>
        %get3A_795 = arith.index_cast %shift_right_logical3A_752 : i32 to index
        %get3A_796 = arith.index_cast %and3A_754 : i32 to index
        %get3A_797 = arith.constant 80 : index
        %get3A_798 = tpu.vector_load %arg13[%get3A_795, %get3A_796, %get3A_797] {strides = array<i32>} : memref<56x8x128xf32, #tpu.memory_space<vmem>>, vector<1x1x16xf32>,
        %get3A_799 = vector.shape_cast %get3A_798 : vector<1x1x16xf32> to vector<16xf32>
        %mul3A_800 = vector.broadcast %squeeze3A_748 : f32 to vector<16xf32>
        %mul3A_801 = arith.mulf %mul3A_800, %get3A_799 : vector<16xf32>
        %add3A_802 = arith.addf %add3A_746, %mul3A_801 : vector<16xf32>
        %slice3A_803 = vector.extract_strided_slice %get3A_295 {offsets = [9], sizes = [1], strides = [1]} : vector<16xf32> to vector<1xf32>
        %squeeze3A_804 = vector.extract %slice3A_803[0] : f32 from vector<1xf32>
        %slice3A_805 = vector.extract_strided_slice %get3A_302 {offsets = [9], sizes = [1], strides = [1]} : vector<16xi32> to vector<1xi32>
        %squeeze3A_806 = vector.extract %slice3A_805[0] : i32 from vector<1xi32>
        %shift_right_logical3A_807 = arith.constant 3 : i32
        %shift_right_logical3A_808 = arith.shrui %squeeze3A_806, %shift_right_logical3A_807 : i32
        %and3A_809 = arith.constant 7 : i32
        %and3A_810 = arith.andi %squeeze3A_806, %and3A_809 : i32
        %get3A_811 = arith.index_cast %shift_right_logical3A_808 : i32 to index
        %get3A_812 = arith.index_cast %and3A_810 : i32 to index
        %get3A_813 = arith.constant 0 : index
        %get3A_814 = tpu.vector_load %arg13[%get3A_811, %get3A_812, %get3A_813] {strides = array<i32>} : memref<56x8x128xf32, #tpu.memory_space<vmem>>, vector<1x1x16xf32>,
        %get3A_815 = vector.shape_cast %get3A_814 : vector<1x1x16xf32> to vector<16xf32>
        %mul3A_816 = vector.broadcast %squeeze3A_804 : f32 to vector<16xf32>
        %mul3A_817 = arith.mulf %mul3A_816, %get3A_815 : vector<16xf32>
        %add3A_818 = arith.addf %add3A_762, %mul3A_817 : vector<16xf32>
        %get3A_819 = arith.index_cast %shift_right_logical3A_808 : i32 to index
        %get3A_820 = arith.index_cast %and3A_810 : i32 to index
        %get3A_821 = arith.constant 16 : index
        %get3A_822 = tpu.vector_load %arg13[%get3A_819, %get3A_820, %get3A_821] {strides = array<i32>} : memref<56x8x128xf32, #tpu.memory_space<vmem>>, vector<1x1x16xf32>,
        %get3A_823 = vector.shape_cast %get3A_822 : vector<1x1x16xf32> to vector<16xf32>
        %mul3A_824 = vector.broadcast %squeeze3A_804 : f32 to vector<16xf32>
        %mul3A_825 = arith.mulf %mul3A_824, %get3A_823 : vector<16xf32>
        %add3A_826 = arith.addf %add3A_770, %mul3A_825 : vector<16xf32>
        %get3A_827 = arith.index_cast %shift_right_logical3A_808 : i32 to index
        %get3A_828 = arith.index_cast %and3A_810 : i32 to index
        %get3A_829 = arith.constant 32 : index
        %get3A_830 = tpu.vector_load %arg13[%get3A_827, %get3A_828, %get3A_829] {strides = array<i32>} : memref<56x8x128xf32, #tpu.memory_space<vmem>>, vector<1x1x16xf32>,
        %get3A_831 = vector.shape_cast %get3A_830 : vector<1x1x16xf32> to vector<16xf32>
        %mul3A_832 = vector.broadcast %squeeze3A_804 : f32 to vector<16xf32>
        %mul3A_833 = arith.mulf %mul3A_832, %get3A_831 : vector<16xf32>
        %add3A_834 = arith.addf %add3A_778, %mul3A_833 : vector<16xf32>
        %get3A_835 = arith.index_cast %shift_right_logical3A_808 : i32 to index
        %get3A_836 = arith.index_cast %and3A_810 : i32 to index
        %get3A_837 = arith.constant 48 : index
        %get3A_838 = tpu.vector_load %arg13[%get3A_835, %get3A_836, %get3A_837] {strides = array<i32>} : memref<56x8x128xf32, #tpu.memory_space<vmem>>, vector<1x1x16xf32>,
        %get3A_839 = vector.shape_cast %get3A_838 : vector<1x1x16xf32> to vector<16xf32>
        %mul3A_840 = vector.broadcast %squeeze3A_804 : f32 to vector<16xf32>
        %mul3A_841 = arith.mulf %mul3A_840, %get3A_839 : vector<16xf32>
        %add3A_842 = arith.addf %add3A_786, %mul3A_841 : vector<16xf32>
        %get3A_843 = arith.index_cast %shift_right_logical3A_808 : i32 to index
        %get3A_844 = arith.index_cast %and3A_810 : i32 to index
        %get3A_845 = arith.constant 64 : index
        %get3A_846 = tpu.vector_load %arg13[%get3A_843, %get3A_844, %get3A_845] {strides = array<i32>} : memref<56x8x128xf32, #tpu.memory_space<vmem>>, vector<1x1x16xf32>,
        %get3A_847 = vector.shape_cast %get3A_846 : vector<1x1x16xf32> to vector<16xf32>
        %mul3A_848 = vector.broadcast %squeeze3A_804 : f32 to vector<16xf32>
        %mul3A_849 = arith.mulf %mul3A_848, %get3A_847 : vector<16xf32>
        %add3A_850 = arith.addf %add3A_794, %mul3A_849 : vector<16xf32>
        %get3A_851 = arith.index_cast %shift_right_logical3A_808 : i32 to index
        %get3A_852 = arith.index_cast %and3A_810 : i32 to index
        %get3A_853 = arith.constant 80 : index
        %get3A_854 = tpu.vector_load %arg13[%get3A_851, %get3A_852, %get3A_853] {strides = array<i32>} : memref<56x8x128xf32, #tpu.memory_space<vmem>>, vector<1x1x16xf32>,
        %get3A_855 = vector.shape_cast %get3A_854 : vector<1x1x16xf32> to vector<16xf32>
        %mul3A_856 = vector.broadcast %squeeze3A_804 : f32 to vector<16xf32>
        %mul3A_857 = arith.mulf %mul3A_856, %get3A_855 : vector<16xf32>
        %add3A_858 = arith.addf %add3A_802, %mul3A_857 : vector<16xf32>
        %slice3A_859 = vector.extract_strided_slice %get3A_295 {offsets = [10], sizes = [1], strides = [1]} : vector<16xf32> to vector<1xf32>
        %squeeze3A_860 = vector.extract %slice3A_859[0] : f32 from vector<1xf32>
        %slice3A_861 = vector.extract_strided_slice %get3A_302 {offsets = [10], sizes = [1], strides = [1]} : vector<16xi32> to vector<1xi32>
        %squeeze3A_862 = vector.extract %slice3A_861[0] : i32 from vector<1xi32>
        %shift_right_logical3A_863 = arith.constant 3 : i32
        %shift_right_logical3A_864 = arith.shrui %squeeze3A_862, %shift_right_logical3A_863 : i32
        %and3A_865 = arith.constant 7 : i32
        %and3A_866 = arith.andi %squeeze3A_862, %and3A_865 : i32
        %get3A_867 = arith.index_cast %shift_right_logical3A_864 : i32 to index
        %get3A_868 = arith.index_cast %and3A_866 : i32 to index
        %get3A_869 = arith.constant 0 : index
        %get3A_870 = tpu.vector_load %arg13[%get3A_867, %get3A_868, %get3A_869] {strides = array<i32>} : memref<56x8x128xf32, #tpu.memory_space<vmem>>, vector<1x1x16xf32>,
        %get3A_871 = vector.shape_cast %get3A_870 : vector<1x1x16xf32> to vector<16xf32>
        %mul3A_872 = vector.broadcast %squeeze3A_860 : f32 to vector<16xf32>
        %mul3A_873 = arith.mulf %mul3A_872, %get3A_871 : vector<16xf32>
        %add3A_874 = arith.addf %add3A_818, %mul3A_873 : vector<16xf32>
        %get3A_875 = arith.index_cast %shift_right_logical3A_864 : i32 to index
        %get3A_876 = arith.index_cast %and3A_866 : i32 to index
        %get3A_877 = arith.constant 16 : index
        %get3A_878 = tpu.vector_load %arg13[%get3A_875, %get3A_876, %get3A_877] {strides = array<i32>} : memref<56x8x128xf32, #tpu.memory_space<vmem>>, vector<1x1x16xf32>,
        %get3A_879 = vector.shape_cast %get3A_878 : vector<1x1x16xf32> to vector<16xf32>
        %mul3A_880 = vector.broadcast %squeeze3A_860 : f32 to vector<16xf32>
        %mul3A_881 = arith.mulf %mul3A_880, %get3A_879 : vector<16xf32>
        %add3A_882 = arith.addf %add3A_826, %mul3A_881 : vector<16xf32>
        %get3A_883 = arith.index_cast %shift_right_logical3A_864 : i32 to index
        %get3A_884 = arith.index_cast %and3A_866 : i32 to index
        %get3A_885 = arith.constant 32 : index
        %get3A_886 = tpu.vector_load %arg13[%get3A_883, %get3A_884, %get3A_885] {strides = array<i32>} : memref<56x8x128xf32, #tpu.memory_space<vmem>>, vector<1x1x16xf32>,
        %get3A_887 = vector.shape_cast %get3A_886 : vector<1x1x16xf32> to vector<16xf32>
        %mul3A_888 = vector.broadcast %squeeze3A_860 : f32 to vector<16xf32>
        %mul3A_889 = arith.mulf %mul3A_888, %get3A_887 : vector<16xf32>
        %add3A_890 = arith.addf %add3A_834, %mul3A_889 : vector<16xf32>
        %get3A_891 = arith.index_cast %shift_right_logical3A_864 : i32 to index
        %get3A_892 = arith.index_cast %and3A_866 : i32 to index
        %get3A_893 = arith.constant 48 : index
        %get3A_894 = tpu.vector_load %arg13[%get3A_891, %get3A_892, %get3A_893] {strides = array<i32>} : memref<56x8x128xf32, #tpu.memory_space<vmem>>, vector<1x1x16xf32>,
        %get3A_895 = vector.shape_cast %get3A_894 : vector<1x1x16xf32> to vector<16xf32>
        %mul3A_896 = vector.broadcast %squeeze3A_860 : f32 to vector<16xf32>
        %mul3A_897 = arith.mulf %mul3A_896, %get3A_895 : vector<16xf32>
        %add3A_898 = arith.addf %add3A_842, %mul3A_897 : vector<16xf32>
        %get3A_899 = arith.index_cast %shift_right_logical3A_864 : i32 to index
        %get3A_900 = arith.index_cast %and3A_866 : i32 to index
        %get3A_901 = arith.constant 64 : index
        %get3A_902 = tpu.vector_load %arg13[%get3A_899, %get3A_900, %get3A_901] {strides = array<i32>} : memref<56x8x128xf32, #tpu.memory_space<vmem>>, vector<1x1x16xf32>,
        %get3A_903 = vector.shape_cast %get3A_902 : vector<1x1x16xf32> to vector<16xf32>
        %mul3A_904 = vector.broadcast %squeeze3A_860 : f32 to vector<16xf32>
        %mul3A_905 = arith.mulf %mul3A_904, %get3A_903 : vector<16xf32>
        %add3A_906 = arith.addf %add3A_850, %mul3A_905 : vector<16xf32>
        %get3A_907 = arith.index_cast %shift_right_logical3A_864 : i32 to index
        %get3A_908 = arith.index_cast %and3A_866 : i32 to index
        %get3A_909 = arith.constant 80 : index
        %get3A_910 = tpu.vector_load %arg13[%get3A_907, %get3A_908, %get3A_909] {strides = array<i32>} : memref<56x8x128xf32, #tpu.memory_space<vmem>>, vector<1x1x16xf32>,
        %get3A_911 = vector.shape_cast %get3A_910 : vector<1x1x16xf32> to vector<16xf32>
        %mul3A_912 = vector.broadcast %squeeze3A_860 : f32 to vector<16xf32>
        %mul3A_913 = arith.mulf %mul3A_912, %get3A_911 : vector<16xf32>
        %add3A_914 = arith.addf %add3A_858, %mul3A_913 : vector<16xf32>
        %slice3A_915 = vector.extract_strided_slice %get3A_295 {offsets = [11], sizes = [1], strides = [1]} : vector<16xf32> to vector<1xf32>
        %squeeze3A_916 = vector.extract %slice3A_915[0] : f32 from vector<1xf32>
        %slice3A_917 = vector.extract_strided_slice %get3A_302 {offsets = [11], sizes = [1], strides = [1]} : vector<16xi32> to vector<1xi32>
        %squeeze3A_918 = vector.extract %slice3A_917[0] : i32 from vector<1xi32>
        %shift_right_logical3A_919 = arith.constant 3 : i32
        %shift_right_logical3A_920 = arith.shrui %squeeze3A_918, %shift_right_logical3A_919 : i32
        %and3A_921 = arith.constant 7 : i32
        %and3A_922 = arith.andi %squeeze3A_918, %and3A_921 : i32
        %get3A_923 = arith.index_cast %shift_right_logical3A_920 : i32 to index
        %get3A_924 = arith.index_cast %and3A_922 : i32 to index
        %get3A_925 = arith.constant 0 : index
        %get3A_926 = tpu.vector_load %arg13[%get3A_923, %get3A_924, %get3A_925] {strides = array<i32>} : memref<56x8x128xf32, #tpu.memory_space<vmem>>, vector<1x1x16xf32>,
        %get3A_927 = vector.shape_cast %get3A_926 : vector<1x1x16xf32> to vector<16xf32>
        %mul3A_928 = vector.broadcast %squeeze3A_916 : f32 to vector<16xf32>
        %mul3A_929 = arith.mulf %mul3A_928, %get3A_927 : vector<16xf32>
        %add3A_930 = arith.addf %add3A_874, %mul3A_929 : vector<16xf32>
        %get3A_931 = arith.index_cast %shift_right_logical3A_920 : i32 to index
        %get3A_932 = arith.index_cast %and3A_922 : i32 to index
        %get3A_933 = arith.constant 16 : index
        %get3A_934 = tpu.vector_load %arg13[%get3A_931, %get3A_932, %get3A_933] {strides = array<i32>} : memref<56x8x128xf32, #tpu.memory_space<vmem>>, vector<1x1x16xf32>,
        %get3A_935 = vector.shape_cast %get3A_934 : vector<1x1x16xf32> to vector<16xf32>
        %mul3A_936 = vector.broadcast %squeeze3A_916 : f32 to vector<16xf32>
        %mul3A_937 = arith.mulf %mul3A_936, %get3A_935 : vector<16xf32>
        %add3A_938 = arith.addf %add3A_882, %mul3A_937 : vector<16xf32>
        %get3A_939 = arith.index_cast %shift_right_logical3A_920 : i32 to index
        %get3A_940 = arith.index_cast %and3A_922 : i32 to index
        %get3A_941 = arith.constant 32 : index
        %get3A_942 = tpu.vector_load %arg13[%get3A_939, %get3A_940, %get3A_941] {strides = array<i32>} : memref<56x8x128xf32, #tpu.memory_space<vmem>>, vector<1x1x16xf32>,
        %get3A_943 = vector.shape_cast %get3A_942 : vector<1x1x16xf32> to vector<16xf32>
        %mul3A_944 = vector.broadcast %squeeze3A_916 : f32 to vector<16xf32>
        %mul3A_945 = arith.mulf %mul3A_944, %get3A_943 : vector<16xf32>
        %add3A_946 = arith.addf %add3A_890, %mul3A_945 : vector<16xf32>
        %get3A_947 = arith.index_cast %shift_right_logical3A_920 : i32 to index
        %get3A_948 = arith.index_cast %and3A_922 : i32 to index
        %get3A_949 = arith.constant 48 : index
        %get3A_950 = tpu.vector_load %arg13[%get3A_947, %get3A_948, %get3A_949] {strides = array<i32>} : memref<56x8x128xf32, #tpu.memory_space<vmem>>, vector<1x1x16xf32>,
        %get3A_951 = vector.shape_cast %get3A_950 : vector<1x1x16xf32> to vector<16xf32>
        %mul3A_952 = vector.broadcast %squeeze3A_916 : f32 to vector<16xf32>
        %mul3A_953 = arith.mulf %mul3A_952, %get3A_951 : vector<16xf32>
        %add3A_954 = arith.addf %add3A_898, %mul3A_953 : vector<16xf32>
        %get3A_955 = arith.index_cast %shift_right_logical3A_920 : i32 to index
        %get3A_956 = arith.index_cast %and3A_922 : i32 to index
        %get3A_957 = arith.constant 64 : index
        %get3A_958 = tpu.vector_load %arg13[%get3A_955, %get3A_956, %get3A_957] {strides = array<i32>} : memref<56x8x128xf32, #tpu.memory_space<vmem>>, vector<1x1x16xf32>,
        %get3A_959 = vector.shape_cast %get3A_958 : vector<1x1x16xf32> to vector<16xf32>
        %mul3A_960 = vector.broadcast %squeeze3A_916 : f32 to vector<16xf32>
        %mul3A_961 = arith.mulf %mul3A_960, %get3A_959 : vector<16xf32>
        %add3A_962 = arith.addf %add3A_906, %mul3A_961 : vector<16xf32>
        %get3A_963 = arith.index_cast %shift_right_logical3A_920 : i32 to index
        %get3A_964 = arith.index_cast %and3A_922 : i32 to index
        %get3A_965 = arith.constant 80 : index
        %get3A_966 = tpu.vector_load %arg13[%get3A_963, %get3A_964, %get3A_965] {strides = array<i32>} : memref<56x8x128xf32, #tpu.memory_space<vmem>>, vector<1x1x16xf32>,
        %get3A_967 = vector.shape_cast %get3A_966 : vector<1x1x16xf32> to vector<16xf32>
        %mul3A_968 = vector.broadcast %squeeze3A_916 : f32 to vector<16xf32>
        %mul3A_969 = arith.mulf %mul3A_968, %get3A_967 : vector<16xf32>
        %add3A_970 = arith.addf %add3A_914, %mul3A_969 : vector<16xf32>
        %swap3A = arith.index_cast %scan3A_277 : i32 to index
        %swap3A_971 = arith.constant 0 : index
        %swap3A_972 = tpu.vector_load %arg15[%swap3A, %swap3A_971] {strides = array<i32>} : memref<64x96xf32, #tpu.memory_space<vmem>>, vector<1x16xf32>,
        %swap3A_973 = vector.shape_cast %swap3A_972 : vector<1x16xf32> to vector<16xf32>
        %swap3A_974 = vector.shape_cast %add3A_930 : vector<16xf32> to vector<1x16xf32>
        tpu.vector_store %arg15[%swap3A, %swap3A_971], %swap3A_974 {strides = array<i32>} : memref<64x96xf32, #tpu.memory_space<vmem>>, vector<1x16xf32>,
        %swap3A_975 = arith.index_cast %scan3A_277 : i32 to index
        %swap3A_976 = arith.constant 16 : index
        %swap3A_977 = tpu.vector_load %arg15[%swap3A_975, %swap3A_976] {strides = array<i32>} : memref<64x96xf32, #tpu.memory_space<vmem>>, vector<1x16xf32>,
        %swap3A_978 = vector.shape_cast %swap3A_977 : vector<1x16xf32> to vector<16xf32>
        %swap3A_979 = vector.shape_cast %add3A_938 : vector<16xf32> to vector<1x16xf32>
        tpu.vector_store %arg15[%swap3A_975, %swap3A_976], %swap3A_979 {strides = array<i32>} : memref<64x96xf32, #tpu.memory_space<vmem>>, vector<1x16xf32>,
        %swap3A_980 = arith.index_cast %scan3A_277 : i32 to index
        %swap3A_981 = arith.constant 32 : index
        %swap3A_982 = tpu.vector_load %arg15[%swap3A_980, %swap3A_981] {strides = array<i32>} : memref<64x96xf32, #tpu.memory_space<vmem>>, vector<1x16xf32>,
        %swap3A_983 = vector.shape_cast %swap3A_982 : vector<1x16xf32> to vector<16xf32>
        %swap3A_984 = vector.shape_cast %add3A_946 : vector<16xf32> to vector<1x16xf32>
        tpu.vector_store %arg15[%swap3A_980, %swap3A_981], %swap3A_984 {strides = array<i32>} : memref<64x96xf32, #tpu.memory_space<vmem>>, vector<1x16xf32>,
        %swap3A_985 = arith.index_cast %scan3A_277 : i32 to index
        %swap3A_986 = arith.constant 48 : index
        %swap3A_987 = tpu.vector_load %arg15[%swap3A_985, %swap3A_986] {strides = array<i32>} : memref<64x96xf32, #tpu.memory_space<vmem>>, vector<1x16xf32>,
        %swap3A_988 = vector.shape_cast %swap3A_987 : vector<1x16xf32> to vector<16xf32>
        %swap3A_989 = vector.shape_cast %add3A_954 : vector<16xf32> to vector<1x16xf32>
        tpu.vector_store %arg15[%swap3A_985, %swap3A_986], %swap3A_989 {strides = array<i32>} : memref<64x96xf32, #tpu.memory_space<vmem>>, vector<1x16xf32>,
        %swap3A_990 = arith.index_cast %scan3A_277 : i32 to index
        %swap3A_991 = arith.constant 64 : index
        %swap3A_992 = tpu.vector_load %arg15[%swap3A_990, %swap3A_991] {strides = array<i32>} : memref<64x96xf32, #tpu.memory_space<vmem>>, vector<1x16xf32>,
        %swap3A_993 = vector.shape_cast %swap3A_992 : vector<1x16xf32> to vector<16xf32>
        %swap3A_994 = vector.shape_cast %add3A_962 : vector<16xf32> to vector<1x16xf32>
        tpu.vector_store %arg15[%swap3A_990, %swap3A_991], %swap3A_994 {strides = array<i32>} : memref<64x96xf32, #tpu.memory_space<vmem>>, vector<1x16xf32>,
        %swap3A_995 = arith.index_cast %scan3A_277 : i32 to index
        %swap3A_996 = arith.constant 80 : index
        %swap3A_997 = tpu.vector_load %arg15[%swap3A_995, %swap3A_996] {strides = array<i32>} : memref<64x96xf32, #tpu.memory_space<vmem>>, vector<1x16xf32>,
        %swap3A_998 = vector.shape_cast %swap3A_997 : vector<1x16xf32> to vector<16xf32>
        %swap3A_999 = vector.shape_cast %add3A_970 : vector<16xf32> to vector<1x16xf32>
        tpu.vector_store %arg15[%swap3A_995, %swap3A_996], %swap3A_999 {strides = array<i32>} : memref<64x96xf32, #tpu.memory_space<vmem>>, vector<1x16xf32>,
        %scan3A_1000 = arith.constant 0 : i32
        scf.yield %scan3A_1000 : i32
      }
      %scan3A_222 = arith.constant 64 : i32
      %mul3A_223 = arith.constant 144 : i32
      %mul3A_224 = arith.muli %add3A, %mul3A_223 : i32
      %mul3A_225 = arith.constant 2 : i32
      %mul3A_226 = arith.muli %add3A_195, %mul3A_225 : i32
      %add3A_227 = arith.addi %mul3A_224, %mul3A_226 : i32
      %add3A_228 = arith.constant 0 : i32
      %add3A_229 = arith.addi %add3A_227, %add3A_228 : i32
      %mul3A_230 = arith.constant 64 : i32
      %mul3A_231 = arith.muli %add3A_229, %mul3A_230 : i32
      "tpu.region"() ({
        %run_scoped3A = tpu.sem_alloc : memref<!tpu.dma_semaphore, #tpu.memory_space<semaphore_mem>>
        %dma_start3A_277 = arith.constant 0 : i32
        %dma_start3A_278 = tpu.memref_slice %arg6[%mul3A_231, %dma_start3A_277] : memref<294912x96xf32, #tpu.memory_space<hbm>> -> memref<64x96xf32, #tpu.memory_space<hbm>>
        %dma_start3A_279 = arith.constant 0 : i32
        %dma_start3A_280 = tpu.memref_slice %arg6[%mul3A_231, %dma_start3A_279] : memref<294912x96xf32, #tpu.memory_space<hbm>> -> memref<64x96xf32, #tpu.memory_space<hbm>>
        tpu.enqueue_dma source(%arg15 : memref<64x96xf32, #tpu.memory_space<vmem>>) target(%dma_start3A_280 : memref<64x96xf32, #tpu.memory_space<hbm>>) target_semaphore(%run_scoped3A : memref<!tpu.dma_semaphore, #tpu.memory_space<semaphore_mem>>)
        %dma_wait3A_281 = arith.constant 0 : i32
        %dma_wait3A_282 = tpu.memref_slice %arg6[%mul3A_231, %dma_wait3A_281] : memref<294912x96xf32, #tpu.memory_space<hbm>> -> memref<64x96xf32, #tpu.memory_space<hbm>>
        %dma_wait3A_283 = arith.constant 0 : i32
        %dma_wait3A_284 = tpu.memref_slice %arg6[%mul3A_231, %dma_wait3A_283] : memref<294912x96xf32, #tpu.memory_space<hbm>> -> memref<64x96xf32, #tpu.memory_space<hbm>>
        tpu.wait_dma2 semaphore(%run_scoped3A : memref<!tpu.dma_semaphore, #tpu.memory_space<semaphore_mem>>) src(%arg15 : memref<64x96xf32, #tpu.memory_space<vmem>>) dst(%dma_wait3A_284 : memref<64x96xf32, #tpu.memory_space<hbm>>)
        tpu.yield
      }) : () -> ()
      %dma_wait3A_232 = arith.constant 0 : i32
      %dma_wait3A_233 = arith.constant 0 : i32
      %dma_wait3A_234 = arith.constant 0 : i32
      %dma_wait3A_235 = tpu.memref_slice %arg2[%dma_wait3A_232, %dma_wait3A_233, %dma_wait3A_234] : memref<82944x8x128xf32, #tpu.memory_space<hbm>> -> memref<56x8x128xf32, #tpu.memory_space<hbm>>
      %dma_wait3A_236 = arith.constant 0 : i32
      %dma_wait3A_237 = arith.constant 0 : i32
      %dma_wait3A_238 = arith.constant 0 : i32
      %dma_wait3A_239 = tpu.memref_slice %arg2[%dma_wait3A_236, %dma_wait3A_237, %dma_wait3A_238] : memref<82944x8x128xf32, #tpu.memory_space<hbm>> -> memref<56x8x128xf32, #tpu.memory_space<hbm>>
      tpu.wait_dma2 semaphore(%arg17 : memref<!tpu.dma_semaphore, #tpu.memory_space<semaphore_mem>>) src(%dma_wait3A_239 : memref<56x8x128xf32, #tpu.memory_space<hbm>>) dst(%arg14 : memref<56x8x128xf32, #tpu.memory_space<vmem>>)
      %scan3A_240 = arith.constant 0 : i32
      %scan3A_241 = arith.constant 0 : i32
      %scan3A_242 = arith.constant 64 : i32
      %scan3A_243 = arith.addi %scan3A_241, %scan3A_242 : i32
      %scan3A_244 = arith.constant 1 : i32
      %scan3A_245 = scf.for %scan3A_277 = %scan3A_241 to %scan3A_243 step %scan3A_244 iter_args(%scan3A_278 = %scan3A_240) -> (i32)  : i32 {
        %broadcast_in_dim3A = arith.constant 0.000000e+00 : f32
        %broadcast_in_dim3A_279 = vector.broadcast %broadcast_in_dim3A : f32 to vector<16xf32>
        %broadcast_in_dim3A_280 = arith.constant 0.000000e+00 : f32
        %broadcast_in_dim3A_281 = vector.broadcast %broadcast_in_dim3A_280 : f32 to vector<16xf32>
        %broadcast_in_dim3A_282 = arith.constant 0.000000e+00 : f32
        %broadcast_in_dim3A_283 = vector.broadcast %broadcast_in_dim3A_282 : f32 to vector<16xf32>
        %broadcast_in_dim3A_284 = arith.constant 0.000000e+00 : f32
        %broadcast_in_dim3A_285 = vector.broadcast %broadcast_in_dim3A_284 : f32 to vector<16xf32>
        %broadcast_in_dim3A_286 = arith.constant 0.000000e+00 : f32
        %broadcast_in_dim3A_287 = vector.broadcast %broadcast_in_dim3A_286 : f32 to vector<16xf32>
        %broadcast_in_dim3A_288 = arith.constant 0.000000e+00 : f32
        %broadcast_in_dim3A_289 = vector.broadcast %broadcast_in_dim3A_288 : f32 to vector<16xf32>
        %mul3A_290 = arith.constant 12 : i32
        %mul3A_291 = arith.muli %scan3A_277, %mul3A_290 : i32
        %add3A_292 = arith.constant 768 : i32
        %add3A_293 = arith.addi %add3A_292, %mul3A_291 : i32
        %get3A = arith.index_cast %add3A_293 : i32 to index
        %get3A_294 = tpu.vector_load %arg12[%get3A] {strides = array<i32>} : memref<1552xf32, #tpu.memory_space<vmem>>, vector<16xf32>,
        %get3A_295 = vector.shape_cast %get3A_294 : vector<16xf32> to vector<16xf32>
        %mul3A_296 = arith.constant 12 : i32
        %mul3A_297 = arith.muli %scan3A_277, %mul3A_296 : i32
        %add3A_298 = arith.constant 768 : i32
        %add3A_299 = arith.addi %add3A_298, %mul3A_297 : i32
        %get3A_300 = arith.index_cast %add3A_299 : i32 to index
        %get3A_301 = tpu.vector_load %arg11[%get3A_300] {strides = array<i32>} : memref<1552xi32, #tpu.memory_space<vmem>>, vector<16xi32>,
        %get3A_302 = vector.shape_cast %get3A_301 : vector<16xi32> to vector<16xi32>
        %slice3A = vector.extract_strided_slice %get3A_295 {offsets = [0], sizes = [1], strides = [1]} : vector<16xf32> to vector<1xf32>
        %squeeze3A = vector.extract %slice3A[0] : f32 from vector<1xf32>
        %slice3A_303 = vector.extract_strided_slice %get3A_302 {offsets = [0], sizes = [1], strides = [1]} : vector<16xi32> to vector<1xi32>
        %squeeze3A_304 = vector.extract %slice3A_303[0] : i32 from vector<1xi32>
        %shift_right_logical3A = arith.constant 3 : i32
        %shift_right_logical3A_305 = arith.shrui %squeeze3A_304, %shift_right_logical3A : i32
        %and3A = arith.constant 7 : i32
        %and3A_306 = arith.andi %squeeze3A_304, %and3A : i32
        %get3A_307 = arith.index_cast %shift_right_logical3A_305 : i32 to index
        %get3A_308 = arith.index_cast %and3A_306 : i32 to index
        %get3A_309 = arith.constant 0 : index
        %get3A_310 = tpu.vector_load %arg14[%get3A_307, %get3A_308, %get3A_309] {strides = array<i32>} : memref<56x8x128xf32, #tpu.memory_space<vmem>>, vector<1x1x16xf32>,
        %get3A_311 = vector.shape_cast %get3A_310 : vector<1x1x16xf32> to vector<16xf32>
        %mul3A_312 = vector.broadcast %squeeze3A : f32 to vector<16xf32>
        %mul3A_313 = arith.mulf %mul3A_312, %get3A_311 : vector<16xf32>
        %add3A_314 = arith.addf %broadcast_in_dim3A_279, %mul3A_313 : vector<16xf32>
        %get3A_315 = arith.index_cast %shift_right_logical3A_305 : i32 to index
        %get3A_316 = arith.index_cast %and3A_306 : i32 to index
        %get3A_317 = arith.constant 16 : index
        %get3A_318 = tpu.vector_load %arg14[%get3A_315, %get3A_316, %get3A_317] {strides = array<i32>} : memref<56x8x128xf32, #tpu.memory_space<vmem>>, vector<1x1x16xf32>,
        %get3A_319 = vector.shape_cast %get3A_318 : vector<1x1x16xf32> to vector<16xf32>
        %mul3A_320 = vector.broadcast %squeeze3A : f32 to vector<16xf32>
        %mul3A_321 = arith.mulf %mul3A_320, %get3A_319 : vector<16xf32>
        %add3A_322 = arith.addf %broadcast_in_dim3A_281, %mul3A_321 : vector<16xf32>
        %get3A_323 = arith.index_cast %shift_right_logical3A_305 : i32 to index
        %get3A_324 = arith.index_cast %and3A_306 : i32 to index
        %get3A_325 = arith.constant 32 : index
        %get3A_326 = tpu.vector_load %arg14[%get3A_323, %get3A_324, %get3A_325] {strides = array<i32>} : memref<56x8x128xf32, #tpu.memory_space<vmem>>, vector<1x1x16xf32>,
        %get3A_327 = vector.shape_cast %get3A_326 : vector<1x1x16xf32> to vector<16xf32>
        %mul3A_328 = vector.broadcast %squeeze3A : f32 to vector<16xf32>
        %mul3A_329 = arith.mulf %mul3A_328, %get3A_327 : vector<16xf32>
        %add3A_330 = arith.addf %broadcast_in_dim3A_283, %mul3A_329 : vector<16xf32>
        %get3A_331 = arith.index_cast %shift_right_logical3A_305 : i32 to index
        %get3A_332 = arith.index_cast %and3A_306 : i32 to index
        %get3A_333 = arith.constant 48 : index
        %get3A_334 = tpu.vector_load %arg14[%get3A_331, %get3A_332, %get3A_333] {strides = array<i32>} : memref<56x8x128xf32, #tpu.memory_space<vmem>>, vector<1x1x16xf32>,
        %get3A_335 = vector.shape_cast %get3A_334 : vector<1x1x16xf32> to vector<16xf32>
        %mul3A_336 = vector.broadcast %squeeze3A : f32 to vector<16xf32>
        %mul3A_337 = arith.mulf %mul3A_336, %get3A_335 : vector<16xf32>
        %add3A_338 = arith.addf %broadcast_in_dim3A_285, %mul3A_337 : vector<16xf32>
        %get3A_339 = arith.index_cast %shift_right_logical3A_305 : i32 to index
        %get3A_340 = arith.index_cast %and3A_306 : i32 to index
        %get3A_341 = arith.constant 64 : index
        %get3A_342 = tpu.vector_load %arg14[%get3A_339, %get3A_340, %get3A_341] {strides = array<i32>} : memref<56x8x128xf32, #tpu.memory_space<vmem>>, vector<1x1x16xf32>,
        %get3A_343 = vector.shape_cast %get3A_342 : vector<1x1x16xf32> to vector<16xf32>
        %mul3A_344 = vector.broadcast %squeeze3A : f32 to vector<16xf32>
        %mul3A_345 = arith.mulf %mul3A_344, %get3A_343 : vector<16xf32>
        %add3A_346 = arith.addf %broadcast_in_dim3A_287, %mul3A_345 : vector<16xf32>
        %get3A_347 = arith.index_cast %shift_right_logical3A_305 : i32 to index
        %get3A_348 = arith.index_cast %and3A_306 : i32 to index
        %get3A_349 = arith.constant 80 : index
        %get3A_350 = tpu.vector_load %arg14[%get3A_347, %get3A_348, %get3A_349] {strides = array<i32>} : memref<56x8x128xf32, #tpu.memory_space<vmem>>, vector<1x1x16xf32>,
        %get3A_351 = vector.shape_cast %get3A_350 : vector<1x1x16xf32> to vector<16xf32>
        %mul3A_352 = vector.broadcast %squeeze3A : f32 to vector<16xf32>
        %mul3A_353 = arith.mulf %mul3A_352, %get3A_351 : vector<16xf32>
        %add3A_354 = arith.addf %broadcast_in_dim3A_289, %mul3A_353 : vector<16xf32>
        %slice3A_355 = vector.extract_strided_slice %get3A_295 {offsets = [1], sizes = [1], strides = [1]} : vector<16xf32> to vector<1xf32>
        %squeeze3A_356 = vector.extract %slice3A_355[0] : f32 from vector<1xf32>
        %slice3A_357 = vector.extract_strided_slice %get3A_302 {offsets = [1], sizes = [1], strides = [1]} : vector<16xi32> to vector<1xi32>
        %squeeze3A_358 = vector.extract %slice3A_357[0] : i32 from vector<1xi32>
        %shift_right_logical3A_359 = arith.constant 3 : i32
        %shift_right_logical3A_360 = arith.shrui %squeeze3A_358, %shift_right_logical3A_359 : i32
        %and3A_361 = arith.constant 7 : i32
        %and3A_362 = arith.andi %squeeze3A_358, %and3A_361 : i32
        %get3A_363 = arith.index_cast %shift_right_logical3A_360 : i32 to index
        %get3A_364 = arith.index_cast %and3A_362 : i32 to index
        %get3A_365 = arith.constant 0 : index
        %get3A_366 = tpu.vector_load %arg14[%get3A_363, %get3A_364, %get3A_365] {strides = array<i32>} : memref<56x8x128xf32, #tpu.memory_space<vmem>>, vector<1x1x16xf32>,
        %get3A_367 = vector.shape_cast %get3A_366 : vector<1x1x16xf32> to vector<16xf32>
        %mul3A_368 = vector.broadcast %squeeze3A_356 : f32 to vector<16xf32>
        %mul3A_369 = arith.mulf %mul3A_368, %get3A_367 : vector<16xf32>
        %add3A_370 = arith.addf %add3A_314, %mul3A_369 : vector<16xf32>
        %get3A_371 = arith.index_cast %shift_right_logical3A_360 : i32 to index
        %get3A_372 = arith.index_cast %and3A_362 : i32 to index
        %get3A_373 = arith.constant 16 : index
        %get3A_374 = tpu.vector_load %arg14[%get3A_371, %get3A_372, %get3A_373] {strides = array<i32>} : memref<56x8x128xf32, #tpu.memory_space<vmem>>, vector<1x1x16xf32>,
        %get3A_375 = vector.shape_cast %get3A_374 : vector<1x1x16xf32> to vector<16xf32>
        %mul3A_376 = vector.broadcast %squeeze3A_356 : f32 to vector<16xf32>
        %mul3A_377 = arith.mulf %mul3A_376, %get3A_375 : vector<16xf32>
        %add3A_378 = arith.addf %add3A_322, %mul3A_377 : vector<16xf32>
        %get3A_379 = arith.index_cast %shift_right_logical3A_360 : i32 to index
        %get3A_380 = arith.index_cast %and3A_362 : i32 to index
        %get3A_381 = arith.constant 32 : index
        %get3A_382 = tpu.vector_load %arg14[%get3A_379, %get3A_380, %get3A_381] {strides = array<i32>} : memref<56x8x128xf32, #tpu.memory_space<vmem>>, vector<1x1x16xf32>,
        %get3A_383 = vector.shape_cast %get3A_382 : vector<1x1x16xf32> to vector<16xf32>
        %mul3A_384 = vector.broadcast %squeeze3A_356 : f32 to vector<16xf32>
        %mul3A_385 = arith.mulf %mul3A_384, %get3A_383 : vector<16xf32>
        %add3A_386 = arith.addf %add3A_330, %mul3A_385 : vector<16xf32>
        %get3A_387 = arith.index_cast %shift_right_logical3A_360 : i32 to index
        %get3A_388 = arith.index_cast %and3A_362 : i32 to index
        %get3A_389 = arith.constant 48 : index
        %get3A_390 = tpu.vector_load %arg14[%get3A_387, %get3A_388, %get3A_389] {strides = array<i32>} : memref<56x8x128xf32, #tpu.memory_space<vmem>>, vector<1x1x16xf32>,
        %get3A_391 = vector.shape_cast %get3A_390 : vector<1x1x16xf32> to vector<16xf32>
        %mul3A_392 = vector.broadcast %squeeze3A_356 : f32 to vector<16xf32>
        %mul3A_393 = arith.mulf %mul3A_392, %get3A_391 : vector<16xf32>
        %add3A_394 = arith.addf %add3A_338, %mul3A_393 : vector<16xf32>
        %get3A_395 = arith.index_cast %shift_right_logical3A_360 : i32 to index
        %get3A_396 = arith.index_cast %and3A_362 : i32 to index
        %get3A_397 = arith.constant 64 : index
        %get3A_398 = tpu.vector_load %arg14[%get3A_395, %get3A_396, %get3A_397] {strides = array<i32>} : memref<56x8x128xf32, #tpu.memory_space<vmem>>, vector<1x1x16xf32>,
        %get3A_399 = vector.shape_cast %get3A_398 : vector<1x1x16xf32> to vector<16xf32>
        %mul3A_400 = vector.broadcast %squeeze3A_356 : f32 to vector<16xf32>
        %mul3A_401 = arith.mulf %mul3A_400, %get3A_399 : vector<16xf32>
        %add3A_402 = arith.addf %add3A_346, %mul3A_401 : vector<16xf32>
        %get3A_403 = arith.index_cast %shift_right_logical3A_360 : i32 to index
        %get3A_404 = arith.index_cast %and3A_362 : i32 to index
        %get3A_405 = arith.constant 80 : index
        %get3A_406 = tpu.vector_load %arg14[%get3A_403, %get3A_404, %get3A_405] {strides = array<i32>} : memref<56x8x128xf32, #tpu.memory_space<vmem>>, vector<1x1x16xf32>,
        %get3A_407 = vector.shape_cast %get3A_406 : vector<1x1x16xf32> to vector<16xf32>
        %mul3A_408 = vector.broadcast %squeeze3A_356 : f32 to vector<16xf32>
        %mul3A_409 = arith.mulf %mul3A_408, %get3A_407 : vector<16xf32>
        %add3A_410 = arith.addf %add3A_354, %mul3A_409 : vector<16xf32>
        %slice3A_411 = vector.extract_strided_slice %get3A_295 {offsets = [2], sizes = [1], strides = [1]} : vector<16xf32> to vector<1xf32>
        %squeeze3A_412 = vector.extract %slice3A_411[0] : f32 from vector<1xf32>
        %slice3A_413 = vector.extract_strided_slice %get3A_302 {offsets = [2], sizes = [1], strides = [1]} : vector<16xi32> to vector<1xi32>
        %squeeze3A_414 = vector.extract %slice3A_413[0] : i32 from vector<1xi32>
        %shift_right_logical3A_415 = arith.constant 3 : i32
        %shift_right_logical3A_416 = arith.shrui %squeeze3A_414, %shift_right_logical3A_415 : i32
        %and3A_417 = arith.constant 7 : i32
        %and3A_418 = arith.andi %squeeze3A_414, %and3A_417 : i32
        %get3A_419 = arith.index_cast %shift_right_logical3A_416 : i32 to index
        %get3A_420 = arith.index_cast %and3A_418 : i32 to index
        %get3A_421 = arith.constant 0 : index
        %get3A_422 = tpu.vector_load %arg14[%get3A_419, %get3A_420, %get3A_421] {strides = array<i32>} : memref<56x8x128xf32, #tpu.memory_space<vmem>>, vector<1x1x16xf32>,
        %get3A_423 = vector.shape_cast %get3A_422 : vector<1x1x16xf32> to vector<16xf32>
        %mul3A_424 = vector.broadcast %squeeze3A_412 : f32 to vector<16xf32>
        %mul3A_425 = arith.mulf %mul3A_424, %get3A_423 : vector<16xf32>
        %add3A_426 = arith.addf %add3A_370, %mul3A_425 : vector<16xf32>
        %get3A_427 = arith.index_cast %shift_right_logical3A_416 : i32 to index
        %get3A_428 = arith.index_cast %and3A_418 : i32 to index
        %get3A_429 = arith.constant 16 : index
        %get3A_430 = tpu.vector_load %arg14[%get3A_427, %get3A_428, %get3A_429] {strides = array<i32>} : memref<56x8x128xf32, #tpu.memory_space<vmem>>, vector<1x1x16xf32>,
        %get3A_431 = vector.shape_cast %get3A_430 : vector<1x1x16xf32> to vector<16xf32>
        %mul3A_432 = vector.broadcast %squeeze3A_412 : f32 to vector<16xf32>
        %mul3A_433 = arith.mulf %mul3A_432, %get3A_431 : vector<16xf32>
        %add3A_434 = arith.addf %add3A_378, %mul3A_433 : vector<16xf32>
        %get3A_435 = arith.index_cast %shift_right_logical3A_416 : i32 to index
        %get3A_436 = arith.index_cast %and3A_418 : i32 to index
        %get3A_437 = arith.constant 32 : index
        %get3A_438 = tpu.vector_load %arg14[%get3A_435, %get3A_436, %get3A_437] {strides = array<i32>} : memref<56x8x128xf32, #tpu.memory_space<vmem>>, vector<1x1x16xf32>,
        %get3A_439 = vector.shape_cast %get3A_438 : vector<1x1x16xf32> to vector<16xf32>
        %mul3A_440 = vector.broadcast %squeeze3A_412 : f32 to vector<16xf32>
        %mul3A_441 = arith.mulf %mul3A_440, %get3A_439 : vector<16xf32>
        %add3A_442 = arith.addf %add3A_386, %mul3A_441 : vector<16xf32>
        %get3A_443 = arith.index_cast %shift_right_logical3A_416 : i32 to index
        %get3A_444 = arith.index_cast %and3A_418 : i32 to index
        %get3A_445 = arith.constant 48 : index
        %get3A_446 = tpu.vector_load %arg14[%get3A_443, %get3A_444, %get3A_445] {strides = array<i32>} : memref<56x8x128xf32, #tpu.memory_space<vmem>>, vector<1x1x16xf32>,
        %get3A_447 = vector.shape_cast %get3A_446 : vector<1x1x16xf32> to vector<16xf32>
        %mul3A_448 = vector.broadcast %squeeze3A_412 : f32 to vector<16xf32>
        %mul3A_449 = arith.mulf %mul3A_448, %get3A_447 : vector<16xf32>
        %add3A_450 = arith.addf %add3A_394, %mul3A_449 : vector<16xf32>
        %get3A_451 = arith.index_cast %shift_right_logical3A_416 : i32 to index
        %get3A_452 = arith.index_cast %and3A_418 : i32 to index
        %get3A_453 = arith.constant 64 : index
        %get3A_454 = tpu.vector_load %arg14[%get3A_451, %get3A_452, %get3A_453] {strides = array<i32>} : memref<56x8x128xf32, #tpu.memory_space<vmem>>, vector<1x1x16xf32>,
        %get3A_455 = vector.shape_cast %get3A_454 : vector<1x1x16xf32> to vector<16xf32>
        %mul3A_456 = vector.broadcast %squeeze3A_412 : f32 to vector<16xf32>
        %mul3A_457 = arith.mulf %mul3A_456, %get3A_455 : vector<16xf32>
        %add3A_458 = arith.addf %add3A_402, %mul3A_457 : vector<16xf32>
        %get3A_459 = arith.index_cast %shift_right_logical3A_416 : i32 to index
        %get3A_460 = arith.index_cast %and3A_418 : i32 to index
        %get3A_461 = arith.constant 80 : index
        %get3A_462 = tpu.vector_load %arg14[%get3A_459, %get3A_460, %get3A_461] {strides = array<i32>} : memref<56x8x128xf32, #tpu.memory_space<vmem>>, vector<1x1x16xf32>,
        %get3A_463 = vector.shape_cast %get3A_462 : vector<1x1x16xf32> to vector<16xf32>
        %mul3A_464 = vector.broadcast %squeeze3A_412 : f32 to vector<16xf32>
        %mul3A_465 = arith.mulf %mul3A_464, %get3A_463 : vector<16xf32>
        %add3A_466 = arith.addf %add3A_410, %mul3A_465 : vector<16xf32>
        %slice3A_467 = vector.extract_strided_slice %get3A_295 {offsets = [3], sizes = [1], strides = [1]} : vector<16xf32> to vector<1xf32>
        %squeeze3A_468 = vector.extract %slice3A_467[0] : f32 from vector<1xf32>
        %slice3A_469 = vector.extract_strided_slice %get3A_302 {offsets = [3], sizes = [1], strides = [1]} : vector<16xi32> to vector<1xi32>
        %squeeze3A_470 = vector.extract %slice3A_469[0] : i32 from vector<1xi32>
        %shift_right_logical3A_471 = arith.constant 3 : i32
        %shift_right_logical3A_472 = arith.shrui %squeeze3A_470, %shift_right_logical3A_471 : i32
        %and3A_473 = arith.constant 7 : i32
        %and3A_474 = arith.andi %squeeze3A_470, %and3A_473 : i32
        %get3A_475 = arith.index_cast %shift_right_logical3A_472 : i32 to index
        %get3A_476 = arith.index_cast %and3A_474 : i32 to index
        %get3A_477 = arith.constant 0 : index
        %get3A_478 = tpu.vector_load %arg14[%get3A_475, %get3A_476, %get3A_477] {strides = array<i32>} : memref<56x8x128xf32, #tpu.memory_space<vmem>>, vector<1x1x16xf32>,
        %get3A_479 = vector.shape_cast %get3A_478 : vector<1x1x16xf32> to vector<16xf32>
        %mul3A_480 = vector.broadcast %squeeze3A_468 : f32 to vector<16xf32>
        %mul3A_481 = arith.mulf %mul3A_480, %get3A_479 : vector<16xf32>
        %add3A_482 = arith.addf %add3A_426, %mul3A_481 : vector<16xf32>
        %get3A_483 = arith.index_cast %shift_right_logical3A_472 : i32 to index
        %get3A_484 = arith.index_cast %and3A_474 : i32 to index
        %get3A_485 = arith.constant 16 : index
        %get3A_486 = tpu.vector_load %arg14[%get3A_483, %get3A_484, %get3A_485] {strides = array<i32>} : memref<56x8x128xf32, #tpu.memory_space<vmem>>, vector<1x1x16xf32>,
        %get3A_487 = vector.shape_cast %get3A_486 : vector<1x1x16xf32> to vector<16xf32>
        %mul3A_488 = vector.broadcast %squeeze3A_468 : f32 to vector<16xf32>
        %mul3A_489 = arith.mulf %mul3A_488, %get3A_487 : vector<16xf32>
        %add3A_490 = arith.addf %add3A_434, %mul3A_489 : vector<16xf32>
        %get3A_491 = arith.index_cast %shift_right_logical3A_472 : i32 to index
        %get3A_492 = arith.index_cast %and3A_474 : i32 to index
        %get3A_493 = arith.constant 32 : index
        %get3A_494 = tpu.vector_load %arg14[%get3A_491, %get3A_492, %get3A_493] {strides = array<i32>} : memref<56x8x128xf32, #tpu.memory_space<vmem>>, vector<1x1x16xf32>,
        %get3A_495 = vector.shape_cast %get3A_494 : vector<1x1x16xf32> to vector<16xf32>
        %mul3A_496 = vector.broadcast %squeeze3A_468 : f32 to vector<16xf32>
        %mul3A_497 = arith.mulf %mul3A_496, %get3A_495 : vector<16xf32>
        %add3A_498 = arith.addf %add3A_442, %mul3A_497 : vector<16xf32>
        %get3A_499 = arith.index_cast %shift_right_logical3A_472 : i32 to index
        %get3A_500 = arith.index_cast %and3A_474 : i32 to index
        %get3A_501 = arith.constant 48 : index
        %get3A_502 = tpu.vector_load %arg14[%get3A_499, %get3A_500, %get3A_501] {strides = array<i32>} : memref<56x8x128xf32, #tpu.memory_space<vmem>>, vector<1x1x16xf32>,
        %get3A_503 = vector.shape_cast %get3A_502 : vector<1x1x16xf32> to vector<16xf32>
        %mul3A_504 = vector.broadcast %squeeze3A_468 : f32 to vector<16xf32>
        %mul3A_505 = arith.mulf %mul3A_504, %get3A_503 : vector<16xf32>
        %add3A_506 = arith.addf %add3A_450, %mul3A_505 : vector<16xf32>
        %get3A_507 = arith.index_cast %shift_right_logical3A_472 : i32 to index
        %get3A_508 = arith.index_cast %and3A_474 : i32 to index
        %get3A_509 = arith.constant 64 : index
        %get3A_510 = tpu.vector_load %arg14[%get3A_507, %get3A_508, %get3A_509] {strides = array<i32>} : memref<56x8x128xf32, #tpu.memory_space<vmem>>, vector<1x1x16xf32>,
        %get3A_511 = vector.shape_cast %get3A_510 : vector<1x1x16xf32> to vector<16xf32>
        %mul3A_512 = vector.broadcast %squeeze3A_468 : f32 to vector<16xf32>
        %mul3A_513 = arith.mulf %mul3A_512, %get3A_511 : vector<16xf32>
        %add3A_514 = arith.addf %add3A_458, %mul3A_513 : vector<16xf32>
        %get3A_515 = arith.index_cast %shift_right_logical3A_472 : i32 to index
        %get3A_516 = arith.index_cast %and3A_474 : i32 to index
        %get3A_517 = arith.constant 80 : index
        %get3A_518 = tpu.vector_load %arg14[%get3A_515, %get3A_516, %get3A_517] {strides = array<i32>} : memref<56x8x128xf32, #tpu.memory_space<vmem>>, vector<1x1x16xf32>,
        %get3A_519 = vector.shape_cast %get3A_518 : vector<1x1x16xf32> to vector<16xf32>
        %mul3A_520 = vector.broadcast %squeeze3A_468 : f32 to vector<16xf32>
        %mul3A_521 = arith.mulf %mul3A_520, %get3A_519 : vector<16xf32>
        %add3A_522 = arith.addf %add3A_466, %mul3A_521 : vector<16xf32>
        %slice3A_523 = vector.extract_strided_slice %get3A_295 {offsets = [4], sizes = [1], strides = [1]} : vector<16xf32> to vector<1xf32>
        %squeeze3A_524 = vector.extract %slice3A_523[0] : f32 from vector<1xf32>
        %slice3A_525 = vector.extract_strided_slice %get3A_302 {offsets = [4], sizes = [1], strides = [1]} : vector<16xi32> to vector<1xi32>
        %squeeze3A_526 = vector.extract %slice3A_525[0] : i32 from vector<1xi32>
        %shift_right_logical3A_527 = arith.constant 3 : i32
        %shift_right_logical3A_528 = arith.shrui %squeeze3A_526, %shift_right_logical3A_527 : i32
        %and3A_529 = arith.constant 7 : i32
        %and3A_530 = arith.andi %squeeze3A_526, %and3A_529 : i32
        %get3A_531 = arith.index_cast %shift_right_logical3A_528 : i32 to index
        %get3A_532 = arith.index_cast %and3A_530 : i32 to index
        %get3A_533 = arith.constant 0 : index
        %get3A_534 = tpu.vector_load %arg14[%get3A_531, %get3A_532, %get3A_533] {strides = array<i32>} : memref<56x8x128xf32, #tpu.memory_space<vmem>>, vector<1x1x16xf32>,
        %get3A_535 = vector.shape_cast %get3A_534 : vector<1x1x16xf32> to vector<16xf32>
        %mul3A_536 = vector.broadcast %squeeze3A_524 : f32 to vector<16xf32>
        %mul3A_537 = arith.mulf %mul3A_536, %get3A_535 : vector<16xf32>
        %add3A_538 = arith.addf %add3A_482, %mul3A_537 : vector<16xf32>
        %get3A_539 = arith.index_cast %shift_right_logical3A_528 : i32 to index
        %get3A_540 = arith.index_cast %and3A_530 : i32 to index
        %get3A_541 = arith.constant 16 : index
        %get3A_542 = tpu.vector_load %arg14[%get3A_539, %get3A_540, %get3A_541] {strides = array<i32>} : memref<56x8x128xf32, #tpu.memory_space<vmem>>, vector<1x1x16xf32>,
        %get3A_543 = vector.shape_cast %get3A_542 : vector<1x1x16xf32> to vector<16xf32>
        %mul3A_544 = vector.broadcast %squeeze3A_524 : f32 to vector<16xf32>
        %mul3A_545 = arith.mulf %mul3A_544, %get3A_543 : vector<16xf32>
        %add3A_546 = arith.addf %add3A_490, %mul3A_545 : vector<16xf32>
        %get3A_547 = arith.index_cast %shift_right_logical3A_528 : i32 to index
        %get3A_548 = arith.index_cast %and3A_530 : i32 to index
        %get3A_549 = arith.constant 32 : index
        %get3A_550 = tpu.vector_load %arg14[%get3A_547, %get3A_548, %get3A_549] {strides = array<i32>} : memref<56x8x128xf32, #tpu.memory_space<vmem>>, vector<1x1x16xf32>,
        %get3A_551 = vector.shape_cast %get3A_550 : vector<1x1x16xf32> to vector<16xf32>
        %mul3A_552 = vector.broadcast %squeeze3A_524 : f32 to vector<16xf32>
        %mul3A_553 = arith.mulf %mul3A_552, %get3A_551 : vector<16xf32>
        %add3A_554 = arith.addf %add3A_498, %mul3A_553 : vector<16xf32>
        %get3A_555 = arith.index_cast %shift_right_logical3A_528 : i32 to index
        %get3A_556 = arith.index_cast %and3A_530 : i32 to index
        %get3A_557 = arith.constant 48 : index
        %get3A_558 = tpu.vector_load %arg14[%get3A_555, %get3A_556, %get3A_557] {strides = array<i32>} : memref<56x8x128xf32, #tpu.memory_space<vmem>>, vector<1x1x16xf32>,
        %get3A_559 = vector.shape_cast %get3A_558 : vector<1x1x16xf32> to vector<16xf32>
        %mul3A_560 = vector.broadcast %squeeze3A_524 : f32 to vector<16xf32>
        %mul3A_561 = arith.mulf %mul3A_560, %get3A_559 : vector<16xf32>
        %add3A_562 = arith.addf %add3A_506, %mul3A_561 : vector<16xf32>
        %get3A_563 = arith.index_cast %shift_right_logical3A_528 : i32 to index
        %get3A_564 = arith.index_cast %and3A_530 : i32 to index
        %get3A_565 = arith.constant 64 : index
        %get3A_566 = tpu.vector_load %arg14[%get3A_563, %get3A_564, %get3A_565] {strides = array<i32>} : memref<56x8x128xf32, #tpu.memory_space<vmem>>, vector<1x1x16xf32>,
        %get3A_567 = vector.shape_cast %get3A_566 : vector<1x1x16xf32> to vector<16xf32>
        %mul3A_568 = vector.broadcast %squeeze3A_524 : f32 to vector<16xf32>
        %mul3A_569 = arith.mulf %mul3A_568, %get3A_567 : vector<16xf32>
        %add3A_570 = arith.addf %add3A_514, %mul3A_569 : vector<16xf32>
        %get3A_571 = arith.index_cast %shift_right_logical3A_528 : i32 to index
        %get3A_572 = arith.index_cast %and3A_530 : i32 to index
        %get3A_573 = arith.constant 80 : index
        %get3A_574 = tpu.vector_load %arg14[%get3A_571, %get3A_572, %get3A_573] {strides = array<i32>} : memref<56x8x128xf32, #tpu.memory_space<vmem>>, vector<1x1x16xf32>,
        %get3A_575 = vector.shape_cast %get3A_574 : vector<1x1x16xf32> to vector<16xf32>
        %mul3A_576 = vector.broadcast %squeeze3A_524 : f32 to vector<16xf32>
        %mul3A_577 = arith.mulf %mul3A_576, %get3A_575 : vector<16xf32>
        %add3A_578 = arith.addf %add3A_522, %mul3A_577 : vector<16xf32>
        %slice3A_579 = vector.extract_strided_slice %get3A_295 {offsets = [5], sizes = [1], strides = [1]} : vector<16xf32> to vector<1xf32>
        %squeeze3A_580 = vector.extract %slice3A_579[0] : f32 from vector<1xf32>
        %slice3A_581 = vector.extract_strided_slice %get3A_302 {offsets = [5], sizes = [1], strides = [1]} : vector<16xi32> to vector<1xi32>
        %squeeze3A_582 = vector.extract %slice3A_581[0] : i32 from vector<1xi32>
        %shift_right_logical3A_583 = arith.constant 3 : i32
        %shift_right_logical3A_584 = arith.shrui %squeeze3A_582, %shift_right_logical3A_583 : i32
        %and3A_585 = arith.constant 7 : i32
        %and3A_586 = arith.andi %squeeze3A_582, %and3A_585 : i32
        %get3A_587 = arith.index_cast %shift_right_logical3A_584 : i32 to index
        %get3A_588 = arith.index_cast %and3A_586 : i32 to index
        %get3A_589 = arith.constant 0 : index
        %get3A_590 = tpu.vector_load %arg14[%get3A_587, %get3A_588, %get3A_589] {strides = array<i32>} : memref<56x8x128xf32, #tpu.memory_space<vmem>>, vector<1x1x16xf32>,
        %get3A_591 = vector.shape_cast %get3A_590 : vector<1x1x16xf32> to vector<16xf32>
        %mul3A_592 = vector.broadcast %squeeze3A_580 : f32 to vector<16xf32>
        %mul3A_593 = arith.mulf %mul3A_592, %get3A_591 : vector<16xf32>
        %add3A_594 = arith.addf %add3A_538, %mul3A_593 : vector<16xf32>
        %get3A_595 = arith.index_cast %shift_right_logical3A_584 : i32 to index
        %get3A_596 = arith.index_cast %and3A_586 : i32 to index
        %get3A_597 = arith.constant 16 : index
        %get3A_598 = tpu.vector_load %arg14[%get3A_595, %get3A_596, %get3A_597] {strides = array<i32>} : memref<56x8x128xf32, #tpu.memory_space<vmem>>, vector<1x1x16xf32>,
        %get3A_599 = vector.shape_cast %get3A_598 : vector<1x1x16xf32> to vector<16xf32>
        %mul3A_600 = vector.broadcast %squeeze3A_580 : f32 to vector<16xf32>
        %mul3A_601 = arith.mulf %mul3A_600, %get3A_599 : vector<16xf32>
        %add3A_602 = arith.addf %add3A_546, %mul3A_601 : vector<16xf32>
        %get3A_603 = arith.index_cast %shift_right_logical3A_584 : i32 to index
        %get3A_604 = arith.index_cast %and3A_586 : i32 to index
        %get3A_605 = arith.constant 32 : index
        %get3A_606 = tpu.vector_load %arg14[%get3A_603, %get3A_604, %get3A_605] {strides = array<i32>} : memref<56x8x128xf32, #tpu.memory_space<vmem>>, vector<1x1x16xf32>,
        %get3A_607 = vector.shape_cast %get3A_606 : vector<1x1x16xf32> to vector<16xf32>
        %mul3A_608 = vector.broadcast %squeeze3A_580 : f32 to vector<16xf32>
        %mul3A_609 = arith.mulf %mul3A_608, %get3A_607 : vector<16xf32>
        %add3A_610 = arith.addf %add3A_554, %mul3A_609 : vector<16xf32>
        %get3A_611 = arith.index_cast %shift_right_logical3A_584 : i32 to index
        %get3A_612 = arith.index_cast %and3A_586 : i32 to index
        %get3A_613 = arith.constant 48 : index
        %get3A_614 = tpu.vector_load %arg14[%get3A_611, %get3A_612, %get3A_613] {strides = array<i32>} : memref<56x8x128xf32, #tpu.memory_space<vmem>>, vector<1x1x16xf32>,
        %get3A_615 = vector.shape_cast %get3A_614 : vector<1x1x16xf32> to vector<16xf32>
        %mul3A_616 = vector.broadcast %squeeze3A_580 : f32 to vector<16xf32>
        %mul3A_617 = arith.mulf %mul3A_616, %get3A_615 : vector<16xf32>
        %add3A_618 = arith.addf %add3A_562, %mul3A_617 : vector<16xf32>
        %get3A_619 = arith.index_cast %shift_right_logical3A_584 : i32 to index
        %get3A_620 = arith.index_cast %and3A_586 : i32 to index
        %get3A_621 = arith.constant 64 : index
        %get3A_622 = tpu.vector_load %arg14[%get3A_619, %get3A_620, %get3A_621] {strides = array<i32>} : memref<56x8x128xf32, #tpu.memory_space<vmem>>, vector<1x1x16xf32>,
        %get3A_623 = vector.shape_cast %get3A_622 : vector<1x1x16xf32> to vector<16xf32>
        %mul3A_624 = vector.broadcast %squeeze3A_580 : f32 to vector<16xf32>
        %mul3A_625 = arith.mulf %mul3A_624, %get3A_623 : vector<16xf32>
        %add3A_626 = arith.addf %add3A_570, %mul3A_625 : vector<16xf32>
        %get3A_627 = arith.index_cast %shift_right_logical3A_584 : i32 to index
        %get3A_628 = arith.index_cast %and3A_586 : i32 to index
        %get3A_629 = arith.constant 80 : index
        %get3A_630 = tpu.vector_load %arg14[%get3A_627, %get3A_628, %get3A_629] {strides = array<i32>} : memref<56x8x128xf32, #tpu.memory_space<vmem>>, vector<1x1x16xf32>,
        %get3A_631 = vector.shape_cast %get3A_630 : vector<1x1x16xf32> to vector<16xf32>
        %mul3A_632 = vector.broadcast %squeeze3A_580 : f32 to vector<16xf32>
        %mul3A_633 = arith.mulf %mul3A_632, %get3A_631 : vector<16xf32>
        %add3A_634 = arith.addf %add3A_578, %mul3A_633 : vector<16xf32>
        %slice3A_635 = vector.extract_strided_slice %get3A_295 {offsets = [6], sizes = [1], strides = [1]} : vector<16xf32> to vector<1xf32>
        %squeeze3A_636 = vector.extract %slice3A_635[0] : f32 from vector<1xf32>
        %slice3A_637 = vector.extract_strided_slice %get3A_302 {offsets = [6], sizes = [1], strides = [1]} : vector<16xi32> to vector<1xi32>
        %squeeze3A_638 = vector.extract %slice3A_637[0] : i32 from vector<1xi32>
        %shift_right_logical3A_639 = arith.constant 3 : i32
        %shift_right_logical3A_640 = arith.shrui %squeeze3A_638, %shift_right_logical3A_639 : i32
        %and3A_641 = arith.constant 7 : i32
        %and3A_642 = arith.andi %squeeze3A_638, %and3A_641 : i32
        %get3A_643 = arith.index_cast %shift_right_logical3A_640 : i32 to index
        %get3A_644 = arith.index_cast %and3A_642 : i32 to index
        %get3A_645 = arith.constant 0 : index
        %get3A_646 = tpu.vector_load %arg14[%get3A_643, %get3A_644, %get3A_645] {strides = array<i32>} : memref<56x8x128xf32, #tpu.memory_space<vmem>>, vector<1x1x16xf32>,
        %get3A_647 = vector.shape_cast %get3A_646 : vector<1x1x16xf32> to vector<16xf32>
        %mul3A_648 = vector.broadcast %squeeze3A_636 : f32 to vector<16xf32>
        %mul3A_649 = arith.mulf %mul3A_648, %get3A_647 : vector<16xf32>
        %add3A_650 = arith.addf %add3A_594, %mul3A_649 : vector<16xf32>
        %get3A_651 = arith.index_cast %shift_right_logical3A_640 : i32 to index
        %get3A_652 = arith.index_cast %and3A_642 : i32 to index
        %get3A_653 = arith.constant 16 : index
        %get3A_654 = tpu.vector_load %arg14[%get3A_651, %get3A_652, %get3A_653] {strides = array<i32>} : memref<56x8x128xf32, #tpu.memory_space<vmem>>, vector<1x1x16xf32>,
        %get3A_655 = vector.shape_cast %get3A_654 : vector<1x1x16xf32> to vector<16xf32>
        %mul3A_656 = vector.broadcast %squeeze3A_636 : f32 to vector<16xf32>
        %mul3A_657 = arith.mulf %mul3A_656, %get3A_655 : vector<16xf32>
        %add3A_658 = arith.addf %add3A_602, %mul3A_657 : vector<16xf32>
        %get3A_659 = arith.index_cast %shift_right_logical3A_640 : i32 to index
        %get3A_660 = arith.index_cast %and3A_642 : i32 to index
        %get3A_661 = arith.constant 32 : index
        %get3A_662 = tpu.vector_load %arg14[%get3A_659, %get3A_660, %get3A_661] {strides = array<i32>} : memref<56x8x128xf32, #tpu.memory_space<vmem>>, vector<1x1x16xf32>,
        %get3A_663 = vector.shape_cast %get3A_662 : vector<1x1x16xf32> to vector<16xf32>
        %mul3A_664 = vector.broadcast %squeeze3A_636 : f32 to vector<16xf32>
        %mul3A_665 = arith.mulf %mul3A_664, %get3A_663 : vector<16xf32>
        %add3A_666 = arith.addf %add3A_610, %mul3A_665 : vector<16xf32>
        %get3A_667 = arith.index_cast %shift_right_logical3A_640 : i32 to index
        %get3A_668 = arith.index_cast %and3A_642 : i32 to index
        %get3A_669 = arith.constant 48 : index
        %get3A_670 = tpu.vector_load %arg14[%get3A_667, %get3A_668, %get3A_669] {strides = array<i32>} : memref<56x8x128xf32, #tpu.memory_space<vmem>>, vector<1x1x16xf32>,
        %get3A_671 = vector.shape_cast %get3A_670 : vector<1x1x16xf32> to vector<16xf32>
        %mul3A_672 = vector.broadcast %squeeze3A_636 : f32 to vector<16xf32>
        %mul3A_673 = arith.mulf %mul3A_672, %get3A_671 : vector<16xf32>
        %add3A_674 = arith.addf %add3A_618, %mul3A_673 : vector<16xf32>
        %get3A_675 = arith.index_cast %shift_right_logical3A_640 : i32 to index
        %get3A_676 = arith.index_cast %and3A_642 : i32 to index
        %get3A_677 = arith.constant 64 : index
        %get3A_678 = tpu.vector_load %arg14[%get3A_675, %get3A_676, %get3A_677] {strides = array<i32>} : memref<56x8x128xf32, #tpu.memory_space<vmem>>, vector<1x1x16xf32>,
        %get3A_679 = vector.shape_cast %get3A_678 : vector<1x1x16xf32> to vector<16xf32>
        %mul3A_680 = vector.broadcast %squeeze3A_636 : f32 to vector<16xf32>
        %mul3A_681 = arith.mulf %mul3A_680, %get3A_679 : vector<16xf32>
        %add3A_682 = arith.addf %add3A_626, %mul3A_681 : vector<16xf32>
        %get3A_683 = arith.index_cast %shift_right_logical3A_640 : i32 to index
        %get3A_684 = arith.index_cast %and3A_642 : i32 to index
        %get3A_685 = arith.constant 80 : index
        %get3A_686 = tpu.vector_load %arg14[%get3A_683, %get3A_684, %get3A_685] {strides = array<i32>} : memref<56x8x128xf32, #tpu.memory_space<vmem>>, vector<1x1x16xf32>,
        %get3A_687 = vector.shape_cast %get3A_686 : vector<1x1x16xf32> to vector<16xf32>
        %mul3A_688 = vector.broadcast %squeeze3A_636 : f32 to vector<16xf32>
        %mul3A_689 = arith.mulf %mul3A_688, %get3A_687 : vector<16xf32>
        %add3A_690 = arith.addf %add3A_634, %mul3A_689 : vector<16xf32>
        %slice3A_691 = vector.extract_strided_slice %get3A_295 {offsets = [7], sizes = [1], strides = [1]} : vector<16xf32> to vector<1xf32>
        %squeeze3A_692 = vector.extract %slice3A_691[0] : f32 from vector<1xf32>
        %slice3A_693 = vector.extract_strided_slice %get3A_302 {offsets = [7], sizes = [1], strides = [1]} : vector<16xi32> to vector<1xi32>
        %squeeze3A_694 = vector.extract %slice3A_693[0] : i32 from vector<1xi32>
        %shift_right_logical3A_695 = arith.constant 3 : i32
        %shift_right_logical3A_696 = arith.shrui %squeeze3A_694, %shift_right_logical3A_695 : i32
        %and3A_697 = arith.constant 7 : i32
        %and3A_698 = arith.andi %squeeze3A_694, %and3A_697 : i32
        %get3A_699 = arith.index_cast %shift_right_logical3A_696 : i32 to index
        %get3A_700 = arith.index_cast %and3A_698 : i32 to index
        %get3A_701 = arith.constant 0 : index
        %get3A_702 = tpu.vector_load %arg14[%get3A_699, %get3A_700, %get3A_701] {strides = array<i32>} : memref<56x8x128xf32, #tpu.memory_space<vmem>>, vector<1x1x16xf32>,
        %get3A_703 = vector.shape_cast %get3A_702 : vector<1x1x16xf32> to vector<16xf32>
        %mul3A_704 = vector.broadcast %squeeze3A_692 : f32 to vector<16xf32>
        %mul3A_705 = arith.mulf %mul3A_704, %get3A_703 : vector<16xf32>
        %add3A_706 = arith.addf %add3A_650, %mul3A_705 : vector<16xf32>
        %get3A_707 = arith.index_cast %shift_right_logical3A_696 : i32 to index
        %get3A_708 = arith.index_cast %and3A_698 : i32 to index
        %get3A_709 = arith.constant 16 : index
        %get3A_710 = tpu.vector_load %arg14[%get3A_707, %get3A_708, %get3A_709] {strides = array<i32>} : memref<56x8x128xf32, #tpu.memory_space<vmem>>, vector<1x1x16xf32>,
        %get3A_711 = vector.shape_cast %get3A_710 : vector<1x1x16xf32> to vector<16xf32>
        %mul3A_712 = vector.broadcast %squeeze3A_692 : f32 to vector<16xf32>
        %mul3A_713 = arith.mulf %mul3A_712, %get3A_711 : vector<16xf32>
        %add3A_714 = arith.addf %add3A_658, %mul3A_713 : vector<16xf32>
        %get3A_715 = arith.index_cast %shift_right_logical3A_696 : i32 to index
        %get3A_716 = arith.index_cast %and3A_698 : i32 to index
        %get3A_717 = arith.constant 32 : index
        %get3A_718 = tpu.vector_load %arg14[%get3A_715, %get3A_716, %get3A_717] {strides = array<i32>} : memref<56x8x128xf32, #tpu.memory_space<vmem>>, vector<1x1x16xf32>,
        %get3A_719 = vector.shape_cast %get3A_718 : vector<1x1x16xf32> to vector<16xf32>
        %mul3A_720 = vector.broadcast %squeeze3A_692 : f32 to vector<16xf32>
        %mul3A_721 = arith.mulf %mul3A_720, %get3A_719 : vector<16xf32>
        %add3A_722 = arith.addf %add3A_666, %mul3A_721 : vector<16xf32>
        %get3A_723 = arith.index_cast %shift_right_logical3A_696 : i32 to index
        %get3A_724 = arith.index_cast %and3A_698 : i32 to index
        %get3A_725 = arith.constant 48 : index
        %get3A_726 = tpu.vector_load %arg14[%get3A_723, %get3A_724, %get3A_725] {strides = array<i32>} : memref<56x8x128xf32, #tpu.memory_space<vmem>>, vector<1x1x16xf32>,
        %get3A_727 = vector.shape_cast %get3A_726 : vector<1x1x16xf32> to vector<16xf32>
        %mul3A_728 = vector.broadcast %squeeze3A_692 : f32 to vector<16xf32>
        %mul3A_729 = arith.mulf %mul3A_728, %get3A_727 : vector<16xf32>
        %add3A_730 = arith.addf %add3A_674, %mul3A_729 : vector<16xf32>
        %get3A_731 = arith.index_cast %shift_right_logical3A_696 : i32 to index
        %get3A_732 = arith.index_cast %and3A_698 : i32 to index
        %get3A_733 = arith.constant 64 : index
        %get3A_734 = tpu.vector_load %arg14[%get3A_731, %get3A_732, %get3A_733] {strides = array<i32>} : memref<56x8x128xf32, #tpu.memory_space<vmem>>, vector<1x1x16xf32>,
        %get3A_735 = vector.shape_cast %get3A_734 : vector<1x1x16xf32> to vector<16xf32>
        %mul3A_736 = vector.broadcast %squeeze3A_692 : f32 to vector<16xf32>
        %mul3A_737 = arith.mulf %mul3A_736, %get3A_735 : vector<16xf32>
        %add3A_738 = arith.addf %add3A_682, %mul3A_737 : vector<16xf32>
        %get3A_739 = arith.index_cast %shift_right_logical3A_696 : i32 to index
        %get3A_740 = arith.index_cast %and3A_698 : i32 to index
        %get3A_741 = arith.constant 80 : index
        %get3A_742 = tpu.vector_load %arg14[%get3A_739, %get3A_740, %get3A_741] {strides = array<i32>} : memref<56x8x128xf32, #tpu.memory_space<vmem>>, vector<1x1x16xf32>,
        %get3A_743 = vector.shape_cast %get3A_742 : vector<1x1x16xf32> to vector<16xf32>
        %mul3A_744 = vector.broadcast %squeeze3A_692 : f32 to vector<16xf32>
        %mul3A_745 = arith.mulf %mul3A_744, %get3A_743 : vector<16xf32>
        %add3A_746 = arith.addf %add3A_690, %mul3A_745 : vector<16xf32>
        %slice3A_747 = vector.extract_strided_slice %get3A_295 {offsets = [8], sizes = [1], strides = [1]} : vector<16xf32> to vector<1xf32>
        %squeeze3A_748 = vector.extract %slice3A_747[0] : f32 from vector<1xf32>
        %slice3A_749 = vector.extract_strided_slice %get3A_302 {offsets = [8], sizes = [1], strides = [1]} : vector<16xi32> to vector<1xi32>
        %squeeze3A_750 = vector.extract %slice3A_749[0] : i32 from vector<1xi32>
        %shift_right_logical3A_751 = arith.constant 3 : i32
        %shift_right_logical3A_752 = arith.shrui %squeeze3A_750, %shift_right_logical3A_751 : i32
        %and3A_753 = arith.constant 7 : i32
        %and3A_754 = arith.andi %squeeze3A_750, %and3A_753 : i32
        %get3A_755 = arith.index_cast %shift_right_logical3A_752 : i32 to index
        %get3A_756 = arith.index_cast %and3A_754 : i32 to index
        %get3A_757 = arith.constant 0 : index
        %get3A_758 = tpu.vector_load %arg14[%get3A_755, %get3A_756, %get3A_757] {strides = array<i32>} : memref<56x8x128xf32, #tpu.memory_space<vmem>>, vector<1x1x16xf32>,
        %get3A_759 = vector.shape_cast %get3A_758 : vector<1x1x16xf32> to vector<16xf32>
        %mul3A_760 = vector.broadcast %squeeze3A_748 : f32 to vector<16xf32>
        %mul3A_761 = arith.mulf %mul3A_760, %get3A_759 : vector<16xf32>
        %add3A_762 = arith.addf %add3A_706, %mul3A_761 : vector<16xf32>
        %get3A_763 = arith.index_cast %shift_right_logical3A_752 : i32 to index
        %get3A_764 = arith.index_cast %and3A_754 : i32 to index
        %get3A_765 = arith.constant 16 : index
        %get3A_766 = tpu.vector_load %arg14[%get3A_763, %get3A_764, %get3A_765] {strides = array<i32>} : memref<56x8x128xf32, #tpu.memory_space<vmem>>, vector<1x1x16xf32>,
        %get3A_767 = vector.shape_cast %get3A_766 : vector<1x1x16xf32> to vector<16xf32>
        %mul3A_768 = vector.broadcast %squeeze3A_748 : f32 to vector<16xf32>
        %mul3A_769 = arith.mulf %mul3A_768, %get3A_767 : vector<16xf32>
        %add3A_770 = arith.addf %add3A_714, %mul3A_769 : vector<16xf32>
        %get3A_771 = arith.index_cast %shift_right_logical3A_752 : i32 to index
        %get3A_772 = arith.index_cast %and3A_754 : i32 to index
        %get3A_773 = arith.constant 32 : index
        %get3A_774 = tpu.vector_load %arg14[%get3A_771, %get3A_772, %get3A_773] {strides = array<i32>} : memref<56x8x128xf32, #tpu.memory_space<vmem>>, vector<1x1x16xf32>,
        %get3A_775 = vector.shape_cast %get3A_774 : vector<1x1x16xf32> to vector<16xf32>
        %mul3A_776 = vector.broadcast %squeeze3A_748 : f32 to vector<16xf32>
        %mul3A_777 = arith.mulf %mul3A_776, %get3A_775 : vector<16xf32>
        %add3A_778 = arith.addf %add3A_722, %mul3A_777 : vector<16xf32>
        %get3A_779 = arith.index_cast %shift_right_logical3A_752 : i32 to index
        %get3A_780 = arith.index_cast %and3A_754 : i32 to index
        %get3A_781 = arith.constant 48 : index
        %get3A_782 = tpu.vector_load %arg14[%get3A_779, %get3A_780, %get3A_781] {strides = array<i32>} : memref<56x8x128xf32, #tpu.memory_space<vmem>>, vector<1x1x16xf32>,
        %get3A_783 = vector.shape_cast %get3A_782 : vector<1x1x16xf32> to vector<16xf32>
        %mul3A_784 = vector.broadcast %squeeze3A_748 : f32 to vector<16xf32>
        %mul3A_785 = arith.mulf %mul3A_784, %get3A_783 : vector<16xf32>
        %add3A_786 = arith.addf %add3A_730, %mul3A_785 : vector<16xf32>
        %get3A_787 = arith.index_cast %shift_right_logical3A_752 : i32 to index
        %get3A_788 = arith.index_cast %and3A_754 : i32 to index
        %get3A_789 = arith.constant 64 : index
        %get3A_790 = tpu.vector_load %arg14[%get3A_787, %get3A_788, %get3A_789] {strides = array<i32>} : memref<56x8x128xf32, #tpu.memory_space<vmem>>, vector<1x1x16xf32>,
        %get3A_791 = vector.shape_cast %get3A_790 : vector<1x1x16xf32> to vector<16xf32>
        %mul3A_792 = vector.broadcast %squeeze3A_748 : f32 to vector<16xf32>
        %mul3A_793 = arith.mulf %mul3A_792, %get3A_791 : vector<16xf32>
        %add3A_794 = arith.addf %add3A_738, %mul3A_793 : vector<16xf32>
        %get3A_795 = arith.index_cast %shift_right_logical3A_752 : i32 to index
        %get3A_796 = arith.index_cast %and3A_754 : i32 to index
        %get3A_797 = arith.constant 80 : index
        %get3A_798 = tpu.vector_load %arg14[%get3A_795, %get3A_796, %get3A_797] {strides = array<i32>} : memref<56x8x128xf32, #tpu.memory_space<vmem>>, vector<1x1x16xf32>,
        %get3A_799 = vector.shape_cast %get3A_798 : vector<1x1x16xf32> to vector<16xf32>
        %mul3A_800 = vector.broadcast %squeeze3A_748 : f32 to vector<16xf32>
        %mul3A_801 = arith.mulf %mul3A_800, %get3A_799 : vector<16xf32>
        %add3A_802 = arith.addf %add3A_746, %mul3A_801 : vector<16xf32>
        %slice3A_803 = vector.extract_strided_slice %get3A_295 {offsets = [9], sizes = [1], strides = [1]} : vector<16xf32> to vector<1xf32>
        %squeeze3A_804 = vector.extract %slice3A_803[0] : f32 from vector<1xf32>
        %slice3A_805 = vector.extract_strided_slice %get3A_302 {offsets = [9], sizes = [1], strides = [1]} : vector<16xi32> to vector<1xi32>
        %squeeze3A_806 = vector.extract %slice3A_805[0] : i32 from vector<1xi32>
        %shift_right_logical3A_807 = arith.constant 3 : i32
        %shift_right_logical3A_808 = arith.shrui %squeeze3A_806, %shift_right_logical3A_807 : i32
        %and3A_809 = arith.constant 7 : i32
        %and3A_810 = arith.andi %squeeze3A_806, %and3A_809 : i32
        %get3A_811 = arith.index_cast %shift_right_logical3A_808 : i32 to index
        %get3A_812 = arith.index_cast %and3A_810 : i32 to index
        %get3A_813 = arith.constant 0 : index
        %get3A_814 = tpu.vector_load %arg14[%get3A_811, %get3A_812, %get3A_813] {strides = array<i32>} : memref<56x8x128xf32, #tpu.memory_space<vmem>>, vector<1x1x16xf32>,
        %get3A_815 = vector.shape_cast %get3A_814 : vector<1x1x16xf32> to vector<16xf32>
        %mul3A_816 = vector.broadcast %squeeze3A_804 : f32 to vector<16xf32>
        %mul3A_817 = arith.mulf %mul3A_816, %get3A_815 : vector<16xf32>
        %add3A_818 = arith.addf %add3A_762, %mul3A_817 : vector<16xf32>
        %get3A_819 = arith.index_cast %shift_right_logical3A_808 : i32 to index
        %get3A_820 = arith.index_cast %and3A_810 : i32 to index
        %get3A_821 = arith.constant 16 : index
        %get3A_822 = tpu.vector_load %arg14[%get3A_819, %get3A_820, %get3A_821] {strides = array<i32>} : memref<56x8x128xf32, #tpu.memory_space<vmem>>, vector<1x1x16xf32>,
        %get3A_823 = vector.shape_cast %get3A_822 : vector<1x1x16xf32> to vector<16xf32>
        %mul3A_824 = vector.broadcast %squeeze3A_804 : f32 to vector<16xf32>
        %mul3A_825 = arith.mulf %mul3A_824, %get3A_823 : vector<16xf32>
        %add3A_826 = arith.addf %add3A_770, %mul3A_825 : vector<16xf32>
        %get3A_827 = arith.index_cast %shift_right_logical3A_808 : i32 to index
        %get3A_828 = arith.index_cast %and3A_810 : i32 to index
        %get3A_829 = arith.constant 32 : index
        %get3A_830 = tpu.vector_load %arg14[%get3A_827, %get3A_828, %get3A_829] {strides = array<i32>} : memref<56x8x128xf32, #tpu.memory_space<vmem>>, vector<1x1x16xf32>,
        %get3A_831 = vector.shape_cast %get3A_830 : vector<1x1x16xf32> to vector<16xf32>
        %mul3A_832 = vector.broadcast %squeeze3A_804 : f32 to vector<16xf32>
        %mul3A_833 = arith.mulf %mul3A_832, %get3A_831 : vector<16xf32>
        %add3A_834 = arith.addf %add3A_778, %mul3A_833 : vector<16xf32>
        %get3A_835 = arith.index_cast %shift_right_logical3A_808 : i32 to index
        %get3A_836 = arith.index_cast %and3A_810 : i32 to index
        %get3A_837 = arith.constant 48 : index
        %get3A_838 = tpu.vector_load %arg14[%get3A_835, %get3A_836, %get3A_837] {strides = array<i32>} : memref<56x8x128xf32, #tpu.memory_space<vmem>>, vector<1x1x16xf32>,
        %get3A_839 = vector.shape_cast %get3A_838 : vector<1x1x16xf32> to vector<16xf32>
        %mul3A_840 = vector.broadcast %squeeze3A_804 : f32 to vector<16xf32>
        %mul3A_841 = arith.mulf %mul3A_840, %get3A_839 : vector<16xf32>
        %add3A_842 = arith.addf %add3A_786, %mul3A_841 : vector<16xf32>
        %get3A_843 = arith.index_cast %shift_right_logical3A_808 : i32 to index
        %get3A_844 = arith.index_cast %and3A_810 : i32 to index
        %get3A_845 = arith.constant 64 : index
        %get3A_846 = tpu.vector_load %arg14[%get3A_843, %get3A_844, %get3A_845] {strides = array<i32>} : memref<56x8x128xf32, #tpu.memory_space<vmem>>, vector<1x1x16xf32>,
        %get3A_847 = vector.shape_cast %get3A_846 : vector<1x1x16xf32> to vector<16xf32>
        %mul3A_848 = vector.broadcast %squeeze3A_804 : f32 to vector<16xf32>
        %mul3A_849 = arith.mulf %mul3A_848, %get3A_847 : vector<16xf32>
        %add3A_850 = arith.addf %add3A_794, %mul3A_849 : vector<16xf32>
        %get3A_851 = arith.index_cast %shift_right_logical3A_808 : i32 to index
        %get3A_852 = arith.index_cast %and3A_810 : i32 to index
        %get3A_853 = arith.constant 80 : index
        %get3A_854 = tpu.vector_load %arg14[%get3A_851, %get3A_852, %get3A_853] {strides = array<i32>} : memref<56x8x128xf32, #tpu.memory_space<vmem>>, vector<1x1x16xf32>,
        %get3A_855 = vector.shape_cast %get3A_854 : vector<1x1x16xf32> to vector<16xf32>
        %mul3A_856 = vector.broadcast %squeeze3A_804 : f32 to vector<16xf32>
        %mul3A_857 = arith.mulf %mul3A_856, %get3A_855 : vector<16xf32>
        %add3A_858 = arith.addf %add3A_802, %mul3A_857 : vector<16xf32>
        %slice3A_859 = vector.extract_strided_slice %get3A_295 {offsets = [10], sizes = [1], strides = [1]} : vector<16xf32> to vector<1xf32>
        %squeeze3A_860 = vector.extract %slice3A_859[0] : f32 from vector<1xf32>
        %slice3A_861 = vector.extract_strided_slice %get3A_302 {offsets = [10], sizes = [1], strides = [1]} : vector<16xi32> to vector<1xi32>
        %squeeze3A_862 = vector.extract %slice3A_861[0] : i32 from vector<1xi32>
        %shift_right_logical3A_863 = arith.constant 3 : i32
        %shift_right_logical3A_864 = arith.shrui %squeeze3A_862, %shift_right_logical3A_863 : i32
        %and3A_865 = arith.constant 7 : i32
        %and3A_866 = arith.andi %squeeze3A_862, %and3A_865 : i32
        %get3A_867 = arith.index_cast %shift_right_logical3A_864 : i32 to index
        %get3A_868 = arith.index_cast %and3A_866 : i32 to index
        %get3A_869 = arith.constant 0 : index
        %get3A_870 = tpu.vector_load %arg14[%get3A_867, %get3A_868, %get3A_869] {strides = array<i32>} : memref<56x8x128xf32, #tpu.memory_space<vmem>>, vector<1x1x16xf32>,
        %get3A_871 = vector.shape_cast %get3A_870 : vector<1x1x16xf32> to vector<16xf32>
        %mul3A_872 = vector.broadcast %squeeze3A_860 : f32 to vector<16xf32>
        %mul3A_873 = arith.mulf %mul3A_872, %get3A_871 : vector<16xf32>
        %add3A_874 = arith.addf %add3A_818, %mul3A_873 : vector<16xf32>
        %get3A_875 = arith.index_cast %shift_right_logical3A_864 : i32 to index
        %get3A_876 = arith.index_cast %and3A_866 : i32 to index
        %get3A_877 = arith.constant 16 : index
        %get3A_878 = tpu.vector_load %arg14[%get3A_875, %get3A_876, %get3A_877] {strides = array<i32>} : memref<56x8x128xf32, #tpu.memory_space<vmem>>, vector<1x1x16xf32>,
        %get3A_879 = vector.shape_cast %get3A_878 : vector<1x1x16xf32> to vector<16xf32>
        %mul3A_880 = vector.broadcast %squeeze3A_860 : f32 to vector<16xf32>
        %mul3A_881 = arith.mulf %mul3A_880, %get3A_879 : vector<16xf32>
        %add3A_882 = arith.addf %add3A_826, %mul3A_881 : vector<16xf32>
        %get3A_883 = arith.index_cast %shift_right_logical3A_864 : i32 to index
        %get3A_884 = arith.index_cast %and3A_866 : i32 to index
        %get3A_885 = arith.constant 32 : index
        %get3A_886 = tpu.vector_load %arg14[%get3A_883, %get3A_884, %get3A_885] {strides = array<i32>} : memref<56x8x128xf32, #tpu.memory_space<vmem>>, vector<1x1x16xf32>,
        %get3A_887 = vector.shape_cast %get3A_886 : vector<1x1x16xf32> to vector<16xf32>
        %mul3A_888 = vector.broadcast %squeeze3A_860 : f32 to vector<16xf32>
        %mul3A_889 = arith.mulf %mul3A_888, %get3A_887 : vector<16xf32>
        %add3A_890 = arith.addf %add3A_834, %mul3A_889 : vector<16xf32>
        %get3A_891 = arith.index_cast %shift_right_logical3A_864 : i32 to index
        %get3A_892 = arith.index_cast %and3A_866 : i32 to index
        %get3A_893 = arith.constant 48 : index
        %get3A_894 = tpu.vector_load %arg14[%get3A_891, %get3A_892, %get3A_893] {strides = array<i32>} : memref<56x8x128xf32, #tpu.memory_space<vmem>>, vector<1x1x16xf32>,
        %get3A_895 = vector.shape_cast %get3A_894 : vector<1x1x16xf32> to vector<16xf32>
        %mul3A_896 = vector.broadcast %squeeze3A_860 : f32 to vector<16xf32>
        %mul3A_897 = arith.mulf %mul3A_896, %get3A_895 : vector<16xf32>
        %add3A_898 = arith.addf %add3A_842, %mul3A_897 : vector<16xf32>
        %get3A_899 = arith.index_cast %shift_right_logical3A_864 : i32 to index
        %get3A_900 = arith.index_cast %and3A_866 : i32 to index
        %get3A_901 = arith.constant 64 : index
        %get3A_902 = tpu.vector_load %arg14[%get3A_899, %get3A_900, %get3A_901] {strides = array<i32>} : memref<56x8x128xf32, #tpu.memory_space<vmem>>, vector<1x1x16xf32>,
        %get3A_903 = vector.shape_cast %get3A_902 : vector<1x1x16xf32> to vector<16xf32>
        %mul3A_904 = vector.broadcast %squeeze3A_860 : f32 to vector<16xf32>
        %mul3A_905 = arith.mulf %mul3A_904, %get3A_903 : vector<16xf32>
        %add3A_906 = arith.addf %add3A_850, %mul3A_905 : vector<16xf32>
        %get3A_907 = arith.index_cast %shift_right_logical3A_864 : i32 to index
        %get3A_908 = arith.index_cast %and3A_866 : i32 to index
        %get3A_909 = arith.constant 80 : index
        %get3A_910 = tpu.vector_load %arg14[%get3A_907, %get3A_908, %get3A_909] {strides = array<i32>} : memref<56x8x128xf32, #tpu.memory_space<vmem>>, vector<1x1x16xf32>,
        %get3A_911 = vector.shape_cast %get3A_910 : vector<1x1x16xf32> to vector<16xf32>
        %mul3A_912 = vector.broadcast %squeeze3A_860 : f32 to vector<16xf32>
        %mul3A_913 = arith.mulf %mul3A_912, %get3A_911 : vector<16xf32>
        %add3A_914 = arith.addf %add3A_858, %mul3A_913 : vector<16xf32>
        %slice3A_915 = vector.extract_strided_slice %get3A_295 {offsets = [11], sizes = [1], strides = [1]} : vector<16xf32> to vector<1xf32>
        %squeeze3A_916 = vector.extract %slice3A_915[0] : f32 from vector<1xf32>
        %slice3A_917 = vector.extract_strided_slice %get3A_302 {offsets = [11], sizes = [1], strides = [1]} : vector<16xi32> to vector<1xi32>
        %squeeze3A_918 = vector.extract %slice3A_917[0] : i32 from vector<1xi32>
        %shift_right_logical3A_919 = arith.constant 3 : i32
        %shift_right_logical3A_920 = arith.shrui %squeeze3A_918, %shift_right_logical3A_919 : i32
        %and3A_921 = arith.constant 7 : i32
        %and3A_922 = arith.andi %squeeze3A_918, %and3A_921 : i32
        %get3A_923 = arith.index_cast %shift_right_logical3A_920 : i32 to index
        %get3A_924 = arith.index_cast %and3A_922 : i32 to index
        %get3A_925 = arith.constant 0 : index
        %get3A_926 = tpu.vector_load %arg14[%get3A_923, %get3A_924, %get3A_925] {strides = array<i32>} : memref<56x8x128xf32, #tpu.memory_space<vmem>>, vector<1x1x16xf32>,
        %get3A_927 = vector.shape_cast %get3A_926 : vector<1x1x16xf32> to vector<16xf32>
        %mul3A_928 = vector.broadcast %squeeze3A_916 : f32 to vector<16xf32>
        %mul3A_929 = arith.mulf %mul3A_928, %get3A_927 : vector<16xf32>
        %add3A_930 = arith.addf %add3A_874, %mul3A_929 : vector<16xf32>
        %get3A_931 = arith.index_cast %shift_right_logical3A_920 : i32 to index
        %get3A_932 = arith.index_cast %and3A_922 : i32 to index
        %get3A_933 = arith.constant 16 : index
        %get3A_934 = tpu.vector_load %arg14[%get3A_931, %get3A_932, %get3A_933] {strides = array<i32>} : memref<56x8x128xf32, #tpu.memory_space<vmem>>, vector<1x1x16xf32>,
        %get3A_935 = vector.shape_cast %get3A_934 : vector<1x1x16xf32> to vector<16xf32>
        %mul3A_936 = vector.broadcast %squeeze3A_916 : f32 to vector<16xf32>
        %mul3A_937 = arith.mulf %mul3A_936, %get3A_935 : vector<16xf32>
        %add3A_938 = arith.addf %add3A_882, %mul3A_937 : vector<16xf32>
        %get3A_939 = arith.index_cast %shift_right_logical3A_920 : i32 to index
        %get3A_940 = arith.index_cast %and3A_922 : i32 to index
        %get3A_941 = arith.constant 32 : index
        %get3A_942 = tpu.vector_load %arg14[%get3A_939, %get3A_940, %get3A_941] {strides = array<i32>} : memref<56x8x128xf32, #tpu.memory_space<vmem>>, vector<1x1x16xf32>,
        %get3A_943 = vector.shape_cast %get3A_942 : vector<1x1x16xf32> to vector<16xf32>
        %mul3A_944 = vector.broadcast %squeeze3A_916 : f32 to vector<16xf32>
        %mul3A_945 = arith.mulf %mul3A_944, %get3A_943 : vector<16xf32>
        %add3A_946 = arith.addf %add3A_890, %mul3A_945 : vector<16xf32>
        %get3A_947 = arith.index_cast %shift_right_logical3A_920 : i32 to index
        %get3A_948 = arith.index_cast %and3A_922 : i32 to index
        %get3A_949 = arith.constant 48 : index
        %get3A_950 = tpu.vector_load %arg14[%get3A_947, %get3A_948, %get3A_949] {strides = array<i32>} : memref<56x8x128xf32, #tpu.memory_space<vmem>>, vector<1x1x16xf32>,
        %get3A_951 = vector.shape_cast %get3A_950 : vector<1x1x16xf32> to vector<16xf32>
        %mul3A_952 = vector.broadcast %squeeze3A_916 : f32 to vector<16xf32>
        %mul3A_953 = arith.mulf %mul3A_952, %get3A_951 : vector<16xf32>
        %add3A_954 = arith.addf %add3A_898, %mul3A_953 : vector<16xf32>
        %get3A_955 = arith.index_cast %shift_right_logical3A_920 : i32 to index
        %get3A_956 = arith.index_cast %and3A_922 : i32 to index
        %get3A_957 = arith.constant 64 : index
        %get3A_958 = tpu.vector_load %arg14[%get3A_955, %get3A_956, %get3A_957] {strides = array<i32>} : memref<56x8x128xf32, #tpu.memory_space<vmem>>, vector<1x1x16xf32>,
        %get3A_959 = vector.shape_cast %get3A_958 : vector<1x1x16xf32> to vector<16xf32>
        %mul3A_960 = vector.broadcast %squeeze3A_916 : f32 to vector<16xf32>
        %mul3A_961 = arith.mulf %mul3A_960, %get3A_959 : vector<16xf32>
        %add3A_962 = arith.addf %add3A_906, %mul3A_961 : vector<16xf32>
        %get3A_963 = arith.index_cast %shift_right_logical3A_920 : i32 to index
        %get3A_964 = arith.index_cast %and3A_922 : i32 to index
        %get3A_965 = arith.constant 80 : index
        %get3A_966 = tpu.vector_load %arg14[%get3A_963, %get3A_964, %get3A_965] {strides = array<i32>} : memref<56x8x128xf32, #tpu.memory_space<vmem>>, vector<1x1x16xf32>,
        %get3A_967 = vector.shape_cast %get3A_966 : vector<1x1x16xf32> to vector<16xf32>
        %mul3A_968 = vector.broadcast %squeeze3A_916 : f32 to vector<16xf32>
        %mul3A_969 = arith.mulf %mul3A_968, %get3A_967 : vector<16xf32>
        %add3A_970 = arith.addf %add3A_914, %mul3A_969 : vector<16xf32>
        %swap3A = arith.index_cast %scan3A_277 : i32 to index
        %swap3A_971 = arith.constant 0 : index
        %swap3A_972 = tpu.vector_load %arg15[%swap3A, %swap3A_971] {strides = array<i32>} : memref<64x96xf32, #tpu.memory_space<vmem>>, vector<1x16xf32>,
        %swap3A_973 = vector.shape_cast %swap3A_972 : vector<1x16xf32> to vector<16xf32>
        %swap3A_974 = vector.shape_cast %add3A_930 : vector<16xf32> to vector<1x16xf32>
        tpu.vector_store %arg15[%swap3A, %swap3A_971], %swap3A_974 {strides = array<i32>} : memref<64x96xf32, #tpu.memory_space<vmem>>, vector<1x16xf32>,
        %swap3A_975 = arith.index_cast %scan3A_277 : i32 to index
        %swap3A_976 = arith.constant 16 : index
        %swap3A_977 = tpu.vector_load %arg15[%swap3A_975, %swap3A_976] {strides = array<i32>} : memref<64x96xf32, #tpu.memory_space<vmem>>, vector<1x16xf32>,
        %swap3A_978 = vector.shape_cast %swap3A_977 : vector<1x16xf32> to vector<16xf32>
        %swap3A_979 = vector.shape_cast %add3A_938 : vector<16xf32> to vector<1x16xf32>
        tpu.vector_store %arg15[%swap3A_975, %swap3A_976], %swap3A_979 {strides = array<i32>} : memref<64x96xf32, #tpu.memory_space<vmem>>, vector<1x16xf32>,
        %swap3A_980 = arith.index_cast %scan3A_277 : i32 to index
        %swap3A_981 = arith.constant 32 : index
        %swap3A_982 = tpu.vector_load %arg15[%swap3A_980, %swap3A_981] {strides = array<i32>} : memref<64x96xf32, #tpu.memory_space<vmem>>, vector<1x16xf32>,
        %swap3A_983 = vector.shape_cast %swap3A_982 : vector<1x16xf32> to vector<16xf32>
        %swap3A_984 = vector.shape_cast %add3A_946 : vector<16xf32> to vector<1x16xf32>
        tpu.vector_store %arg15[%swap3A_980, %swap3A_981], %swap3A_984 {strides = array<i32>} : memref<64x96xf32, #tpu.memory_space<vmem>>, vector<1x16xf32>,
        %swap3A_985 = arith.index_cast %scan3A_277 : i32 to index
        %swap3A_986 = arith.constant 48 : index
        %swap3A_987 = tpu.vector_load %arg15[%swap3A_985, %swap3A_986] {strides = array<i32>} : memref<64x96xf32, #tpu.memory_space<vmem>>, vector<1x16xf32>,
        %swap3A_988 = vector.shape_cast %swap3A_987 : vector<1x16xf32> to vector<16xf32>
        %swap3A_989 = vector.shape_cast %add3A_954 : vector<16xf32> to vector<1x16xf32>
        tpu.vector_store %arg15[%swap3A_985, %swap3A_986], %swap3A_989 {strides = array<i32>} : memref<64x96xf32, #tpu.memory_space<vmem>>, vector<1x16xf32>,
        %swap3A_990 = arith.index_cast %scan3A_277 : i32 to index
        %swap3A_991 = arith.constant 64 : index
        %swap3A_992 = tpu.vector_load %arg15[%swap3A_990, %swap3A_991] {strides = array<i32>} : memref<64x96xf32, #tpu.memory_space<vmem>>, vector<1x16xf32>,
        %swap3A_993 = vector.shape_cast %swap3A_992 : vector<1x16xf32> to vector<16xf32>
        %swap3A_994 = vector.shape_cast %add3A_962 : vector<16xf32> to vector<1x16xf32>
        tpu.vector_store %arg15[%swap3A_990, %swap3A_991], %swap3A_994 {strides = array<i32>} : memref<64x96xf32, #tpu.memory_space<vmem>>, vector<1x16xf32>,
        %swap3A_995 = arith.index_cast %scan3A_277 : i32 to index
        %swap3A_996 = arith.constant 80 : index
        %swap3A_997 = tpu.vector_load %arg15[%swap3A_995, %swap3A_996] {strides = array<i32>} : memref<64x96xf32, #tpu.memory_space<vmem>>, vector<1x16xf32>,
        %swap3A_998 = vector.shape_cast %swap3A_997 : vector<1x16xf32> to vector<16xf32>
        %swap3A_999 = vector.shape_cast %add3A_970 : vector<16xf32> to vector<1x16xf32>
        tpu.vector_store %arg15[%swap3A_995, %swap3A_996], %swap3A_999 {strides = array<i32>} : memref<64x96xf32, #tpu.memory_space<vmem>>, vector<1x16xf32>,
        %scan3A_1000 = arith.constant 0 : i32
        scf.yield %scan3A_1000 : i32
      }
      %scan3A_246 = arith.constant 64 : i32
      %mul3A_247 = arith.constant 144 : i32
      %mul3A_248 = arith.muli %add3A, %mul3A_247 : i32
      %mul3A_249 = arith.constant 2 : i32
      %mul3A_250 = arith.muli %add3A_195, %mul3A_249 : i32
      %add3A_251 = arith.addi %mul3A_248, %mul3A_250 : i32
      %add3A_252 = arith.constant 1 : i32
      %add3A_253 = arith.addi %add3A_251, %add3A_252 : i32
      %mul3A_254 = arith.constant 64 : i32
      %mul3A_255 = arith.muli %add3A_253, %mul3A_254 : i32
      "tpu.region"() ({
        %run_scoped3A = tpu.sem_alloc : memref<!tpu.dma_semaphore, #tpu.memory_space<semaphore_mem>>
        %dma_start3A_277 = arith.constant 0 : i32
        %dma_start3A_278 = tpu.memref_slice %arg6[%mul3A_255, %dma_start3A_277] : memref<294912x96xf32, #tpu.memory_space<hbm>> -> memref<64x96xf32, #tpu.memory_space<hbm>>
        %dma_start3A_279 = arith.constant 0 : i32
        %dma_start3A_280 = tpu.memref_slice %arg6[%mul3A_255, %dma_start3A_279] : memref<294912x96xf32, #tpu.memory_space<hbm>> -> memref<64x96xf32, #tpu.memory_space<hbm>>
        tpu.enqueue_dma source(%arg15 : memref<64x96xf32, #tpu.memory_space<vmem>>) target(%dma_start3A_280 : memref<64x96xf32, #tpu.memory_space<hbm>>) target_semaphore(%run_scoped3A : memref<!tpu.dma_semaphore, #tpu.memory_space<semaphore_mem>>)
        %dma_wait3A_281 = arith.constant 0 : i32
        %dma_wait3A_282 = tpu.memref_slice %arg6[%mul3A_255, %dma_wait3A_281] : memref<294912x96xf32, #tpu.memory_space<hbm>> -> memref<64x96xf32, #tpu.memory_space<hbm>>
        %dma_wait3A_283 = arith.constant 0 : i32
        %dma_wait3A_284 = tpu.memref_slice %arg6[%mul3A_255, %dma_wait3A_283] : memref<294912x96xf32, #tpu.memory_space<hbm>> -> memref<64x96xf32, #tpu.memory_space<hbm>>
        tpu.wait_dma2 semaphore(%run_scoped3A : memref<!tpu.dma_semaphore, #tpu.memory_space<semaphore_mem>>) src(%arg15 : memref<64x96xf32, #tpu.memory_space<vmem>>) dst(%dma_wait3A_284 : memref<64x96xf32, #tpu.memory_space<hbm>>)
        tpu.yield
      }) : () -> ()
      %dma_wait3A_256 = arith.constant 0 : i32
      %dma_wait3A_257 = tpu.memref_slice %arg3[%dma_wait3A_256] : memref<258048xi32, #tpu.memory_space<hbm>> -> memref<112xi32, #tpu.memory_space<hbm>>
      %dma_wait3A_258 = arith.constant 0 : i32
      %dma_wait3A_259 = tpu.memref_slice %arg3[%dma_wait3A_258] : memref<258048xi32, #tpu.memory_space<hbm>> -> memref<112xi32, #tpu.memory_space<hbm>>
      tpu.wait_dma2 semaphore(%arg18 : memref<!tpu.dma_semaphore, #tpu.memory_space<semaphore_mem>>) src(%dma_wait3A_259 : memref<112xi32, #tpu.memory_space<hbm>>) dst(%arg7 : memref<112xi32, #tpu.memory_space<vmem>>)
      %dma_wait3A_260 = arith.constant 0 : i32
      %dma_wait3A_261 = tpu.memref_slice %arg8[%dma_wait3A_260] : memref<1552xi32, #tpu.memory_space<vmem>> -> memref<1536xi32, #tpu.memory_space<vmem>>
      %dma_wait3A_262 = arith.constant 0 : i32
      %dma_wait3A_263 = tpu.memref_slice %arg4[%dma_wait3A_262] : memref<3538944xi32, #tpu.memory_space<hbm>> -> memref<1536xi32, #tpu.memory_space<hbm>>
      %dma_wait3A_264 = arith.constant 0 : i32
      %dma_wait3A_265 = tpu.memref_slice %arg8[%dma_wait3A_264] : memref<1552xi32, #tpu.memory_space<vmem>> -> memref<1536xi32, #tpu.memory_space<vmem>>
      %dma_wait3A_266 = arith.constant 0 : i32
      %dma_wait3A_267 = tpu.memref_slice %arg4[%dma_wait3A_266] : memref<3538944xi32, #tpu.memory_space<hbm>> -> memref<1536xi32, #tpu.memory_space<hbm>>
      tpu.wait_dma2 semaphore(%arg18 : memref<!tpu.dma_semaphore, #tpu.memory_space<semaphore_mem>>) src(%dma_wait3A_267 : memref<1536xi32, #tpu.memory_space<hbm>>) dst(%dma_wait3A_265 : memref<1536xi32, #tpu.memory_space<vmem>>)
      %dma_wait3A_268 = arith.constant 0 : i32
      %dma_wait3A_269 = tpu.memref_slice %arg9[%dma_wait3A_268] : memref<1552xf32, #tpu.memory_space<vmem>> -> memref<1536xf32, #tpu.memory_space<vmem>>
      %dma_wait3A_270 = arith.constant 0 : i32
      %dma_wait3A_271 = tpu.memref_slice %arg5[%dma_wait3A_270] : memref<3538944xf32, #tpu.memory_space<hbm>> -> memref<1536xf32, #tpu.memory_space<hbm>>
      %dma_wait3A_272 = arith.constant 0 : i32
      %dma_wait3A_273 = tpu.memref_slice %arg9[%dma_wait3A_272] : memref<1552xf32, #tpu.memory_space<vmem>> -> memref<1536xf32, #tpu.memory_space<vmem>>
      %dma_wait3A_274 = arith.constant 0 : i32
      %dma_wait3A_275 = tpu.memref_slice %arg5[%dma_wait3A_274] : memref<3538944xf32, #tpu.memory_space<hbm>> -> memref<1536xf32, #tpu.memory_space<hbm>>
      tpu.wait_dma2 semaphore(%arg18 : memref<!tpu.dma_semaphore, #tpu.memory_space<semaphore_mem>>) src(%dma_wait3A_275 : memref<1536xf32, #tpu.memory_space<hbm>>) dst(%dma_wait3A_273 : memref<1536xf32, #tpu.memory_space<vmem>>)
      %scan3A_276 = arith.constant 0 : i32
      scf.yield %scan3A_276 : i32
    }
    %scan3A_51 = arith.constant 36 : i32
    return
  }
}

module attributes {stable_mosaic.version = 14 : i64} {
  func.func @_gn_stats_kernel(%arg0: i32, %arg1: i32, %arg2: memref<1x1x1728x128xf32, #tpu.memory_space<vmem>>, %arg3: memref<1x1x8x128xf32, #tpu.memory_space<vmem>>, %arg4: memref<1x1x8x128xf32, #tpu.memory_space<vmem>>) attributes {dimension_semantics = [#tpu.dimension_semantics<arbitrary>, #tpu.dimension_semantics<arbitrary>], iteration_bounds = array<i64: 2, 32>, scalar_prefetch = 0 : i64, scratch_operands = 0 : i64, tpu.core_type = #tpu.core_type<tc>, window_params = [{transform_indices = @transform_0, window_bounds = array<i64: 1, 1, 1728, 128>}, {transform_indices = @transform_1, window_bounds = array<i64: 1, 1, 8, 128>}, {transform_indices = @transform_2, window_bounds = array<i64: 1, 1, 8, 128>}]} {
    %get3A = arith.constant 0 : index
    %get3A_0 = arith.constant 0 : index
    %get3A_1 = arith.constant 0 : index
    %get3A_2 = arith.constant 0 : index
    %get3A_3 = vector.load %arg2[%get3A, %get3A_0, %get3A_1, %get3A_2] : memref<1x1x1728x128xf32, #tpu.memory_space<vmem>>, vector<1x1x1728x128xf32>
    %get3A_4 = vector.shape_cast %get3A_3 : vector<1x1x1728x128xf32> to vector<1728x128xf32>
    %reduce_sum3A = vector.shape_cast %get3A_4 : vector<1728x128xf32> to vector<1x1728x128xf32>
    %reduce_sum3A_5 = arith.constant dense<0.000000e+00> : vector<1xf32>
    %reduce_sum3A_6 = vector.multi_reduction <add>, %reduce_sum3A, %reduce_sum3A_5 [1, 2] : vector<1x1728x128xf32> to vector<1xf32>
    %reduce_sum3A_7 = vector.shape_cast %reduce_sum3A_6 : vector<1xf32> to vector<1x1x1xf32>
    %reduce_sum3A_8 = vector.extract %reduce_sum3A_7[0, 0, 0] : f32 from vector<1x1x1xf32>
    %div3A = arith.constant 2.211840e+05 : f32
    %div3A_9 = arith.divf %reduce_sum3A_8, %div3A : f32
    %mul3A = arith.mulf %get3A_4, %get3A_4 : vector<1728x128xf32>
    %reduce_sum3A_10 = vector.shape_cast %mul3A : vector<1728x128xf32> to vector<1x1728x128xf32>
    %reduce_sum3A_11 = arith.constant dense<0.000000e+00> : vector<1xf32>
    %reduce_sum3A_12 = vector.multi_reduction <add>, %reduce_sum3A_10, %reduce_sum3A_11 [1, 2] : vector<1x1728x128xf32> to vector<1xf32>
    %reduce_sum3A_13 = vector.shape_cast %reduce_sum3A_12 : vector<1xf32> to vector<1x1x1xf32>
    %reduce_sum3A_14 = vector.extract %reduce_sum3A_13[0, 0, 0] : f32 from vector<1x1x1xf32>
    %div3A_15 = arith.constant 2.211840e+05 : f32
    %div3A_16 = arith.divf %reduce_sum3A_14, %div3A_15 : f32
    %mul3A_17 = arith.mulf %div3A_9, %div3A_9 : f32
    %sub3A = arith.subf %div3A_16, %mul3A_17 : f32
    %add3A = arith.constant 9.99999974E-6 : f32
    %add3A_18 = arith.addf %sub3A, %add3A : f32
    %rsqrt3A = math.rsqrt %add3A_18 : f32
    %broadcast_in_dim3A = vector.broadcast %div3A_9 : f32 to vector<8x128xf32>
    %swap3A = arith.constant 0 : index
    %swap3A_19 = arith.constant 0 : index
    %swap3A_20 = arith.constant 0 : index
    %swap3A_21 = arith.constant 0 : index
    %swap3A_22 = vector.load %arg3[%swap3A, %swap3A_19, %swap3A_20, %swap3A_21] : memref<1x1x8x128xf32, #tpu.memory_space<vmem>>, vector<1x1x8x128xf32>
    %swap3A_23 = vector.shape_cast %swap3A_22 : vector<1x1x8x128xf32> to vector<8x128xf32>
    %swap3A_24 = vector.shape_cast %broadcast_in_dim3A : vector<8x128xf32> to vector<1x1x8x128xf32>
    tpu.vector_store %arg3[%swap3A, %swap3A_19, %swap3A_20, %swap3A_21], %swap3A_24 {strides = array<i32>} : memref<1x1x8x128xf32, #tpu.memory_space<vmem>>, vector<1x1x8x128xf32>,
    %broadcast_in_dim3A_25 = vector.broadcast %rsqrt3A : f32 to vector<8x128xf32>
    %swap3A_26 = arith.constant 0 : index
    %swap3A_27 = arith.constant 0 : index
    %swap3A_28 = arith.constant 0 : index
    %swap3A_29 = arith.constant 0 : index
    %swap3A_30 = vector.load %arg4[%swap3A_26, %swap3A_27, %swap3A_28, %swap3A_29] : memref<1x1x8x128xf32, #tpu.memory_space<vmem>>, vector<1x1x8x128xf32>
    %swap3A_31 = vector.shape_cast %swap3A_30 : vector<1x1x8x128xf32> to vector<8x128xf32>
    %swap3A_32 = vector.shape_cast %broadcast_in_dim3A_25 : vector<8x128xf32> to vector<1x1x8x128xf32>
    tpu.vector_store %arg4[%swap3A_26, %swap3A_27, %swap3A_28, %swap3A_29], %swap3A_32 {strides = array<i32>} : memref<1x1x8x128xf32, #tpu.memory_space<vmem>>, vector<1x1x8x128xf32>,
    return
  }
  func.func @transform_0(%arg0: i32, %arg1: i32) -> (i32, i32, i32, i32) {
    %c0_i32 = arith.constant 0 : i32
    %c0_i32_0 = arith.constant 0 : i32
    %c0_i32_1 = arith.constant 0 : i32
    return %arg0, %arg1, %c0_i32, %c0_i32_0 : i32, i32, i32, i32
  }
  func.func @transform_1(%arg0: i32, %arg1: i32) -> (i32, i32, i32, i32) {
    %c0_i32 = arith.constant 0 : i32
    %c0_i32_0 = arith.constant 0 : i32
    %c0_i32_1 = arith.constant 0 : i32
    return %arg0, %arg1, %c0_i32, %c0_i32_0 : i32, i32, i32, i32
  }
  func.func @transform_2(%arg0: i32, %arg1: i32) -> (i32, i32, i32, i32) {
    %c0_i32 = arith.constant 0 : i32
    %c0_i32_0 = arith.constant 0 : i32
    %c0_i32_1 = arith.constant 0 : i32
    return %arg0, %arg1, %c0_i32, %c0_i32_0 : i32, i32, i32, i32
  }
}

module attributes {stable_mosaic.version = 14 : i64} {
  func.func @_conv1_kernel(%arg0: i32, %arg1: i32, %arg2: memref<1x192x512xf32, #tpu.memory_space<vmem>>, %arg3: memref<1x32x8x128xf32, #tpu.memory_space<vmem>>, %arg4: memref<1x32x8x128xf32, #tpu.memory_space<vmem>>, %arg5: memref<32x6xf32, #tpu.memory_space<vmem>>, %arg6: memref<32x6xf32, #tpu.memory_space<vmem>>, %arg7: memref<192x1152xf32, #tpu.memory_space<vmem>>, %arg8: memref<9x1x64x8x128xf32, #tpu.memory_space<vmem>>) attributes {dimension_semantics = [#tpu.dimension_semantics<arbitrary>, #tpu.dimension_semantics<arbitrary>], iteration_bounds = array<i64: 2, 72>, scalar_prefetch = 0 : i64, scratch_operands = 0 : i64, tpu.core_type = #tpu.core_type<tc>, window_params = [{transform_indices = @transform_0, window_bounds = array<i64: 1, 192, 512>}, {transform_indices = @transform_1, window_bounds = array<i64: 1, 32, 8, 128>}, {transform_indices = @transform_2, window_bounds = array<i64: 1, 32, 8, 128>}, {pipeline_mode = #tpu.pipeline_mode<synchronous>, transform_indices = @transform_3, window_bounds = array<i64: 32, 6>}, {pipeline_mode = #tpu.pipeline_mode<synchronous>, transform_indices = @transform_4, window_bounds = array<i64: 32, 6>}, {pipeline_mode = #tpu.pipeline_mode<synchronous>, transform_indices = @transform_5, window_bounds = array<i64: 192, 1152>}, {transform_indices = @transform_6, window_bounds = array<i64: 9, 1, 64, 8, 128>}]} {
    %get3A = arith.constant 0 : index
    %get3A_0 = arith.constant 0 : index
    %get3A_1 = arith.constant 0 : index
    %get3A_2 = vector.load %arg2[%get3A, %get3A_0, %get3A_1] : memref<1x192x512xf32, #tpu.memory_space<vmem>>, vector<1x192x512xf32>
    %get3A_3 = vector.shape_cast %get3A_2 : vector<1x192x512xf32> to vector<192x512xf32>
    %reshape3A = vector.shape_cast %get3A_3 : vector<192x512xf32> to vector<32x6x512xf32>
    %get3A_4 = arith.constant 0 : index
    %get3A_5 = arith.constant 0 : index
    %get3A_6 = arith.constant 0 : index
    %get3A_7 = arith.constant 0 : index
    %get3A_8 = vector.load %arg3[%get3A_4, %get3A_5, %get3A_6, %get3A_7] : memref<1x32x8x128xf32, #tpu.memory_space<vmem>>, vector<1x32x1x1xf32>
    %get3A_9 = vector.shape_cast %get3A_8 : vector<1x32x1x1xf32> to vector<32x1xf32>
    %get3A_10 = arith.constant 0 : index
    %get3A_11 = arith.constant 0 : index
    %get3A_12 = arith.constant 0 : index
    %get3A_13 = arith.constant 0 : index
    %get3A_14 = vector.load %arg4[%get3A_10, %get3A_11, %get3A_12, %get3A_13] : memref<1x32x8x128xf32, #tpu.memory_space<vmem>>, vector<1x32x1x1xf32>
    %get3A_15 = vector.shape_cast %get3A_14 : vector<1x32x1x1xf32> to vector<32x1xf32>
    %get3A_16 = arith.constant 0 : index
    %get3A_17 = arith.constant 0 : index
    %get3A_18 = vector.load %arg5[%get3A_16, %get3A_17] : memref<32x6xf32, #tpu.memory_space<vmem>>, vector<32x6xf32>
    %get3A_19 = arith.constant 0 : index
    %get3A_20 = arith.constant 0 : index
    %get3A_21 = vector.load %arg6[%get3A_19, %get3A_20] : memref<32x6xf32, #tpu.memory_space<vmem>>, vector<32x6xf32>
    %mul3A = vector.broadcast %get3A_15 : vector<32x1xf32> to vector<32x6xf32>
    %mul3A_22 = arith.mulf %get3A_18, %mul3A : vector<32x6xf32>
    %broadcast_in_dim3A = vector.shape_cast %mul3A_22 : vector<32x6xf32> to vector<32x6x1xf32>
    %mul3A_23 = vector.broadcast %get3A_9 : vector<32x1xf32> to vector<32x6xf32>
    %mul3A_24 = arith.mulf %mul3A_23, %get3A_18 : vector<32x6xf32>
    %mul3A_25 = vector.broadcast %get3A_15 : vector<32x1xf32> to vector<32x6xf32>
    %mul3A_26 = arith.mulf %mul3A_24, %mul3A_25 : vector<32x6xf32>
    %sub3A = arith.subf %get3A_21, %mul3A_26 : vector<32x6xf32>
    %broadcast_in_dim3A_27 = vector.shape_cast %sub3A : vector<32x6xf32> to vector<32x6x1xf32>
    %mul3A_28 = vector.broadcast %broadcast_in_dim3A : vector<32x6x1xf32> to vector<32x6x512xf32>
    %mul3A_29 = arith.mulf %reshape3A, %mul3A_28 : vector<32x6x512xf32>
    %add3A = vector.broadcast %broadcast_in_dim3A_27 : vector<32x6x1xf32> to vector<32x6x512xf32>
    %add3A_30 = arith.addf %mul3A_29, %add3A : vector<32x6x512xf32>
    %reshape3A_31 = vector.shape_cast %add3A_30 : vector<32x6x512xf32> to vector<192x512xf32>
    %get3A_32 = arith.constant 0 : index
    %get3A_33 = arith.constant 0 : index
    %get3A_34 = vector.load %arg7[%get3A_32, %get3A_33] : memref<192x1152xf32, #tpu.memory_space<vmem>>, vector<192x1152xf32>
    %dot_general3A = arith.constant dense<0.000000e+00> : vector<512x1152xf32>
    %dot_general3A_35 = tpu.matmul %reshape3A_31, %get3A_34, %dot_general3A {dimension_numbers = #tpu.dot_dimension_numbers<[0], [0], [1], [1], [0, 1, 1, 1], [], []>, transpose_lhs_hint = false} : vector<192x512xf32>, vector<192x1152xf32>, vector<512x1152xf32> -> vector<512x1152xf32>
    %slice3A = vector.extract_strided_slice %dot_general3A_35 {offsets = [0, 0], sizes = [512, 128], strides = [1, 1]} : vector<512x1152xf32> to vector<512x128xf32>
    %reshape3A_36 = vector.shape_cast %slice3A : vector<512x128xf32> to vector<64x8x128xf32>
    %swap3A = arith.constant 0 : index
    %swap3A_37 = arith.constant 0 : index
    %swap3A_38 = arith.constant 0 : index
    %swap3A_39 = arith.constant 0 : index
    %swap3A_40 = arith.constant 0 : index
    %swap3A_41 = vector.load %arg8[%swap3A, %swap3A_37, %swap3A_38, %swap3A_39, %swap3A_40] : memref<9x1x64x8x128xf32, #tpu.memory_space<vmem>>, vector<1x1x64x8x128xf32>
    %swap3A_42 = vector.shape_cast %swap3A_41 : vector<1x1x64x8x128xf32> to vector<64x8x128xf32>
    %swap3A_43 = vector.shape_cast %reshape3A_36 : vector<64x8x128xf32> to vector<1x1x64x8x128xf32>
    tpu.vector_store %arg8[%swap3A, %swap3A_37, %swap3A_38, %swap3A_39, %swap3A_40], %swap3A_43 {strides = array<i32>} : memref<9x1x64x8x128xf32, #tpu.memory_space<vmem>>, vector<1x1x64x8x128xf32>,
    %slice3A_44 = vector.extract_strided_slice %dot_general3A_35 {offsets = [0, 128], sizes = [512, 128], strides = [1, 1]} : vector<512x1152xf32> to vector<512x128xf32>
    %reshape3A_45 = vector.shape_cast %slice3A_44 : vector<512x128xf32> to vector<64x8x128xf32>
    %swap3A_46 = arith.constant 1 : index
    %swap3A_47 = arith.constant 0 : index
    %swap3A_48 = arith.constant 0 : index
    %swap3A_49 = arith.constant 0 : index
    %swap3A_50 = arith.constant 0 : index
    %swap3A_51 = vector.load %arg8[%swap3A_46, %swap3A_47, %swap3A_48, %swap3A_49, %swap3A_50] : memref<9x1x64x8x128xf32, #tpu.memory_space<vmem>>, vector<1x1x64x8x128xf32>
    %swap3A_52 = vector.shape_cast %swap3A_51 : vector<1x1x64x8x128xf32> to vector<64x8x128xf32>
    %swap3A_53 = vector.shape_cast %reshape3A_45 : vector<64x8x128xf32> to vector<1x1x64x8x128xf32>
    tpu.vector_store %arg8[%swap3A_46, %swap3A_47, %swap3A_48, %swap3A_49, %swap3A_50], %swap3A_53 {strides = array<i32>} : memref<9x1x64x8x128xf32, #tpu.memory_space<vmem>>, vector<1x1x64x8x128xf32>,
    %slice3A_54 = vector.extract_strided_slice %dot_general3A_35 {offsets = [0, 256], sizes = [512, 128], strides = [1, 1]} : vector<512x1152xf32> to vector<512x128xf32>
    %reshape3A_55 = vector.shape_cast %slice3A_54 : vector<512x128xf32> to vector<64x8x128xf32>
    %swap3A_56 = arith.constant 2 : index
    %swap3A_57 = arith.constant 0 : index
    %swap3A_58 = arith.constant 0 : index
    %swap3A_59 = arith.constant 0 : index
    %swap3A_60 = arith.constant 0 : index
    %swap3A_61 = vector.load %arg8[%swap3A_56, %swap3A_57, %swap3A_58, %swap3A_59, %swap3A_60] : memref<9x1x64x8x128xf32, #tpu.memory_space<vmem>>, vector<1x1x64x8x128xf32>
    %swap3A_62 = vector.shape_cast %swap3A_61 : vector<1x1x64x8x128xf32> to vector<64x8x128xf32>
    %swap3A_63 = vector.shape_cast %reshape3A_55 : vector<64x8x128xf32> to vector<1x1x64x8x128xf32>
    tpu.vector_store %arg8[%swap3A_56, %swap3A_57, %swap3A_58, %swap3A_59, %swap3A_60], %swap3A_63 {strides = array<i32>} : memref<9x1x64x8x128xf32, #tpu.memory_space<vmem>>, vector<1x1x64x8x128xf32>,
    %slice3A_64 = vector.extract_strided_slice %dot_general3A_35 {offsets = [0, 384], sizes = [512, 128], strides = [1, 1]} : vector<512x1152xf32> to vector<512x128xf32>
    %reshape3A_65 = vector.shape_cast %slice3A_64 : vector<512x128xf32> to vector<64x8x128xf32>
    %swap3A_66 = arith.constant 3 : index
    %swap3A_67 = arith.constant 0 : index
    %swap3A_68 = arith.constant 0 : index
    %swap3A_69 = arith.constant 0 : index
    %swap3A_70 = arith.constant 0 : index
    %swap3A_71 = vector.load %arg8[%swap3A_66, %swap3A_67, %swap3A_68, %swap3A_69, %swap3A_70] : memref<9x1x64x8x128xf32, #tpu.memory_space<vmem>>, vector<1x1x64x8x128xf32>
    %swap3A_72 = vector.shape_cast %swap3A_71 : vector<1x1x64x8x128xf32> to vector<64x8x128xf32>
    %swap3A_73 = vector.shape_cast %reshape3A_65 : vector<64x8x128xf32> to vector<1x1x64x8x128xf32>
    tpu.vector_store %arg8[%swap3A_66, %swap3A_67, %swap3A_68, %swap3A_69, %swap3A_70], %swap3A_73 {strides = array<i32>} : memref<9x1x64x8x128xf32, #tpu.memory_space<vmem>>, vector<1x1x64x8x128xf32>,
    %slice3A_74 = vector.extract_strided_slice %dot_general3A_35 {offsets = [0, 512], sizes = [512, 128], strides = [1, 1]} : vector<512x1152xf32> to vector<512x128xf32>
    %reshape3A_75 = vector.shape_cast %slice3A_74 : vector<512x128xf32> to vector<64x8x128xf32>
    %swap3A_76 = arith.constant 4 : index
    %swap3A_77 = arith.constant 0 : index
    %swap3A_78 = arith.constant 0 : index
    %swap3A_79 = arith.constant 0 : index
    %swap3A_80 = arith.constant 0 : index
    %swap3A_81 = vector.load %arg8[%swap3A_76, %swap3A_77, %swap3A_78, %swap3A_79, %swap3A_80] : memref<9x1x64x8x128xf32, #tpu.memory_space<vmem>>, vector<1x1x64x8x128xf32>
    %swap3A_82 = vector.shape_cast %swap3A_81 : vector<1x1x64x8x128xf32> to vector<64x8x128xf32>
    %swap3A_83 = vector.shape_cast %reshape3A_75 : vector<64x8x128xf32> to vector<1x1x64x8x128xf32>
    tpu.vector_store %arg8[%swap3A_76, %swap3A_77, %swap3A_78, %swap3A_79, %swap3A_80], %swap3A_83 {strides = array<i32>} : memref<9x1x64x8x128xf32, #tpu.memory_space<vmem>>, vector<1x1x64x8x128xf32>,
    %slice3A_84 = vector.extract_strided_slice %dot_general3A_35 {offsets = [0, 640], sizes = [512, 128], strides = [1, 1]} : vector<512x1152xf32> to vector<512x128xf32>
    %reshape3A_85 = vector.shape_cast %slice3A_84 : vector<512x128xf32> to vector<64x8x128xf32>
    %swap3A_86 = arith.constant 5 : index
    %swap3A_87 = arith.constant 0 : index
    %swap3A_88 = arith.constant 0 : index
    %swap3A_89 = arith.constant 0 : index
    %swap3A_90 = arith.constant 0 : index
    %swap3A_91 = vector.load %arg8[%swap3A_86, %swap3A_87, %swap3A_88, %swap3A_89, %swap3A_90] : memref<9x1x64x8x128xf32, #tpu.memory_space<vmem>>, vector<1x1x64x8x128xf32>
    %swap3A_92 = vector.shape_cast %swap3A_91 : vector<1x1x64x8x128xf32> to vector<64x8x128xf32>
    %swap3A_93 = vector.shape_cast %reshape3A_85 : vector<64x8x128xf32> to vector<1x1x64x8x128xf32>
    tpu.vector_store %arg8[%swap3A_86, %swap3A_87, %swap3A_88, %swap3A_89, %swap3A_90], %swap3A_93 {strides = array<i32>} : memref<9x1x64x8x128xf32, #tpu.memory_space<vmem>>, vector<1x1x64x8x128xf32>,
    %slice3A_94 = vector.extract_strided_slice %dot_general3A_35 {offsets = [0, 768], sizes = [512, 128], strides = [1, 1]} : vector<512x1152xf32> to vector<512x128xf32>
    %reshape3A_95 = vector.shape_cast %slice3A_94 : vector<512x128xf32> to vector<64x8x128xf32>
    %swap3A_96 = arith.constant 6 : index
    %swap3A_97 = arith.constant 0 : index
    %swap3A_98 = arith.constant 0 : index
    %swap3A_99 = arith.constant 0 : index
    %swap3A_100 = arith.constant 0 : index
    %swap3A_101 = vector.load %arg8[%swap3A_96, %swap3A_97, %swap3A_98, %swap3A_99, %swap3A_100] : memref<9x1x64x8x128xf32, #tpu.memory_space<vmem>>, vector<1x1x64x8x128xf32>
    %swap3A_102 = vector.shape_cast %swap3A_101 : vector<1x1x64x8x128xf32> to vector<64x8x128xf32>
    %swap3A_103 = vector.shape_cast %reshape3A_95 : vector<64x8x128xf32> to vector<1x1x64x8x128xf32>
    tpu.vector_store %arg8[%swap3A_96, %swap3A_97, %swap3A_98, %swap3A_99, %swap3A_100], %swap3A_103 {strides = array<i32>} : memref<9x1x64x8x128xf32, #tpu.memory_space<vmem>>, vector<1x1x64x8x128xf32>,
    %slice3A_104 = vector.extract_strided_slice %dot_general3A_35 {offsets = [0, 896], sizes = [512, 128], strides = [1, 1]} : vector<512x1152xf32> to vector<512x128xf32>
    %reshape3A_105 = vector.shape_cast %slice3A_104 : vector<512x128xf32> to vector<64x8x128xf32>
    %swap3A_106 = arith.constant 7 : index
    %swap3A_107 = arith.constant 0 : index
    %swap3A_108 = arith.constant 0 : index
    %swap3A_109 = arith.constant 0 : index
    %swap3A_110 = arith.constant 0 : index
    %swap3A_111 = vector.load %arg8[%swap3A_106, %swap3A_107, %swap3A_108, %swap3A_109, %swap3A_110] : memref<9x1x64x8x128xf32, #tpu.memory_space<vmem>>, vector<1x1x64x8x128xf32>
    %swap3A_112 = vector.shape_cast %swap3A_111 : vector<1x1x64x8x128xf32> to vector<64x8x128xf32>
    %swap3A_113 = vector.shape_cast %reshape3A_105 : vector<64x8x128xf32> to vector<1x1x64x8x128xf32>
    tpu.vector_store %arg8[%swap3A_106, %swap3A_107, %swap3A_108, %swap3A_109, %swap3A_110], %swap3A_113 {strides = array<i32>} : memref<9x1x64x8x128xf32, #tpu.memory_space<vmem>>, vector<1x1x64x8x128xf32>,
    %slice3A_114 = vector.extract_strided_slice %dot_general3A_35 {offsets = [0, 1024], sizes = [512, 128], strides = [1, 1]} : vector<512x1152xf32> to vector<512x128xf32>
    %reshape3A_115 = vector.shape_cast %slice3A_114 : vector<512x128xf32> to vector<64x8x128xf32>
    %swap3A_116 = arith.constant 8 : index
    %swap3A_117 = arith.constant 0 : index
    %swap3A_118 = arith.constant 0 : index
    %swap3A_119 = arith.constant 0 : index
    %swap3A_120 = arith.constant 0 : index
    %swap3A_121 = vector.load %arg8[%swap3A_116, %swap3A_117, %swap3A_118, %swap3A_119, %swap3A_120] : memref<9x1x64x8x128xf32, #tpu.memory_space<vmem>>, vector<1x1x64x8x128xf32>
    %swap3A_122 = vector.shape_cast %swap3A_121 : vector<1x1x64x8x128xf32> to vector<64x8x128xf32>
    %swap3A_123 = vector.shape_cast %reshape3A_115 : vector<64x8x128xf32> to vector<1x1x64x8x128xf32>
    tpu.vector_store %arg8[%swap3A_116, %swap3A_117, %swap3A_118, %swap3A_119, %swap3A_120], %swap3A_123 {strides = array<i32>} : memref<9x1x64x8x128xf32, #tpu.memory_space<vmem>>, vector<1x1x64x8x128xf32>,
    return
  }
  func.func @transform_0(%arg0: i32, %arg1: i32) -> (i32, i32, i32) {
    %c0_i32 = arith.constant 0 : i32
    %c0_i32_0 = arith.constant 0 : i32
    return %arg0, %c0_i32, %arg1 : i32, i32, i32
  }
  func.func @transform_1(%arg0: i32, %arg1: i32) -> (i32, i32, i32, i32) {
    %c0_i32 = arith.constant 0 : i32
    %c0_i32_0 = arith.constant 0 : i32
    %c0_i32_1 = arith.constant 0 : i32
    %c0_i32_2 = arith.constant 0 : i32
    return %arg0, %c0_i32, %c0_i32_0, %c0_i32_1 : i32, i32, i32, i32
  }
  func.func @transform_2(%arg0: i32, %arg1: i32) -> (i32, i32, i32, i32) {
    %c0_i32 = arith.constant 0 : i32
    %c0_i32_0 = arith.constant 0 : i32
    %c0_i32_1 = arith.constant 0 : i32
    %c0_i32_2 = arith.constant 0 : i32
    return %arg0, %c0_i32, %c0_i32_0, %c0_i32_1 : i32, i32, i32, i32
  }
  func.func @transform_3(%arg0: i32, %arg1: i32) -> (i32, i32) {
    %c0_i32 = arith.constant 0 : i32
    %c0_i32_0 = arith.constant 0 : i32
    %c0_i32_1 = arith.constant 0 : i32
    return %c0_i32, %c0_i32_0 : i32, i32
  }
  func.func @transform_4(%arg0: i32, %arg1: i32) -> (i32, i32) {
    %c0_i32 = arith.constant 0 : i32
    %c0_i32_0 = arith.constant 0 : i32
    %c0_i32_1 = arith.constant 0 : i32
    return %c0_i32, %c0_i32_0 : i32, i32
  }
  func.func @transform_5(%arg0: i32, %arg1: i32) -> (i32, i32) {
    %c0_i32 = arith.constant 0 : i32
    %c0_i32_0 = arith.constant 0 : i32
    %c0_i32_1 = arith.constant 0 : i32
    return %c0_i32, %c0_i32_0 : i32, i32
  }
  func.func @transform_6(%arg0: i32, %arg1: i32) -> (i32, i32, i32, i32, i32) {
    %c0_i32 = arith.constant 0 : i32
    %c0_i32_0 = arith.constant 0 : i32
    %c0_i32_1 = arith.constant 0 : i32
    %c0_i32_2 = arith.constant 0 : i32
    return %c0_i32, %arg0, %arg1, %c0_i32_0, %c0_i32_1 : i32, i32, i32, i32, i32
  }
}

module attributes {stable_mosaic.version = 14 : i64} {
  func.func @_post_kernel(%arg0: i32, %arg1: i32, %arg2: memref<1x2048x96xf32, #tpu.memory_space<vmem>>, %arg3: memref<1x96xf32, #tpu.memory_space<vmem>>, %arg4: memref<96x96xf32, #tpu.memory_space<vmem>>, %arg5: memref<96x1xf32, #tpu.memory_space<vmem>>, %arg6: memref<1x96x2048xf32, #tpu.memory_space<vmem>>, %arg7: memref<1x96x128xf32, #tpu.memory_space<vmem>>, %arg8: memref<1x96x128xf32, #tpu.memory_space<vmem>>) attributes {dimension_semantics = [#tpu.dimension_semantics<arbitrary>, #tpu.dimension_semantics<arbitrary>], iteration_bounds = array<i64: 2, 72>, scalar_prefetch = 0 : i64, scratch_operands = 0 : i64, tpu.core_type = #tpu.core_type<tc>, window_params = [{transform_indices = @transform_0, window_bounds = array<i64: 1, 2048, 96>}, {pipeline_mode = #tpu.pipeline_mode<synchronous>, transform_indices = @transform_1, window_bounds = array<i64: 1, 96>}, {pipeline_mode = #tpu.pipeline_mode<synchronous>, transform_indices = @transform_2, window_bounds = array<i64: 96, 96>}, {pipeline_mode = #tpu.pipeline_mode<synchronous>, transform_indices = @transform_3, window_bounds = array<i64: 96, 1>}, {transform_indices = @transform_4, window_bounds = array<i64: 1, 96, 2048>}, {transform_indices = @transform_5, window_bounds = array<i64: 1, 96, 128>}, {transform_indices = @transform_6, window_bounds = array<i64: 1, 96, 128>}]} {
    %get3A = arith.constant 0 : index
    %get3A_0 = arith.constant 0 : index
    %get3A_1 = arith.constant 0 : index
    %get3A_2 = vector.load %arg2[%get3A, %get3A_0, %get3A_1] : memref<1x2048x96xf32, #tpu.memory_space<vmem>>, vector<1x2048x96xf32>
    %get3A_3 = vector.shape_cast %get3A_2 : vector<1x2048x96xf32> to vector<2048x96xf32>
    %get3A_4 = arith.constant 0 : index
    %get3A_5 = arith.constant 0 : index
    %get3A_6 = vector.load %arg3[%get3A_4, %get3A_5] : memref<1x96xf32, #tpu.memory_space<vmem>>, vector<1x96xf32>
    %add3A = vector.broadcast %get3A_6 : vector<1x96xf32> to vector<2048x96xf32>
    %add3A_7 = arith.addf %get3A_3, %add3A : vector<2048x96xf32>
    %get3A_8 = arith.constant 0 : index
    %get3A_9 = arith.constant 0 : index
    %get3A_10 = vector.load %arg4[%get3A_8, %get3A_9] : memref<96x96xf32, #tpu.memory_space<vmem>>, vector<96x96xf32>
    %dot_general3A = arith.constant dense<0.000000e+00> : vector<96x2048xf32>
    %dot_general3A_11 = tpu.matmul %get3A_10, %add3A_7, %dot_general3A {dimension_numbers = #tpu.dot_dimension_numbers<[1], [1], [0], [0], [0, 0, 1, 0], [], []>, transpose_lhs_hint = false} : vector<96x96xf32>, vector<2048x96xf32>, vector<96x2048xf32> -> vector<96x2048xf32>
    %get3A_12 = arith.constant 0 : index
    %get3A_13 = arith.constant 0 : index
    %get3A_14 = vector.load %arg5[%get3A_12, %get3A_13] : memref<96x1xf32, #tpu.memory_space<vmem>>, vector<96x1xf32>
    %add3A_15 = vector.broadcast %get3A_14 : vector<96x1xf32> to vector<96x2048xf32>
    %add3A_16 = arith.addf %dot_general3A_11, %add3A_15 : vector<96x2048xf32>
    %swap3A = arith.constant 0 : index
    %swap3A_17 = arith.constant 0 : index
    %swap3A_18 = arith.constant 0 : index
    %swap3A_19 = vector.load %arg6[%swap3A, %swap3A_17, %swap3A_18] : memref<1x96x2048xf32, #tpu.memory_space<vmem>>, vector<1x96x2048xf32>
    %swap3A_20 = vector.shape_cast %swap3A_19 : vector<1x96x2048xf32> to vector<96x2048xf32>
    %swap3A_21 = vector.shape_cast %add3A_16 : vector<96x2048xf32> to vector<1x96x2048xf32>
    tpu.vector_store %arg6[%swap3A, %swap3A_17, %swap3A_18], %swap3A_21 {strides = array<i32>} : memref<1x96x2048xf32, #tpu.memory_space<vmem>>, vector<1x96x2048xf32>,
    %eq3A = arith.constant 0 : i32
    %eq3A_22 = arith.cmpi eq, %arg1, %eq3A : i32
    %convert_element_type3A = arith.extui %eq3A_22 : i1 to i32
    %cond3A = arith.constant 0 : i32
    %cond3A_23 = arith.cmpi ne, %convert_element_type3A, %cond3A : i32
    scf.if %cond3A_23 {
      %broadcast_in_dim3A_56 = arith.constant 0.000000e+00 : f32
      %broadcast_in_dim3A_57 = vector.broadcast %broadcast_in_dim3A_56 : f32 to vector<1x96x128xf32>
      %swap3A_58 = arith.constant 0 : index
      %swap3A_59 = arith.constant 0 : index
      %swap3A_60 = arith.constant 0 : index
      %swap3A_61 = vector.load %arg7[%swap3A_58, %swap3A_59, %swap3A_60] : memref<1x96x128xf32, #tpu.memory_space<vmem>>, vector<1x96x128xf32>
      tpu.vector_store %arg7[%swap3A_58, %swap3A_59, %swap3A_60], %broadcast_in_dim3A_57 {strides = array<i32>} : memref<1x96x128xf32, #tpu.memory_space<vmem>>, vector<1x96x128xf32>,
      %broadcast_in_dim3A_62 = arith.constant 0.000000e+00 : f32
      %broadcast_in_dim3A_63 = vector.broadcast %broadcast_in_dim3A_62 : f32 to vector<1x96x128xf32>
      %swap3A_64 = arith.constant 0 : index
      %swap3A_65 = arith.constant 0 : index
      %swap3A_66 = arith.constant 0 : index
      %swap3A_67 = vector.load %arg8[%swap3A_64, %swap3A_65, %swap3A_66] : memref<1x96x128xf32, #tpu.memory_space<vmem>>, vector<1x96x128xf32>
      tpu.vector_store %arg8[%swap3A_64, %swap3A_65, %swap3A_66], %broadcast_in_dim3A_63 {strides = array<i32>} : memref<1x96x128xf32, #tpu.memory_space<vmem>>, vector<1x96x128xf32>,
    } else {
    }
    %get3A_24 = arith.constant 0 : index
    %get3A_25 = arith.constant 0 : index
    %get3A_26 = arith.constant 0 : index
    %get3A_27 = vector.load %arg7[%get3A_24, %get3A_25, %get3A_26] : memref<1x96x128xf32, #tpu.memory_space<vmem>>, vector<1x96x128xf32>
    %get3A_28 = vector.shape_cast %get3A_27 : vector<1x96x128xf32> to vector<96x128xf32>
    %reduce_sum3A = arith.constant dense<0.000000e+00> : vector<96xf32>
    %reduce_sum3A_29 = vector.multi_reduction <add>, %add3A_16, %reduce_sum3A [1] : vector<96x2048xf32> to vector<96xf32>
    %broadcast_in_dim3A = vector.shape_cast %reduce_sum3A_29 : vector<96xf32> to vector<96x1xf32>
    %broadcast_in_dim3A_30 = vector.shape_cast %broadcast_in_dim3A : vector<96x1xf32> to vector<96x1xf32>
    %broadcast_in_dim3A_31 = vector.broadcast %broadcast_in_dim3A_30 : vector<96x1xf32> to vector<96x128xf32>
    %add3A_32 = arith.addf %get3A_28, %broadcast_in_dim3A_31 : vector<96x128xf32>
    %swap3A_33 = arith.constant 0 : index
    %swap3A_34 = arith.constant 0 : index
    %swap3A_35 = arith.constant 0 : index
    %swap3A_36 = vector.load %arg7[%swap3A_33, %swap3A_34, %swap3A_35] : memref<1x96x128xf32, #tpu.memory_space<vmem>>, vector<1x96x128xf32>
    %swap3A_37 = vector.shape_cast %swap3A_36 : vector<1x96x128xf32> to vector<96x128xf32>
    %swap3A_38 = vector.shape_cast %add3A_32 : vector<96x128xf32> to vector<1x96x128xf32>
    tpu.vector_store %arg7[%swap3A_33, %swap3A_34, %swap3A_35], %swap3A_38 {strides = array<i32>} : memref<1x96x128xf32, #tpu.memory_space<vmem>>, vector<1x96x128xf32>,
    %get3A_39 = arith.constant 0 : index
    %get3A_40 = arith.constant 0 : index
    %get3A_41 = arith.constant 0 : index
    %get3A_42 = vector.load %arg8[%get3A_39, %get3A_40, %get3A_41] : memref<1x96x128xf32, #tpu.memory_space<vmem>>, vector<1x96x128xf32>
    %get3A_43 = vector.shape_cast %get3A_42 : vector<1x96x128xf32> to vector<96x128xf32>
    %mul3A = arith.mulf %add3A_16, %add3A_16 : vector<96x2048xf32>
    %reduce_sum3A_44 = arith.constant dense<0.000000e+00> : vector<96xf32>
    %reduce_sum3A_45 = vector.multi_reduction <add>, %mul3A, %reduce_sum3A_44 [1] : vector<96x2048xf32> to vector<96xf32>
    %broadcast_in_dim3A_46 = vector.shape_cast %reduce_sum3A_45 : vector<96xf32> to vector<96x1xf32>
    %broadcast_in_dim3A_47 = vector.shape_cast %broadcast_in_dim3A_46 : vector<96x1xf32> to vector<96x1xf32>
    %broadcast_in_dim3A_48 = vector.broadcast %broadcast_in_dim3A_47 : vector<96x1xf32> to vector<96x128xf32>
    %add3A_49 = arith.addf %get3A_43, %broadcast_in_dim3A_48 : vector<96x128xf32>
    %swap3A_50 = arith.constant 0 : index
    %swap3A_51 = arith.constant 0 : index
    %swap3A_52 = arith.constant 0 : index
    %swap3A_53 = vector.load %arg8[%swap3A_50, %swap3A_51, %swap3A_52] : memref<1x96x128xf32, #tpu.memory_space<vmem>>, vector<1x96x128xf32>
    %swap3A_54 = vector.shape_cast %swap3A_53 : vector<1x96x128xf32> to vector<96x128xf32>
    %swap3A_55 = vector.shape_cast %add3A_49 : vector<96x128xf32> to vector<1x96x128xf32>
    tpu.vector_store %arg8[%swap3A_50, %swap3A_51, %swap3A_52], %swap3A_55 {strides = array<i32>} : memref<1x96x128xf32, #tpu.memory_space<vmem>>, vector<1x96x128xf32>,
    return
  }
  func.func @transform_0(%arg0: i32, %arg1: i32) -> (i32, i32, i32) {
    %c0_i32 = arith.constant 0 : i32
    %c0_i32_0 = arith.constant 0 : i32
    return %arg0, %arg1, %c0_i32 : i32, i32, i32
  }
  func.func @transform_1(%arg0: i32, %arg1: i32) -> (i32, i32) {
    %c0_i32 = arith.constant 0 : i32
    %c0_i32_0 = arith.constant 0 : i32
    %c0_i32_1 = arith.constant 0 : i32
    return %c0_i32, %c0_i32_0 : i32, i32
  }
  func.func @transform_2(%arg0: i32, %arg1: i32) -> (i32, i32) {
    %c0_i32 = arith.constant 0 : i32
    %c0_i32_0 = arith.constant 0 : i32
    %c0_i32_1 = arith.constant 0 : i32
    return %c0_i32, %c0_i32_0 : i32, i32
  }
  func.func @transform_3(%arg0: i32, %arg1: i32) -> (i32, i32) {
    %c0_i32 = arith.constant 0 : i32
    %c0_i32_0 = arith.constant 0 : i32
    %c0_i32_1 = arith.constant 0 : i32
    return %c0_i32, %c0_i32_0 : i32, i32
  }
  func.func @transform_4(%arg0: i32, %arg1: i32) -> (i32, i32, i32) {
    %c0_i32 = arith.constant 0 : i32
    %c0_i32_0 = arith.constant 0 : i32
    return %arg0, %c0_i32, %arg1 : i32, i32, i32
  }
  func.func @transform_5(%arg0: i32, %arg1: i32) -> (i32, i32, i32) {
    %c0_i32 = arith.constant 0 : i32
    %c0_i32_0 = arith.constant 0 : i32
    %c0_i32_1 = arith.constant 0 : i32
    return %arg0, %c0_i32, %c0_i32_0 : i32, i32, i32
  }
  func.func @transform_6(%arg0: i32, %arg1: i32) -> (i32, i32, i32) {
    %c0_i32 = arith.constant 0 : i32
    %c0_i32_0 = arith.constant 0 : i32
    %c0_i32_1 = arith.constant 0 : i32
    return %arg0, %c0_i32, %c0_i32_0 : i32, i32, i32
  }
}

module attributes {stable_mosaic.version = 14 : i64} {
  func.func @_finish_kernel(%arg0: i32, %arg1: i32, %arg2: memref<1x96x2048xf32, #tpu.memory_space<vmem>>, %arg3: memref<1x96x128xf32, #tpu.memory_space<vmem>>, %arg4: memref<1x96x128xf32, #tpu.memory_space<vmem>>, %arg5: memref<96x1xf32, #tpu.memory_space<vmem>>, %arg6: memref<96x1xf32, #tpu.memory_space<vmem>>, %arg7: memref<1x96x2048xf32, #tpu.memory_space<vmem>>) attributes {dimension_semantics = [#tpu.dimension_semantics<arbitrary>, #tpu.dimension_semantics<arbitrary>], iteration_bounds = array<i64: 2, 72>, scalar_prefetch = 0 : i64, scratch_operands = 0 : i64, tpu.core_type = #tpu.core_type<tc>, window_params = [{transform_indices = @transform_0, window_bounds = array<i64: 1, 96, 2048>}, {transform_indices = @transform_1, window_bounds = array<i64: 1, 96, 128>}, {transform_indices = @transform_2, window_bounds = array<i64: 1, 96, 128>}, {pipeline_mode = #tpu.pipeline_mode<synchronous>, transform_indices = @transform_3, window_bounds = array<i64: 96, 1>}, {pipeline_mode = #tpu.pipeline_mode<synchronous>, transform_indices = @transform_4, window_bounds = array<i64: 96, 1>}, {transform_indices = @transform_5, window_bounds = array<i64: 1, 96, 2048>}]} {
    %get3A = arith.constant 0 : index
    %get3A_0 = arith.constant 0 : index
    %get3A_1 = arith.constant 0 : index
    %get3A_2 = vector.load %arg3[%get3A, %get3A_0, %get3A_1] : memref<1x96x128xf32, #tpu.memory_space<vmem>>, vector<1x96x128xf32>
    %get3A_3 = vector.shape_cast %get3A_2 : vector<1x96x128xf32> to vector<96x128xf32>
    %reshape3A = vector.shape_cast %get3A_3 : vector<96x128xf32> to vector<32x3x128xf32>
    %get3A_4 = arith.constant 0 : index
    %get3A_5 = arith.constant 0 : index
    %get3A_6 = arith.constant 0 : index
    %get3A_7 = vector.load %arg4[%get3A_4, %get3A_5, %get3A_6] : memref<1x96x128xf32, #tpu.memory_space<vmem>>, vector<1x96x128xf32>
    %get3A_8 = vector.shape_cast %get3A_7 : vector<1x96x128xf32> to vector<96x128xf32>
    %reshape3A_9 = vector.shape_cast %get3A_8 : vector<96x128xf32> to vector<32x3x128xf32>
    %reduce_sum3A = arith.constant dense<0.000000e+00> : vector<32x128xf32>
    %reduce_sum3A_10 = vector.multi_reduction <add>, %reshape3A, %reduce_sum3A [1] : vector<32x3x128xf32> to vector<32x128xf32>
    %broadcast_in_dim3A = vector.shape_cast %reduce_sum3A_10 : vector<32x128xf32> to vector<32x1x128xf32>
    %reduce_sum3A_11 = arith.constant dense<0.000000e+00> : vector<32x128xf32>
    %reduce_sum3A_12 = vector.multi_reduction <add>, %reshape3A_9, %reduce_sum3A_11 [1] : vector<32x3x128xf32> to vector<32x128xf32>
    %broadcast_in_dim3A_13 = vector.shape_cast %reduce_sum3A_12 : vector<32x128xf32> to vector<32x1x128xf32>
    %div3A = arith.constant 4.423680e+05 : f32
    %div3A_14 = vector.broadcast %div3A : f32 to vector<32x1x128xf32>
    %div3A_15 = arith.divf %broadcast_in_dim3A, %div3A_14 : vector<32x1x128xf32>
    %div3A_16 = arith.constant 4.423680e+05 : f32
    %div3A_17 = vector.broadcast %div3A_16 : f32 to vector<32x1x128xf32>
    %div3A_18 = arith.divf %broadcast_in_dim3A_13, %div3A_17 : vector<32x1x128xf32>
    %mul3A = arith.mulf %div3A_15, %div3A_15 : vector<32x1x128xf32>
    %sub3A = arith.subf %div3A_18, %mul3A : vector<32x1x128xf32>
    %add3A = arith.constant 9.99999974E-6 : f32
    %add3A_19 = vector.broadcast %add3A : f32 to vector<32x1x128xf32>
    %add3A_20 = arith.addf %sub3A, %add3A_19 : vector<32x1x128xf32>
    %rsqrt3A = math.rsqrt %add3A_20 : vector<32x1x128xf32>
    %broadcast_in_dim3A_21 = vector.shape_cast %div3A_15 : vector<32x1x128xf32> to vector<32x1x128xf32>
    %broadcast_in_dim3A_22 = vector.broadcast %broadcast_in_dim3A_21 : vector<32x1x128xf32> to vector<32x3x128xf32>
    %reshape3A_23 = vector.shape_cast %broadcast_in_dim3A_22 : vector<32x3x128xf32> to vector<96x128xf32>
    %slice3A = vector.extract_strided_slice %reshape3A_23 {offsets = [0, 0], sizes = [96, 1], strides = [1, 1]} : vector<96x128xf32> to vector<96x1xf32>
    %broadcast_in_dim3A_24 = vector.shape_cast %rsqrt3A : vector<32x1x128xf32> to vector<32x1x128xf32>
    %broadcast_in_dim3A_25 = vector.broadcast %broadcast_in_dim3A_24 : vector<32x1x128xf32> to vector<32x3x128xf32>
    %reshape3A_26 = vector.shape_cast %broadcast_in_dim3A_25 : vector<32x3x128xf32> to vector<96x128xf32>
    %slice3A_27 = vector.extract_strided_slice %reshape3A_26 {offsets = [0, 0], sizes = [96, 1], strides = [1, 1]} : vector<96x128xf32> to vector<96x1xf32>
    %get3A_28 = arith.constant 0 : index
    %get3A_29 = arith.constant 0 : index
    %get3A_30 = arith.constant 0 : index
    %get3A_31 = vector.load %arg2[%get3A_28, %get3A_29, %get3A_30] : memref<1x96x2048xf32, #tpu.memory_space<vmem>>, vector<1x96x2048xf32>
    %get3A_32 = vector.shape_cast %get3A_31 : vector<1x96x2048xf32> to vector<96x2048xf32>
    %sub3A_33 = vector.broadcast %slice3A : vector<96x1xf32> to vector<96x2048xf32>
    %sub3A_34 = arith.subf %get3A_32, %sub3A_33 : vector<96x2048xf32>
    %mul3A_35 = vector.broadcast %slice3A_27 : vector<96x1xf32> to vector<96x2048xf32>
    %mul3A_36 = arith.mulf %sub3A_34, %mul3A_35 : vector<96x2048xf32>
    %get3A_37 = arith.constant 0 : index
    %get3A_38 = arith.constant 0 : index
    %get3A_39 = vector.load %arg5[%get3A_37, %get3A_38] : memref<96x1xf32, #tpu.memory_space<vmem>>, vector<96x1xf32>
    %mul3A_40 = vector.broadcast %get3A_39 : vector<96x1xf32> to vector<96x2048xf32>
    %mul3A_41 = arith.mulf %mul3A_36, %mul3A_40 : vector<96x2048xf32>
    %get3A_42 = arith.constant 0 : index
    %get3A_43 = arith.constant 0 : index
    %get3A_44 = vector.load %arg6[%get3A_42, %get3A_43] : memref<96x1xf32, #tpu.memory_space<vmem>>, vector<96x1xf32>
    %add3A_45 = vector.broadcast %get3A_44 : vector<96x1xf32> to vector<96x2048xf32>
    %add3A_46 = arith.addf %mul3A_41, %add3A_45 : vector<96x2048xf32>
    %mul3A_47 = arith.constant 5.000000e-01 : f32
    %mul3A_48 = vector.broadcast %mul3A_47 : f32 to vector<96x2048xf32>
    %mul3A_49 = arith.mulf %add3A_46, %mul3A_48 : vector<96x2048xf32>
    %mul3A_50 = arith.constant 0.707106769 : f32
    %mul3A_51 = vector.broadcast %mul3A_50 : f32 to vector<96x2048xf32>
    %mul3A_52 = arith.mulf %add3A_46, %mul3A_51 : vector<96x2048xf32>
    %erf3A = math.erf %mul3A_52 : vector<96x2048xf32>
    %add3A_53 = arith.constant 1.000000e+00 : f32
    %add3A_54 = vector.broadcast %add3A_53 : f32 to vector<96x2048xf32>
    %add3A_55 = arith.addf %add3A_54, %erf3A : vector<96x2048xf32>
    %mul3A_56 = arith.mulf %mul3A_49, %add3A_55 : vector<96x2048xf32>
    %swap3A = arith.constant 0 : index
    %swap3A_57 = arith.constant 0 : index
    %swap3A_58 = arith.constant 0 : index
    %swap3A_59 = vector.load %arg7[%swap3A, %swap3A_57, %swap3A_58] : memref<1x96x2048xf32, #tpu.memory_space<vmem>>, vector<1x96x2048xf32>
    %swap3A_60 = vector.shape_cast %swap3A_59 : vector<1x96x2048xf32> to vector<96x2048xf32>
    %swap3A_61 = vector.shape_cast %mul3A_56 : vector<96x2048xf32> to vector<1x96x2048xf32>
    tpu.vector_store %arg7[%swap3A, %swap3A_57, %swap3A_58], %swap3A_61 {strides = array<i32>} : memref<1x96x2048xf32, #tpu.memory_space<vmem>>, vector<1x96x2048xf32>,
    return
  }
  func.func @transform_0(%arg0: i32, %arg1: i32) -> (i32, i32, i32) {
    %c0_i32 = arith.constant 0 : i32
    %c0_i32_0 = arith.constant 0 : i32
    return %arg0, %c0_i32, %arg1 : i32, i32, i32
  }
  func.func @transform_1(%arg0: i32, %arg1: i32) -> (i32, i32, i32) {
    %c0_i32 = arith.constant 0 : i32
    %c0_i32_0 = arith.constant 0 : i32
    %c0_i32_1 = arith.constant 0 : i32
    return %arg0, %c0_i32, %c0_i32_0 : i32, i32, i32
  }
  func.func @transform_2(%arg0: i32, %arg1: i32) -> (i32, i32, i32) {
    %c0_i32 = arith.constant 0 : i32
    %c0_i32_0 = arith.constant 0 : i32
    %c0_i32_1 = arith.constant 0 : i32
    return %arg0, %c0_i32, %c0_i32_0 : i32, i32, i32
  }
  func.func @transform_3(%arg0: i32, %arg1: i32) -> (i32, i32) {
    %c0_i32 = arith.constant 0 : i32
    %c0_i32_0 = arith.constant 0 : i32
    %c0_i32_1 = arith.constant 0 : i32
    return %c0_i32, %c0_i32_0 : i32, i32
  }
  func.func @transform_4(%arg0: i32, %arg1: i32) -> (i32, i32) {
    %c0_i32 = arith.constant 0 : i32
    %c0_i32_0 = arith.constant 0 : i32
    %c0_i32_1 = arith.constant 0 : i32
    return %c0_i32, %c0_i32_0 : i32, i32
  }
  func.func @transform_5(%arg0: i32, %arg1: i32) -> (i32, i32, i32) {
    %c0_i32 = arith.constant 0 : i32
    %c0_i32_0 = arith.constant 0 : i32
    return %arg0, %c0_i32, %arg1 : i32, i32, i32
  }
}

</mosaic_0001>

<sc_bundles>
// kernel: kernel.7.cloned.1.call-start
scs
__scs_entry_jumppad:
0x0: {  	(pc) =	sbr.rel $0x88, $3  }
0x1: {  	(tag) =	ssettag $0x0;
	lr =	simm.s32 $0x1  }
0x2: {  	[smem:$0x3F98] =	sst lr;
	_ =	strace $0xD0000000  }
0x3: {  	_ = 	snop  }
0x4: {  	_ = 	snop  }
0x5: {  	_ = 	snop  }
0x6: {  	_ = 	snop  }
0x7: {  	_ = 	snop  }
__scs_overlays_trampoline_lowered:
0x8: {  	[smem:$0x3FA7] =	sst s0  }
0x9: {  	[smem:$0x3FA8] =	sst s1  }
0xa: {  	[smem:$0x3FA9] =	sst s2  }
0xb: {  	[smem:$0x3FAA] =	sst s3  }
0xc: {  	[smem:$0x3FAB] =	sst s4  }
0xd: {  	[smem:$0x3FAC] =	sst s5  }
0xe: {  	[smem:$0x3FAD] =	sst s6  }
0xf: {  	[smem:$0x3FAE] =	sst s7  }
0x10: {  	[smem:$0x3FAF] =	sst s8  }
0x11: {  	[smem:$0x3FB0] =	sst s9;
	s0 =	simm.s32 @!p0 $0x0  }
0x12: {  	s1 =	sld [smem:$0x3F96];
	s0 =	simm.s32 @p0 $0x1  }
0x13: {  	[smem:$0x3FB1] =	sst s0;
	s0 =	simm.s32 @!p1 $0x0  }
0x14: {  	s2 =	sld [smem:$0x3F95];
	s0 =	simm.s32 @p1 $0x1  }
0x15: {  	[smem:$0x3FB2] =	sst s0;
	s0 =	simm.s32 @!p2 $0x0  }
0x16: {  	s3 =	sld [smem:$0x3FDB];
	s0 =	simm.s32 @p2 $0x1  }
0x17: {  	s4 =	simm.s32 $0x1BF5;
	[smem:$0x3FB4] =	sst s0  }
0x18: {  	s0 =	sld [smem:$0x3F97];
	_ =	swait.ge [sflag:s4], $0x0  }
0x19: {  	s7 =	sld [smem:$0x3F98]  }
0x1a: {  	s8 =	sadd.s32 $0xFFFFE003, lr  }
0x1b: {  	s9 =	sadd.s32 $0xFFFFFEF7, lr;
	s5 =	simm.s32 $0xFFFFFFFF;
	p2 =	slt.u32 s8, $0xFFFFF086  }
0x1c: {  	p1 =	slt.u32 s9, $0xF7A;
	s5 =	simm.s32 @!p2 $0x0  }
0x1d: {  	s5 =	simm.s32 @p1 $0x1;
	p0 =	seq.s32 s7, s2  }
0x1e: {  	s7 =	smul.u32 @!p0 $0xF7A, s2;
	p2 =	seq.s32 @!p0 s5, $0x0  }
0x1f: {  	s9 =	smul.u32 $0xF7A, s1;
	s8 =	simm.s32 @!p0 $0x1BF5;
	p2 =	por !p2, p0  }
0x20: {  	[sflag:s8] =	ssyncset.s32 @!p0 $0xFFFFF086;
	s6 =	sadd.s32 @!p0 s3, s7;
	s7 =	simm.s32 @!p0 $0x108  }
0x21: {  	s3 =	sadd.s32 s3, s9;
	s6 =	sadd.s32 @!p0 $0x88, s6;
	s7 =	simm.s32 @p2 $0x1082  }
0x22: {  	[simem:s7], [sflag:s8] =	dma.local @!p0 [hbm:s6], $0xF7A  }
0x23: {  	s9 =	sor.u32 $0xD0000000, s2;
	s6 =	simm.s32 $0x108;
	_ =	swait.ge @!p0 [sflag:s8], $0x0  }
0x24: {  	s3 =	sadd.s32 $0x88, s3;
	s6 =	simm.s32 @!p1 $0x1082;
	[sflag:s4] =	ssyncset.s32 $0xFFFFF086  }
0x25: {  	[simem:s6], [sflag:s4] =	dma.local [hbm:s3], $0xF7A  }
0x26: {  	[smem:$0x3F98] =	sst s1;
	(tag) =	ssettag s2;
	_ =	strace s9  }
0x27: {  	s1 =	sld [smem:$0x3FA8]  }
0x28: {  	s2 =	sld [smem:$0x3FA9]  }
0x29: {  	s4 =	sld [smem:$0x3FAB]  }
0x2a: {  	p0 =	seq.s32 s5, $0x0;
	s5 =	sld [smem:$0x3FAC]  }
0x2b: {  	s6 =	sld [smem:$0x3FAD]  }
0x2c: {  	s7 =	sld [smem:$0x3FAE]  }
0x2d: {  	s3 =	simm.s32 $0x108;
	s8 =	sld [smem:$0x3FAF]  }
0x2e: {  	s3 =	simm.s32 @!p0 $0x1082;
	s9 =	sld [smem:$0x3FB0]  }
0x2f: {  	lr =	sadd.s32 s0, s3;
	s0 =	sld [smem:$0x3FA7]  }
0x30: {  	s3 =	sld [smem:$0x3FAA]  }
0x31: {  	[smem:$0x3FB3] =	sst s10  }
0x32: {  	s10 =	sld [smem:$0x3FB1];
	_ =	sdelay $0x3  }
0x33: {  	p0 =	seq.s32 s10, $0x1;
	s10 =	sld [smem:$0x3FB3];
	_ =	sdelay $0x3  }
0x34: {  	[smem:$0x3FB3] =	sst s10  }
0x35: {  	s10 =	sld [smem:$0x3FB2];
	_ =	sdelay $0x3  }
0x36: {  	p1 =	seq.s32 s10, $0x1;
	s10 =	sld [smem:$0x3FB3];
	_ =	sdelay $0x3  }
0x37: {  	[smem:$0x3FB3] =	sst s10  }
0x38: {  	s10 =	sld [smem:$0x3FB4]  }
0x39: {  	_ = 	snop;
	(pc) =	sbr.ind lr, $3  }
0x3a: {  	_ = 	snop  }
0x3b: {  	_ = 	snop  }
0x3c: {  	p2 =	seq.s32 s10, $0x1;
	s10 =	sld [smem:$0x3FB3]  }
0x3d: {  	_ =	shalt  }
0x3e: {  	_ =	shalt  }
0x3f: {  	_ =	shalt  }
0x40: {  	_ =	shalt  }
0x41: {  	_ =	shalt  }
0x42: {  	_ =	shalt  }
0x43: {  	_ =	shalt  }
0x44: {  	_ =	shalt  }
0x45: {  	_ =	shalt  }
0x46: {  	_ =	shalt  }
0x47: {  	_ =	shalt  }
0x48: {  	_ =	shalt  }
0x49: {  	_ =	shalt  }
0x4a: {  	_ =	shalt  }
0x4b: {  	_ =	shalt  }
0x4c: {  	_ =	shalt  }
0x4d: {  	_ =	shalt  }
0x4e: {  	_ =	shalt  }
0x4f: {  	_ =	shalt  }
0x50: {  	_ =	shalt  }
0x51: {  	_ =	shalt  }
0x52: {  	_ =	shalt  }
0x53: {  	_ =	shalt  }
0x54: {  	_ =	shalt  }
0x55: {  	_ =	shalt  }
0x56: {  	_ =	shalt  }
0x57: {  	_ =	shalt  }
0x58: {  	_ =	shalt  }
0x59: {  	_ =	shalt  }
0x5a: {  	_ =	shalt  }
0x5b: {  	_ =	shalt  }
0x5c: {  	_ =	shalt  }
0x5d: {  	_ =	shalt  }
0x5e: {  	_ =	shalt  }
0x5f: {  	_ =	shalt  }
0x60: {  	_ =	shalt  }
0x61: {  	_ =	shalt  }
0x62: {  	_ =	shalt  }
0x63: {  	_ =	shalt  }
0x64: {  	_ =	shalt  }
0x65: {  	_ =	shalt  }
0x66: {  	_ =	shalt  }
0x67: {  	_ =	shalt  }
0x68: {  	_ =	shalt  }
0x69: {  	_ =	shalt  }
0x6a: {  	_ =	shalt  }
0x6b: {  	_ =	shalt  }
0x6c: {  	_ =	shalt  }
0x6d: {  	_ =	shalt  }
0x6e: {  	_ =	shalt  }
0x6f: {  	_ =	shalt  }
0x70: {  	_ =	shalt  }
0x71: {  	_ =	shalt  }
0x72: {  	_ =	shalt  }
0x73: {  	_ =	shalt  }
0x74: {  	_ =	shalt  }
0x75: {  	_ =	shalt  }
0x76: {  	_ =	shalt  }
0x77: {  	_ =	shalt  }
0x78: {  	_ =	shalt  }
0x79: {  	_ =	shalt  }
0x7a: {  	_ =	shalt  }
0x7b: {  	_ =	shalt  }
0x7c: {  	_ =	shalt  }
0x7d: {  	_ =	shalt  }
0x7e: {  	_ =	shalt  }
0x7f: {  	_ =	shalt  }
0x80: {  	_ =	shalt  }
0x81: {  	_ =	shalt  }
0x82: {  	_ =	shalt  }
0x83: {  	_ =	shalt  }
0x84: {  	_ =	shalt  }
0x85: {  	_ =	shalt  }
0x86: {  	_ =	shalt  }
0x87: {  	_ =	shalt  }
.Lfunc_end0:
.L_simem_size_0:
called_computation.1_lowered:
.L_overlay_start_0:
0x88: {  	s2 =	sld [smem:$0x3FD9]  }
0x89: {  	s3 =	sld [smem:$0x3FFE];
	_ =	sdelay $0x1  }
0x8a: {  	s1 =	srdreg.scid  }
0x8b: {  	s0 =	sand.u32 $0x1, s1  }
0x8c: {  	s17 =	sshll.u32 s0, $0xA;
	s2 =	sadd.s32 s3, s2  }
0x8d: {  	s2 =	sadd.s32 s2, s17  }
0x8e: {  	[smem:$0x3FBF] =	sst s2  }
0x8f: {  	_ = 	snop  }
0x90: {  	s2 =	sld [smem:$0x3FD0];
	(tm) =	ssettm $0x1  }
0x91: {  	s18 =	sld [smem:$0x3FFB];
	_ =	sdelay $0x3  }
0x92: {  	_ =	strace s18  }
0x93: {  	s3 =	sld [smem:$0x3FFC];
	_ =	sdelay $0x3  }
0x94: {  	_ =	strace s3  }
0x95: {  	s3 =	sld [smem:$0x3FFD];
	_ =	sdelay $0x3  }
0x96: {  	_ =	strace s3  }
0x97: {  	_ =	strace $0x8FFFFFFF  }
0x98: {  	s19 =	sld [smem:$0x3FDB];
	_ =	sdelay $0x1  }
0x99: {  	s4 =	simm.s32 $_scs_section_size  }
0x9a: {  	s5 =	simm.s32 $_size__tile_overlayer_lowered;
	s6 =	simm.s32 $_tile_overlayer_lowered  }
0x9b: {  	s22 =	simm.s32 $0x1BFF;
	s21 =	sshll.u32 s6, $0x1;
	s3 =	sadd.s32 s4, s19  }
0x9c: {  	s7 =	simm.s32 $0x0;
	s20 =	sshll.u32 s5, $0x1;
	s5 =	sadd.s32 s21, s3  }
0x9d: {  	[timem:s7], [sflag:s22] =	dma.local [hbm:s5], s20  }
0x9e: {  	_ =	swait.ge [sflag:s22], s20  }
0x9f: {  	s4 =	ssub.s32 $0x0, s20;
	[sflag:s22] =	ssyncset.done $0x0  }
0xa0: {  	[sflag:s22] =	ssyncadd.s32 s4;
	_ =	sdelay $0x1  }
0xa1: {  	s23 =	simm.s32 $0x1B8B  }
0xa2: {  	_ =	swait.ge [sflag:s23], $0x1  }
0xa3: {  	[sflag:s23] =	ssyncset.done $0x0  }
0xa4: {  	s25 =	simm.s32 $0x1B8E;
	s24 =	sld [smem:$0x3FFE];
	[sflag:s23] =	ssyncadd.s32 $0xFFFFFFFF  }
0xa5: {  	s26 =	simm.s32 $execute0_lowered;
	[smem:$0x3FD2] =	sst s25  }
0xa6: {  	s5 =	sshll.u32 s26, $0x1;
	_ =	strace $0x80000046;
	[dreg:$0x1] =	wrdreg $0xFFFFFFFF  }
0xa7: {  	s28 =	simm.s32 $_size_execute0_lowered;
	s3 =	sadd.s32 s3, s5;
	[dreg:$0x0] =	wrdreg $0x0  }
0xa8: {  	s5 =	sshll.u32 s28, $0x1;
	[dreg:$0x2] =	wrdreg s3  }
0xa9: {  	[dreg:$0x3] =	wrdreg s5  }
0xaa: {  	[dreg:$0x4] =	wrdreg $0xC0  }
0xab: {  	_ =	task [dreg:s7], $0x5FFFF  }
0xac: {  	[dreg:$0x1] =	wrdreg $0xFFFFFFFF  }
0xad: {  	[dreg:$0x0] =	wrdreg $0x60  }
0xae: {  	[dreg:$0x2] =	wrdreg s24  }
0xaf: {  	[dreg:$0x3] =	wrdreg s2  }
0xb0: {  	[dreg:$0x4] =	wrdreg $0x9  }
0xb1: {  	_ =	task.clear_ibuf [dreg:s7], $0x5FFFF;
	_ =	strace $0x90000046  }
0xb2: {  	s29 =	simm.s32 $0x9;
	_ =	strace $0x80000048  }
0xb3: {  	_ =	swait.ge [sflag:s29], $0x1  }
0xb4: {  	[sflag:s29] =	ssyncadd.s32 $0xFFFFFFFF  }
0xb5: {  	_ =	strace $0x90000048  }
0xb6: {  	_ =	sfence  }
0xb7: {  	s30 =	sld [smem:$0x0];
	_ =	sdelay $0x2  }
0xb8: {  	s31 =	sshll.u32 s1, $0xD;
	s1 =	sshrl.u32 s1, $0x2  }
0xb9: {  	s3 =	sand.u32 $0x4000, s31;
	s1 =	sadd.s32 s1, s30  }
0xba: {  	s0 =	sor.u32 s3, s0;
	s1 =	sshll.u32 s1, $0x11  }
0xbb: {  	s0 =	sor.u32 s1, s0  }
0xbc: {  	s0 =	sadd.s32 $0x8F2B, s0  }
0xbd: {  	[sflag:s0] =	ssyncadd.remote.s32 $0x1  }
0xbe: {  	_ =	sfence.sel $0xFFFF  }
0xbf: {  	[dreg:$0x0] =	wrdreg $0xFFFFFFFF;
	(pc) =	sbr.abs _section_cstart, $3  }
0xc0: {  	[dreg:$0x1] =	wrdreg $0xFFFFFFFF  }
0xc1: {  	_ =	task.clear_ibuf [dreg:s7], $0x2FFFF;
	_ =	strace $0x9FFFFFFF  }
0xc2: {  	(tm) =	ssettm $0x7FFFFFFF  }
0xc3: {  	_ =	shalt  }
tec
execute0_lowered:
.L_overlay_start_1:
0x0: {  	(tag) =	ssettag $0x1  }
0x1: {  	s0 =	rddreg [dreg:$0x0]  }
0x2: {  	s1 =	rddreg [dreg:$0x1];
	s3 =	simm.s32 $0x0;
	s2 =	srdreg.scid  }
0x3: {  	s4 =	stileid.u32;
	s15 =	simm.s32 $0x80;
	s16 =	simm.s32 $0x700  }
0x4: {  	s17 =	simm.s32 $0x3;
	s18 =	simm.s32 $0xD80;
	s19 =	simm.s32 $0xE00  }
0x5: {  	s20 =	simm.s32 $0x1480;
	s21 =	simm.s32 $0x38;
	s22 =	simm.s32 $0x1B00  }
0x6: {  	s23 =	simm.s32 $0xFB00;
	s24 =	simm.s32 $0x1;
	s28 =	simm.s32 $0x2  }
0x7: {  	s29 =	simm.s32 $0x4;
	s30 =	simm.s32 $0xDB8;
	[smem:$0x7FF] =	sst s3  }
0x8: {  	s2 =	sand.u32 $0x1, s2;
	s6 =	sshll.u32 s4, $0x1;
	s4 =	sadd.s32 $0x3E00, s0  }
0x9: {  	s5 =	sadd.s32 $0xA23E00, s0;
	s7 =	sadd.s32 $0xA97C00, s0;
	s8 =	sor.u32 s2, s6  }
0xa: {  	s13 =	sadd.s32 $0xA98000, s0;
	_ =	strace $0x80000047;
	s9 =	smul.u32 $0x3F0, s8  }
0xb: {  	s6 =	sadd.s32 $0xA2BC00, s0;
	s2 =	ssub.s32 $0x2, s2;
	s11 =	smul.u32 $0x3600, s8  }
0xc: {  	s10 =	sshrl.u32 s2, $0x1;
	s12 =	smul.u32 $0x24000, s8;
	s9 =	sadd.s32 s5, s9  }
0xd: {  	s2 =	ssub.s32 s2, s10;
	s25 =	sadd.s32 s1, s11;
	[dreg:$0x3] =	wrdreg s9  }
0xe: {  	s26 =	sadd.s32 s6, s11;
	s31 =	smax.u32 s2, $0x1;
	[dreg:$0x4] =	wrdreg s25  }
0xf: {  	s2 =	simm.s32 $0x0;
	s9 =	smul.u32 $0x90, s8;
	[dreg:$0x5] =	wrdreg s26  }
0x10: {  	[dreg:$0x6] =	wrdreg s31;
	s25 =	simm.s32 $0x1DB00;
	s26 =	simm.s32 $0x5  }
.LBB2_1:
0x11: {  	[dreg:$0x7] =	wrdreg s2  }
0x12: {  	s0 =	rddreg [dreg:$0x3]  }
0x13: {  	[tilespmem:s3], [sflag:$0x3] =	stream.linear.gather [hbm4b:s0+s3], $0x70, $0x38;
	[tilespmem:$0x1FB00] =	vst v63  }
0x14: {  	s14 =	rddreg [dreg:$0x4]  }
0x15: {  	[tilespmem:s15], [sflag:$0x3] =	stream.linear.gather [hbm4b:s14+s3], $0x600, $0x38;
	[tilespmem:$0x1FB00] =	vst v63  }
0x16: {  	s31 =	rddreg [dreg:$0x5]  }
0x17: {  	[tilespmem:s16], [sflag:$0x3] =	stream.linear.gather [hbm4b:s31+s3], $0x600, $0x38;
	[tilespmem:$0x1FB00] =	vst v63  }
0x18: {  	_ =	swait.ge [sflag:s17], $0x70  }
0x19: {  	[sflag:s17] =	ssyncset.done $0x0  }
0x1a: {  	[sflag:s17] =	ssyncadd.s32 $0xFFFFFF90  }
0x1b: {  	_ =	swait.ge [sflag:s17], $0x600  }
0x1c: {  	[sflag:s17] =	ssyncset.done $0x0  }
0x1d: {  	[sflag:s17] =	ssyncadd.s32 $0xFFFFFA00  }
0x1e: {  	_ =	swait.ge [sflag:s17], $0x600  }
0x1f: {  	[sflag:s17] =	ssyncset.done $0x0  }
0x20: {  	s0 =	simm.s32 $0x0;
	[sflag:s17] =	ssyncadd.s32 $0xFFFFFA00  }
.LBB2_2:
0x21: {  	s2 =	sshllo.u32 s0, $0x1  }
0x22: {  	s8 =	sshll.u32 s2, $0x1  }
0x23: {  	s8 =	sadd.s32 s9, s8  }
0x24: {  	s10 =	smul.u32 $0x7, s8;
	_ =	sdelay $0x1  }
0x25: {  	s8 =	smul.u32 $0x60, s8;
	s11 =	sadd.s32 s5, s10;
	s10 =	simm.s32 $0x0  }
0x26: {  	[tilespmem:s18], [sflag:$0x4] =	stream.linear.gather [hbm4b:s11+s10], $0x70, $0x38;
	[tilespmem:$0x1FB00] =	vst v63  }
0x27: {  	s31 =	sadd.s32 s1, s8  }
0x28: {  	[tilespmem:s19], [sflag:$0x4] =	stream.linear.gather [hbm4b:s31+s10], $0x600, $0x38;
	[tilespmem:$0x1FB00] =	vst v63  }
0x29: {  	s8 =	sadd.s32 s6, s8  }
0x2a: {  	[tilespmem:s20], [sflag:$0x4] =	stream.linear.gather [hbm4b:s8+s10], $0x600, $0x38;
	[tilespmem:$0x1FB00] =	vst v63  }
0x2b: {  	_ = 	snop  }
0x2c: {  	[tilespmem:s22], [sflag:$0x1] =	stream.indirect.gather [hbm4b:s4+s21], $0x400, s10, s21, $0xb8;
	[tilespmem:$0x1FB00] =	vst v63  }
0x2d: {  	_ = 	snop  }
0x2e: {  	[tilespmem:s23], [sflag:$0x2] =	stream.indirect.gather [hbm4b:s4+s21], $0x400, s21, s21, $0xb8;
	[tilespmem:$0x1FB00] =	vst v63  }
0x2f: {  	_ =	swait.ge [sflag:s24], $0xE000  }
0x30: {  	[sflag:s24] =	ssyncset.done $0x0  }
0x31: {  	s11 =	simm.s32 $0x1DB30;
	s8 =	sshll.u32 s0, $0x1;
	[sflag:s24] =	ssyncadd.s32 $0xFFFF2000  }
.LBB2_3:
0x32: {  	s14 =	sshra.s32 s10, $0x2  }
0x33: {  	v0 =	vld [tilespmem:s14+$0x80];
	_ =	sdelay $0x4  }
0x34: {  	v0 =	vshll.u32 v0, $0x9  }
0x35: {  	v1 =	vshra.s32 v0, $0x2  }
0x36: {  	(v2sf) =	vpush v1, $0x0;
	_ =	sdelay $0x5  }
0x37: {  	(v2sf) =	vpush v1, $0x1;
	_ =	sdelay $0x5  }
0x38: {  	(v2sf) =	vpush v1, $0x2;
	_ =	sdelay $0x2  }
0x39: {  	v0 =	vld [tilespmem:s14+$0x700];
	s31 =	spop (v2sf)  }
0x3a: {  	v2 =	vld [tilespmem:s31+$0x1B00]  }
0x3b: {  	v3 =	vld [tilespmem:s31+$0x1B10]  }
0x3c: {  	(v2sf) =	vpush v1, $0x3;
	v4 =	vld [tilespmem:s31+$0x1B20]  }
0x3d: {  	v5 =	vld [tilespmem:s31+$0x1B30]  }
0x3e: {  	v6 =	vld [tilespmem:s31+$0x1B40]  }
0x3f: {  	v7 =	vld [tilespmem:s31+$0x1B50];
	s31 =	spop (v2sf)  }
0x40: {  	v8 =	vld [tilespmem:s31+$0x1B00]  }
0x41: {  	v9 =	vld [tilespmem:s31+$0x1B10]  }
0x42: {  	(v2sf) =	vpush v1, $0x4;
	v10 =	vld [tilespmem:s31+$0x1B20]  }
0x43: {  	v11 =	vld [tilespmem:s31+$0x1B30]  }
0x44: {  	v12 =	vld [tilespmem:s31+$0x1B40]  }
0x45: {  	v13 =	vld [tilespmem:s31+$0x1B50];
	s31 =	spop (v2sf)  }
0x46: {  	v14 =	vld [tilespmem:s31+$0x1B00]  }
0x47: {  	v15 =	vld [tilespmem:s31+$0x1B10]  }
0x48: {  	(v2sf) =	vpush v1, $0x5;
	v16 =	vld [tilespmem:s31+$0x1B20]  }
0x49: {  	v17 =	vld [tilespmem:s31+$0x1B30]  }
0x4a: {  	v18 =	vld [tilespmem:s31+$0x1B40]  }
0x4b: {  	v19 =	vld [tilespmem:s31+$0x1B50];
	s31 =	spop (v2sf)  }
0x4c: {  	v20 =	vld [tilespmem:s31+$0x1B00]  }
0x4d: {  	v21 =	vld [tilespmem:s31+$0x1B10]  }
0x4e: {  	(v2sf) =	vpush v1, $0x6;
	v23 =	vld [tilespmem:s31+$0x1B20]  }
0x4f: {  	v24 =	vld [tilespmem:s31+$0x1B30]  }
0x50: {  	v25 =	vld [tilespmem:s31+$0x1B40]  }
0x51: {  	v22 =	vbroadcast v0, $0x0;
	v28 =	vbroadcast v0, $0x1;
	v26 =	vld [tilespmem:s31+$0x1B50];
	s31 =	spop (v2sf)  }
0x52: {  	v37 =	vbroadcast v0, $0x2;
	v47 =	vbroadcast v0, $0x3;
	v27 =	vld [tilespmem:s31+$0x1B00]  }
0x53: {  	v55 =	vbroadcast v0, $0x4;
	v3 =	vmul.f32 v3, v22;
	v29 =	vld [tilespmem:s31+$0x1B10]  }
0x54: {  	v2 =	vmul.f32 v2, v22;
	v4 =	vmul.f32 v4, v22;
	(v2sf) =	vpush v1, $0x7;
	v30 =	vld [tilespmem:s31+$0x1B20]  }
0x55: {  	v5 =	vmul.f32 v5, v22;
	v9 =	vmul.f32 v9, v28;
	v3 =	vadd.f32 $0.0e+00, v3;
	v31 =	vld [tilespmem:s31+$0x1B30]  }
0x56: {  	v6 =	vmul.f32 v6, v22;
	v7 =	vmul.f32 v7, v22;
	v22 =	vld [tilespmem:s31+$0x1B40]  }
0x57: {  	v34 =	vbroadcast v0, $0x5;
	v8 =	vmul.f32 v8, v28;
	v3 =	vadd.f32 v9, v3;
	v9 =	vld [tilespmem:s31+$0x1B50];
	s31 =	spop (v2sf)  }
0x58: {  	v10 =	vmul.f32 v10, v28;
	v36 =	vmul.f32 v12, v28;
	v12 =	vld [tilespmem:s31+$0x1B00]  }
0x59: {  	v38 =	vmul.f32 v13, v28;
	v2 =	vadd.f32 $0.0e+00, v2;
	v4 =	vadd.f32 $0.0e+00, v4;
	v13 =	vld [tilespmem:s31+$0x1B10]  }
0x5a: {  	v5 =	vadd.f32 $0.0e+00, v5;
	v39 =	vmul.f32 v14, v37;
	(v2sf) =	vpush v1, $0x8;
	v14 =	vld [tilespmem:s31+$0x1B20]  }
0x5b: {  	v35 =	vmul.f32 v11, v28;
	v6 =	vadd.f32 $0.0e+00, v6;
	v7 =	vadd.f32 $0.0e+00, v7;
	v42 =	vld [tilespmem:s31+$0x1B30]  }
0x5c: {  	v40 =	vmul.f32 v15, v37;
	v41 =	vmul.f32 v16, v37;
	v2 =	vadd.f32 v8, v2;
	v45 =	vld [tilespmem:s31+$0x1B40]  }
0x5d: {  	v43 =	vmul.f32 v17, v37;
	v4 =	vadd.f32 v10, v4;
	v5 =	vadd.f32 v35, v5;
	v48 =	vld [tilespmem:s31+$0x1B50];
	s31 =	spop (v2sf)  }
0x5e: {  	v44 =	vmul.f32 v18, v37;
	v6 =	vadd.f32 v36, v6;
	v7 =	vadd.f32 v38, v7;
	v49 =	vld [tilespmem:s31+$0x1B00]  }
0x5f: {  	v46 =	vmul.f32 v19, v37;
	v2 =	vadd.f32 v39, v2;
	v3 =	vadd.f32 v40, v3;
	v15 =	vld [tilespmem:s31+$0x1B10]  }
0x60: {  	v50 =	vmul.f32 v20, v47;
	v51 =	vmul.f32 v21, v47;
	(v2sf) =	vpush v1, $0x9;
	v53 =	vld [tilespmem:s31+$0x1B20]  }
0x61: {  	v4 =	vadd.f32 v41, v4;
	v52 =	vmul.f32 v23, v47;
	v54 =	vmul.f32 v24, v47;
	v56 =	vld [tilespmem:s31+$0x1B30]  }
0x62: {  	v5 =	vadd.f32 v43, v5;
	v57 =	vmul.f32 v25, v47;
	v11 =	vmul.f32 v26, v47;
	v58 =	vld [tilespmem:s31+$0x1B40]  }
0x63: {  	v6 =	vadd.f32 v44, v6;
	v59 =	vmul.f32 v27, v55;
	v62 =	vmul.f32 v29, v55;
	v60 =	vld [tilespmem:s31+$0x1B50];
	s31 =	spop (v2sf)  }
0x64: {  	v7 =	vadd.f32 v46, v7;
	v63 =	vmul.f32 v30, v55;
	v33 =	vmul.f32 v31, v55;
	v61 =	vld [tilespmem:s31+$0x1B00]  }
0x65: {  	v36 =	vmul.f32 v22, v55;
	v2 =	vadd.f32 v50, v2;
	v3 =	vadd.f32 v51, v3;
	v32 =	vld [tilespmem:s31+$0x1B10]  }
0x66: {  	v9 =	vmul.f32 v9, v55;
	v4 =	vadd.f32 v52, v4;
	(v2sf) =	vpush v1, $0xA;
	v35 =	vld [tilespmem:s31+$0x1B20]  }
0x67: {  	v27 =	vbroadcast v0, $0x8;
	v5 =	vadd.f32 v54, v5;
	v6 =	vadd.f32 v57, v6;
	v37 =	vld [tilespmem:s31+$0x1B30]  }
0x68: {  	v7 =	vadd.f32 v11, v7;
	v12 =	vmul.f32 v12, v34;
	v39 =	vmul.f32 v13, v34;
	v38 =	vld [tilespmem:s31+$0x1B40]  }
0x69: {  	v41 =	vmul.f32 v14, v34;
	v42 =	vmul.f32 v42, v34;
	v2 =	vadd.f32 v59, v2;
	v40 =	vld [tilespmem:s31+$0x1B50];
	s31 =	spop (v2sf)  }
0x6a: {  	v44 =	vmul.f32 v45, v34;
	v3 =	vadd.f32 v62, v3;
	v4 =	vadd.f32 v63, v4;
	v43 =	vld [tilespmem:s31+$0x1B00]  }
0x6b: {  	v45 =	vbroadcast v0, $0x6;
	v5 =	vadd.f32 v33, v5;
	v6 =	vadd.f32 v36, v6;
	v46 =	vld [tilespmem:s31+$0x1B10]  }
0x6c: {  	v47 =	vmul.f32 v48, v34;
	v7 =	vadd.f32 v9, v7;
	(v2sf) =	vpush v1, $0xB;
	v48 =	vld [tilespmem:s31+$0x1B20]  }
0x6d: {  	v36 =	vbroadcast v0, $0x9;
	v2 =	vadd.f32 v12, v2;
	v3 =	vadd.f32 v39, v3;
	v50 =	vld [tilespmem:s31+$0x1B30]  }
0x6e: {  	v4 =	vadd.f32 v41, v4;
	v54 =	vld [tilespmem:s31+$0x1B50];
	v49 =	vmul.f32 v49, v45;
	v51 =	vmul.f32 v15, v45  }
0x6f: {  	v5 =	vadd.f32 v42, v5;
	v52 =	vmul.f32 v53, v45;
	v53 =	vld [tilespmem:s31+$0x1B40];
	v55 =	vmul.f32 v56, v45;
	s31 =	spop (v2sf)  }
0x70: {  	v6 =	vadd.f32 v44, v6;
	v56 =	vbroadcast v0, $0x7;
	v57 =	vmul.f32 v58, v45;
	v58 =	vld [tilespmem:s31+$0x1B00]  }
0x71: {  	v7 =	vadd.f32 v47, v7;
	v16 =	vmul.f32 v60, v45;
	v2 =	vadd.f32 v49, v2;
	v60 =	vld [tilespmem:s31+$0x1B10]  }
0x72: {  	v3 =	vadd.f32 v51, v3;
	v59 =	vmul.f32 v61, v56;
	v61 =	vmul.f32 v32, v56;
	v62 =	vld [tilespmem:s31+$0x1B20]  }
0x73: {  	v4 =	vadd.f32 v52, v4;
	v63 =	vmul.f32 v35, v56;
	v24 =	vmul.f32 v37, v56;
	v25 =	vld [tilespmem:s31+$0x1B30]  }
0x74: {  	v5 =	vadd.f32 v55, v5;
	v26 =	vmul.f32 v38, v56;
	v9 =	vmul.f32 v40, v56;
	v28 =	vld [tilespmem:s31+$0x1B40]  }
0x75: {  	v6 =	vadd.f32 v57, v6;
	v30 =	vmul.f32 v43, v27;
	v31 =	vmul.f32 v46, v27;
	v29 =	vld [tilespmem:s31+$0x1B50];
	s31 =	spop (v2sf)  }
0x76: {  	v7 =	vadd.f32 v16, v7;
	v1 =	vmul.f32 v48, v27;
	v33 =	vmul.f32 v50, v27;
	v32 =	vld [tilespmem:s31+$0x1B00]  }
0x77: {  	v38 =	vmul.f32 v54, v27;
	v2 =	vadd.f32 v59, v2;
	v3 =	vadd.f32 v61, v3;
	v34 =	vld [tilespmem:s31+$0x1B10]  }
0x78: {  	v46 =	vbroadcast v0, $0xA;
	v4 =	vadd.f32 v63, v4;
	v5 =	vadd.f32 v24, v5;
	v37 =	vld [tilespmem:s31+$0x1B20]  }
0x79: {  	v0 =	vbroadcast v0, $0xB;
	v6 =	vadd.f32 v26, v6;
	v7 =	vadd.f32 v9, v7;
	v39 =	vld [tilespmem:s31+$0x1B30]  }
0x7a: {  	v35 =	vmul.f32 v53, v27;
	v2 =	vadd.f32 v30, v2;
	v3 =	vadd.f32 v31, v3;
	v41 =	vld [tilespmem:s31+$0x1B40]  }
0x7b: {  	v1 =	vadd.f32 v1, v4;
	v44 =	vld [tilespmem:s31+$0x1B50];
	s31 =	spop (v2sf);
	v40 =	vmul.f32 v58, v36;
	v42 =	vmul.f32 v60, v36  }
0x7c: {  	v5 =	vadd.f32 v33, v5;
	v47 =	vld [tilespmem:s31+$0x1B00];
	v43 =	vmul.f32 v62, v36;
	v45 =	vmul.f32 v25, v36  }
0x7d: {  	v4 =	vadd.f32 v38, v7;
	v49 =	vld [tilespmem:s31+$0x1B10];
	v48 =	vmul.f32 v28, v36;
	v8 =	vmul.f32 v29, v36  }
0x7e: {  	v6 =	vadd.f32 v35, v6;
	v51 =	vld [tilespmem:s31+$0x1B20];
	v50 =	vmul.f32 v32, v46;
	v52 =	vmul.f32 v34, v46  }
0x7f: {  	v53 =	vld [tilespmem:s31+$0x1B30];
	v54 =	vmul.f32 v37, v46;
	v14 =	vmul.f32 v39, v46;
	v2 =	vadd.f32 v40, v2  }
0x80: {  	v55 =	vld [tilespmem:s31+$0x1B40];
	v59 =	vmul.f32 v41, v46;
	v3 =	vadd.f32 v42, v3;
	v1 =	vadd.f32 v43, v1  }
0x81: {  	v57 =	vld [tilespmem:s31+$0x1B50];
	v61 =	vmul.f32 v44, v46;
	v5 =	vadd.f32 v45, v5;
	v6 =	vadd.f32 v48, v6  }
0x82: {  	v4 =	vadd.f32 v8, v4;
	v56 =	vmul.f32 v47, v0;
	v2 =	vadd.f32 v50, v2  }
0x83: {  	v58 =	vmul.f32 v49, v0;
	v60 =	vmul.f32 v51, v0;
	v3 =	vadd.f32 v52, v3  }
0x84: {  	v62 =	vmul.f32 v53, v0;
	v1 =	vadd.f32 v54, v1;
	v2 =	vadd.f32 v56, v2  }
0x85: {  	v63 =	vmul.f32 v55, v0;
	v5 =	vadd.f32 v14, v5;
	v3 =	vadd.f32 v58, v3  }
0x86: {  	p0 =	sne.s32 s10, $0xBD0;
	v0 =	vmul.f32 v57, v0;
	v4 =	vadd.f32 v61, v4;
	v1 =	vadd.f32 v60, v1;
	[tilespmem:s11+$0xFFFFFFD0] =	vst v2  }
.Ltmp0:
0x87: {  	v6 =	vadd.f32 v59, v6;
	v5 =	vadd.f32 v62, v5;
	[tilespmem:s11+$0xFFFFFFE0] =	vst v3;
	(pc) =	sbr.rel @p0 .LBB2_3-.Ltmp0, $4  }
0x88: {  	v0 =	vadd.f32 v0, v4;
	[tilespmem:s11+$0xFFFFFFF0] =	vst v1  }
0x89: {  	v2 =	vadd.f32 v63, v6;
	[tilespmem:s11+$0x0] =	vst v5  }
0x8a: {  	[tilespmem:s11+$0x20] =	vst v0  }
0x8b: {  	s10 =	sadd.s32 $0x30, s10;
	[tilespmem:s11+$0x10] =	vst v2;
	s11 =	sadd.s32 $0x80, s11  }
0x8c: {  	s10 =	sshll.u32 s0, $0xC  }
0x8d: {  	s10 =	sadd.s32 s12, s10  }
0x8e: {  	s11 =	simm.s32 $0x0;
	s14 =	sadd.s32 s7, s10  }
0x8f: {  	[hbm4b:s14+s11] =	stream.linear.scatter [tilespmem:s25], [sflag:$0x5], $0x2000, $0x38;
	[tilespmem:$0x1FB00] =	vst v63  }
0x90: {  	_ =	swait.ge [sflag:s26], $0x2000  }
0x91: {  	[sflag:s26] =	ssyncset.done $0x0  }
0x92: {  	[sflag:s26] =	ssyncadd.s32 $0xFFFFE000  }
0x93: {  	_ =	swait.ge [sflag:s28], $0xE000  }
0x94: {  	[sflag:s28] =	ssyncset.done $0x0  }
0x95: {  	s14 =	simm.s32 $0x1DB30;
	[sflag:s28] =	ssyncadd.s32 $0xFFFF2000  }
.LBB2_5:
0x96: {  	s31 =	sand.u32 $0x3FC, s11  }
0x97: {  	v0 =	vld [tilespmem:s31+$0x380];
	_ =	sdelay $0x4  }
0x98: {  	v0 =	vshll.u32 v0, $0x9  }
0x99: {  	v1 =	vshra.s32 v0, $0x2  }
0x9a: {  	(v2sf) =	vpush v1, $0x0;
	_ =	sdelay $0x5  }
0x9b: {  	(v2sf) =	vpush v1, $0x1;
	_ =	sdelay $0x5  }
0x9c: {  	(v2sf) =	vpush v1, $0x2;
	_ =	sdelay $0x2  }
0x9d: {  	v0 =	vld [tilespmem:s31+$0xA00];
	s31 =	spop (v2sf)  }
0x9e: {  	v2 =	vld [tilespmem:s31+$0xFB00]  }
0x9f: {  	v3 =	vld [tilespmem:s31+$0xFB10]  }
0xa0: {  	(v2sf) =	vpush v1, $0x3;
	v4 =	vld [tilespmem:s31+$0xFB20]  }
0xa1: {  	v5 =	vld [tilespmem:s31+$0xFB30]  }
0xa2: {  	v6 =	vld [tilespmem:s31+$0xFB40]  }
0xa3: {  	v7 =	vld [tilespmem:s31+$0xFB50];
	s31 =	spop (v2sf)  }
0xa4: {  	v8 =	vld [tilespmem:s31+$0xFB00]  }
0xa5: {  	v9 =	vld [tilespmem:s31+$0xFB10]  }
0xa6: {  	(v2sf) =	vpush v1, $0x4;
	v10 =	vld [tilespmem:s31+$0xFB20]  }
0xa7: {  	v11 =	vld [tilespmem:s31+$0xFB30]  }
0xa8: {  	v12 =	vld [tilespmem:s31+$0xFB40]  }
0xa9: {  	v13 =	vld [tilespmem:s31+$0xFB50];
	s31 =	spop (v2sf)  }
0xaa: {  	v14 =	vld [tilespmem:s31+$0xFB00]  }
0xab: {  	v15 =	vld [tilespmem:s31+$0xFB10]  }
0xac: {  	(v2sf) =	vpush v1, $0x5;
	v16 =	vld [tilespmem:s31+$0xFB20]  }
0xad: {  	v17 =	vld [tilespmem:s31+$0xFB30]  }
0xae: {  	v18 =	vld [tilespmem:s31+$0xFB40]  }
0xaf: {  	v19 =	vld [tilespmem:s31+$0xFB50];
	s31 =	spop (v2sf)  }
0xb0: {  	v20 =	vld [tilespmem:s31+$0xFB00]  }
0xb1: {  	v21 =	vld [tilespmem:s31+$0xFB10]  }
0xb2: {  	(v2sf) =	vpush v1, $0x6;
	v23 =	vld [tilespmem:s31+$0xFB20]  }
0xb3: {  	v24 =	vld [tilespmem:s31+$0xFB30]  }
0xb4: {  	v25 =	vld [tilespmem:s31+$0xFB40]  }
0xb5: {  	v22 =	vbroadcast v0, $0x0;
	v28 =	vbroadcast v0, $0x1;
	v26 =	vld [tilespmem:s31+$0xFB50];
	s31 =	spop (v2sf)  }
0xb6: {  	v37 =	vbroadcast v0, $0x2;
	v47 =	vbroadcast v0, $0x3;
	v27 =	vld [tilespmem:s31+$0xFB00]  }
0xb7: {  	v55 =	vbroadcast v0, $0x4;
	v3 =	vmul.f32 v3, v22;
	v29 =	vld [tilespmem:s31+$0xFB10]  }
0xb8: {  	v2 =	vmul.f32 v2, v22;
	v4 =	vmul.f32 v4, v22;
	(v2sf) =	vpush v1, $0x7;
	v30 =	vld [tilespmem:s31+$0xFB20]  }
0xb9: {  	v5 =	vmul.f32 v5, v22;
	v9 =	vmul.f32 v9, v28;
	v3 =	vadd.f32 $0.0e+00, v3;
	v31 =	vld [tilespmem:s31+$0xFB30]  }
0xba: {  	v6 =	vmul.f32 v6, v22;
	v7 =	vmul.f32 v7, v22;
	v22 =	vld [tilespmem:s31+$0xFB40]  }
0xbb: {  	v34 =	vbroadcast v0, $0x5;
	v8 =	vmul.f32 v8, v28;
	v3 =	vadd.f32 v9, v3;
	v9 =	vld [tilespmem:s31+$0xFB50];
	s31 =	spop (v2sf)  }
0xbc: {  	v10 =	vmul.f32 v10, v28;
	v36 =	vmul.f32 v12, v28;
	v12 =	vld [tilespmem:s31+$0xFB00]  }
0xbd: {  	v38 =	vmul.f32 v13, v28;
	v2 =	vadd.f32 $0.0e+00, v2;
	v4 =	vadd.f32 $0.0e+00, v4;
	v13 =	vld [tilespmem:s31+$0xFB10]  }
0xbe: {  	v5 =	vadd.f32 $0.0e+00, v5;
	v39 =	vmul.f32 v14, v37;
	(v2sf) =	vpush v1, $0x8;
	v14 =	vld [tilespmem:s31+$0xFB20]  }
0xbf: {  	v35 =	vmul.f32 v11, v28;
	v6 =	vadd.f32 $0.0e+00, v6;
	v7 =	vadd.f32 $0.0e+00, v7;
	v42 =	vld [tilespmem:s31+$0xFB30]  }
0xc0: {  	v40 =	vmul.f32 v15, v37;
	v41 =	vmul.f32 v16, v37;
	v2 =	vadd.f32 v8, v2;
	v45 =	vld [tilespmem:s31+$0xFB40]  }
0xc1: {  	v43 =	vmul.f32 v17, v37;
	v4 =	vadd.f32 v10, v4;
	v5 =	vadd.f32 v35, v5;
	v48 =	vld [tilespmem:s31+$0xFB50];
	s31 =	spop (v2sf)  }
0xc2: {  	v44 =	vmul.f32 v18, v37;
	v6 =	vadd.f32 v36, v6;
	v7 =	vadd.f32 v38, v7;
	v49 =	vld [tilespmem:s31+$0xFB00]  }
0xc3: {  	v46 =	vmul.f32 v19, v37;
	v2 =	vadd.f32 v39, v2;
	v3 =	vadd.f32 v40, v3;
	v15 =	vld [tilespmem:s31+$0xFB10]  }
0xc4: {  	v50 =	vmul.f32 v20, v47;
	v51 =	vmul.f32 v21, v47;
	(v2sf) =	vpush v1, $0x9;
	v53 =	vld [tilespmem:s31+$0xFB20]  }
0xc5: {  	v4 =	vadd.f32 v41, v4;
	v52 =	vmul.f32 v23, v47;
	v54 =	vmul.f32 v24, v47;
	v56 =	vld [tilespmem:s31+$0xFB30]  }
0xc6: {  	v5 =	vadd.f32 v43, v5;
	v57 =	vmul.f32 v25, v47;
	v11 =	vmul.f32 v26, v47;
	v58 =	vld [tilespmem:s31+$0xFB40]  }
0xc7: {  	v6 =	vadd.f32 v44, v6;
	v59 =	vmul.f32 v27, v55;
	v62 =	vmul.f32 v29, v55;
	v60 =	vld [tilespmem:s31+$0xFB50];
	s31 =	spop (v2sf)  }
0xc8: {  	v7 =	vadd.f32 v46, v7;
	v63 =	vmul.f32 v30, v55;
	v33 =	vmul.f32 v31, v55;
	v61 =	vld [tilespmem:s31+$0xFB00]  }
0xc9: {  	v36 =	vmul.f32 v22, v55;
	v2 =	vadd.f32 v50, v2;
	v3 =	vadd.f32 v51, v3;
	v32 =	vld [tilespmem:s31+$0xFB10]  }
0xca: {  	v9 =	vmul.f32 v9, v55;
	v4 =	vadd.f32 v52, v4;
	(v2sf) =	vpush v1, $0xA;
	v35 =	vld [tilespmem:s31+$0xFB20]  }
0xcb: {  	v27 =	vbroadcast v0, $0x8;
	v5 =	vadd.f32 v54, v5;
	v6 =	vadd.f32 v57, v6;
	v37 =	vld [tilespmem:s31+$0xFB30]  }
0xcc: {  	v7 =	vadd.f32 v11, v7;
	v12 =	vmul.f32 v12, v34;
	v39 =	vmul.f32 v13, v34;
	v38 =	vld [tilespmem:s31+$0xFB40]  }
0xcd: {  	v41 =	vmul.f32 v14, v34;
	v42 =	vmul.f32 v42, v34;
	v2 =	vadd.f32 v59, v2;
	v40 =	vld [tilespmem:s31+$0xFB50];
	s31 =	spop (v2sf)  }
0xce: {  	v44 =	vmul.f32 v45, v34;
	v3 =	vadd.f32 v62, v3;
	v4 =	vadd.f32 v63, v4;
	v43 =	vld [tilespmem:s31+$0xFB00]  }
0xcf: {  	v45 =	vbroadcast v0, $0x6;
	v5 =	vadd.f32 v33, v5;
	v6 =	vadd.f32 v36, v6;
	v46 =	vld [tilespmem:s31+$0xFB10]  }
0xd0: {  	v47 =	vmul.f32 v48, v34;
	v7 =	vadd.f32 v9, v7;
	(v2sf) =	vpush v1, $0xB;
	v48 =	vld [tilespmem:s31+$0xFB20]  }
0xd1: {  	v36 =	vbroadcast v0, $0x9;
	v2 =	vadd.f32 v12, v2;
	v3 =	vadd.f32 v39, v3;
	v50 =	vld [tilespmem:s31+$0xFB30]  }
0xd2: {  	v4 =	vadd.f32 v41, v4;
	v54 =	vld [tilespmem:s31+$0xFB50];
	v49 =	vmul.f32 v49, v45;
	v51 =	vmul.f32 v15, v45  }
0xd3: {  	v5 =	vadd.f32 v42, v5;
	v52 =	vmul.f32 v53, v45;
	v53 =	vld [tilespmem:s31+$0xFB40];
	v55 =	vmul.f32 v56, v45;
	s31 =	spop (v2sf)  }
0xd4: {  	v6 =	vadd.f32 v44, v6;
	v56 =	vbroadcast v0, $0x7;
	v57 =	vmul.f32 v58, v45;
	v58 =	vld [tilespmem:s31+$0xFB00]  }
0xd5: {  	v7 =	vadd.f32 v47, v7;
	v16 =	vmul.f32 v60, v45;
	v2 =	vadd.f32 v49, v2;
	v60 =	vld [tilespmem:s31+$0xFB10]  }
0xd6: {  	v3 =	vadd.f32 v51, v3;
	v59 =	vmul.f32 v61, v56;
	v61 =	vmul.f32 v32, v56;
	v62 =	vld [tilespmem:s31+$0xFB20]  }
0xd7: {  	v4 =	vadd.f32 v52, v4;
	v63 =	vmul.f32 v35, v56;
	v24 =	vmul.f32 v37, v56;
	v25 =	vld [tilespmem:s31+$0xFB30]  }
0xd8: {  	v5 =	vadd.f32 v55, v5;
	v26 =	vmul.f32 v38, v56;
	v9 =	vmul.f32 v40, v56;
	v28 =	vld [tilespmem:s31+$0xFB40]  }
0xd9: {  	v6 =	vadd.f32 v57, v6;
	v30 =	vmul.f32 v43, v27;
	v31 =	vmul.f32 v46, v27;
	v29 =	vld [tilespmem:s31+$0xFB50];
	s31 =	spop (v2sf)  }
0xda: {  	v7 =	vadd.f32 v16, v7;
	v1 =	vmul.f32 v48, v27;
	v33 =	vmul.f32 v50, v27;
	v32 =	vld [tilespmem:s31+$0xFB00]  }
0xdb: {  	v38 =	vmul.f32 v54, v27;
	v2 =	vadd.f32 v59, v2;
	v3 =	vadd.f32 v61, v3;
	v34 =	vld [tilespmem:s31+$0xFB10]  }
0xdc: {  	v46 =	vbroadcast v0, $0xA;
	v4 =	vadd.f32 v63, v4;
	v5 =	vadd.f32 v24, v5;
	v37 =	vld [tilespmem:s31+$0xFB20]  }
0xdd: {  	v0 =	vbroadcast v0, $0xB;
	v6 =	vadd.f32 v26, v6;
	v7 =	vadd.f32 v9, v7;
	v39 =	vld [tilespmem:s31+$0xFB30]  }
0xde: {  	v35 =	vmul.f32 v53, v27;
	v2 =	vadd.f32 v30, v2;
	v3 =	vadd.f32 v31, v3;
	v41 =	vld [tilespmem:s31+$0xFB40]  }
0xdf: {  	v1 =	vadd.f32 v1, v4;
	v44 =	vld [tilespmem:s31+$0xFB50];
	s31 =	spop (v2sf);
	v40 =	vmul.f32 v58, v36;
	v42 =	vmul.f32 v60, v36  }
0xe0: {  	v5 =	vadd.f32 v33, v5;
	v47 =	vld [tilespmem:s31+$0xFB00];
	v43 =	vmul.f32 v62, v36;
	v45 =	vmul.f32 v25, v36  }
0xe1: {  	v4 =	vadd.f32 v38, v7;
	v49 =	vld [tilespmem:s31+$0xFB10];
	v48 =	vmul.f32 v28, v36;
	v8 =	vmul.f32 v29, v36  }
0xe2: {  	v6 =	vadd.f32 v35, v6;
	v51 =	vld [tilespmem:s31+$0xFB20];
	v50 =	vmul.f32 v32, v46;
	v52 =	vmul.f32 v34, v46  }
0xe3: {  	v53 =	vld [tilespmem:s31+$0xFB30];
	v54 =	vmul.f32 v37, v46;
	v14 =	vmul.f32 v39, v46;
	v2 =	vadd.f32 v40, v2  }
0xe4: {  	v55 =	vld [tilespmem:s31+$0xFB40];
	v59 =	vmul.f32 v41, v46;
	v3 =	vadd.f32 v42, v3;
	v1 =	vadd.f32 v43, v1  }
0xe5: {  	v57 =	vld [tilespmem:s31+$0xFB50];
	v61 =	vmul.f32 v44, v46;
	v5 =	vadd.f32 v45, v5;
	v6 =	vadd.f32 v48, v6  }
0xe6: {  	v4 =	vadd.f32 v8, v4;
	v56 =	vmul.f32 v47, v0;
	v2 =	vadd.f32 v50, v2  }
0xe7: {  	v58 =	vmul.f32 v49, v0;
	v60 =	vmul.f32 v51, v0;
	v3 =	vadd.f32 v52, v3  }
0xe8: {  	v62 =	vmul.f32 v53, v0;
	v1 =	vadd.f32 v54, v1;
	v2 =	vadd.f32 v56, v2  }
0xe9: {  	v63 =	vmul.f32 v55, v0;
	v5 =	vadd.f32 v14, v5;
	v3 =	vadd.f32 v58, v3  }
0xea: {  	p0 =	sne.s32 s11, $0x2F4;
	v0 =	vmul.f32 v57, v0;
	v4 =	vadd.f32 v61, v4;
	v1 =	vadd.f32 v60, v1;
	[tilespmem:s14+$0xFFFFFFD0] =	vst v2  }
.Ltmp1:
0xeb: {  	v6 =	vadd.f32 v59, v6;
	v5 =	vadd.f32 v62, v5;
	[tilespmem:s14+$0xFFFFFFE0] =	vst v3;
	(pc) =	sbr.rel @p0 .LBB2_5-.Ltmp1, $4  }
0xec: {  	v0 =	vadd.f32 v0, v4;
	[tilespmem:s14+$0xFFFFFFF0] =	vst v1  }
0xed: {  	v2 =	vadd.f32 v63, v6;
	[tilespmem:s14+$0x0] =	vst v5  }
0xee: {  	[tilespmem:s14+$0x20] =	vst v0  }
0xef: {  	s11 =	sadd.s32 $0xC, s11;
	[tilespmem:s14+$0x10] =	vst v2;
	s14 =	sadd.s32 $0x80, s14  }
0xf0: {  	s11 =	sadd.s32 s10, s13;
	s10 =	simm.s32 $0x0  }
0xf1: {  	[hbm4b:s11+s10] =	stream.linear.scatter [tilespmem:s25], [sflag:$0x5], $0x2000, $0x38;
	[tilespmem:$0x1FB00] =	vst v63  }
0xf2: {  	_ =	swait.ge [sflag:s26], $0x2000  }
0xf3: {  	[sflag:s26] =	ssyncset.done $0x0  }
0xf4: {  	[sflag:s26] =	ssyncadd.s32 $0xFFFFE000  }
0xf5: {  	_ =	swait.ge [sflag:s29], $0x70  }
0xf6: {  	[sflag:s29] =	ssyncset.done $0x0  }
0xf7: {  	s8 =	sadd.s32 $0x2, s8;
	[sflag:s29] =	ssyncadd.s32 $0xFFFFFF90  }
0xf8: {  	p0 =	seq.s32 s8, $0x48;
	s8 =	sshll.u32 s8, $0x1;
	_ =	swait.ge [sflag:s29], $0x600  }
0xf9: {  	s8 =	simm.s32 @p0 $0x0;
	[sflag:s29] =	ssyncset.done $0x0  }
0xfa: {  	s8 =	sadd.s32 s9, s8;
	[sflag:s29] =	ssyncadd.s32 $0xFFFFFA00  }
0xfb: {  	s14 =	smul.u32 $0x7, s8;
	_ =	swait.ge [sflag:s29], $0x600  }
0xfc: {  	[sflag:s29] =	ssyncset.done $0x0  }
0xfd: {  	s8 =	smul.u32 $0x60, s8;
	s11 =	sadd.s32 s5, s14;
	[sflag:s29] =	ssyncadd.s32 $0xFFFFFA00  }
0xfe: {  	[tilespmem:s10], [sflag:$0x3] =	stream.linear.gather [hbm4b:s11+s10], $0x70, $0x38;
	[tilespmem:$0x1FB00] =	vst v63  }
0xff: {  	s31 =	sadd.s32 s1, s8  }
0x100: {  	[tilespmem:s15], [sflag:$0x3] =	stream.linear.gather [hbm4b:s31+s10], $0x600, $0x38;
	[tilespmem:$0x1FB00] =	vst v63  }
0x101: {  	s8 =	sadd.s32 s6, s8  }
0x102: {  	[tilespmem:s16], [sflag:$0x3] =	stream.linear.gather [hbm4b:s8+s10], $0x600, $0x38;
	[tilespmem:$0x1FB00] =	vst v63  }
0x103: {  	_ = 	snop  }
0x104: {  	[tilespmem:s22], [sflag:$0x1] =	stream.indirect.gather [hbm4b:s4+s21], $0x400, s18, s21, $0xb8;
	[tilespmem:$0x1FB00] =	vst v63  }
0x105: {  	_ = 	snop  }
0x106: {  	[tilespmem:s23], [sflag:$0x2] =	stream.indirect.gather [hbm4b:s4+s21], $0x400, s30, s21, $0xb8;
	[tilespmem:$0x1FB00] =	vst v63  }
0x107: {  	_ =	swait.ge [sflag:s24], $0xE000  }
0x108: {  	[sflag:s24] =	ssyncset.done $0x0  }
0x109: {  	s8 =	simm.s32 $0x1DB30;
	[sflag:s24] =	ssyncadd.s32 $0xFFFF2000  }
.LBB2_7:
0x10a: {  	s11 =	sshra.s32 s10, $0x2  }
0x10b: {  	v0 =	vld [tilespmem:s11+$0xE00];
	_ =	sdelay $0x4  }
0x10c: {  	v0 =	vshll.u32 v0, $0x9  }
0x10d: {  	v1 =	vshra.s32 v0, $0x2  }
0x10e: {  	(v2sf) =	vpush v1, $0x0;
	_ =	sdelay $0x5  }
0x10f: {  	(v2sf) =	vpush v1, $0x1;
	_ =	sdelay $0x5  }
0x110: {  	(v2sf) =	vpush v1, $0x2;
	_ =	sdelay $0x2  }
0x111: {  	v0 =	vld [tilespmem:s11+$0x1480];
	s14 =	spop (v2sf)  }
0x112: {  	v2 =	vld [tilespmem:s14+$0x1B00]  }
0x113: {  	v3 =	vld [tilespmem:s14+$0x1B10]  }
0x114: {  	(v2sf) =	vpush v1, $0x3;
	v4 =	vld [tilespmem:s14+$0x1B20]  }
0x115: {  	v5 =	vld [tilespmem:s14+$0x1B30]  }
0x116: {  	v6 =	vld [tilespmem:s14+$0x1B40]  }
0x117: {  	v7 =	vld [tilespmem:s14+$0x1B50];
	s31 =	spop (v2sf)  }
0x118: {  	v8 =	vld [tilespmem:s31+$0x1B00]  }
0x119: {  	v9 =	vld [tilespmem:s31+$0x1B10]  }
0x11a: {  	(v2sf) =	vpush v1, $0x4;
	v10 =	vld [tilespmem:s31+$0x1B20]  }
0x11b: {  	v11 =	vld [tilespmem:s31+$0x1B30]  }
0x11c: {  	v12 =	vld [tilespmem:s31+$0x1B40]  }
0x11d: {  	v13 =	vld [tilespmem:s31+$0x1B50];
	s14 =	spop (v2sf)  }
0x11e: {  	v14 =	vld [tilespmem:s14+$0x1B00]  }
0x11f: {  	v15 =	vld [tilespmem:s14+$0x1B10]  }
0x120: {  	(v2sf) =	vpush v1, $0x5;
	v16 =	vld [tilespmem:s14+$0x1B20]  }
0x121: {  	v17 =	vld [tilespmem:s14+$0x1B30]  }
0x122: {  	v18 =	vld [tilespmem:s14+$0x1B40]  }
0x123: {  	v19 =	vld [tilespmem:s14+$0x1B50];
	s31 =	spop (v2sf)  }
0x124: {  	v20 =	vld [tilespmem:s31+$0x1B00]  }
0x125: {  	v21 =	vld [tilespmem:s31+$0x1B10]  }
0x126: {  	(v2sf) =	vpush v1, $0x6;
	v23 =	vld [tilespmem:s31+$0x1B20]  }
0x127: {  	v24 =	vld [tilespmem:s31+$0x1B30]  }
0x128: {  	v25 =	vld [tilespmem:s31+$0x1B40]  }
0x129: {  	v22 =	vbroadcast v0, $0x0;
	v28 =	vbroadcast v0, $0x1;
	v26 =	vld [tilespmem:s31+$0x1B50];
	s14 =	spop (v2sf)  }
0x12a: {  	v37 =	vbroadcast v0, $0x2;
	v47 =	vbroadcast v0, $0x3;
	v27 =	vld [tilespmem:s14+$0x1B00]  }
0x12b: {  	v55 =	vbroadcast v0, $0x4;
	v3 =	vmul.f32 v3, v22;
	v29 =	vld [tilespmem:s14+$0x1B10]  }
0x12c: {  	v2 =	vmul.f32 v2, v22;
	v4 =	vmul.f32 v4, v22;
	(v2sf) =	vpush v1, $0x7;
	v30 =	vld [tilespmem:s14+$0x1B20]  }
0x12d: {  	v5 =	vmul.f32 v5, v22;
	v9 =	vmul.f32 v9, v28;
	v3 =	vadd.f32 $0.0e+00, v3;
	v31 =	vld [tilespmem:s14+$0x1B30]  }
0x12e: {  	v6 =	vmul.f32 v6, v22;
	v7 =	vmul.f32 v7, v22;
	v22 =	vld [tilespmem:s14+$0x1B40]  }
0x12f: {  	v34 =	vbroadcast v0, $0x5;
	v8 =	vmul.f32 v8, v28;
	v3 =	vadd.f32 v9, v3;
	v9 =	vld [tilespmem:s14+$0x1B50];
	s31 =	spop (v2sf)  }
0x130: {  	v10 =	vmul.f32 v10, v28;
	v36 =	vmul.f32 v12, v28;
	v12 =	vld [tilespmem:s31+$0x1B00]  }
0x131: {  	v38 =	vmul.f32 v13, v28;
	v2 =	vadd.f32 $0.0e+00, v2;
	v4 =	vadd.f32 $0.0e+00, v4;
	v13 =	vld [tilespmem:s31+$0x1B10]  }
0x132: {  	v5 =	vadd.f32 $0.0e+00, v5;
	v39 =	vmul.f32 v14, v37;
	(v2sf) =	vpush v1, $0x8;
	v14 =	vld [tilespmem:s31+$0x1B20]  }
0x133: {  	v35 =	vmul.f32 v11, v28;
	v6 =	vadd.f32 $0.0e+00, v6;
	v7 =	vadd.f32 $0.0e+00, v7;
	v42 =	vld [tilespmem:s31+$0x1B30]  }
0x134: {  	v40 =	vmul.f32 v15, v37;
	v41 =	vmul.f32 v16, v37;
	v2 =	vadd.f32 v8, v2;
	v45 =	vld [tilespmem:s31+$0x1B40]  }
0x135: {  	v43 =	vmul.f32 v17, v37;
	v4 =	vadd.f32 v10, v4;
	v5 =	vadd.f32 v35, v5;
	v48 =	vld [tilespmem:s31+$0x1B50];
	s14 =	spop (v2sf)  }
0x136: {  	v44 =	vmul.f32 v18, v37;
	v6 =	vadd.f32 v36, v6;
	v7 =	vadd.f32 v38, v7;
	v49 =	vld [tilespmem:s14+$0x1B00]  }
0x137: {  	v46 =	vmul.f32 v19, v37;
	v2 =	vadd.f32 v39, v2;
	v3 =	vadd.f32 v40, v3;
	v15 =	vld [tilespmem:s14+$0x1B10]  }
0x138: {  	v50 =	vmul.f32 v20, v47;
	v51 =	vmul.f32 v21, v47;
	(v2sf) =	vpush v1, $0x9;
	v53 =	vld [tilespmem:s14+$0x1B20]  }
0x139: {  	v4 =	vadd.f32 v41, v4;
	v52 =	vmul.f32 v23, v47;
	v54 =	vmul.f32 v24, v47;
	v56 =	vld [tilespmem:s14+$0x1B30]  }
0x13a: {  	v5 =	vadd.f32 v43, v5;
	v57 =	vmul.f32 v25, v47;
	v11 =	vmul.f32 v26, v47;
	v58 =	vld [tilespmem:s14+$0x1B40]  }
0x13b: {  	v6 =	vadd.f32 v44, v6;
	v59 =	vmul.f32 v27, v55;
	v62 =	vmul.f32 v29, v55;
	v60 =	vld [tilespmem:s14+$0x1B50];
	s31 =	spop (v2sf)  }
0x13c: {  	v7 =	vadd.f32 v46, v7;
	v63 =	vmul.f32 v30, v55;
	v33 =	vmul.f32 v31, v55;
	v61 =	vld [tilespmem:s31+$0x1B00]  }
0x13d: {  	v36 =	vmul.f32 v22, v55;
	v2 =	vadd.f32 v50, v2;
	v3 =	vadd.f32 v51, v3;
	v32 =	vld [tilespmem:s31+$0x1B10]  }
0x13e: {  	v9 =	vmul.f32 v9, v55;
	v4 =	vadd.f32 v52, v4;
	(v2sf) =	vpush v1, $0xA;
	v35 =	vld [tilespmem:s31+$0x1B20]  }
0x13f: {  	v27 =	vbroadcast v0, $0x8;
	v5 =	vadd.f32 v54, v5;
	v6 =	vadd.f32 v57, v6;
	v37 =	vld [tilespmem:s31+$0x1B30]  }
0x140: {  	v7 =	vadd.f32 v11, v7;
	v12 =	vmul.f32 v12, v34;
	v39 =	vmul.f32 v13, v34;
	v38 =	vld [tilespmem:s31+$0x1B40]  }
0x141: {  	v41 =	vmul.f32 v14, v34;
	v42 =	vmul.f32 v42, v34;
	v2 =	vadd.f32 v59, v2;
	v40 =	vld [tilespmem:s31+$0x1B50];
	s14 =	spop (v2sf)  }
0x142: {  	v44 =	vmul.f32 v45, v34;
	v3 =	vadd.f32 v62, v3;
	v4 =	vadd.f32 v63, v4;
	v43 =	vld [tilespmem:s14+$0x1B00]  }
0x143: {  	v45 =	vbroadcast v0, $0x6;
	v5 =	vadd.f32 v33, v5;
	v6 =	vadd.f32 v36, v6;
	v46 =	vld [tilespmem:s14+$0x1B10]  }
0x144: {  	v47 =	vmul.f32 v48, v34;
	v7 =	vadd.f32 v9, v7;
	(v2sf) =	vpush v1, $0xB;
	v48 =	vld [tilespmem:s14+$0x1B20]  }
0x145: {  	v36 =	vbroadcast v0, $0x9;
	v2 =	vadd.f32 v12, v2;
	v3 =	vadd.f32 v39, v3;
	v50 =	vld [tilespmem:s14+$0x1B30]  }
0x146: {  	v4 =	vadd.f32 v41, v4;
	v54 =	vld [tilespmem:s14+$0x1B50];
	v49 =	vmul.f32 v49, v45;
	v51 =	vmul.f32 v15, v45  }
0x147: {  	v5 =	vadd.f32 v42, v5;
	v52 =	vmul.f32 v53, v45;
	v53 =	vld [tilespmem:s14+$0x1B40];
	v55 =	vmul.f32 v56, v45;
	s31 =	spop (v2sf)  }
0x148: {  	v6 =	vadd.f32 v44, v6;
	v56 =	vbroadcast v0, $0x7;
	v57 =	vmul.f32 v58, v45;
	v58 =	vld [tilespmem:s31+$0x1B00]  }
0x149: {  	v7 =	vadd.f32 v47, v7;
	v16 =	vmul.f32 v60, v45;
	v2 =	vadd.f32 v49, v2;
	v60 =	vld [tilespmem:s31+$0x1B10]  }
0x14a: {  	v3 =	vadd.f32 v51, v3;
	v59 =	vmul.f32 v61, v56;
	v61 =	vmul.f32 v32, v56;
	v62 =	vld [tilespmem:s31+$0x1B20]  }
0x14b: {  	v4 =	vadd.f32 v52, v4;
	v63 =	vmul.f32 v35, v56;
	v24 =	vmul.f32 v37, v56;
	v25 =	vld [tilespmem:s31+$0x1B30]  }
0x14c: {  	v5 =	vadd.f32 v55, v5;
	v26 =	vmul.f32 v38, v56;
	v9 =	vmul.f32 v40, v56;
	v28 =	vld [tilespmem:s31+$0x1B40]  }
0x14d: {  	v6 =	vadd.f32 v57, v6;
	v30 =	vmul.f32 v43, v27;
	v31 =	vmul.f32 v46, v27;
	v29 =	vld [tilespmem:s31+$0x1B50];
	s14 =	spop (v2sf)  }
0x14e: {  	v7 =	vadd.f32 v16, v7;
	v1 =	vmul.f32 v48, v27;
	v33 =	vmul.f32 v50, v27;
	v32 =	vld [tilespmem:s14+$0x1B00]  }
0x14f: {  	v38 =	vmul.f32 v54, v27;
	v2 =	vadd.f32 v59, v2;
	v3 =	vadd.f32 v61, v3;
	v34 =	vld [tilespmem:s14+$0x1B10]  }
0x150: {  	v46 =	vbroadcast v0, $0xA;
	v4 =	vadd.f32 v63, v4;
	v5 =	vadd.f32 v24, v5;
	v37 =	vld [tilespmem:s14+$0x1B20]  }
0x151: {  	v0 =	vbroadcast v0, $0xB;
	v6 =	vadd.f32 v26, v6;
	v7 =	vadd.f32 v9, v7;
	v39 =	vld [tilespmem:s14+$0x1B30]  }
0x152: {  	v35 =	vmul.f32 v53, v27;
	v2 =	vadd.f32 v30, v2;
	v3 =	vadd.f32 v31, v3;
	v41 =	vld [tilespmem:s14+$0x1B40]  }
0x153: {  	v1 =	vadd.f32 v1, v4;
	v44 =	vld [tilespmem:s14+$0x1B50];
	s31 =	spop (v2sf);
	v40 =	vmul.f32 v58, v36;
	v42 =	vmul.f32 v60, v36  }
0x154: {  	v5 =	vadd.f32 v33, v5;
	v47 =	vld [tilespmem:s31+$0x1B00];
	v43 =	vmul.f32 v62, v36;
	v45 =	vmul.f32 v25, v36  }
0x155: {  	v4 =	vadd.f32 v38, v7;
	v49 =	vld [tilespmem:s31+$0x1B10];
	v48 =	vmul.f32 v28, v36;
	v8 =	vmul.f32 v29, v36  }
0x156: {  	v6 =	vadd.f32 v35, v6;
	v51 =	vld [tilespmem:s31+$0x1B20];
	v50 =	vmul.f32 v32, v46;
	v52 =	vmul.f32 v34, v46  }
0x157: {  	v53 =	vld [tilespmem:s31+$0x1B30];
	v54 =	vmul.f32 v37, v46;
	v14 =	vmul.f32 v39, v46;
	v2 =	vadd.f32 v40, v2  }
0x158: {  	v55 =	vld [tilespmem:s31+$0x1B40];
	v59 =	vmul.f32 v41, v46;
	v3 =	vadd.f32 v42, v3;
	v1 =	vadd.f32 v43, v1  }
0x159: {  	v57 =	vld [tilespmem:s31+$0x1B50];
	v61 =	vmul.f32 v44, v46;
	v5 =	vadd.f32 v45, v5;
	v6 =	vadd.f32 v48, v6  }
0x15a: {  	v4 =	vadd.f32 v8, v4;
	v56 =	vmul.f32 v47, v0;
	v2 =	vadd.f32 v50, v2  }
0x15b: {  	v58 =	vmul.f32 v49, v0;
	v60 =	vmul.f32 v51, v0;
	v3 =	vadd.f32 v52, v3  }
0x15c: {  	v62 =	vmul.f32 v53, v0;
	v1 =	vadd.f32 v54, v1;
	v2 =	vadd.f32 v56, v2  }
0x15d: {  	v63 =	vmul.f32 v55, v0;
	v5 =	vadd.f32 v14, v5;
	v3 =	vadd.f32 v58, v3  }
0x15e: {  	p0 =	sne.s32 s10, $0xBD0;
	v0 =	vmul.f32 v57, v0;
	v4 =	vadd.f32 v61, v4;
	v1 =	vadd.f32 v60, v1;
	[tilespmem:s8+$0xFFFFFFD0] =	vst v2  }
.Ltmp2:
0x15f: {  	v6 =	vadd.f32 v59, v6;
	v5 =	vadd.f32 v62, v5;
	[tilespmem:s8+$0xFFFFFFE0] =	vst v3;
	(pc) =	sbr.rel @p0 .LBB2_7-.Ltmp2, $4  }
0x160: {  	v0 =	vadd.f32 v0, v4;
	[tilespmem:s8+$0xFFFFFFF0] =	vst v1  }
0x161: {  	v2 =	vadd.f32 v63, v6;
	[tilespmem:s8+$0x0] =	vst v5  }
0x162: {  	[tilespmem:s8+$0x20] =	vst v0  }
0x163: {  	s10 =	sadd.s32 $0x30, s10;
	[tilespmem:s8+$0x10] =	vst v2;
	s8 =	sadd.s32 $0x80, s8  }
0x164: {  	s2 =	sshll.u32 s2, $0xB  }
0x165: {  	s2 =	sadd.s32 s12, s2  }
0x166: {  	s8 =	simm.s32 $0x0;
	s10 =	sadd.s32 s7, s2  }
0x167: {  	[hbm4b:s10+s8] =	stream.linear.scatter [tilespmem:s25], [sflag:$0x5], $0x2000, $0x38;
	[tilespmem:$0x1FB00] =	vst v63  }
0x168: {  	_ =	swait.ge [sflag:s26], $0x2000  }
0x169: {  	[sflag:s26] =	ssyncset.done $0x0  }
0x16a: {  	[sflag:s26] =	ssyncadd.s32 $0xFFFFE000  }
0x16b: {  	_ =	swait.ge [sflag:s28], $0xE000  }
0x16c: {  	[sflag:s28] =	ssyncset.done $0x0  }
0x16d: {  	s10 =	simm.s32 $0x1DB30;
	[sflag:s28] =	ssyncadd.s32 $0xFFFF2000  }
.LBB2_9:
0x16e: {  	s11 =	sand.u32 $0x3FC, s8  }
0x16f: {  	v0 =	vld [tilespmem:s11+$0x1100];
	_ =	sdelay $0x4  }
0x170: {  	v0 =	vshll.u32 v0, $0x9  }
0x171: {  	v1 =	vshra.s32 v0, $0x2  }
0x172: {  	(v2sf) =	vpush v1, $0x0;
	_ =	sdelay $0x5  }
0x173: {  	(v2sf) =	vpush v1, $0x1;
	_ =	sdelay $0x5  }
0x174: {  	(v2sf) =	vpush v1, $0x2;
	_ =	sdelay $0x2  }
0x175: {  	v0 =	vld [tilespmem:s11+$0x1780];
	s14 =	spop (v2sf)  }
0x176: {  	v2 =	vld [tilespmem:s14+$0xFB00]  }
0x177: {  	v3 =	vld [tilespmem:s14+$0xFB10]  }
0x178: {  	(v2sf) =	vpush v1, $0x3;
	v4 =	vld [tilespmem:s14+$0xFB20]  }
0x179: {  	v5 =	vld [tilespmem:s14+$0xFB30]  }
0x17a: {  	v6 =	vld [tilespmem:s14+$0xFB40]  }
0x17b: {  	v7 =	vld [tilespmem:s14+$0xFB50];
	s31 =	spop (v2sf)  }
0x17c: {  	v8 =	vld [tilespmem:s31+$0xFB00]  }
0x17d: {  	v9 =	vld [tilespmem:s31+$0xFB10]  }
0x17e: {  	(v2sf) =	vpush v1, $0x4;
	v10 =	vld [tilespmem:s31+$0xFB20]  }
0x17f: {  	v11 =	vld [tilespmem:s31+$0xFB30]  }
0x180: {  	v12 =	vld [tilespmem:s31+$0xFB40]  }
0x181: {  	v13 =	vld [tilespmem:s31+$0xFB50];
	s14 =	spop (v2sf)  }
0x182: {  	v14 =	vld [tilespmem:s14+$0xFB00]  }
0x183: {  	v15 =	vld [tilespmem:s14+$0xFB10]  }
0x184: {  	(v2sf) =	vpush v1, $0x5;
	v16 =	vld [tilespmem:s14+$0xFB20]  }
0x185: {  	v17 =	vld [tilespmem:s14+$0xFB30]  }
0x186: {  	v18 =	vld [tilespmem:s14+$0xFB40]  }
0x187: {  	v19 =	vld [tilespmem:s14+$0xFB50];
	s31 =	spop (v2sf)  }
0x188: {  	v20 =	vld [tilespmem:s31+$0xFB00]  }
0x189: {  	v21 =	vld [tilespmem:s31+$0xFB10]  }
0x18a: {  	(v2sf) =	vpush v1, $0x6;
	v23 =	vld [tilespmem:s31+$0xFB20]  }
0x18b: {  	v24 =	vld [tilespmem:s31+$0xFB30]  }
0x18c: {  	v25 =	vld [tilespmem:s31+$0xFB40]  }
0x18d: {  	v22 =	vbroadcast v0, $0x0;
	v28 =	vbroadcast v0, $0x1;
	v26 =	vld [tilespmem:s31+$0xFB50];
	s14 =	spop (v2sf)  }
0x18e: {  	v37 =	vbroadcast v0, $0x2;
	v47 =	vbroadcast v0, $0x3;
	v27 =	vld [tilespmem:s14+$0xFB00]  }
0x18f: {  	v55 =	vbroadcast v0, $0x4;
	v3 =	vmul.f32 v3, v22;
	v29 =	vld [tilespmem:s14+$0xFB10]  }
0x190: {  	v2 =	vmul.f32 v2, v22;
	v4 =	vmul.f32 v4, v22;
	(v2sf) =	vpush v1, $0x7;
	v30 =	vld [tilespmem:s14+$0xFB20]  }
0x191: {  	v5 =	vmul.f32 v5, v22;
	v9 =	vmul.f32 v9, v28;
	v3 =	vadd.f32 $0.0e+00, v3;
	v31 =	vld [tilespmem:s14+$0xFB30]  }
0x192: {  	v6 =	vmul.f32 v6, v22;
	v7 =	vmul.f32 v7, v22;
	v22 =	vld [tilespmem:s14+$0xFB40]  }
0x193: {  	v34 =	vbroadcast v0, $0x5;
	v8 =	vmul.f32 v8, v28;
	v3 =	vadd.f32 v9, v3;
	v9 =	vld [tilespmem:s14+$0xFB50];
	s31 =	spop (v2sf)  }
0x194: {  	v10 =	vmul.f32 v10, v28;
	v36 =	vmul.f32 v12, v28;
	v12 =	vld [tilespmem:s31+$0xFB00]  }
0x195: {  	v38 =	vmul.f32 v13, v28;
	v2 =	vadd.f32 $0.0e+00, v2;
	v4 =	vadd.f32 $0.0e+00, v4;
	v13 =	vld [tilespmem:s31+$0xFB10]  }
0x196: {  	v5 =	vadd.f32 $0.0e+00, v5;
	v39 =	vmul.f32 v14, v37;
	(v2sf) =	vpush v1, $0x8;
	v14 =	vld [tilespmem:s31+$0xFB20]  }
0x197: {  	v35 =	vmul.f32 v11, v28;
	v6 =	vadd.f32 $0.0e+00, v6;
	v7 =	vadd.f32 $0.0e+00, v7;
	v42 =	vld [tilespmem:s31+$0xFB30]  }
0x198: {  	v40 =	vmul.f32 v15, v37;
	v41 =	vmul.f32 v16, v37;
	v2 =	vadd.f32 v8, v2;
	v45 =	vld [tilespmem:s31+$0xFB40]  }
0x199: {  	v43 =	vmul.f32 v17, v37;
	v4 =	vadd.f32 v10, v4;
	v5 =	vadd.f32 v35, v5;
	v48 =	vld [tilespmem:s31+$0xFB50];
	s14 =	spop (v2sf)  }
0x19a: {  	v44 =	vmul.f32 v18, v37;
	v6 =	vadd.f32 v36, v6;
	v7 =	vadd.f32 v38, v7;
	v49 =	vld [tilespmem:s14+$0xFB00]  }
0x19b: {  	v46 =	vmul.f32 v19, v37;
	v2 =	vadd.f32 v39, v2;
	v3 =	vadd.f32 v40, v3;
	v15 =	vld [tilespmem:s14+$0xFB10]  }
0x19c: {  	v50 =	vmul.f32 v20, v47;
	v51 =	vmul.f32 v21, v47;
	(v2sf) =	vpush v1, $0x9;
	v53 =	vld [tilespmem:s14+$0xFB20]  }
0x19d: {  	v4 =	vadd.f32 v41, v4;
	v52 =	vmul.f32 v23, v47;
	v54 =	vmul.f32 v24, v47;
	v56 =	vld [tilespmem:s14+$0xFB30]  }
0x19e: {  	v5 =	vadd.f32 v43, v5;
	v57 =	vmul.f32 v25, v47;
	v11 =	vmul.f32 v26, v47;
	v58 =	vld [tilespmem:s14+$0xFB40]  }
0x19f: {  	v6 =	vadd.f32 v44, v6;
	v59 =	vmul.f32 v27, v55;
	v62 =	vmul.f32 v29, v55;
	v60 =	vld [tilespmem:s14+$0xFB50];
	s31 =	spop (v2sf)  }
0x1a0: {  	v7 =	vadd.f32 v46, v7;
	v63 =	vmul.f32 v30, v55;
	v33 =	vmul.f32 v31, v55;
	v61 =	vld [tilespmem:s31+$0xFB00]  }
0x1a1: {  	v36 =	vmul.f32 v22, v55;
	v2 =	vadd.f32 v50, v2;
	v3 =	vadd.f32 v51, v3;
	v32 =	vld [tilespmem:s31+$0xFB10]  }
0x1a2: {  	v9 =	vmul.f32 v9, v55;
	v4 =	vadd.f32 v52, v4;
	(v2sf) =	vpush v1, $0xA;
	v35 =	vld [tilespmem:s31+$0xFB20]  }
0x1a3: {  	v27 =	vbroadcast v0, $0x8;
	v5 =	vadd.f32 v54, v5;
	v6 =	vadd.f32 v57, v6;
	v37 =	vld [tilespmem:s31+$0xFB30]  }
0x1a4: {  	v7 =	vadd.f32 v11, v7;
	v12 =	vmul.f32 v12, v34;
	v39 =	vmul.f32 v13, v34;
	v38 =	vld [tilespmem:s31+$0xFB40]  }
0x1a5: {  	v41 =	vmul.f32 v14, v34;
	v42 =	vmul.f32 v42, v34;
	v2 =	vadd.f32 v59, v2;
	v40 =	vld [tilespmem:s31+$0xFB50];
	s14 =	spop (v2sf)  }
0x1a6: {  	v44 =	vmul.f32 v45, v34;
	v3 =	vadd.f32 v62, v3;
	v4 =	vadd.f32 v63, v4;
	v43 =	vld [tilespmem:s14+$0xFB00]  }
0x1a7: {  	v45 =	vbroadcast v0, $0x6;
	v5 =	vadd.f32 v33, v5;
	v6 =	vadd.f32 v36, v6;
	v46 =	vld [tilespmem:s14+$0xFB10]  }
0x1a8: {  	v47 =	vmul.f32 v48, v34;
	v7 =	vadd.f32 v9, v7;
	(v2sf) =	vpush v1, $0xB;
	v48 =	vld [tilespmem:s14+$0xFB20]  }
0x1a9: {  	v36 =	vbroadcast v0, $0x9;
	v2 =	vadd.f32 v12, v2;
	v3 =	vadd.f32 v39, v3;
	v50 =	vld [tilespmem:s14+$0xFB30]  }
0x1aa: {  	v4 =	vadd.f32 v41, v4;
	v54 =	vld [tilespmem:s14+$0xFB50];
	v49 =	vmul.f32 v49, v45;
	v51 =	vmul.f32 v15, v45  }
0x1ab: {  	v5 =	vadd.f32 v42, v5;
	v52 =	vmul.f32 v53, v45;
	v53 =	vld [tilespmem:s14+$0xFB40];
	v55 =	vmul.f32 v56, v45;
	s31 =	spop (v2sf)  }
0x1ac: {  	v6 =	vadd.f32 v44, v6;
	v56 =	vbroadcast v0, $0x7;
	v57 =	vmul.f32 v58, v45;
	v58 =	vld [tilespmem:s31+$0xFB00]  }
0x1ad: {  	v7 =	vadd.f32 v47, v7;
	v16 =	vmul.f32 v60, v45;
	v2 =	vadd.f32 v49, v2;
	v60 =	vld [tilespmem:s31+$0xFB10]  }
0x1ae: {  	v3 =	vadd.f32 v51, v3;
	v59 =	vmul.f32 v61, v56;
	v61 =	vmul.f32 v32, v56;
	v62 =	vld [tilespmem:s31+$0xFB20]  }
0x1af: {  	v4 =	vadd.f32 v52, v4;
	v63 =	vmul.f32 v35, v56;
	v24 =	vmul.f32 v37, v56;
	v25 =	vld [tilespmem:s31+$0xFB30]  }
0x1b0: {  	v5 =	vadd.f32 v55, v5;
	v26 =	vmul.f32 v38, v56;
	v9 =	vmul.f32 v40, v56;
	v28 =	vld [tilespmem:s31+$0xFB40]  }
0x1b1: {  	v6 =	vadd.f32 v57, v6;
	v30 =	vmul.f32 v43, v27;
	v31 =	vmul.f32 v46, v27;
	v29 =	vld [tilespmem:s31+$0xFB50];
	s14 =	spop (v2sf)  }
0x1b2: {  	v7 =	vadd.f32 v16, v7;
	v1 =	vmul.f32 v48, v27;
	v33 =	vmul.f32 v50, v27;
	v32 =	vld [tilespmem:s14+$0xFB00]  }
0x1b3: {  	v38 =	vmul.f32 v54, v27;
	v2 =	vadd.f32 v59, v2;
	v3 =	vadd.f32 v61, v3;
	v34 =	vld [tilespmem:s14+$0xFB10]  }
0x1b4: {  	v46 =	vbroadcast v0, $0xA;
	v4 =	vadd.f32 v63, v4;
	v5 =	vadd.f32 v24, v5;
	v37 =	vld [tilespmem:s14+$0xFB20]  }
0x1b5: {  	v0 =	vbroadcast v0, $0xB;
	v6 =	vadd.f32 v26, v6;
	v7 =	vadd.f32 v9, v7;
	v39 =	vld [tilespmem:s14+$0xFB30]  }
0x1b6: {  	v35 =	vmul.f32 v53, v27;
	v2 =	vadd.f32 v30, v2;
	v3 =	vadd.f32 v31, v3;
	v41 =	vld [tilespmem:s14+$0xFB40]  }
0x1b7: {  	v1 =	vadd.f32 v1, v4;
	v44 =	vld [tilespmem:s14+$0xFB50];
	s31 =	spop (v2sf);
	v40 =	vmul.f32 v58, v36;
	v42 =	vmul.f32 v60, v36  }
0x1b8: {  	v5 =	vadd.f32 v33, v5;
	v47 =	vld [tilespmem:s31+$0xFB00];
	v43 =	vmul.f32 v62, v36;
	v45 =	vmul.f32 v25, v36  }
0x1b9: {  	v4 =	vadd.f32 v38, v7;
	v49 =	vld [tilespmem:s31+$0xFB10];
	v48 =	vmul.f32 v28, v36;
	v8 =	vmul.f32 v29, v36  }
0x1ba: {  	v6 =	vadd.f32 v35, v6;
	v51 =	vld [tilespmem:s31+$0xFB20];
	v50 =	vmul.f32 v32, v46;
	v52 =	vmul.f32 v34, v46  }
0x1bb: {  	v53 =	vld [tilespmem:s31+$0xFB30];
	v54 =	vmul.f32 v37, v46;
	v14 =	vmul.f32 v39, v46;
	v2 =	vadd.f32 v40, v2  }
0x1bc: {  	v55 =	vld [tilespmem:s31+$0xFB40];
	v59 =	vmul.f32 v41, v46;
	v3 =	vadd.f32 v42, v3;
	v1 =	vadd.f32 v43, v1  }
0x1bd: {  	v57 =	vld [tilespmem:s31+$0xFB50];
	v61 =	vmul.f32 v44, v46;
	v5 =	vadd.f32 v45, v5;
	v6 =	vadd.f32 v48, v6  }
0x1be: {  	v4 =	vadd.f32 v8, v4;
	v56 =	vmul.f32 v47, v0;
	v2 =	vadd.f32 v50, v2  }
0x1bf: {  	v58 =	vmul.f32 v49, v0;
	v60 =	vmul.f32 v51, v0;
	v3 =	vadd.f32 v52, v3  }
0x1c0: {  	v62 =	vmul.f32 v53, v0;
	v1 =	vadd.f32 v54, v1;
	v2 =	vadd.f32 v56, v2  }
0x1c1: {  	v63 =	vmul.f32 v55, v0;
	v5 =	vadd.f32 v14, v5;
	v3 =	vadd.f32 v58, v3  }
0x1c2: {  	p0 =	sne.s32 s8, $0x2F4;
	v0 =	vmul.f32 v57, v0;
	v4 =	vadd.f32 v61, v4;
	v1 =	vadd.f32 v60, v1;
	[tilespmem:s10+$0xFFFFFFD0] =	vst v2  }
.Ltmp3:
0x1c3: {  	v6 =	vadd.f32 v59, v6;
	v5 =	vadd.f32 v62, v5;
	[tilespmem:s10+$0xFFFFFFE0] =	vst v3;
	(pc) =	sbr.rel @p0 .LBB2_9-.Ltmp3, $4  }
0x1c4: {  	v0 =	vadd.f32 v0, v4;
	[tilespmem:s10+$0xFFFFFFF0] =	vst v1  }
0x1c5: {  	v2 =	vadd.f32 v63, v6;
	[tilespmem:s10+$0x0] =	vst v5  }
0x1c6: {  	[tilespmem:s10+$0x20] =	vst v0  }
0x1c7: {  	s8 =	sadd.s32 $0xC, s8;
	[tilespmem:s10+$0x10] =	vst v2;
	s10 =	sadd.s32 $0x80, s10  }
0x1c8: {  	s2 =	sadd.s32 s2, s13  }
0x1c9: {  	[hbm4b:s2+s3] =	stream.linear.scatter [tilespmem:s25], [sflag:$0x5], $0x2000, $0x38;
	[tilespmem:$0x1FB00] =	vst v63  }
0x1ca: {  	_ =	swait.ge [sflag:s26], $0x2000  }
0x1cb: {  	[sflag:s26] =	ssyncset.done $0x0  }
0x1cc: {  	[sflag:s26] =	ssyncadd.s32 $0xFFFFE000  }
0x1cd: {  	_ =	swait.ge [sflag:s17], $0x70  }
0x1ce: {  	[sflag:s17] =	ssyncset.done $0x0  }
0x1cf: {  	s0 =	sadd.s32 $0x1, s0;
	[sflag:s17] =	ssyncadd.s32 $0xFFFFFF90  }
0x1d0: {  	p0 =	sne.s32 s0, $0x24;
	_ =	swait.ge [sflag:s17], $0x600  }
.Ltmp4:
0x1d1: {  	[sflag:s17] =	ssyncset.done $0x0;
	(pc) =	sbr.rel @p0 .LBB2_2-.Ltmp4, $4  }
0x1d2: {  	[sflag:s17] =	ssyncadd.s32 $0xFFFFFA00  }
0x1d3: {  	_ =	swait.ge [sflag:s17], $0x600  }
0x1d4: {  	[sflag:s17] =	ssyncset.done $0x0  }
0x1d5: {  	[sflag:s17] =	ssyncadd.s32 $0xFFFFFA00  }
0x1d6: {  	s2 =	rddreg [dreg:$0x7]  }
0x1d7: {  	s0 =	rddreg [dreg:$0x6];
	s2 =	sadd.s32 $0x1, s2  }
0x1d8: {  	p0 =	sne.s32 s2, s0  }
.Ltmp5:
0x1d9: {  	_ = 	snop;
	(pc) =	sbr.rel @p0 .LBB2_1-.Ltmp5, $1  }
0x1da: {  	_ =	sdelay $0x3  }
0x1db: {  	_ =	sfence.sel $0x180000  }
0x1dc: {  	[bflag:$0x0] =	sbarrier.arrive $0xFFFF  }
0x1dd: {  	_ =	strace $0x90000047  }
0x1de: {  	s0 =	stileid.u32;
	[bflag:$0x2] =	sbarrier.arrive $0xFFFF  }
0x1df: {  	p0 =	sne.s32 s0, $0x0;
	s0 =	rddreg [dreg:$0x2]  }
0x1e0: {  	s0 =	sadd.s32 @!p0 $0x100000, s0  }
0x1e1: {  	[sflag:s0] =	ssyncadd.tile.s32 @!p0 $0x1;
	_ =	shalt  }
.Lfunc_end2:
_tile_overlayer_lowered:
.L_overlay_start_2:
0x1e2: {  	(tag) =	ssettag $0x2  }
0x1e3: {  	s0 =	rddreg [dreg:$0x0];
	s2 =	stileid.u32  }
0x1e4: {  	s1 =	rddreg [dreg:$0x1];
	p0 =	sne.s32 s2, $0x0  }
0x1e5: {  	s3 =	rddreg [dreg:$0x2];
	[bflag:$0x3] =	sbarrier.arrive $0xFFFF;
	s2 =	simm.s32 @!p0 $0x1C05  }
0x1e6: {  	[timem:s3], [sflag:s2] =	dma.local @!p0 [hbm:s0], s1  }
0x1e7: {  	s0 =	simm.s32 @!p0 $0x5  }
0x1e8: {  	_ =	swait.ge @!p0 [sflag:s0], s1  }
0x1e9: {  	s1 =	ssub.s32 @!p0 $0x0, s1;
	[sflag:s0] =	ssyncset.done @!p0 $0x0  }
0x1ea: {  	[sflag:s0] =	ssyncadd.s32 @!p0 s1  }
0x1eb: {  	[bflag:$0x3] =	sbarrier.arrive $0xFFFF  }
0x1ec: {  	_ =	shalt  }

// kernel: sparse-core-data-format-call.cloned.1.call-start
scs
called_computation_lowered:
.L_overlay_start_0:
0x0: {  	s2 =	sld [smem:$0x3FD9]  }
0x1: {  	s3 =	sld [smem:$0x3FFE];
	_ =	sdelay $0x1  }
0x2: {  	s1 =	srdreg.scid  }
0x3: {  	s0 =	sand.u32 $0x1, s1  }
0x4: {  	s18 =	sshll.u32 s0, $0xA;
	s2 =	sadd.s32 s3, s2  }
0x5: {  	s2 =	sadd.s32 s2, s18  }
0x6: {  	[smem:$0x3FBF] =	sst s2  }
0x7: {  	_ = 	snop  }
0x8: {  	s2 =	sld [smem:$0x3FD0];
	(tm) =	ssettm $0x1  }
0x9: {  	s19 =	sld [smem:$0x3FFB];
	_ =	sdelay $0x3  }
0xa: {  	_ =	strace s19  }
0xb: {  	s3 =	sld [smem:$0x3FFC];
	_ =	sdelay $0x3  }
0xc: {  	_ =	strace s3  }
0xd: {  	s3 =	sld [smem:$0x3FFD];
	_ =	sdelay $0x3  }
0xe: {  	_ =	strace s3  }
0xf: {  	_ =	strace $0x8FFFFFFF  }
0x10: {  	s20 =	sld [smem:$0x3FDB];
	_ =	sdelay $0x1  }
0x11: {  	s4 =	simm.s32 $_scs_section_size  }
0x12: {  	s5 =	simm.s32 $_size__tile_overlayer_lowered;
	s6 =	simm.s32 $_tile_overlayer_lowered  }
0x13: {  	s23 =	simm.s32 $0x1BFF;
	s22 =	sshll.u32 s6, $0x1;
	s3 =	sadd.s32 s4, s20  }
0x14: {  	s7 =	simm.s32 $0x0;
	s21 =	sshll.u32 s5, $0x1;
	s5 =	sadd.s32 s22, s3  }
0x15: {  	[timem:s7], [sflag:s23] =	dma.local [hbm:s5], s21  }
0x16: {  	_ =	swait.ge [sflag:s23], s21  }
0x17: {  	s4 =	ssub.s32 $0x0, s21;
	[sflag:s23] =	ssyncset.done $0x0  }
0x18: {  	[sflag:s23] =	ssyncadd.s32 s4;
	_ =	sdelay $0x1  }
0x19: {  	s24 =	simm.s32 $0x1B8B  }
0x1a: {  	_ =	swait.ge [sflag:s24], $0x1  }
0x1b: {  	[sflag:s24] =	ssyncset.done $0x0  }
0x1c: {  	s26 =	simm.s32 $0x1B8E;
	s25 =	sld [smem:$0x3FFE];
	[sflag:s24] =	ssyncadd.s32 $0xFFFFFFFF  }
0x1d: {  	s27 =	simm.s32 $execute0_lowered;
	[smem:$0x3FD2] =	sst s26  }
0x1e: {  	s5 =	sshll.u32 s27, $0x1;
	_ =	strace $0x80000049;
	[dreg:$0x1] =	wrdreg $0xFFFFFFFF  }
0x1f: {  	s28 =	simm.s32 $_size_execute0_lowered;
	s3 =	sadd.s32 s3, s5;
	[dreg:$0x0] =	wrdreg $0x0  }
0x20: {  	s5 =	sshll.u32 s28, $0x1;
	[dreg:$0x2] =	wrdreg s3  }
0x21: {  	[dreg:$0x3] =	wrdreg s5  }
0x22: {  	[dreg:$0x4] =	wrdreg $0xC0  }
0x23: {  	_ =	task [dreg:s7], $0x5FFFF  }
0x24: {  	[dreg:$0x1] =	wrdreg $0xFFFFFFFF  }
0x25: {  	[dreg:$0x0] =	wrdreg $0x60  }
0x26: {  	[dreg:$0x2] =	wrdreg s25  }
0x27: {  	[dreg:$0x3] =	wrdreg s2  }
0x28: {  	[dreg:$0x4] =	wrdreg $0x9  }
0x29: {  	_ =	task.clear_ibuf [dreg:s7], $0x5FFFF;
	_ =	strace $0x90000049  }
0x2a: {  	s29 =	simm.s32 $0x9;
	_ =	strace $0x8000004B  }
0x2b: {  	_ =	swait.ge [sflag:s29], $0x1  }
0x2c: {  	[sflag:s29] =	ssyncadd.s32 $0xFFFFFFFF  }
0x2d: {  	_ =	strace $0x9000004B  }
0x2e: {  	_ =	sfence  }
0x2f: {  	s30 =	sld [smem:$0x0];
	_ =	sdelay $0x2  }
0x30: {  	s31 =	sshll.u32 s1, $0xD;
	s1 =	sshrl.u32 s1, $0x2  }
0x31: {  	s3 =	sand.u32 $0x4000, s31;
	s1 =	sadd.s32 s1, s30  }
0x32: {  	s0 =	sor.u32 s3, s0;
	s1 =	sshll.u32 s1, $0x11  }
0x33: {  	s0 =	sor.u32 s1, s0  }
0x34: {  	s0 =	sadd.s32 $0x8F2B, s0  }
0x35: {  	[sflag:s0] =	ssyncadd.remote.s32 $0x1  }
0x36: {  	_ =	sfence.sel $0xFFFF  }
0x37: {  	[dreg:$0x0] =	wrdreg $0xFFFFFFFF;
	(pc) =	sbr.abs _section_cstart, $3  }
0x38: {  	[dreg:$0x1] =	wrdreg $0xFFFFFFFF  }
0x39: {  	_ =	task.clear_ibuf [dreg:s7], $0x2FFFF;
	_ =	strace $0x9FFFFFFF  }
0x3a: {  	(tm) =	ssettm $0x7FFFFFFF  }
0x3b: {  	_ =	shalt  }
tec
execute0_lowered:
.L_overlay_start_1:
0x0: {  	(tag) =	ssettag $0x1  }
0x1: {  	s1 =	rddreg [dreg:$0x0]  }
0x2: {  	s2 =	rddreg [dreg:$0x1]  }
0x3: {  	s0 =	rddreg [dreg:$0x2];
	s4 =	srdreg.scid  }
0x4: {  	_ =	strace $0x8000004A;
	s7 =	simm.s32 $0x2;
	s15 =	simm.s32 $0x0  }
0x5: {  	p0 =	por $0x0, $0x0;
	s13 =	simm.s32 $0x0;
	s16 =	simm.s32 $0x0  }
0x6: {  	s14 =	simm.s32 $0x0;
	s9 =	simm.s32 $0x0;
	s11 =	simm.s32 $0x0  }
.Ltmp0:
0x7: {  	s3 =	sadd.s32 $0x3E00, s1;
	s4 =	sshll.u32 s4, $0x4;
	(pc) =	sbr.rel .LBB1_1-.Ltmp0, $4  }
0x8: {  	s1 =	stileid.u32;
	s5 =	sand.u32 $0x10, s4;
	s4 =	simm.s32 $0x1  }
0x9: {  	s8 =	simm.s32 $0x0;
	s6 =	sor.u32 s1, s5;
	[sflag:s4] =	ssyncpa.u1 $0x0  }
0xa: {  	s5 =	sand.u32 $0x3, s1;
	s6 =	sshrl.u32 s6, $0x2;
	[sflag:s7] =	ssyncpa.u1 $0x0  }
0xb: {  	s7 =	simm.s32 $0xC00;
	s12 =	smov.u32 s5;
	s10 =	smov.u32 s6  }
.LBB1_5:
0xc: {  	s17 =	sadd.s32 $0x80, s9  }
0xd: {  	s13 =	sadd.s32 $0x8, s10;
	s18 =	smov.u32 s10;
	p2 =	sgt.s32 s17, $0x17F  }
0xe: {  	s18 =	smov.u32 @p2 s13  }
0xf: {  	s19 =	smov.u32 s11;
	s13 =	sadd.s32 $0x80, s11;
	p3 =	sgt.s32 s18, $0x7  }
0x10: {  	s19 =	smov.u32 @p3 s13  }
0x11: {  	s20 =	smov.u32 s12;
	s13 =	sadd.s32 $0x4, s12;
	p4 =	sgt.s32 s19, $0x17F  }
0x12: {  	p1 =	slt.u32 s8, $0x2;
	s20 =	smov.u32 @p4 s13  }
0x13: {  	s8 =	sadd.s32 $0x1, s8;
	s17 =	simm.s32 @p2 $0x0;
	p2 =	sgt.s32 s20, $0x17  }
0x14: {  	s15 =	smov.u32 s9;
	s20 =	smov.u32 @p2 s5;
	p2 =	sne.s32 s8, $0x38  }
.Ltmp1:
0x15: {  	s16 =	smov.u32 s11;
	s21 =	simm.s32 @!p1 $0x2;
	(pc) =	sbr.rel @!p2 .LBB1_6-.Ltmp1, $4  }
0x16: {  	s14 =	smov.u32 s12;
	p0 =	por !p0, !p0;
	_ =	swait.ge @!p1 [sflag:s21], $0x4000  }
0x17: {  	[sflag:s21] =	ssyncset.done @!p1 $0x0;
	s9 =	smov.u32 s17;
	s18 =	smov.u32 @p3 s6  }
0x18: {  	[sflag:s21] =	ssyncadd.s32 @!p1 $0xFFFFC000;
	s19 =	simm.s32 @p4 $0x0;
	s13 =	smov.u32 s10  }
0x19: {  	s10 =	smov.u32 s18;
	s11 =	smov.u32 s19;
	s12 =	smov.u32 s20  }
.LBB1_1:
0x1a: {  	p1 =	sgt.u32 s8, $0x35  }
0x1b: {  	s17 =	sshrl.u32 @!p1 s10, $0x3  }
0x1c: {  	s18 =	sshll.u32 @!p1 s9, $0x3;
	s17 =	smul.u32 @!p1 $0xC00, s17  }
0x1d: {  	s19 =	sshll.u32 @!p1 s10, $0x7;
	s18 =	sand.u32 @!p1 $0xFFFFFC00, s18  }
0x1e: {  	s17 =	sadd.s32 @!p1 s17, s18;
	s18 =	sand.u32 @!p1 $0x380, s19  }
0x1f: {  	s19 =	sand.u32 @!p1 $0x7F, s9;
	s17 =	sor.u32 @!p1 s18, s17  }
0x20: {  	s18 =	sor.u32 @!p1 s19, s17  }
0x21: {  	s19 =	smulhi.u32 @!p1 $0xAAAAAAAB, s18  }
0x22: {  	s17 =	smulhi.u32 @!p1 $0xAAAAAAAB, s17  }
0x23: {  	s21 =	smul.u32 @!p1 $0x24000, s12;
	s19 =	sshrl.u32 @!p1 s19, $0x8  }
0x24: {  	s20 =	sxor.u32 @!p1 $0xFFFFFFFF, s8;
	s17 =	sshrl.u32 @!p1 s17, $0x8;
	s19 =	smul.u32 @!p1 $0x180, s19  }
0x25: {  	s22 =	smul.u32 @!p1 $0x180, s11;
	s20 =	sshll.u32 @!p1 s20, $0xE;
	s17 =	sand.u32 @!p1 $0x7, s17  }
0x26: {  	s17 =	smul.u32 @!p1 $0x30, s17;
	s18 =	ssub.s32 @!p1 s18, s19;
	s19 =	sadd.s32 @!p1 s3, s21  }
0x27: {  	s20 =	sand.u32 @!p1 $0x4000, s20;
	s19 =	sadd.s32 @!p1 s22, s19;
	s21 =	sand.u32 @!p1 $0x7, s18  }
0x28: {  	s18 =	sshrl.u32 @!p1 s18, $0x3;
	s17 =	sadd.s32 @!p1 s17, s19;
	s19 =	sshll.u32 @!p1 s21, $0x12  }
0x29: {  	s17 =	sadd.s32 @!p1 s18, s17;
	s18 =	sor.u32 @!p1 $0x80, s19;
	s19 =	simm.s32 @!p1 $0xC00  }
0x2a: {  	[tilespmem:s20], [sflag:$0x1] =	stream.strided.gather @!p1 [hbm4b:s17+s18], $0x4000, s19, s18, $0x38;
	[tilespmem:$0x10000] =	vst v63  }
0x2b: {  	p1 =	seq.s32 s8, $0x0  }
0x2c: {  	p2 =	seq.s32 @!p1 s8, $0x37  }
0x2d: {  	p1 =	por p1, p2  }
.Ltmp2:
0x2e: {  	_ = 	snop;
	(pc) =	sbr.rel @p1 .LBB1_5-.Ltmp2, $1  }
0x2f: {  	_ =	sdelay $0x3  }
0x30: {  	s17 =	simm.s32 $0x1  }
0x31: {  	s17 =	simm.s32 @!p0 $0x0  }
0x32: {  	s17 =	sshll.u32 s17, $0xE  }
0x33: {  	s18 =	sor.u32 $0x70, s17  }
0x34: {  	v1 =	vmov s18;
	_ =	sdelay $0x1  }
0x35: {  	_ =	swait.ge [sflag:s4], $0x4000  }
0x36: {  	[sflag:s4] =	ssyncset.done $0x0  }
0x37: {  	s19 =	simm.s32 $0x0;
	[sflag:s4] =	ssyncadd.s32 $0xFFFFC000  }
0x38: {  	s17 =	sor.u32 $0x8040, s17;
	v6 =	vld.idx.msk [tilespmem:v1+s19+$0x0 ss:$0x1], $0xffff  }
0x39: {  	v0 =	vmov s17;
	v8 =	vld.idx.msk [tilespmem:v1+s19+$0xFFFFFF90 ss:$0x1], $0xffff  }
0x3a: {  	v7 =	vld.idx.msk [tilespmem:v1+s19+$0xFFFFFFA0 ss:$0x1], $0xffff  }
0x3b: {  	v5 =	vld.idx.msk [tilespmem:v1+s19+$0xFFFFFFB0 ss:$0x1], $0xffff  }
0x3c: {  	v4 =	vld.idx.msk [tilespmem:v1+s19+$0xFFFFFFC0 ss:$0x1], $0xffff  }
0x3d: {  	s31 =	sshll.u32 s8, $0xE;
	v2 =	vld.idx.msk [tilespmem:v1+s19+$0xFFFFFFD0 ss:$0x1], $0xffff  }
0x3e: {  	s17 =	sand.u32 $0x4000, s31;
	v3 =	vld.idx.msk [tilespmem:v1+s19+$0xFFFFFFE0 ss:$0x1], $0xffff;
	[tilespmem:v0+s19+$0x30 ss:$0x1] =	vst.idx.msk $0xffff, v6  }
0x3f: {  	s20 =	simm.s32 $0x400;
	s18 =	simm.s32 $0x80;
	s17 =	sor.u32 $0x8000, s17;
	[tilespmem:v0+s19+$0xFFFFFFC0 ss:$0x1] =	vst.idx.msk $0xffff, v8;
	v6 =	vld.idx.msk [tilespmem:v1+s19+$0xFFFFFFF0 ss:$0x1], $0xffff  }
.LBB1_3:
0x40: {  	p1 =	sne.s32 s20, $0xFE00;
	v8 =	vld.idx.msk [tilespmem:v1+s18+$0x0 ss:$0x1], $0xffff;
	[tilespmem:v0+s19+$0xFFFFFFD0 ss:$0x1] =	vst.idx.msk $0xffff, v7  }
0x41: {  	v9 =	vld.idx.msk [tilespmem:v1+s18+$0xFFFFFF90 ss:$0x1], $0xffff;
	[tilespmem:v0+s19+$0xFFFFFFE0 ss:$0x1] =	vst.idx.msk $0xffff, v5  }
0x42: {  	v7 =	vld.idx.msk [tilespmem:v1+s18+$0xFFFFFFA0 ss:$0x1], $0xffff;
	[tilespmem:v0+s19+$0xFFFFFFF0 ss:$0x1] =	vst.idx.msk $0xffff, v4  }
.Ltmp3:
0x43: {  	v5 =	vld.idx.msk [tilespmem:v1+s18+$0xFFFFFFB0 ss:$0x1], $0xffff;
	[tilespmem:v0+s19+$0x0 ss:$0x1] =	vst.idx.msk $0xffff, v2;
	(pc) =	sbr.rel @p1 .LBB1_3-.Ltmp3, $4  }
0x44: {  	v4 =	vld.idx.msk [tilespmem:v1+s18+$0xFFFFFFC0 ss:$0x1], $0xffff;
	[tilespmem:v0+s19+$0x10 ss:$0x1] =	vst.idx.msk $0xffff, v3  }
0x45: {  	v2 =	vld.idx.msk [tilespmem:v1+s18+$0xFFFFFFD0 ss:$0x1], $0xffff;
	[tilespmem:v0+s19+$0x20 ss:$0x1] =	vst.idx.msk $0xffff, v6;
	s19 =	smov.u32 s18  }
0x46: {  	v3 =	vld.idx.msk [tilespmem:v1+s19+$0xFFFFFFE0 ss:$0x1], $0xffff;
	[tilespmem:v0+s19+$0x30 ss:$0x1] =	vst.idx.msk $0xffff, v8  }
0x47: {  	s18 =	sshra.s32 s20, $0x2;
	s20 =	sadd.s32 $0x200, s20;
	[tilespmem:v0+s19+$0xFFFFFFC0 ss:$0x1] =	vst.idx.msk $0xffff, v9;
	v6 =	vld.idx.msk [tilespmem:v1+s19+$0xFFFFFFF0 ss:$0x1], $0xffff  }
0x48: {  	s20 =	sshrl.u32 s16, $0x3  }
0x49: {  	s21 =	sshll.u32 s15, $0x3;
	s20 =	smul.u32 $0xC00, s20  }
0x4a: {  	s26 =	sshll.u32 s16, $0x7;
	s21 =	sand.u32 $0xFFFFFC00, s21  }
0x4b: {  	s16 =	sand.u32 $0x380, s26;
	s20 =	sadd.s32 s20, s21  }
0x4c: {  	[tilespmem:v0+s19+$0xFFFFFFD0 ss:$0x1] =	vst.idx.msk $0xffff, v7;
	s27 =	sand.u32 $0x7F, s15;
	s16 =	sor.u32 s16, s20  }
0x4d: {  	v56 =	vld.idx.msk [tilespmem:v1+s18+$0x0 ss:$0x1], $0xffff;
	[tilespmem:v0+s19+$0xFFFFFFE0 ss:$0x1] =	vst.idx.msk $0xffff, v5;
	s15 =	sor.u32 s27, s16;
	s16 =	smulhi.u32 $0xAAAAAAAB, s16  }
0x4e: {  	v57 =	vld.idx.msk [tilespmem:v1+s18+$0xFFFFFF90 ss:$0x1], $0xffff;
	[tilespmem:v0+s19+$0xFFFFFFF0 ss:$0x1] =	vst.idx.msk $0xffff, v4  }
0x4f: {  	v58 =	vld.idx.msk [tilespmem:v1+s18+$0xFFFFFFA0 ss:$0x1], $0xffff;
	s14 =	smul.u32 $0x24000, s14;
	[tilespmem:v0+s19+$0x0 ss:$0x1] =	vst.idx.msk $0xffff, v2;
	s16 =	sshrl.u32 s16, $0x8  }
0x50: {  	v59 =	vld.idx.msk [tilespmem:v1+s18+$0xFFFFFFB0 ss:$0x1], $0xffff;
	[tilespmem:v0+s19+$0x10 ss:$0x1] =	vst.idx.msk $0xffff, v3;
	s30 =	smulhi.u32 $0xAAAAAB, s16  }
0x51: {  	v60 =	vld.idx.msk [tilespmem:v1+s18+$0xFFFFFFC0 ss:$0x1], $0xffff;
	[tilespmem:v0+s19+$0x20 ss:$0x1] =	vst.idx.msk $0xffff, v6;
	s28 =	smulhi.u32 $0xAAAAAAAB, s15  }
0x52: {  	v61 =	vld.idx.msk [tilespmem:v1+s18+$0xFFFFFFD0 ss:$0x1], $0xffff;
	[tilespmem:v0+s18+$0x30 ss:$0x1] =	vst.idx.msk $0xffff, v56;
	s20 =	smul.u32 $0x180, s30  }
0x53: {  	v62 =	vld.idx.msk [tilespmem:v1+s18+$0xFFFFFFE0 ss:$0x1], $0xffff;
	s13 =	smul.u32 $0x4800, s13;
	[tilespmem:v0+s18+$0xFFFFFFC0 ss:$0x1] =	vst.idx.msk $0xffff, v57;
	s29 =	sshrl.u32 s28, $0x8  }
0x54: {  	v63 =	vld.idx.msk [tilespmem:v1+s18+$0xFFFFFFF0 ss:$0x1], $0xffff;
	[tilespmem:v0+s18+$0xFFFFFFD0 ss:$0x1] =	vst.idx.msk $0xffff, v58;
	s19 =	smul.u32 $0x180, s29;
	s16 =	ssub.s32 s16, s20  }
0x55: {  	[tilespmem:v0+s18+$0xFFFFFFE0 ss:$0x1] =	vst.idx.msk $0xffff, v59;
	s16 =	smul.u32 $0x30, s16  }
.Ltmp4:
0x56: {  	s14 =	sadd.s32 s2, s14;
	[tilespmem:v0+s18+$0xFFFFFFF0 ss:$0x1] =	vst.idx.msk $0xffff, v60;
	s15 =	ssub.s32 s15, s19;
	(pc) =	sbr.rel .LBB1_5-.Ltmp4, $4  }
0x57: {  	s13 =	sadd.s32 s13, s14;
	[tilespmem:v0+s18+$0x0 ss:$0x1] =	vst.idx.msk $0xffff, v61;
	s31 =	sand.u32 $0x7, s15  }
0x58: {  	[tilespmem:v0+s18+$0x10 ss:$0x1] =	vst.idx.msk $0xffff, v62;
	s15 =	sshrl.u32 s15, $0x3;
	s14 =	sshll.u32 s31, $0x12;
	s13 =	sadd.s32 s16, s13  }
0x59: {  	[tilespmem:v0+s18+$0x20 ss:$0x1] =	vst.idx.msk $0xffff, v63;
	s14 =	sor.u32 $0x400, s14;
	s13 =	sadd.s32 s15, s13  }
0x5a: {  	[hbm4b:s13+s14] =	stream.strided.scatter [tilespmem:s17], [sflag:$0x2], $0x4000, s7, s14, $0x38;
	[tilespmem:$0x10000] =	vst v63  }
.LBB1_6:
0x5b: {  	_ =	sfence.sel $0x180000  }
0x5c: {  	s2 =	simm.s32 $0x1;
	[bflag:$0x0] =	sbarrier.arrive $0xFFFF  }
0x5d: {  	s31 =	simm.s32 $0x2;
	[sflag:s2] =	ssyncpa.u1 $0x1  }
0x5e: {  	[sflag:s31] =	ssyncpa.u1 $0x1  }
0x5f: {  	p0 =	sne.s32 s1, $0x0;
	_ =	strace $0x9000004A  }
0x60: {  	s0 =	sadd.s32 @!p0 $0x100000, s0;
	[bflag:$0x2] =	sbarrier.arrive $0xFFFF  }
0x61: {  	[sflag:s0] =	ssyncadd.tile.s32 @!p0 $0x1;
	_ =	shalt  }
.Lfunc_end1:
_tile_overlayer_lowered:
.L_overlay_start_2:
0x62: {  	(tag) =	ssettag $0x2  }
0x63: {  	s0 =	rddreg [dreg:$0x0];
	s2 =	stileid.u32  }
0x64: {  	s1 =	rddreg [dreg:$0x1];
	p0 =	sne.s32 s2, $0x0  }
0x65: {  	s3 =	rddreg [dreg:$0x2];
	[bflag:$0x3] =	sbarrier.arrive $0xFFFF;
	s2 =	simm.s32 @!p0 $0x1C01  }
0x66: {  	[timem:s3], [sflag:s2] =	dma.local @!p0 [hbm:s0], s1  }
0x67: {  	s0 =	simm.s32 @!p0 $0x1  }
0x68: {  	_ =	swait.ge @!p0 [sflag:s0], s1  }
0x69: {  	s1 =	ssub.s32 @!p0 $0x0, s1;
	[sflag:s0] =	ssyncset.done @!p0 $0x0  }
0x6a: {  	[sflag:s0] =	ssyncadd.s32 @!p0 s1  }
0x6b: {  	[bflag:$0x3] =	sbarrier.arrive $0xFFFF  }
0x6c: {  	_ =	shalt  }

</sc_bundles>
